<compile_context>
chip_gen: v7x
topology: tpu7x:2x2x1
jax: 0.10.2.dev20260603
libtpu: 0.0.44.dev20260713+nightly
codegen_flags: <defaults>
</compile_context>

<pallas_src>
import functools

import jax
import jax.numpy as jnp
import numpy as np
from jax import lax
from jax.experimental import pallas as pl
from jax.experimental.pallas import tpu as pltpu
from jax.experimental.pallas import tpu_sc as plsc

NC = 2
NS = 16
L = 16

B, C, H, W = 16, 3, 256, 256
T = 16384
D = 128
NW = NC * NS
TPW = T // NW
CH = 128
NCHUNK = TPW // CH
EPS2 = np.float32(1e-24)
INV_EPS = np.float32(1e12)
MEAN_SCALE = np.float32(1.0 / (B * 3 * T))


def _rsqrt(s):
    i = lax.bitcast_convert_type(s, jnp.int32)
    i = np.int32(0x5F3759DF) - (i >> 1)
    r = lax.bitcast_convert_type(i, jnp.float32)
    hs = s * np.float32(-0.5)
    r = r * (np.float32(1.5) + hs * r * r)
    r = r * (np.float32(1.5) + hs * r * r)
    return jnp.where(s < EPS2, INV_EPS, r)


_HB = 32


def _tc_prep_body(uo_ref, ug_ref, tab_ref):
    z = jnp.zeros((D - 2 * C * B, W), jnp.float32)
    for k in range(_HB):
        o = jnp.transpose(uo_ref[:, :, k, :], (1, 0, 2)).reshape(C * B, W)
        g = jnp.transpose(ug_ref[:, :, k, :], (1, 0, 2)).reshape(C * B, W)
        stacked = jnp.concatenate([o, g, z], axis=0)
        tab_ref[pl.ds(k * W, W), :] = stacked.T


_tc_prep = pl.pallas_call(
    _tc_prep_body,
    grid=(H // _HB,),
    in_specs=[
        pl.BlockSpec((B, C, _HB, W), lambda h: (0, 0, h, 0)),
        pl.BlockSpec((B, C, _HB, W), lambda h: (0, 0, h, 0)),
    ],
    out_specs=pl.BlockSpec((_HB * W, D), lambda h: (h, 0)),
    out_shape=jax.ShapeDtypeStruct((H * W, D), jnp.float32),
)


def _sc_body(tab, tri, out,
             tri_v,
             idx0a, idx1a, idx2a, idx0b, idx1b, idx2b,
             r0a, r1a, r2a, r0b, r1b, r2b,
             accv, outv, shv, redv, sem_a, sem_b):
    cid = lax.axis_index("c")
    sid = lax.axis_index("s")
    wid = sid * NC + cid
    bufs = [(idx0a, idx1a, idx2a, r0a, r1a, r2a, sem_a),
            (idx0b, idx1b, idx2b, r0b, r1b, r2b, sem_b)]

    def fire(chunk, idx0, idx1, idx2, r0, r1, r2, sem):
        base = wid * TPW + chunk * CH
        pltpu.sync_copy(tri.at[:, pl.ds(base, CH)], tri_v)
        for g in range(CH // L):
            sl = pl.ds(g * L, L)
            idx0[sl] = (tri_v[0, sl] << 8) + tri_v[1, sl]
            idx1[sl] = (tri_v[2, sl] << 8) + tri_v[3, sl]
            idx2[sl] = (tri_v[4, sl] << 8) + tri_v[5, sl]
        return [pltpu.async_copy(tab.at[idx0], r0, sem),
                pltpu.async_copy(tab.at[idx1], r1, sem),
                pltpu.async_copy(tab.at[idx2], r2, sem)]

    acc = jnp.zeros((L,), jnp.float32)
    cps = fire(0, *bufs[0])
    for chunk in range(NCHUNK):
        nxt = fire(chunk + 1, *bufs[(chunk + 1) % 2]) \
            if chunk + 1 < NCHUNK else None
        for cp in cps:
            cp.wait()
        cps = nxt
        _, _, _, r0, r1, r2, _ = bufs[chunk % 2]

        def tri_body(i, a):
            e1x = r1[i, pl.ds(0, L)] - r0[i, pl.ds(0, L)]
            e1y = r1[i, pl.ds(16, L)] - r0[i, pl.ds(16, L)]
            e1z = r1[i, pl.ds(32, L)] - r0[i, pl.ds(32, L)]
            e2x = r2[i, pl.ds(0, L)] - r0[i, pl.ds(0, L)]
            e2y = r2[i, pl.ds(16, L)] - r0[i, pl.ds(16, L)]
            e2z = r2[i, pl.ds(32, L)] - r0[i, pl.ds(32, L)]
            e3x = r2[i, pl.ds(0, L)] - r1[i, pl.ds(0, L)]
            e3y = r2[i, pl.ds(16, L)] - r1[i, pl.ds(16, L)]
            e3z = r2[i, pl.ds(32, L)] - r1[i, pl.ds(32, L)]
            f1x = r1[i, pl.ds(48, L)] - r0[i, pl.ds(48, L)]
            f1y = r1[i, pl.ds(64, L)] - r0[i, pl.ds(64, L)]
            f1z = r1[i, pl.ds(80, L)] - r0[i, pl.ds(80, L)]
            f2x = r2[i, pl.ds(48, L)] - r0[i, pl.ds(48, L)]
            f2y = r2[i, pl.ds(64, L)] - r0[i, pl.ds(64, L)]
            f2z = r2[i, pl.ds(80, L)] - r0[i, pl.ds(80, L)]
            nx = f1y * f2z - f1z * f2y
            ny = f1z * f2x - f1x * f2z
            nz = f1x * f2y - f1y * f2x
            rn = _rsqrt(nx * nx + ny * ny + nz * nz)
            rr1 = _rsqrt(e1x * e1x + e1y * e1y + e1z * e1z)
            rr2 = _rsqrt(e2x * e2x + e2y * e2y + e2z * e2z)
            rr3 = _rsqrt(e3x * e3x + e3y * e3y + e3z * e3z)
            c1 = jnp.abs(e1x * nx + e1y * ny + e1z * nz) * rr1
            c2 = jnp.abs(e2x * nx + e2y * ny + e2z * nz) * rr2
            c3 = jnp.abs(e3x * nx + e3y * ny + e3z * nz) * rr3
            return a + (c1 + c2 + c3) * rn

        acc = lax.fori_loop(0, CH, tri_body, acc)

    accv[...] = acc * MEAN_SCALE
    pltpu.sync_copy(accv, shv.at[sid])
    plsc.subcore_barrier()

    @pl.when(sid == 0)
    def _():
        pltpu.sync_copy(shv, redv)
        tot = redv[0]
        for s in range(1, NS):
            tot = tot + redv[s]
        for k in range(D // L):
            outv[pl.ds(k * L, L)] = jnp.zeros((L,), jnp.float32)
        outv[pl.ds(0, L)] = tot
        pltpu.sync_copy(outv, out.at[cid])


_sc_loss = functools.partial(
    pl.kernel,
    out_type=jax.ShapeDtypeStruct((NC, D), jnp.float32),
    mesh=plsc.VectorSubcoreMesh(
        core_axis_name="c", subcore_axis_name="s",
        num_cores=NC, num_subcores=NS),
    compiler_params=pltpu.CompilerParams(
        use_tc_tiling_on_sc=False, needs_layout_passes=False),
    scratch_types=[
        pltpu.VMEM((6, CH), jnp.int32),
        pltpu.VMEM((CH,), jnp.int32),
        pltpu.VMEM((CH,), jnp.int32),
        pltpu.VMEM((CH,), jnp.int32),
        pltpu.VMEM((CH,), jnp.int32),
        pltpu.VMEM((CH,), jnp.int32),
        pltpu.VMEM((CH,), jnp.int32),
        pltpu.VMEM((CH, D), jnp.float32),
        pltpu.VMEM((CH, D), jnp.float32),
        pltpu.VMEM((CH, D), jnp.float32),
        pltpu.VMEM((CH, D), jnp.float32),
        pltpu.VMEM((CH, D), jnp.float32),
        pltpu.VMEM((CH, D), jnp.float32),
        pltpu.VMEM((L,), jnp.float32),
        pltpu.VMEM((D,), jnp.float32),
        pltpu.VMEM_SHARED((NS, L), jnp.float32),
        pltpu.VMEM((NS, L), jnp.float32),
        pltpu.SemaphoreType.DMA,
        pltpu.SemaphoreType.DMA,
    ],
)(_sc_body)


def kernel(uvm_gt, uvm_out, triangles):
    tab = _tc_prep(uvm_out, uvm_gt)
    part = _sc_loss(tab, triangles.T)
    return part.sum()

# --- scband reference (transcript-rebuilt; emitter-appended) ---
"""Pipeline reference for scband-normal-vector-loss-34488587387449 (READ-ONLY COPY).

The authoritative reference and input builder live on the scoring server;
editing this copy changes nothing except your own understanding.
"""

import jax, jax.numpy as jnp
import numpy as np


def _normalize(x, axis=1, eps=1e-12):
    n = jnp.linalg.norm(x, ord=2, axis=axis, keepdims=True)
    return x / jnp.maximum(n, eps)


def setup_inputs(seed: int = 0) -> dict:
    key = jax.random.key(seed)
    k1, k2, k3 = jax.random.split(key, 3)
    B, C, H, W, T = 16, 3, 256, 256, 16384
    uvm_gt = jax.random.normal(k1, (B, C, H, W), dtype=jnp.float32)
    uvm_out = jax.random.normal(k2, (B, C, H, W), dtype=jnp.float32)
    triangles = jax.random.randint(k3, (T, 6), 0, H, dtype=jnp.int32)
    return {"uvm_gt": uvm_gt, "uvm_out": uvm_out, "triangles": triangles}


def reference(uvm_gt, uvm_out, triangles):
    t = triangles

    def gather(u, i, j):
        # u: [B, C, H, W]; t[:, i], t[:, j]: [T] -> result [B, C, T]
        return u[:, :, t[:, i], t[:, j]]

    v1_out = _normalize(gather(uvm_out, 2, 3) - gather(uvm_out, 0, 1), axis=1)
    v2_out = _normalize(gather(uvm_out, 4, 5) - gather(uvm_out, 0, 1), axis=1)
    v3_out = _normalize(gather(uvm_out, 4, 5) - gather(uvm_out, 2, 3), axis=1)

    v1_gt = _normalize(gather(uvm_gt, 2, 3) - gather(uvm_gt, 0, 1), axis=1)
    v2_gt = _normalize(gather(uvm_gt, 4, 5) - gather(uvm_gt, 0, 1), axis=1)

    normal_gt = jnp.cross(v1_gt, v2_gt, axis=1)
    normal_gt = _normalize(normal_gt, axis=1)

    cos1 = jnp.abs(jnp.sum(v1_out * normal_gt, axis=1, keepdims=True))
    cos2 = jnp.abs(jnp.sum(v2_out * normal_gt, axis=1, keepdims=True))
    cos3 = jnp.abs(jnp.sum(v3_out * normal_gt, axis=1, keepdims=True))
    loss = jnp.concatenate((cos1, cos2, cos3), axis=1).mean()
    return loss

if __name__ == "__main__":
    import jax
    _d = setup_inputs()
    print(jax.jit(kernel)(*tuple(_d.values())))

</pallas_src>

<mosaic_0001>
#map = affine_map<(d0, d1) -> (0, 0)>
module attributes {stable_mosaic.version = 14 : i64} {
  func.func @_sc_body(%arg0: i32, %arg1: i32, %arg2: memref<65536x128xf32, #tpu.memory_space<hbm>>, %arg3: memref<6x16384xi32, #tpu.memory_space<hbm>>, %arg4: memref<2x128xf32, #tpu.memory_space<hbm>>, %arg5: memref<6x128xi32, #tpu.memory_space<vmem>>, %arg6: memref<128xi32, #tpu.memory_space<vmem>>, %arg7: memref<128xi32, #tpu.memory_space<vmem>>, %arg8: memref<128xi32, #tpu.memory_space<vmem>>, %arg9: memref<128xi32, #tpu.memory_space<vmem>>, %arg10: memref<128xi32, #tpu.memory_space<vmem>>, %arg11: memref<128xi32, #tpu.memory_space<vmem>>, %arg12: memref<128x128xf32, #tpu.memory_space<vmem>>, %arg13: memref<128x128xf32, #tpu.memory_space<vmem>>, %arg14: memref<128x128xf32, #tpu.memory_space<vmem>>, %arg15: memref<128x128xf32, #tpu.memory_space<vmem>>, %arg16: memref<128x128xf32, #tpu.memory_space<vmem>>, %arg17: memref<128x128xf32, #tpu.memory_space<vmem>>, %arg18: memref<16xf32, #tpu.memory_space<vmem>>, %arg19: memref<128xf32, #tpu.memory_space<vmem>>, %arg20: memref<16x16xf32, #tpu.memory_space<vmem_shared>>, %arg21: memref<16x16xf32, #tpu.memory_space<vmem>>, %arg22: memref<!tpu.dma_semaphore, #tpu.memory_space<semaphore_mem>>, %arg23: memref<!tpu.dma_semaphore, #tpu.memory_space<semaphore_mem>>) attributes {dimension_semantics = [#tpu.dimension_semantics<core_parallel>, #tpu.dimension_semantics<subcore_parallel>], iteration_bounds = array<i64: 2, 16>, scalar_prefetch = 0 : i64, scratch_operands = 19 : i64, tpu.core_type = #tpu.core_type<sc_vector_subcore>, window_params = [{transform_indices = #map}, {transform_indices = #map}, {transform_indices = #map}]} {
    %mul3A = arith.constant 2 : i32
    %mul3A_0 = arith.muli %arg1, %mul3A : i32
    %add3A = arith.addi %mul3A_0, %arg0 : i32
    %broadcast_in_dim3A = arith.constant 0.000000e+00 : f32
    %broadcast_in_dim3A_1 = vector.broadcast %broadcast_in_dim3A : f32 to vector<16xf32>
    %mul3A_2 = arith.constant 512 : i32
    %mul3A_3 = arith.muli %add3A, %mul3A_2 : i32
    %add3A_4 = arith.constant 0 : i32
    %add3A_5 = arith.addi %mul3A_3, %add3A_4 : i32
    "tpu.region"() ({
      %run_scoped3A = tpu.sem_alloc : memref<!tpu.dma_semaphore, #tpu.memory_space<semaphore_mem>>
      %dma_start3A_1459 = arith.constant 0 : i32
      %dma_start3A_1460 = tpu.memref_slice %arg3[%dma_start3A_1459, %add3A_5] : memref<6x16384xi32, #tpu.memory_space<hbm>> -> memref<6x128xi32, #tpu.memory_space<hbm>>
      %dma_start3A_1461 = arith.constant 0 : i32
      %dma_start3A_1462 = tpu.memref_slice %arg3[%dma_start3A_1461, %add3A_5] : memref<6x16384xi32, #tpu.memory_space<hbm>> -> memref<6x128xi32, #tpu.memory_space<hbm>>
      tpu.enqueue_dma source(%dma_start3A_1462 : memref<6x128xi32, #tpu.memory_space<hbm>>) target(%arg5 : memref<6x128xi32, #tpu.memory_space<vmem>>) target_semaphore(%run_scoped3A : memref<!tpu.dma_semaphore, #tpu.memory_space<semaphore_mem>>)
      %dma_wait3A_1463 = arith.constant 0 : i32
      %dma_wait3A_1464 = tpu.memref_slice %arg3[%dma_wait3A_1463, %add3A_5] : memref<6x16384xi32, #tpu.memory_space<hbm>> -> memref<6x128xi32, #tpu.memory_space<hbm>>
      %dma_wait3A_1465 = arith.constant 0 : i32
      %dma_wait3A_1466 = tpu.memref_slice %arg3[%dma_wait3A_1465, %add3A_5] : memref<6x16384xi32, #tpu.memory_space<hbm>> -> memref<6x128xi32, #tpu.memory_space<hbm>>
      tpu.wait_dma2 semaphore(%run_scoped3A : memref<!tpu.dma_semaphore, #tpu.memory_space<semaphore_mem>>) src(%dma_wait3A_1466 : memref<6x128xi32, #tpu.memory_space<hbm>>) dst(%arg5 : memref<6x128xi32, #tpu.memory_space<vmem>>)
      tpu.yield
    }) : () -> ()
    %get3A = arith.constant 0 : i32
    %get3A_6 = arith.index_cast %get3A : i32 to index
    %get3A_7 = arith.constant 0 : index
    %get3A_8 = tpu.vector_load %arg5[%get3A_6, %get3A_7] {strides = array<i32>} : memref<6x128xi32, #tpu.memory_space<vmem>>, vector<16xi32>,
    %shift_left3A = arith.constant 8 : i32
    %shift_left3A_9 = vector.broadcast %shift_left3A : i32 to vector<16xi32>
    %shift_left3A_10 = arith.shli %get3A_8, %shift_left3A_9 : vector<16xi32>
    %get3A_11 = arith.constant 1 : i32
    %get3A_12 = arith.index_cast %get3A_11 : i32 to index
    %get3A_13 = arith.constant 0 : index
    %get3A_14 = tpu.vector_load %arg5[%get3A_12, %get3A_13] {strides = array<i32>} : memref<6x128xi32, #tpu.memory_space<vmem>>, vector<16xi32>,
    %add3A_15 = arith.addi %shift_left3A_10, %get3A_14 : vector<16xi32>
    %swap3A = arith.constant 0 : index
    %swap3A_16 = tpu.vector_load %arg6[%swap3A] {strides = array<i32>} : memref<128xi32, #tpu.memory_space<vmem>>, vector<16xi32>,
    tpu.vector_store %arg6[%swap3A], %add3A_15 {strides = array<i32>} : memref<128xi32, #tpu.memory_space<vmem>>, vector<16xi32>,
    %get3A_17 = arith.constant 2 : i32
    %get3A_18 = arith.index_cast %get3A_17 : i32 to index
    %get3A_19 = arith.constant 0 : index
    %get3A_20 = tpu.vector_load %arg5[%get3A_18, %get3A_19] {strides = array<i32>} : memref<6x128xi32, #tpu.memory_space<vmem>>, vector<16xi32>,
    %shift_left3A_21 = arith.constant 8 : i32
    %shift_left3A_22 = vector.broadcast %shift_left3A_21 : i32 to vector<16xi32>
    %shift_left3A_23 = arith.shli %get3A_20, %shift_left3A_22 : vector<16xi32>
    %get3A_24 = arith.constant 3 : i32
    %get3A_25 = arith.index_cast %get3A_24 : i32 to index
    %get3A_26 = arith.constant 0 : index
    %get3A_27 = tpu.vector_load %arg5[%get3A_25, %get3A_26] {strides = array<i32>} : memref<6x128xi32, #tpu.memory_space<vmem>>, vector<16xi32>,
    %add3A_28 = arith.addi %shift_left3A_23, %get3A_27 : vector<16xi32>
    %swap3A_29 = arith.constant 0 : index
    %swap3A_30 = tpu.vector_load %arg7[%swap3A_29] {strides = array<i32>} : memref<128xi32, #tpu.memory_space<vmem>>, vector<16xi32>,
    tpu.vector_store %arg7[%swap3A_29], %add3A_28 {strides = array<i32>} : memref<128xi32, #tpu.memory_space<vmem>>, vector<16xi32>,
    %get3A_31 = arith.constant 4 : i32
    %get3A_32 = arith.index_cast %get3A_31 : i32 to index
    %get3A_33 = arith.constant 0 : index
    %get3A_34 = tpu.vector_load %arg5[%get3A_32, %get3A_33] {strides = array<i32>} : memref<6x128xi32, #tpu.memory_space<vmem>>, vector<16xi32>,
    %shift_left3A_35 = arith.constant 8 : i32
    %shift_left3A_36 = vector.broadcast %shift_left3A_35 : i32 to vector<16xi32>
    %shift_left3A_37 = arith.shli %get3A_34, %shift_left3A_36 : vector<16xi32>
    %get3A_38 = arith.constant 5 : i32
    %get3A_39 = arith.index_cast %get3A_38 : i32 to index
    %get3A_40 = arith.constant 0 : index
    %get3A_41 = tpu.vector_load %arg5[%get3A_39, %get3A_40] {strides = array<i32>} : memref<6x128xi32, #tpu.memory_space<vmem>>, vector<16xi32>,
    %add3A_42 = arith.addi %shift_left3A_37, %get3A_41 : vector<16xi32>
    %swap3A_43 = arith.constant 0 : index
    %swap3A_44 = tpu.vector_load %arg8[%swap3A_43] {strides = array<i32>} : memref<128xi32, #tpu.memory_space<vmem>>, vector<16xi32>,
    tpu.vector_store %arg8[%swap3A_43], %add3A_42 {strides = array<i32>} : memref<128xi32, #tpu.memory_space<vmem>>, vector<16xi32>,
    %get3A_45 = arith.constant 0 : i32
    %get3A_46 = arith.index_cast %get3A_45 : i32 to index
    %get3A_47 = arith.constant 16 : index
    %get3A_48 = tpu.vector_load %arg5[%get3A_46, %get3A_47] {strides = array<i32>} : memref<6x128xi32, #tpu.memory_space<vmem>>, vector<16xi32>,
    %shift_left3A_49 = arith.constant 8 : i32
    %shift_left3A_50 = vector.broadcast %shift_left3A_49 : i32 to vector<16xi32>
    %shift_left3A_51 = arith.shli %get3A_48, %shift_left3A_50 : vector<16xi32>
    %get3A_52 = arith.constant 1 : i32
    %get3A_53 = arith.index_cast %get3A_52 : i32 to index
    %get3A_54 = arith.constant 16 : index
    %get3A_55 = tpu.vector_load %arg5[%get3A_53, %get3A_54] {strides = array<i32>} : memref<6x128xi32, #tpu.memory_space<vmem>>, vector<16xi32>,
    %add3A_56 = arith.addi %shift_left3A_51, %get3A_55 : vector<16xi32>
    %swap3A_57 = arith.constant 16 : index
    %swap3A_58 = tpu.vector_load %arg6[%swap3A_57] {strides = array<i32>} : memref<128xi32, #tpu.memory_space<vmem>>, vector<16xi32>,
    tpu.vector_store %arg6[%swap3A_57], %add3A_56 {strides = array<i32>} : memref<128xi32, #tpu.memory_space<vmem>>, vector<16xi32>,
    %get3A_59 = arith.constant 2 : i32
    %get3A_60 = arith.index_cast %get3A_59 : i32 to index
    %get3A_61 = arith.constant 16 : index
    %get3A_62 = tpu.vector_load %arg5[%get3A_60, %get3A_61] {strides = array<i32>} : memref<6x128xi32, #tpu.memory_space<vmem>>, vector<16xi32>,
    %shift_left3A_63 = arith.constant 8 : i32
    %shift_left3A_64 = vector.broadcast %shift_left3A_63 : i32 to vector<16xi32>
    %shift_left3A_65 = arith.shli %get3A_62, %shift_left3A_64 : vector<16xi32>
    %get3A_66 = arith.constant 3 : i32
    %get3A_67 = arith.index_cast %get3A_66 : i32 to index
    %get3A_68 = arith.constant 16 : index
    %get3A_69 = tpu.vector_load %arg5[%get3A_67, %get3A_68] {strides = array<i32>} : memref<6x128xi32, #tpu.memory_space<vmem>>, vector<16xi32>,
    %add3A_70 = arith.addi %shift_left3A_65, %get3A_69 : vector<16xi32>
    %swap3A_71 = arith.constant 16 : index
    %swap3A_72 = tpu.vector_load %arg7[%swap3A_71] {strides = array<i32>} : memref<128xi32, #tpu.memory_space<vmem>>, vector<16xi32>,
    tpu.vector_store %arg7[%swap3A_71], %add3A_70 {strides = array<i32>} : memref<128xi32, #tpu.memory_space<vmem>>, vector<16xi32>,
    %get3A_73 = arith.constant 4 : i32
    %get3A_74 = arith.index_cast %get3A_73 : i32 to index
    %get3A_75 = arith.constant 16 : index
    %get3A_76 = tpu.vector_load %arg5[%get3A_74, %get3A_75] {strides = array<i32>} : memref<6x128xi32, #tpu.memory_space<vmem>>, vector<16xi32>,
    %shift_left3A_77 = arith.constant 8 : i32
    %shift_left3A_78 = vector.broadcast %shift_left3A_77 : i32 to vector<16xi32>
    %shift_left3A_79 = arith.shli %get3A_76, %shift_left3A_78 : vector<16xi32>
    %get3A_80 = arith.constant 5 : i32
    %get3A_81 = arith.index_cast %get3A_80 : i32 to index
    %get3A_82 = arith.constant 16 : index
    %get3A_83 = tpu.vector_load %arg5[%get3A_81, %get3A_82] {strides = array<i32>} : memref<6x128xi32, #tpu.memory_space<vmem>>, vector<16xi32>,
    %add3A_84 = arith.addi %shift_left3A_79, %get3A_83 : vector<16xi32>
    %swap3A_85 = arith.constant 16 : index
    %swap3A_86 = tpu.vector_load %arg8[%swap3A_85] {strides = array<i32>} : memref<128xi32, #tpu.memory_space<vmem>>, vector<16xi32>,
    tpu.vector_store %arg8[%swap3A_85], %add3A_84 {strides = array<i32>} : memref<128xi32, #tpu.memory_space<vmem>>, vector<16xi32>,
    %get3A_87 = arith.constant 0 : i32
    %get3A_88 = arith.index_cast %get3A_87 : i32 to index
    %get3A_89 = arith.constant 32 : index
    %get3A_90 = tpu.vector_load %arg5[%get3A_88, %get3A_89] {strides = array<i32>} : memref<6x128xi32, #tpu.memory_space<vmem>>, vector<16xi32>,
    %shift_left3A_91 = arith.constant 8 : i32
    %shift_left3A_92 = vector.broadcast %shift_left3A_91 : i32 to vector<16xi32>
    %shift_left3A_93 = arith.shli %get3A_90, %shift_left3A_92 : vector<16xi32>
    %get3A_94 = arith.constant 1 : i32
    %get3A_95 = arith.index_cast %get3A_94 : i32 to index
    %get3A_96 = arith.constant 32 : index
    %get3A_97 = tpu.vector_load %arg5[%get3A_95, %get3A_96] {strides = array<i32>} : memref<6x128xi32, #tpu.memory_space<vmem>>, vector<16xi32>,
    %add3A_98 = arith.addi %shift_left3A_93, %get3A_97 : vector<16xi32>
    %swap3A_99 = arith.constant 32 : index
    %swap3A_100 = tpu.vector_load %arg6[%swap3A_99] {strides = array<i32>} : memref<128xi32, #tpu.memory_space<vmem>>, vector<16xi32>,
    tpu.vector_store %arg6[%swap3A_99], %add3A_98 {strides = array<i32>} : memref<128xi32, #tpu.memory_space<vmem>>, vector<16xi32>,
    %get3A_101 = arith.constant 2 : i32
    %get3A_102 = arith.index_cast %get3A_101 : i32 to index
    %get3A_103 = arith.constant 32 : index
    %get3A_104 = tpu.vector_load %arg5[%get3A_102, %get3A_103] {strides = array<i32>} : memref<6x128xi32, #tpu.memory_space<vmem>>, vector<16xi32>,
    %shift_left3A_105 = arith.constant 8 : i32
    %shift_left3A_106 = vector.broadcast %shift_left3A_105 : i32 to vector<16xi32>
    %shift_left3A_107 = arith.shli %get3A_104, %shift_left3A_106 : vector<16xi32>
    %get3A_108 = arith.constant 3 : i32
    %get3A_109 = arith.index_cast %get3A_108 : i32 to index
    %get3A_110 = arith.constant 32 : index
    %get3A_111 = tpu.vector_load %arg5[%get3A_109, %get3A_110] {strides = array<i32>} : memref<6x128xi32, #tpu.memory_space<vmem>>, vector<16xi32>,
    %add3A_112 = arith.addi %shift_left3A_107, %get3A_111 : vector<16xi32>
    %swap3A_113 = arith.constant 32 : index
    %swap3A_114 = tpu.vector_load %arg7[%swap3A_113] {strides = array<i32>} : memref<128xi32, #tpu.memory_space<vmem>>, vector<16xi32>,
    tpu.vector_store %arg7[%swap3A_113], %add3A_112 {strides = array<i32>} : memref<128xi32, #tpu.memory_space<vmem>>, vector<16xi32>,
    %get3A_115 = arith.constant 4 : i32
    %get3A_116 = arith.index_cast %get3A_115 : i32 to index
    %get3A_117 = arith.constant 32 : index
    %get3A_118 = tpu.vector_load %arg5[%get3A_116, %get3A_117] {strides = array<i32>} : memref<6x128xi32, #tpu.memory_space<vmem>>, vector<16xi32>,
    %shift_left3A_119 = arith.constant 8 : i32
    %shift_left3A_120 = vector.broadcast %shift_left3A_119 : i32 to vector<16xi32>
    %shift_left3A_121 = arith.shli %get3A_118, %shift_left3A_120 : vector<16xi32>
    %get3A_122 = arith.constant 5 : i32
    %get3A_123 = arith.index_cast %get3A_122 : i32 to index
    %get3A_124 = arith.constant 32 : index
    %get3A_125 = tpu.vector_load %arg5[%get3A_123, %get3A_124] {strides = array<i32>} : memref<6x128xi32, #tpu.memory_space<vmem>>, vector<16xi32>,
    %add3A_126 = arith.addi %shift_left3A_121, %get3A_125 : vector<16xi32>
    %swap3A_127 = arith.constant 32 : index
    %swap3A_128 = tpu.vector_load %arg8[%swap3A_127] {strides = array<i32>} : memref<128xi32, #tpu.memory_space<vmem>>, vector<16xi32>,
    tpu.vector_store %arg8[%swap3A_127], %add3A_126 {strides = array<i32>} : memref<128xi32, #tpu.memory_space<vmem>>, vector<16xi32>,
    %get3A_129 = arith.constant 0 : i32
    %get3A_130 = arith.index_cast %get3A_129 : i32 to index
    %get3A_131 = arith.constant 48 : index
    %get3A_132 = tpu.vector_load %arg5[%get3A_130, %get3A_131] {strides = array<i32>} : memref<6x128xi32, #tpu.memory_space<vmem>>, vector<16xi32>,
    %shift_left3A_133 = arith.constant 8 : i32
    %shift_left3A_134 = vector.broadcast %shift_left3A_133 : i32 to vector<16xi32>
    %shift_left3A_135 = arith.shli %get3A_132, %shift_left3A_134 : vector<16xi32>
    %get3A_136 = arith.constant 1 : i32
    %get3A_137 = arith.index_cast %get3A_136 : i32 to index
    %get3A_138 = arith.constant 48 : index
    %get3A_139 = tpu.vector_load %arg5[%get3A_137, %get3A_138] {strides = array<i32>} : memref<6x128xi32, #tpu.memory_space<vmem>>, vector<16xi32>,
    %add3A_140 = arith.addi %shift_left3A_135, %get3A_139 : vector<16xi32>
    %swap3A_141 = arith.constant 48 : index
    %swap3A_142 = tpu.vector_load %arg6[%swap3A_141] {strides = array<i32>} : memref<128xi32, #tpu.memory_space<vmem>>, vector<16xi32>,
    tpu.vector_store %arg6[%swap3A_141], %add3A_140 {strides = array<i32>} : memref<128xi32, #tpu.memory_space<vmem>>, vector<16xi32>,
    %get3A_143 = arith.constant 2 : i32
    %get3A_144 = arith.index_cast %get3A_143 : i32 to index
    %get3A_145 = arith.constant 48 : index
    %get3A_146 = tpu.vector_load %arg5[%get3A_144, %get3A_145] {strides = array<i32>} : memref<6x128xi32, #tpu.memory_space<vmem>>, vector<16xi32>,
    %shift_left3A_147 = arith.constant 8 : i32
    %shift_left3A_148 = vector.broadcast %shift_left3A_147 : i32 to vector<16xi32>
    %shift_left3A_149 = arith.shli %get3A_146, %shift_left3A_148 : vector<16xi32>
    %get3A_150 = arith.constant 3 : i32
    %get3A_151 = arith.index_cast %get3A_150 : i32 to index
    %get3A_152 = arith.constant 48 : index
    %get3A_153 = tpu.vector_load %arg5[%get3A_151, %get3A_152] {strides = array<i32>} : memref<6x128xi32, #tpu.memory_space<vmem>>, vector<16xi32>,
    %add3A_154 = arith.addi %shift_left3A_149, %get3A_153 : vector<16xi32>
    %swap3A_155 = arith.constant 48 : index
    %swap3A_156 = tpu.vector_load %arg7[%swap3A_155] {strides = array<i32>} : memref<128xi32, #tpu.memory_space<vmem>>, vector<16xi32>,
    tpu.vector_store %arg7[%swap3A_155], %add3A_154 {strides = array<i32>} : memref<128xi32, #tpu.memory_space<vmem>>, vector<16xi32>,
    %get3A_157 = arith.constant 4 : i32
    %get3A_158 = arith.index_cast %get3A_157 : i32 to index
    %get3A_159 = arith.constant 48 : index
    %get3A_160 = tpu.vector_load %arg5[%get3A_158, %get3A_159] {strides = array<i32>} : memref<6x128xi32, #tpu.memory_space<vmem>>, vector<16xi32>,
    %shift_left3A_161 = arith.constant 8 : i32
    %shift_left3A_162 = vector.broadcast %shift_left3A_161 : i32 to vector<16xi32>
    %shift_left3A_163 = arith.shli %get3A_160, %shift_left3A_162 : vector<16xi32>
    %get3A_164 = arith.constant 5 : i32
    %get3A_165 = arith.index_cast %get3A_164 : i32 to index
    %get3A_166 = arith.constant 48 : index
    %get3A_167 = tpu.vector_load %arg5[%get3A_165, %get3A_166] {strides = array<i32>} : memref<6x128xi32, #tpu.memory_space<vmem>>, vector<16xi32>,
    %add3A_168 = arith.addi %shift_left3A_163, %get3A_167 : vector<16xi32>
    %swap3A_169 = arith.constant 48 : index
    %swap3A_170 = tpu.vector_load %arg8[%swap3A_169] {strides = array<i32>} : memref<128xi32, #tpu.memory_space<vmem>>, vector<16xi32>,
    tpu.vector_store %arg8[%swap3A_169], %add3A_168 {strides = array<i32>} : memref<128xi32, #tpu.memory_space<vmem>>, vector<16xi32>,
    %get3A_171 = arith.constant 0 : i32
    %get3A_172 = arith.index_cast %get3A_171 : i32 to index
    %get3A_173 = arith.constant 64 : index
    %get3A_174 = tpu.vector_load %arg5[%get3A_172, %get3A_173] {strides = array<i32>} : memref<6x128xi32, #tpu.memory_space<vmem>>, vector<16xi32>,
    %shift_left3A_175 = arith.constant 8 : i32
    %shift_left3A_176 = vector.broadcast %shift_left3A_175 : i32 to vector<16xi32>
    %shift_left3A_177 = arith.shli %get3A_174, %shift_left3A_176 : vector<16xi32>
    %get3A_178 = arith.constant 1 : i32
    %get3A_179 = arith.index_cast %get3A_178 : i32 to index
    %get3A_180 = arith.constant 64 : index
    %get3A_181 = tpu.vector_load %arg5[%get3A_179, %get3A_180] {strides = array<i32>} : memref<6x128xi32, #tpu.memory_space<vmem>>, vector<16xi32>,
    %add3A_182 = arith.addi %shift_left3A_177, %get3A_181 : vector<16xi32>
    %swap3A_183 = arith.constant 64 : index
    %swap3A_184 = tpu.vector_load %arg6[%swap3A_183] {strides = array<i32>} : memref<128xi32, #tpu.memory_space<vmem>>, vector<16xi32>,
    tpu.vector_store %arg6[%swap3A_183], %add3A_182 {strides = array<i32>} : memref<128xi32, #tpu.memory_space<vmem>>, vector<16xi32>,
    %get3A_185 = arith.constant 2 : i32
    %get3A_186 = arith.index_cast %get3A_185 : i32 to index
    %get3A_187 = arith.constant 64 : index
    %get3A_188 = tpu.vector_load %arg5[%get3A_186, %get3A_187] {strides = array<i32>} : memref<6x128xi32, #tpu.memory_space<vmem>>, vector<16xi32>,
    %shift_left3A_189 = arith.constant 8 : i32
    %shift_left3A_190 = vector.broadcast %shift_left3A_189 : i32 to vector<16xi32>
    %shift_left3A_191 = arith.shli %get3A_188, %shift_left3A_190 : vector<16xi32>
    %get3A_192 = arith.constant 3 : i32
    %get3A_193 = arith.index_cast %get3A_192 : i32 to index
    %get3A_194 = arith.constant 64 : index
    %get3A_195 = tpu.vector_load %arg5[%get3A_193, %get3A_194] {strides = array<i32>} : memref<6x128xi32, #tpu.memory_space<vmem>>, vector<16xi32>,
    %add3A_196 = arith.addi %shift_left3A_191, %get3A_195 : vector<16xi32>
    %swap3A_197 = arith.constant 64 : index
    %swap3A_198 = tpu.vector_load %arg7[%swap3A_197] {strides = array<i32>} : memref<128xi32, #tpu.memory_space<vmem>>, vector<16xi32>,
    tpu.vector_store %arg7[%swap3A_197], %add3A_196 {strides = array<i32>} : memref<128xi32, #tpu.memory_space<vmem>>, vector<16xi32>,
    %get3A_199 = arith.constant 4 : i32
    %get3A_200 = arith.index_cast %get3A_199 : i32 to index
    %get3A_201 = arith.constant 64 : index
    %get3A_202 = tpu.vector_load %arg5[%get3A_200, %get3A_201] {strides = array<i32>} : memref<6x128xi32, #tpu.memory_space<vmem>>, vector<16xi32>,
    %shift_left3A_203 = arith.constant 8 : i32
    %shift_left3A_204 = vector.broadcast %shift_left3A_203 : i32 to vector<16xi32>
    %shift_left3A_205 = arith.shli %get3A_202, %shift_left3A_204 : vector<16xi32>
    %get3A_206 = arith.constant 5 : i32
    %get3A_207 = arith.index_cast %get3A_206 : i32 to index
    %get3A_208 = arith.constant 64 : index
    %get3A_209 = tpu.vector_load %arg5[%get3A_207, %get3A_208] {strides = array<i32>} : memref<6x128xi32, #tpu.memory_space<vmem>>, vector<16xi32>,
    %add3A_210 = arith.addi %shift_left3A_205, %get3A_209 : vector<16xi32>
    %swap3A_211 = arith.constant 64 : index
    %swap3A_212 = tpu.vector_load %arg8[%swap3A_211] {strides = array<i32>} : memref<128xi32, #tpu.memory_space<vmem>>, vector<16xi32>,
    tpu.vector_store %arg8[%swap3A_211], %add3A_210 {strides = array<i32>} : memref<128xi32, #tpu.memory_space<vmem>>, vector<16xi32>,
    %get3A_213 = arith.constant 0 : i32
    %get3A_214 = arith.index_cast %get3A_213 : i32 to index
    %get3A_215 = arith.constant 80 : index
    %get3A_216 = tpu.vector_load %arg5[%get3A_214, %get3A_215] {strides = array<i32>} : memref<6x128xi32, #tpu.memory_space<vmem>>, vector<16xi32>,
    %shift_left3A_217 = arith.constant 8 : i32
    %shift_left3A_218 = vector.broadcast %shift_left3A_217 : i32 to vector<16xi32>
    %shift_left3A_219 = arith.shli %get3A_216, %shift_left3A_218 : vector<16xi32>
    %get3A_220 = arith.constant 1 : i32
    %get3A_221 = arith.index_cast %get3A_220 : i32 to index
    %get3A_222 = arith.constant 80 : index
    %get3A_223 = tpu.vector_load %arg5[%get3A_221, %get3A_222] {strides = array<i32>} : memref<6x128xi32, #tpu.memory_space<vmem>>, vector<16xi32>,
    %add3A_224 = arith.addi %shift_left3A_219, %get3A_223 : vector<16xi32>
    %swap3A_225 = arith.constant 80 : index
    %swap3A_226 = tpu.vector_load %arg6[%swap3A_225] {strides = array<i32>} : memref<128xi32, #tpu.memory_space<vmem>>, vector<16xi32>,
    tpu.vector_store %arg6[%swap3A_225], %add3A_224 {strides = array<i32>} : memref<128xi32, #tpu.memory_space<vmem>>, vector<16xi32>,
    %get3A_227 = arith.constant 2 : i32
    %get3A_228 = arith.index_cast %get3A_227 : i32 to index
    %get3A_229 = arith.constant 80 : index
    %get3A_230 = tpu.vector_load %arg5[%get3A_228, %get3A_229] {strides = array<i32>} : memref<6x128xi32, #tpu.memory_space<vmem>>, vector<16xi32>,
    %shift_left3A_231 = arith.constant 8 : i32
    %shift_left3A_232 = vector.broadcast %shift_left3A_231 : i32 to vector<16xi32>
    %shift_left3A_233 = arith.shli %get3A_230, %shift_left3A_232 : vector<16xi32>
    %get3A_234 = arith.constant 3 : i32
    %get3A_235 = arith.index_cast %get3A_234 : i32 to index
    %get3A_236 = arith.constant 80 : index
    %get3A_237 = tpu.vector_load %arg5[%get3A_235, %get3A_236] {strides = array<i32>} : memref<6x128xi32, #tpu.memory_space<vmem>>, vector<16xi32>,
    %add3A_238 = arith.addi %shift_left3A_233, %get3A_237 : vector<16xi32>
    %swap3A_239 = arith.constant 80 : index
    %swap3A_240 = tpu.vector_load %arg7[%swap3A_239] {strides = array<i32>} : memref<128xi32, #tpu.memory_space<vmem>>, vector<16xi32>,
    tpu.vector_store %arg7[%swap3A_239], %add3A_238 {strides = array<i32>} : memref<128xi32, #tpu.memory_space<vmem>>, vector<16xi32>,
    %get3A_241 = arith.constant 4 : i32
    %get3A_242 = arith.index_cast %get3A_241 : i32 to index
    %get3A_243 = arith.constant 80 : index
    %get3A_244 = tpu.vector_load %arg5[%get3A_242, %get3A_243] {strides = array<i32>} : memref<6x128xi32, #tpu.memory_space<vmem>>, vector<16xi32>,
    %shift_left3A_245 = arith.constant 8 : i32
    %shift_left3A_246 = vector.broadcast %shift_left3A_245 : i32 to vector<16xi32>
    %shift_left3A_247 = arith.shli %get3A_244, %shift_left3A_246 : vector<16xi32>
    %get3A_248 = arith.constant 5 : i32
    %get3A_249 = arith.index_cast %get3A_248 : i32 to index
    %get3A_250 = arith.constant 80 : index
    %get3A_251 = tpu.vector_load %arg5[%get3A_249, %get3A_250] {strides = array<i32>} : memref<6x128xi32, #tpu.memory_space<vmem>>, vector<16xi32>,
    %add3A_252 = arith.addi %shift_left3A_247, %get3A_251 : vector<16xi32>
    %swap3A_253 = arith.constant 80 : index
    %swap3A_254 = tpu.vector_load %arg8[%swap3A_253] {strides = array<i32>} : memref<128xi32, #tpu.memory_space<vmem>>, vector<16xi32>,
    tpu.vector_store %arg8[%swap3A_253], %add3A_252 {strides = array<i32>} : memref<128xi32, #tpu.memory_space<vmem>>, vector<16xi32>,
    %get3A_255 = arith.constant 0 : i32
    %get3A_256 = arith.index_cast %get3A_255 : i32 to index
    %get3A_257 = arith.constant 96 : index
    %get3A_258 = tpu.vector_load %arg5[%get3A_256, %get3A_257] {strides = array<i32>} : memref<6x128xi32, #tpu.memory_space<vmem>>, vector<16xi32>,
    %shift_left3A_259 = arith.constant 8 : i32
    %shift_left3A_260 = vector.broadcast %shift_left3A_259 : i32 to vector<16xi32>
    %shift_left3A_261 = arith.shli %get3A_258, %shift_left3A_260 : vector<16xi32>
    %get3A_262 = arith.constant 1 : i32
    %get3A_263 = arith.index_cast %get3A_262 : i32 to index
    %get3A_264 = arith.constant 96 : index
    %get3A_265 = tpu.vector_load %arg5[%get3A_263, %get3A_264] {strides = array<i32>} : memref<6x128xi32, #tpu.memory_space<vmem>>, vector<16xi32>,
    %add3A_266 = arith.addi %shift_left3A_261, %get3A_265 : vector<16xi32>
    %swap3A_267 = arith.constant 96 : index
    %swap3A_268 = tpu.vector_load %arg6[%swap3A_267] {strides = array<i32>} : memref<128xi32, #tpu.memory_space<vmem>>, vector<16xi32>,
    tpu.vector_store %arg6[%swap3A_267], %add3A_266 {strides = array<i32>} : memref<128xi32, #tpu.memory_space<vmem>>, vector<16xi32>,
    %get3A_269 = arith.constant 2 : i32
    %get3A_270 = arith.index_cast %get3A_269 : i32 to index
    %get3A_271 = arith.constant 96 : index
    %get3A_272 = tpu.vector_load %arg5[%get3A_270, %get3A_271] {strides = array<i32>} : memref<6x128xi32, #tpu.memory_space<vmem>>, vector<16xi32>,
    %shift_left3A_273 = arith.constant 8 : i32
    %shift_left3A_274 = vector.broadcast %shift_left3A_273 : i32 to vector<16xi32>
    %shift_left3A_275 = arith.shli %get3A_272, %shift_left3A_274 : vector<16xi32>
    %get3A_276 = arith.constant 3 : i32
    %get3A_277 = arith.index_cast %get3A_276 : i32 to index
    %get3A_278 = arith.constant 96 : index
    %get3A_279 = tpu.vector_load %arg5[%get3A_277, %get3A_278] {strides = array<i32>} : memref<6x128xi32, #tpu.memory_space<vmem>>, vector<16xi32>,
    %add3A_280 = arith.addi %shift_left3A_275, %get3A_279 : vector<16xi32>
    %swap3A_281 = arith.constant 96 : index
    %swap3A_282 = tpu.vector_load %arg7[%swap3A_281] {strides = array<i32>} : memref<128xi32, #tpu.memory_space<vmem>>, vector<16xi32>,
    tpu.vector_store %arg7[%swap3A_281], %add3A_280 {strides = array<i32>} : memref<128xi32, #tpu.memory_space<vmem>>, vector<16xi32>,
    %get3A_283 = arith.constant 4 : i32
    %get3A_284 = arith.index_cast %get3A_283 : i32 to index
    %get3A_285 = arith.constant 96 : index
    %get3A_286 = tpu.vector_load %arg5[%get3A_284, %get3A_285] {strides = array<i32>} : memref<6x128xi32, #tpu.memory_space<vmem>>, vector<16xi32>,
    %shift_left3A_287 = arith.constant 8 : i32
    %shift_left3A_288 = vector.broadcast %shift_left3A_287 : i32 to vector<16xi32>
    %shift_left3A_289 = arith.shli %get3A_286, %shift_left3A_288 : vector<16xi32>
    %get3A_290 = arith.constant 5 : i32
    %get3A_291 = arith.index_cast %get3A_290 : i32 to index
    %get3A_292 = arith.constant 96 : index
    %get3A_293 = tpu.vector_load %arg5[%get3A_291, %get3A_292] {strides = array<i32>} : memref<6x128xi32, #tpu.memory_space<vmem>>, vector<16xi32>,
    %add3A_294 = arith.addi %shift_left3A_289, %get3A_293 : vector<16xi32>
    %swap3A_295 = arith.constant 96 : index
    %swap3A_296 = tpu.vector_load %arg8[%swap3A_295] {strides = array<i32>} : memref<128xi32, #tpu.memory_space<vmem>>, vector<16xi32>,
    tpu.vector_store %arg8[%swap3A_295], %add3A_294 {strides = array<i32>} : memref<128xi32, #tpu.memory_space<vmem>>, vector<16xi32>,
    %get3A_297 = arith.constant 0 : i32
    %get3A_298 = arith.index_cast %get3A_297 : i32 to index
    %get3A_299 = arith.constant 112 : index
    %get3A_300 = tpu.vector_load %arg5[%get3A_298, %get3A_299] {strides = array<i32>} : memref<6x128xi32, #tpu.memory_space<vmem>>, vector<16xi32>,
    %shift_left3A_301 = arith.constant 8 : i32
    %shift_left3A_302 = vector.broadcast %shift_left3A_301 : i32 to vector<16xi32>
    %shift_left3A_303 = arith.shli %get3A_300, %shift_left3A_302 : vector<16xi32>
    %get3A_304 = arith.constant 1 : i32
    %get3A_305 = arith.index_cast %get3A_304 : i32 to index
    %get3A_306 = arith.constant 112 : index
    %get3A_307 = tpu.vector_load %arg5[%get3A_305, %get3A_306] {strides = array<i32>} : memref<6x128xi32, #tpu.memory_space<vmem>>, vector<16xi32>,
    %add3A_308 = arith.addi %shift_left3A_303, %get3A_307 : vector<16xi32>
    %swap3A_309 = arith.constant 112 : index
    %swap3A_310 = tpu.vector_load %arg6[%swap3A_309] {strides = array<i32>} : memref<128xi32, #tpu.memory_space<vmem>>, vector<16xi32>,
    tpu.vector_store %arg6[%swap3A_309], %add3A_308 {strides = array<i32>} : memref<128xi32, #tpu.memory_space<vmem>>, vector<16xi32>,
    %get3A_311 = arith.constant 2 : i32
    %get3A_312 = arith.index_cast %get3A_311 : i32 to index
    %get3A_313 = arith.constant 112 : index
    %get3A_314 = tpu.vector_load %arg5[%get3A_312, %get3A_313] {strides = array<i32>} : memref<6x128xi32, #tpu.memory_space<vmem>>, vector<16xi32>,
    %shift_left3A_315 = arith.constant 8 : i32
    %shift_left3A_316 = vector.broadcast %shift_left3A_315 : i32 to vector<16xi32>
    %shift_left3A_317 = arith.shli %get3A_314, %shift_left3A_316 : vector<16xi32>
    %get3A_318 = arith.constant 3 : i32
    %get3A_319 = arith.index_cast %get3A_318 : i32 to index
    %get3A_320 = arith.constant 112 : index
    %get3A_321 = tpu.vector_load %arg5[%get3A_319, %get3A_320] {strides = array<i32>} : memref<6x128xi32, #tpu.memory_space<vmem>>, vector<16xi32>,
    %add3A_322 = arith.addi %shift_left3A_317, %get3A_321 : vector<16xi32>
    %swap3A_323 = arith.constant 112 : index
    %swap3A_324 = tpu.vector_load %arg7[%swap3A_323] {strides = array<i32>} : memref<128xi32, #tpu.memory_space<vmem>>, vector<16xi32>,
    tpu.vector_store %arg7[%swap3A_323], %add3A_322 {strides = array<i32>} : memref<128xi32, #tpu.memory_space<vmem>>, vector<16xi32>,
    %get3A_325 = arith.constant 4 : i32
    %get3A_326 = arith.index_cast %get3A_325 : i32 to index
    %get3A_327 = arith.constant 112 : index
    %get3A_328 = tpu.vector_load %arg5[%get3A_326, %get3A_327] {strides = array<i32>} : memref<6x128xi32, #tpu.memory_space<vmem>>, vector<16xi32>,
    %shift_left3A_329 = arith.constant 8 : i32
    %shift_left3A_330 = vector.broadcast %shift_left3A_329 : i32 to vector<16xi32>
    %shift_left3A_331 = arith.shli %get3A_328, %shift_left3A_330 : vector<16xi32>
    %get3A_332 = arith.constant 5 : i32
    %get3A_333 = arith.index_cast %get3A_332 : i32 to index
    %get3A_334 = arith.constant 112 : index
    %get3A_335 = tpu.vector_load %arg5[%get3A_333, %get3A_334] {strides = array<i32>} : memref<6x128xi32, #tpu.memory_space<vmem>>, vector<16xi32>,
    %add3A_336 = arith.addi %shift_left3A_331, %get3A_335 : vector<16xi32>
    %swap3A_337 = arith.constant 112 : index
    %swap3A_338 = tpu.vector_load %arg8[%swap3A_337] {strides = array<i32>} : memref<128xi32, #tpu.memory_space<vmem>>, vector<16xi32>,
    tpu.vector_store %arg8[%swap3A_337], %add3A_336 {strides = array<i32>} : memref<128xi32, #tpu.memory_space<vmem>>, vector<16xi32>,
    %dma_start3A = arith.constant 0 : i32
    %dma_start3A_339 = arith.constant 0 : i32
    %dma_start3A_340 = tpu.memref_slice %arg2[%dma_start3A, %dma_start3A_339] : memref<65536x128xf32, #tpu.memory_space<hbm>> -> memref<65536x128xf32, #tpu.memory_space<hbm>>
    tpu.enqueue_indirect_dma source(%dma_start3A_340 : memref<65536x128xf32, #tpu.memory_space<hbm>>) target(%arg12 : memref<128x128xf32, #tpu.memory_space<vmem>>) offsets(%arg6 : memref<128xi32, #tpu.memory_space<vmem>>) semaphore(%arg22 : memref<!tpu.dma_semaphore, #tpu.memory_space<semaphore_mem>>)
    %dma_start3A_341 = arith.constant 0 : i32
    %dma_start3A_342 = arith.constant 0 : i32
    %dma_start3A_343 = tpu.memref_slice %arg2[%dma_start3A_341, %dma_start3A_342] : memref<65536x128xf32, #tpu.memory_space<hbm>> -> memref<65536x128xf32, #tpu.memory_space<hbm>>
    tpu.enqueue_indirect_dma source(%dma_start3A_343 : memref<65536x128xf32, #tpu.memory_space<hbm>>) target(%arg13 : memref<128x128xf32, #tpu.memory_space<vmem>>) offsets(%arg7 : memref<128xi32, #tpu.memory_space<vmem>>) semaphore(%arg22 : memref<!tpu.dma_semaphore, #tpu.memory_space<semaphore_mem>>)
    %dma_start3A_344 = arith.constant 0 : i32
    %dma_start3A_345 = arith.constant 0 : i32
    %dma_start3A_346 = tpu.memref_slice %arg2[%dma_start3A_344, %dma_start3A_345] : memref<65536x128xf32, #tpu.memory_space<hbm>> -> memref<65536x128xf32, #tpu.memory_space<hbm>>
    tpu.enqueue_indirect_dma source(%dma_start3A_346 : memref<65536x128xf32, #tpu.memory_space<hbm>>) target(%arg14 : memref<128x128xf32, #tpu.memory_space<vmem>>) offsets(%arg8 : memref<128xi32, #tpu.memory_space<vmem>>) semaphore(%arg22 : memref<!tpu.dma_semaphore, #tpu.memory_space<semaphore_mem>>)
    %mul3A_347 = arith.constant 512 : i32
    %mul3A_348 = arith.muli %add3A, %mul3A_347 : i32
    %add3A_349 = arith.constant 128 : i32
    %add3A_350 = arith.addi %mul3A_348, %add3A_349 : i32
    "tpu.region"() ({
      %run_scoped3A = tpu.sem_alloc : memref<!tpu.dma_semaphore, #tpu.memory_space<semaphore_mem>>
      %dma_start3A_1459 = arith.constant 0 : i32
      %dma_start3A_1460 = tpu.memref_slice %arg3[%dma_start3A_1459, %add3A_350] : memref<6x16384xi32, #tpu.memory_space<hbm>> -> memref<6x128xi32, #tpu.memory_space<hbm>>
      %dma_start3A_1461 = arith.constant 0 : i32
      %dma_start3A_1462 = tpu.memref_slice %arg3[%dma_start3A_1461, %add3A_350] : memref<6x16384xi32, #tpu.memory_space<hbm>> -> memref<6x128xi32, #tpu.memory_space<hbm>>
      tpu.enqueue_dma source(%dma_start3A_1462 : memref<6x128xi32, #tpu.memory_space<hbm>>) target(%arg5 : memref<6x128xi32, #tpu.memory_space<vmem>>) target_semaphore(%run_scoped3A : memref<!tpu.dma_semaphore, #tpu.memory_space<semaphore_mem>>)
      %dma_wait3A_1463 = arith.constant 0 : i32
      %dma_wait3A_1464 = tpu.memref_slice %arg3[%dma_wait3A_1463, %add3A_350] : memref<6x16384xi32, #tpu.memory_space<hbm>> -> memref<6x128xi32, #tpu.memory_space<hbm>>
      %dma_wait3A_1465 = arith.constant 0 : i32
      %dma_wait3A_1466 = tpu.memref_slice %arg3[%dma_wait3A_1465, %add3A_350] : memref<6x16384xi32, #tpu.memory_space<hbm>> -> memref<6x128xi32, #tpu.memory_space<hbm>>
      tpu.wait_dma2 semaphore(%run_scoped3A : memref<!tpu.dma_semaphore, #tpu.memory_space<semaphore_mem>>) src(%dma_wait3A_1466 : memref<6x128xi32, #tpu.memory_space<hbm>>) dst(%arg5 : memref<6x128xi32, #tpu.memory_space<vmem>>)
      tpu.yield
    }) : () -> ()
    %get3A_351 = arith.constant 0 : i32
    %get3A_352 = arith.index_cast %get3A_351 : i32 to index
    %get3A_353 = arith.constant 0 : index
    %get3A_354 = tpu.vector_load %arg5[%get3A_352, %get3A_353] {strides = array<i32>} : memref<6x128xi32, #tpu.memory_space<vmem>>, vector<16xi32>,
    %shift_left3A_355 = arith.constant 8 : i32
    %shift_left3A_356 = vector.broadcast %shift_left3A_355 : i32 to vector<16xi32>
    %shift_left3A_357 = arith.shli %get3A_354, %shift_left3A_356 : vector<16xi32>
    %get3A_358 = arith.constant 1 : i32
    %get3A_359 = arith.index_cast %get3A_358 : i32 to index
    %get3A_360 = arith.constant 0 : index
    %get3A_361 = tpu.vector_load %arg5[%get3A_359, %get3A_360] {strides = array<i32>} : memref<6x128xi32, #tpu.memory_space<vmem>>, vector<16xi32>,
    %add3A_362 = arith.addi %shift_left3A_357, %get3A_361 : vector<16xi32>
    %swap3A_363 = arith.constant 0 : index
    %swap3A_364 = tpu.vector_load %arg9[%swap3A_363] {strides = array<i32>} : memref<128xi32, #tpu.memory_space<vmem>>, vector<16xi32>,
    tpu.vector_store %arg9[%swap3A_363], %add3A_362 {strides = array<i32>} : memref<128xi32, #tpu.memory_space<vmem>>, vector<16xi32>,
    %get3A_365 = arith.constant 2 : i32
    %get3A_366 = arith.index_cast %get3A_365 : i32 to index
    %get3A_367 = arith.constant 0 : index
    %get3A_368 = tpu.vector_load %arg5[%get3A_366, %get3A_367] {strides = array<i32>} : memref<6x128xi32, #tpu.memory_space<vmem>>, vector<16xi32>,
    %shift_left3A_369 = arith.constant 8 : i32
    %shift_left3A_370 = vector.broadcast %shift_left3A_369 : i32 to vector<16xi32>
    %shift_left3A_371 = arith.shli %get3A_368, %shift_left3A_370 : vector<16xi32>
    %get3A_372 = arith.constant 3 : i32
    %get3A_373 = arith.index_cast %get3A_372 : i32 to index
    %get3A_374 = arith.constant 0 : index
    %get3A_375 = tpu.vector_load %arg5[%get3A_373, %get3A_374] {strides = array<i32>} : memref<6x128xi32, #tpu.memory_space<vmem>>, vector<16xi32>,
    %add3A_376 = arith.addi %shift_left3A_371, %get3A_375 : vector<16xi32>
    %swap3A_377 = arith.constant 0 : index
    %swap3A_378 = tpu.vector_load %arg10[%swap3A_377] {strides = array<i32>} : memref<128xi32, #tpu.memory_space<vmem>>, vector<16xi32>,
    tpu.vector_store %arg10[%swap3A_377], %add3A_376 {strides = array<i32>} : memref<128xi32, #tpu.memory_space<vmem>>, vector<16xi32>,
    %get3A_379 = arith.constant 4 : i32
    %get3A_380 = arith.index_cast %get3A_379 : i32 to index
    %get3A_381 = arith.constant 0 : index
    %get3A_382 = tpu.vector_load %arg5[%get3A_380, %get3A_381] {strides = array<i32>} : memref<6x128xi32, #tpu.memory_space<vmem>>, vector<16xi32>,
    %shift_left3A_383 = arith.constant 8 : i32
    %shift_left3A_384 = vector.broadcast %shift_left3A_383 : i32 to vector<16xi32>
    %shift_left3A_385 = arith.shli %get3A_382, %shift_left3A_384 : vector<16xi32>
    %get3A_386 = arith.constant 5 : i32
    %get3A_387 = arith.index_cast %get3A_386 : i32 to index
    %get3A_388 = arith.constant 0 : index
    %get3A_389 = tpu.vector_load %arg5[%get3A_387, %get3A_388] {strides = array<i32>} : memref<6x128xi32, #tpu.memory_space<vmem>>, vector<16xi32>,
    %add3A_390 = arith.addi %shift_left3A_385, %get3A_389 : vector<16xi32>
    %swap3A_391 = arith.constant 0 : index
    %swap3A_392 = tpu.vector_load %arg11[%swap3A_391] {strides = array<i32>} : memref<128xi32, #tpu.memory_space<vmem>>, vector<16xi32>,
    tpu.vector_store %arg11[%swap3A_391], %add3A_390 {strides = array<i32>} : memref<128xi32, #tpu.memory_space<vmem>>, vector<16xi32>,
    %get3A_393 = arith.constant 0 : i32
    %get3A_394 = arith.index_cast %get3A_393 : i32 to index
    %get3A_395 = arith.constant 16 : index
    %get3A_396 = tpu.vector_load %arg5[%get3A_394, %get3A_395] {strides = array<i32>} : memref<6x128xi32, #tpu.memory_space<vmem>>, vector<16xi32>,
    %shift_left3A_397 = arith.constant 8 : i32
    %shift_left3A_398 = vector.broadcast %shift_left3A_397 : i32 to vector<16xi32>
    %shift_left3A_399 = arith.shli %get3A_396, %shift_left3A_398 : vector<16xi32>
    %get3A_400 = arith.constant 1 : i32
    %get3A_401 = arith.index_cast %get3A_400 : i32 to index
    %get3A_402 = arith.constant 16 : index
    %get3A_403 = tpu.vector_load %arg5[%get3A_401, %get3A_402] {strides = array<i32>} : memref<6x128xi32, #tpu.memory_space<vmem>>, vector<16xi32>,
    %add3A_404 = arith.addi %shift_left3A_399, %get3A_403 : vector<16xi32>
    %swap3A_405 = arith.constant 16 : index
    %swap3A_406 = tpu.vector_load %arg9[%swap3A_405] {strides = array<i32>} : memref<128xi32, #tpu.memory_space<vmem>>, vector<16xi32>,
    tpu.vector_store %arg9[%swap3A_405], %add3A_404 {strides = array<i32>} : memref<128xi32, #tpu.memory_space<vmem>>, vector<16xi32>,
    %get3A_407 = arith.constant 2 : i32
    %get3A_408 = arith.index_cast %get3A_407 : i32 to index
    %get3A_409 = arith.constant 16 : index
    %get3A_410 = tpu.vector_load %arg5[%get3A_408, %get3A_409] {strides = array<i32>} : memref<6x128xi32, #tpu.memory_space<vmem>>, vector<16xi32>,
    %shift_left3A_411 = arith.constant 8 : i32
    %shift_left3A_412 = vector.broadcast %shift_left3A_411 : i32 to vector<16xi32>
    %shift_left3A_413 = arith.shli %get3A_410, %shift_left3A_412 : vector<16xi32>
    %get3A_414 = arith.constant 3 : i32
    %get3A_415 = arith.index_cast %get3A_414 : i32 to index
    %get3A_416 = arith.constant 16 : index
    %get3A_417 = tpu.vector_load %arg5[%get3A_415, %get3A_416] {strides = array<i32>} : memref<6x128xi32, #tpu.memory_space<vmem>>, vector<16xi32>,
    %add3A_418 = arith.addi %shift_left3A_413, %get3A_417 : vector<16xi32>
    %swap3A_419 = arith.constant 16 : index
    %swap3A_420 = tpu.vector_load %arg10[%swap3A_419] {strides = array<i32>} : memref<128xi32, #tpu.memory_space<vmem>>, vector<16xi32>,
    tpu.vector_store %arg10[%swap3A_419], %add3A_418 {strides = array<i32>} : memref<128xi32, #tpu.memory_space<vmem>>, vector<16xi32>,
    %get3A_421 = arith.constant 4 : i32
    %get3A_422 = arith.index_cast %get3A_421 : i32 to index
    %get3A_423 = arith.constant 16 : index
    %get3A_424 = tpu.vector_load %arg5[%get3A_422, %get3A_423] {strides = array<i32>} : memref<6x128xi32, #tpu.memory_space<vmem>>, vector<16xi32>,
    %shift_left3A_425 = arith.constant 8 : i32
    %shift_left3A_426 = vector.broadcast %shift_left3A_425 : i32 to vector<16xi32>
    %shift_left3A_427 = arith.shli %get3A_424, %shift_left3A_426 : vector<16xi32>
    %get3A_428 = arith.constant 5 : i32
    %get3A_429 = arith.index_cast %get3A_428 : i32 to index
    %get3A_430 = arith.constant 16 : index
    %get3A_431 = tpu.vector_load %arg5[%get3A_429, %get3A_430] {strides = array<i32>} : memref<6x128xi32, #tpu.memory_space<vmem>>, vector<16xi32>,
    %add3A_432 = arith.addi %shift_left3A_427, %get3A_431 : vector<16xi32>
    %swap3A_433 = arith.constant 16 : index
    %swap3A_434 = tpu.vector_load %arg11[%swap3A_433] {strides = array<i32>} : memref<128xi32, #tpu.memory_space<vmem>>, vector<16xi32>,
    tpu.vector_store %arg11[%swap3A_433], %add3A_432 {strides = array<i32>} : memref<128xi32, #tpu.memory_space<vmem>>, vector<16xi32>,
    %get3A_435 = arith.constant 0 : i32
    %get3A_436 = arith.index_cast %get3A_435 : i32 to index
    %get3A_437 = arith.constant 32 : index
    %get3A_438 = tpu.vector_load %arg5[%get3A_436, %get3A_437] {strides = array<i32>} : memref<6x128xi32, #tpu.memory_space<vmem>>, vector<16xi32>,
    %shift_left3A_439 = arith.constant 8 : i32
    %shift_left3A_440 = vector.broadcast %shift_left3A_439 : i32 to vector<16xi32>
    %shift_left3A_441 = arith.shli %get3A_438, %shift_left3A_440 : vector<16xi32>
    %get3A_442 = arith.constant 1 : i32
    %get3A_443 = arith.index_cast %get3A_442 : i32 to index
    %get3A_444 = arith.constant 32 : index
    %get3A_445 = tpu.vector_load %arg5[%get3A_443, %get3A_444] {strides = array<i32>} : memref<6x128xi32, #tpu.memory_space<vmem>>, vector<16xi32>,
    %add3A_446 = arith.addi %shift_left3A_441, %get3A_445 : vector<16xi32>
    %swap3A_447 = arith.constant 32 : index
    %swap3A_448 = tpu.vector_load %arg9[%swap3A_447] {strides = array<i32>} : memref<128xi32, #tpu.memory_space<vmem>>, vector<16xi32>,
    tpu.vector_store %arg9[%swap3A_447], %add3A_446 {strides = array<i32>} : memref<128xi32, #tpu.memory_space<vmem>>, vector<16xi32>,
    %get3A_449 = arith.constant 2 : i32
    %get3A_450 = arith.index_cast %get3A_449 : i32 to index
    %get3A_451 = arith.constant 32 : index
    %get3A_452 = tpu.vector_load %arg5[%get3A_450, %get3A_451] {strides = array<i32>} : memref<6x128xi32, #tpu.memory_space<vmem>>, vector<16xi32>,
    %shift_left3A_453 = arith.constant 8 : i32
    %shift_left3A_454 = vector.broadcast %shift_left3A_453 : i32 to vector<16xi32>
    %shift_left3A_455 = arith.shli %get3A_452, %shift_left3A_454 : vector<16xi32>
    %get3A_456 = arith.constant 3 : i32
    %get3A_457 = arith.index_cast %get3A_456 : i32 to index
    %get3A_458 = arith.constant 32 : index
    %get3A_459 = tpu.vector_load %arg5[%get3A_457, %get3A_458] {strides = array<i32>} : memref<6x128xi32, #tpu.memory_space<vmem>>, vector<16xi32>,
    %add3A_460 = arith.addi %shift_left3A_455, %get3A_459 : vector<16xi32>
    %swap3A_461 = arith.constant 32 : index
    %swap3A_462 = tpu.vector_load %arg10[%swap3A_461] {strides = array<i32>} : memref<128xi32, #tpu.memory_space<vmem>>, vector<16xi32>,
    tpu.vector_store %arg10[%swap3A_461], %add3A_460 {strides = array<i32>} : memref<128xi32, #tpu.memory_space<vmem>>, vector<16xi32>,
    %get3A_463 = arith.constant 4 : i32
    %get3A_464 = arith.index_cast %get3A_463 : i32 to index
    %get3A_465 = arith.constant 32 : index
    %get3A_466 = tpu.vector_load %arg5[%get3A_464, %get3A_465] {strides = array<i32>} : memref<6x128xi32, #tpu.memory_space<vmem>>, vector<16xi32>,
    %shift_left3A_467 = arith.constant 8 : i32
    %shift_left3A_468 = vector.broadcast %shift_left3A_467 : i32 to vector<16xi32>
    %shift_left3A_469 = arith.shli %get3A_466, %shift_left3A_468 : vector<16xi32>
    %get3A_470 = arith.constant 5 : i32
    %get3A_471 = arith.index_cast %get3A_470 : i32 to index
    %get3A_472 = arith.constant 32 : index
    %get3A_473 = tpu.vector_load %arg5[%get3A_471, %get3A_472] {strides = array<i32>} : memref<6x128xi32, #tpu.memory_space<vmem>>, vector<16xi32>,
    %add3A_474 = arith.addi %shift_left3A_469, %get3A_473 : vector<16xi32>
    %swap3A_475 = arith.constant 32 : index
    %swap3A_476 = tpu.vector_load %arg11[%swap3A_475] {strides = array<i32>} : memref<128xi32, #tpu.memory_space<vmem>>, vector<16xi32>,
    tpu.vector_store %arg11[%swap3A_475], %add3A_474 {strides = array<i32>} : memref<128xi32, #tpu.memory_space<vmem>>, vector<16xi32>,
    %get3A_477 = arith.constant 0 : i32
    %get3A_478 = arith.index_cast %get3A_477 : i32 to index
    %get3A_479 = arith.constant 48 : index
    %get3A_480 = tpu.vector_load %arg5[%get3A_478, %get3A_479] {strides = array<i32>} : memref<6x128xi32, #tpu.memory_space<vmem>>, vector<16xi32>,
    %shift_left3A_481 = arith.constant 8 : i32
    %shift_left3A_482 = vector.broadcast %shift_left3A_481 : i32 to vector<16xi32>
    %shift_left3A_483 = arith.shli %get3A_480, %shift_left3A_482 : vector<16xi32>
    %get3A_484 = arith.constant 1 : i32
    %get3A_485 = arith.index_cast %get3A_484 : i32 to index
    %get3A_486 = arith.constant 48 : index
    %get3A_487 = tpu.vector_load %arg5[%get3A_485, %get3A_486] {strides = array<i32>} : memref<6x128xi32, #tpu.memory_space<vmem>>, vector<16xi32>,
    %add3A_488 = arith.addi %shift_left3A_483, %get3A_487 : vector<16xi32>
    %swap3A_489 = arith.constant 48 : index
    %swap3A_490 = tpu.vector_load %arg9[%swap3A_489] {strides = array<i32>} : memref<128xi32, #tpu.memory_space<vmem>>, vector<16xi32>,
    tpu.vector_store %arg9[%swap3A_489], %add3A_488 {strides = array<i32>} : memref<128xi32, #tpu.memory_space<vmem>>, vector<16xi32>,
    %get3A_491 = arith.constant 2 : i32
    %get3A_492 = arith.index_cast %get3A_491 : i32 to index
    %get3A_493 = arith.constant 48 : index
    %get3A_494 = tpu.vector_load %arg5[%get3A_492, %get3A_493] {strides = array<i32>} : memref<6x128xi32, #tpu.memory_space<vmem>>, vector<16xi32>,
    %shift_left3A_495 = arith.constant 8 : i32
    %shift_left3A_496 = vector.broadcast %shift_left3A_495 : i32 to vector<16xi32>
    %shift_left3A_497 = arith.shli %get3A_494, %shift_left3A_496 : vector<16xi32>
    %get3A_498 = arith.constant 3 : i32
    %get3A_499 = arith.index_cast %get3A_498 : i32 to index
    %get3A_500 = arith.constant 48 : index
    %get3A_501 = tpu.vector_load %arg5[%get3A_499, %get3A_500] {strides = array<i32>} : memref<6x128xi32, #tpu.memory_space<vmem>>, vector<16xi32>,
    %add3A_502 = arith.addi %shift_left3A_497, %get3A_501 : vector<16xi32>
    %swap3A_503 = arith.constant 48 : index
    %swap3A_504 = tpu.vector_load %arg10[%swap3A_503] {strides = array<i32>} : memref<128xi32, #tpu.memory_space<vmem>>, vector<16xi32>,
    tpu.vector_store %arg10[%swap3A_503], %add3A_502 {strides = array<i32>} : memref<128xi32, #tpu.memory_space<vmem>>, vector<16xi32>,
    %get3A_505 = arith.constant 4 : i32
    %get3A_506 = arith.index_cast %get3A_505 : i32 to index
    %get3A_507 = arith.constant 48 : index
    %get3A_508 = tpu.vector_load %arg5[%get3A_506, %get3A_507] {strides = array<i32>} : memref<6x128xi32, #tpu.memory_space<vmem>>, vector<16xi32>,
    %shift_left3A_509 = arith.constant 8 : i32
    %shift_left3A_510 = vector.broadcast %shift_left3A_509 : i32 to vector<16xi32>
    %shift_left3A_511 = arith.shli %get3A_508, %shift_left3A_510 : vector<16xi32>
    %get3A_512 = arith.constant 5 : i32
    %get3A_513 = arith.index_cast %get3A_512 : i32 to index
    %get3A_514 = arith.constant 48 : index
    %get3A_515 = tpu.vector_load %arg5[%get3A_513, %get3A_514] {strides = array<i32>} : memref<6x128xi32, #tpu.memory_space<vmem>>, vector<16xi32>,
    %add3A_516 = arith.addi %shift_left3A_511, %get3A_515 : vector<16xi32>
    %swap3A_517 = arith.constant 48 : index
    %swap3A_518 = tpu.vector_load %arg11[%swap3A_517] {strides = array<i32>} : memref<128xi32, #tpu.memory_space<vmem>>, vector<16xi32>,
    tpu.vector_store %arg11[%swap3A_517], %add3A_516 {strides = array<i32>} : memref<128xi32, #tpu.memory_space<vmem>>, vector<16xi32>,
    %get3A_519 = arith.constant 0 : i32
    %get3A_520 = arith.index_cast %get3A_519 : i32 to index
    %get3A_521 = arith.constant 64 : index
    %get3A_522 = tpu.vector_load %arg5[%get3A_520, %get3A_521] {strides = array<i32>} : memref<6x128xi32, #tpu.memory_space<vmem>>, vector<16xi32>,
    %shift_left3A_523 = arith.constant 8 : i32
    %shift_left3A_524 = vector.broadcast %shift_left3A_523 : i32 to vector<16xi32>
    %shift_left3A_525 = arith.shli %get3A_522, %shift_left3A_524 : vector<16xi32>
    %get3A_526 = arith.constant 1 : i32
    %get3A_527 = arith.index_cast %get3A_526 : i32 to index
    %get3A_528 = arith.constant 64 : index
    %get3A_529 = tpu.vector_load %arg5[%get3A_527, %get3A_528] {strides = array<i32>} : memref<6x128xi32, #tpu.memory_space<vmem>>, vector<16xi32>,
    %add3A_530 = arith.addi %shift_left3A_525, %get3A_529 : vector<16xi32>
    %swap3A_531 = arith.constant 64 : index
    %swap3A_532 = tpu.vector_load %arg9[%swap3A_531] {strides = array<i32>} : memref<128xi32, #tpu.memory_space<vmem>>, vector<16xi32>,
    tpu.vector_store %arg9[%swap3A_531], %add3A_530 {strides = array<i32>} : memref<128xi32, #tpu.memory_space<vmem>>, vector<16xi32>,
    %get3A_533 = arith.constant 2 : i32
    %get3A_534 = arith.index_cast %get3A_533 : i32 to index
    %get3A_535 = arith.constant 64 : index
    %get3A_536 = tpu.vector_load %arg5[%get3A_534, %get3A_535] {strides = array<i32>} : memref<6x128xi32, #tpu.memory_space<vmem>>, vector<16xi32>,
    %shift_left3A_537 = arith.constant 8 : i32
    %shift_left3A_538 = vector.broadcast %shift_left3A_537 : i32 to vector<16xi32>
    %shift_left3A_539 = arith.shli %get3A_536, %shift_left3A_538 : vector<16xi32>
    %get3A_540 = arith.constant 3 : i32
    %get3A_541 = arith.index_cast %get3A_540 : i32 to index
    %get3A_542 = arith.constant 64 : index
    %get3A_543 = tpu.vector_load %arg5[%get3A_541, %get3A_542] {strides = array<i32>} : memref<6x128xi32, #tpu.memory_space<vmem>>, vector<16xi32>,
    %add3A_544 = arith.addi %shift_left3A_539, %get3A_543 : vector<16xi32>
    %swap3A_545 = arith.constant 64 : index
    %swap3A_546 = tpu.vector_load %arg10[%swap3A_545] {strides = array<i32>} : memref<128xi32, #tpu.memory_space<vmem>>, vector<16xi32>,
    tpu.vector_store %arg10[%swap3A_545], %add3A_544 {strides = array<i32>} : memref<128xi32, #tpu.memory_space<vmem>>, vector<16xi32>,
    %get3A_547 = arith.constant 4 : i32
    %get3A_548 = arith.index_cast %get3A_547 : i32 to index
    %get3A_549 = arith.constant 64 : index
    %get3A_550 = tpu.vector_load %arg5[%get3A_548, %get3A_549] {strides = array<i32>} : memref<6x128xi32, #tpu.memory_space<vmem>>, vector<16xi32>,
    %shift_left3A_551 = arith.constant 8 : i32
    %shift_left3A_552 = vector.broadcast %shift_left3A_551 : i32 to vector<16xi32>
    %shift_left3A_553 = arith.shli %get3A_550, %shift_left3A_552 : vector<16xi32>
    %get3A_554 = arith.constant 5 : i32
    %get3A_555 = arith.index_cast %get3A_554 : i32 to index
    %get3A_556 = arith.constant 64 : index
    %get3A_557 = tpu.vector_load %arg5[%get3A_555, %get3A_556] {strides = array<i32>} : memref<6x128xi32, #tpu.memory_space<vmem>>, vector<16xi32>,
    %add3A_558 = arith.addi %shift_left3A_553, %get3A_557 : vector<16xi32>
    %swap3A_559 = arith.constant 64 : index
    %swap3A_560 = tpu.vector_load %arg11[%swap3A_559] {strides = array<i32>} : memref<128xi32, #tpu.memory_space<vmem>>, vector<16xi32>,
    tpu.vector_store %arg11[%swap3A_559], %add3A_558 {strides = array<i32>} : memref<128xi32, #tpu.memory_space<vmem>>, vector<16xi32>,
    %get3A_561 = arith.constant 0 : i32
    %get3A_562 = arith.index_cast %get3A_561 : i32 to index
    %get3A_563 = arith.constant 80 : index
    %get3A_564 = tpu.vector_load %arg5[%get3A_562, %get3A_563] {strides = array<i32>} : memref<6x128xi32, #tpu.memory_space<vmem>>, vector<16xi32>,
    %shift_left3A_565 = arith.constant 8 : i32
    %shift_left3A_566 = vector.broadcast %shift_left3A_565 : i32 to vector<16xi32>
    %shift_left3A_567 = arith.shli %get3A_564, %shift_left3A_566 : vector<16xi32>
    %get3A_568 = arith.constant 1 : i32
    %get3A_569 = arith.index_cast %get3A_568 : i32 to index
    %get3A_570 = arith.constant 80 : index
    %get3A_571 = tpu.vector_load %arg5[%get3A_569, %get3A_570] {strides = array<i32>} : memref<6x128xi32, #tpu.memory_space<vmem>>, vector<16xi32>,
    %add3A_572 = arith.addi %shift_left3A_567, %get3A_571 : vector<16xi32>
    %swap3A_573 = arith.constant 80 : index
    %swap3A_574 = tpu.vector_load %arg9[%swap3A_573] {strides = array<i32>} : memref<128xi32, #tpu.memory_space<vmem>>, vector<16xi32>,
    tpu.vector_store %arg9[%swap3A_573], %add3A_572 {strides = array<i32>} : memref<128xi32, #tpu.memory_space<vmem>>, vector<16xi32>,
    %get3A_575 = arith.constant 2 : i32
    %get3A_576 = arith.index_cast %get3A_575 : i32 to index
    %get3A_577 = arith.constant 80 : index
    %get3A_578 = tpu.vector_load %arg5[%get3A_576, %get3A_577] {strides = array<i32>} : memref<6x128xi32, #tpu.memory_space<vmem>>, vector<16xi32>,
    %shift_left3A_579 = arith.constant 8 : i32
    %shift_left3A_580 = vector.broadcast %shift_left3A_579 : i32 to vector<16xi32>
    %shift_left3A_581 = arith.shli %get3A_578, %shift_left3A_580 : vector<16xi32>
    %get3A_582 = arith.constant 3 : i32
    %get3A_583 = arith.index_cast %get3A_582 : i32 to index
    %get3A_584 = arith.constant 80 : index
    %get3A_585 = tpu.vector_load %arg5[%get3A_583, %get3A_584] {strides = array<i32>} : memref<6x128xi32, #tpu.memory_space<vmem>>, vector<16xi32>,
    %add3A_586 = arith.addi %shift_left3A_581, %get3A_585 : vector<16xi32>
    %swap3A_587 = arith.constant 80 : index
    %swap3A_588 = tpu.vector_load %arg10[%swap3A_587] {strides = array<i32>} : memref<128xi32, #tpu.memory_space<vmem>>, vector<16xi32>,
    tpu.vector_store %arg10[%swap3A_587], %add3A_586 {strides = array<i32>} : memref<128xi32, #tpu.memory_space<vmem>>, vector<16xi32>,
    %get3A_589 = arith.constant 4 : i32
    %get3A_590 = arith.index_cast %get3A_589 : i32 to index
    %get3A_591 = arith.constant 80 : index
    %get3A_592 = tpu.vector_load %arg5[%get3A_590, %get3A_591] {strides = array<i32>} : memref<6x128xi32, #tpu.memory_space<vmem>>, vector<16xi32>,
    %shift_left3A_593 = arith.constant 8 : i32
    %shift_left3A_594 = vector.broadcast %shift_left3A_593 : i32 to vector<16xi32>
    %shift_left3A_595 = arith.shli %get3A_592, %shift_left3A_594 : vector<16xi32>
    %get3A_596 = arith.constant 5 : i32
    %get3A_597 = arith.index_cast %get3A_596 : i32 to index
    %get3A_598 = arith.constant 80 : index
    %get3A_599 = tpu.vector_load %arg5[%get3A_597, %get3A_598] {strides = array<i32>} : memref<6x128xi32, #tpu.memory_space<vmem>>, vector<16xi32>,
    %add3A_600 = arith.addi %shift_left3A_595, %get3A_599 : vector<16xi32>
    %swap3A_601 = arith.constant 80 : index
    %swap3A_602 = tpu.vector_load %arg11[%swap3A_601] {strides = array<i32>} : memref<128xi32, #tpu.memory_space<vmem>>, vector<16xi32>,
    tpu.vector_store %arg11[%swap3A_601], %add3A_600 {strides = array<i32>} : memref<128xi32, #tpu.memory_space<vmem>>, vector<16xi32>,
    %get3A_603 = arith.constant 0 : i32
    %get3A_604 = arith.index_cast %get3A_603 : i32 to index
    %get3A_605 = arith.constant 96 : index
    %get3A_606 = tpu.vector_load %arg5[%get3A_604, %get3A_605] {strides = array<i32>} : memref<6x128xi32, #tpu.memory_space<vmem>>, vector<16xi32>,
    %shift_left3A_607 = arith.constant 8 : i32
    %shift_left3A_608 = vector.broadcast %shift_left3A_607 : i32 to vector<16xi32>
    %shift_left3A_609 = arith.shli %get3A_606, %shift_left3A_608 : vector<16xi32>
    %get3A_610 = arith.constant 1 : i32
    %get3A_611 = arith.index_cast %get3A_610 : i32 to index
    %get3A_612 = arith.constant 96 : index
    %get3A_613 = tpu.vector_load %arg5[%get3A_611, %get3A_612] {strides = array<i32>} : memref<6x128xi32, #tpu.memory_space<vmem>>, vector<16xi32>,
    %add3A_614 = arith.addi %shift_left3A_609, %get3A_613 : vector<16xi32>
    %swap3A_615 = arith.constant 96 : index
    %swap3A_616 = tpu.vector_load %arg9[%swap3A_615] {strides = array<i32>} : memref<128xi32, #tpu.memory_space<vmem>>, vector<16xi32>,
    tpu.vector_store %arg9[%swap3A_615], %add3A_614 {strides = array<i32>} : memref<128xi32, #tpu.memory_space<vmem>>, vector<16xi32>,
    %get3A_617 = arith.constant 2 : i32
    %get3A_618 = arith.index_cast %get3A_617 : i32 to index
    %get3A_619 = arith.constant 96 : index
    %get3A_620 = tpu.vector_load %arg5[%get3A_618, %get3A_619] {strides = array<i32>} : memref<6x128xi32, #tpu.memory_space<vmem>>, vector<16xi32>,
    %shift_left3A_621 = arith.constant 8 : i32
    %shift_left3A_622 = vector.broadcast %shift_left3A_621 : i32 to vector<16xi32>
    %shift_left3A_623 = arith.shli %get3A_620, %shift_left3A_622 : vector<16xi32>
    %get3A_624 = arith.constant 3 : i32
    %get3A_625 = arith.index_cast %get3A_624 : i32 to index
    %get3A_626 = arith.constant 96 : index
    %get3A_627 = tpu.vector_load %arg5[%get3A_625, %get3A_626] {strides = array<i32>} : memref<6x128xi32, #tpu.memory_space<vmem>>, vector<16xi32>,
    %add3A_628 = arith.addi %shift_left3A_623, %get3A_627 : vector<16xi32>
    %swap3A_629 = arith.constant 96 : index
    %swap3A_630 = tpu.vector_load %arg10[%swap3A_629] {strides = array<i32>} : memref<128xi32, #tpu.memory_space<vmem>>, vector<16xi32>,
    tpu.vector_store %arg10[%swap3A_629], %add3A_628 {strides = array<i32>} : memref<128xi32, #tpu.memory_space<vmem>>, vector<16xi32>,
    %get3A_631 = arith.constant 4 : i32
    %get3A_632 = arith.index_cast %get3A_631 : i32 to index
    %get3A_633 = arith.constant 96 : index
    %get3A_634 = tpu.vector_load %arg5[%get3A_632, %get3A_633] {strides = array<i32>} : memref<6x128xi32, #tpu.memory_space<vmem>>, vector<16xi32>,
    %shift_left3A_635 = arith.constant 8 : i32
    %shift_left3A_636 = vector.broadcast %shift_left3A_635 : i32 to vector<16xi32>
    %shift_left3A_637 = arith.shli %get3A_634, %shift_left3A_636 : vector<16xi32>
    %get3A_638 = arith.constant 5 : i32
    %get3A_639 = arith.index_cast %get3A_638 : i32 to index
    %get3A_640 = arith.constant 96 : index
    %get3A_641 = tpu.vector_load %arg5[%get3A_639, %get3A_640] {strides = array<i32>} : memref<6x128xi32, #tpu.memory_space<vmem>>, vector<16xi32>,
    %add3A_642 = arith.addi %shift_left3A_637, %get3A_641 : vector<16xi32>
    %swap3A_643 = arith.constant 96 : index
    %swap3A_644 = tpu.vector_load %arg11[%swap3A_643] {strides = array<i32>} : memref<128xi32, #tpu.memory_space<vmem>>, vector<16xi32>,
    tpu.vector_store %arg11[%swap3A_643], %add3A_642 {strides = array<i32>} : memref<128xi32, #tpu.memory_space<vmem>>, vector<16xi32>,
    %get3A_645 = arith.constant 0 : i32
    %get3A_646 = arith.index_cast %get3A_645 : i32 to index
    %get3A_647 = arith.constant 112 : index
    %get3A_648 = tpu.vector_load %arg5[%get3A_646, %get3A_647] {strides = array<i32>} : memref<6x128xi32, #tpu.memory_space<vmem>>, vector<16xi32>,
    %shift_left3A_649 = arith.constant 8 : i32
    %shift_left3A_650 = vector.broadcast %shift_left3A_649 : i32 to vector<16xi32>
    %shift_left3A_651 = arith.shli %get3A_648, %shift_left3A_650 : vector<16xi32>
    %get3A_652 = arith.constant 1 : i32
    %get3A_653 = arith.index_cast %get3A_652 : i32 to index
    %get3A_654 = arith.constant 112 : index
    %get3A_655 = tpu.vector_load %arg5[%get3A_653, %get3A_654] {strides = array<i32>} : memref<6x128xi32, #tpu.memory_space<vmem>>, vector<16xi32>,
    %add3A_656 = arith.addi %shift_left3A_651, %get3A_655 : vector<16xi32>
    %swap3A_657 = arith.constant 112 : index
    %swap3A_658 = tpu.vector_load %arg9[%swap3A_657] {strides = array<i32>} : memref<128xi32, #tpu.memory_space<vmem>>, vector<16xi32>,
    tpu.vector_store %arg9[%swap3A_657], %add3A_656 {strides = array<i32>} : memref<128xi32, #tpu.memory_space<vmem>>, vector<16xi32>,
    %get3A_659 = arith.constant 2 : i32
    %get3A_660 = arith.index_cast %get3A_659 : i32 to index
    %get3A_661 = arith.constant 112 : index
    %get3A_662 = tpu.vector_load %arg5[%get3A_660, %get3A_661] {strides = array<i32>} : memref<6x128xi32, #tpu.memory_space<vmem>>, vector<16xi32>,
    %shift_left3A_663 = arith.constant 8 : i32
    %shift_left3A_664 = vector.broadcast %shift_left3A_663 : i32 to vector<16xi32>
    %shift_left3A_665 = arith.shli %get3A_662, %shift_left3A_664 : vector<16xi32>
    %get3A_666 = arith.constant 3 : i32
    %get3A_667 = arith.index_cast %get3A_666 : i32 to index
    %get3A_668 = arith.constant 112 : index
    %get3A_669 = tpu.vector_load %arg5[%get3A_667, %get3A_668] {strides = array<i32>} : memref<6x128xi32, #tpu.memory_space<vmem>>, vector<16xi32>,
    %add3A_670 = arith.addi %shift_left3A_665, %get3A_669 : vector<16xi32>
    %swap3A_671 = arith.constant 112 : index
    %swap3A_672 = tpu.vector_load %arg10[%swap3A_671] {strides = array<i32>} : memref<128xi32, #tpu.memory_space<vmem>>, vector<16xi32>,
    tpu.vector_store %arg10[%swap3A_671], %add3A_670 {strides = array<i32>} : memref<128xi32, #tpu.memory_space<vmem>>, vector<16xi32>,
    %get3A_673 = arith.constant 4 : i32
    %get3A_674 = arith.index_cast %get3A_673 : i32 to index
    %get3A_675 = arith.constant 112 : index
    %get3A_676 = tpu.vector_load %arg5[%get3A_674, %get3A_675] {strides = array<i32>} : memref<6x128xi32, #tpu.memory_space<vmem>>, vector<16xi32>,
    %shift_left3A_677 = arith.constant 8 : i32
    %shift_left3A_678 = vector.broadcast %shift_left3A_677 : i32 to vector<16xi32>
    %shift_left3A_679 = arith.shli %get3A_676, %shift_left3A_678 : vector<16xi32>
    %get3A_680 = arith.constant 5 : i32
    %get3A_681 = arith.index_cast %get3A_680 : i32 to index
    %get3A_682 = arith.constant 112 : index
    %get3A_683 = tpu.vector_load %arg5[%get3A_681, %get3A_682] {strides = array<i32>} : memref<6x128xi32, #tpu.memory_space<vmem>>, vector<16xi32>,
    %add3A_684 = arith.addi %shift_left3A_679, %get3A_683 : vector<16xi32>
    %swap3A_685 = arith.constant 112 : index
    %swap3A_686 = tpu.vector_load %arg11[%swap3A_685] {strides = array<i32>} : memref<128xi32, #tpu.memory_space<vmem>>, vector<16xi32>,
    tpu.vector_store %arg11[%swap3A_685], %add3A_684 {strides = array<i32>} : memref<128xi32, #tpu.memory_space<vmem>>, vector<16xi32>,
    %dma_start3A_687 = arith.constant 0 : i32
    %dma_start3A_688 = arith.constant 0 : i32
    %dma_start3A_689 = tpu.memref_slice %arg2[%dma_start3A_687, %dma_start3A_688] : memref<65536x128xf32, #tpu.memory_space<hbm>> -> memref<65536x128xf32, #tpu.memory_space<hbm>>
    tpu.enqueue_indirect_dma source(%dma_start3A_689 : memref<65536x128xf32, #tpu.memory_space<hbm>>) target(%arg15 : memref<128x128xf32, #tpu.memory_space<vmem>>) offsets(%arg9 : memref<128xi32, #tpu.memory_space<vmem>>) semaphore(%arg23 : memref<!tpu.dma_semaphore, #tpu.memory_space<semaphore_mem>>)
    %dma_start3A_690 = arith.constant 0 : i32
    %dma_start3A_691 = arith.constant 0 : i32
    %dma_start3A_692 = tpu.memref_slice %arg2[%dma_start3A_690, %dma_start3A_691] : memref<65536x128xf32, #tpu.memory_space<hbm>> -> memref<65536x128xf32, #tpu.memory_space<hbm>>
    tpu.enqueue_indirect_dma source(%dma_start3A_692 : memref<65536x128xf32, #tpu.memory_space<hbm>>) target(%arg16 : memref<128x128xf32, #tpu.memory_space<vmem>>) offsets(%arg10 : memref<128xi32, #tpu.memory_space<vmem>>) semaphore(%arg23 : memref<!tpu.dma_semaphore, #tpu.memory_space<semaphore_mem>>)
    %dma_start3A_693 = arith.constant 0 : i32
    %dma_start3A_694 = arith.constant 0 : i32
    %dma_start3A_695 = tpu.memref_slice %arg2[%dma_start3A_693, %dma_start3A_694] : memref<65536x128xf32, #tpu.memory_space<hbm>> -> memref<65536x128xf32, #tpu.memory_space<hbm>>
    tpu.enqueue_indirect_dma source(%dma_start3A_695 : memref<65536x128xf32, #tpu.memory_space<hbm>>) target(%arg17 : memref<128x128xf32, #tpu.memory_space<vmem>>) offsets(%arg11 : memref<128xi32, #tpu.memory_space<vmem>>) semaphore(%arg23 : memref<!tpu.dma_semaphore, #tpu.memory_space<semaphore_mem>>)
    %dma_wait3A = arith.constant 0 : i32
    %dma_wait3A_696 = arith.constant 0 : i32
    %dma_wait3A_697 = tpu.memref_slice %arg2[%dma_wait3A, %dma_wait3A_696] : memref<65536x128xf32, #tpu.memory_space<hbm>> -> memref<65536x128xf32, #tpu.memory_space<hbm>>
    tpu.wait_indirect_dma semaphore(%arg22 : memref<!tpu.dma_semaphore, #tpu.memory_space<semaphore_mem>>) src(%dma_wait3A_697 : memref<65536x128xf32, #tpu.memory_space<hbm>>) dst(%arg12 : memref<128x128xf32, #tpu.memory_space<vmem>>)
    %dma_wait3A_698 = arith.constant 0 : i32
    %dma_wait3A_699 = arith.constant 0 : i32
    %dma_wait3A_700 = tpu.memref_slice %arg2[%dma_wait3A_698, %dma_wait3A_699] : memref<65536x128xf32, #tpu.memory_space<hbm>> -> memref<65536x128xf32, #tpu.memory_space<hbm>>
    tpu.wait_indirect_dma semaphore(%arg22 : memref<!tpu.dma_semaphore, #tpu.memory_space<semaphore_mem>>) src(%dma_wait3A_700 : memref<65536x128xf32, #tpu.memory_space<hbm>>) dst(%arg13 : memref<128x128xf32, #tpu.memory_space<vmem>>)
    %dma_wait3A_701 = arith.constant 0 : i32
    %dma_wait3A_702 = arith.constant 0 : i32
    %dma_wait3A_703 = tpu.memref_slice %arg2[%dma_wait3A_701, %dma_wait3A_702] : memref<65536x128xf32, #tpu.memory_space<hbm>> -> memref<65536x128xf32, #tpu.memory_space<hbm>>
    tpu.wait_indirect_dma semaphore(%arg22 : memref<!tpu.dma_semaphore, #tpu.memory_space<semaphore_mem>>) src(%dma_wait3A_703 : memref<65536x128xf32, #tpu.memory_space<hbm>>) dst(%arg14 : memref<128x128xf32, #tpu.memory_space<vmem>>)
    %scan3A = arith.constant 0 : i32
    %scan3A_704 = arith.constant 128 : i32
    %scan3A_705 = arith.addi %scan3A, %scan3A_704 : i32
    %scan3A_706 = arith.constant 1 : i32
    %scan3A_707 = scf.for %scan3A_1459 = %scan3A to %scan3A_705 step %scan3A_706 iter_args(%scan3A_1460 = %broadcast_in_dim3A_1) -> (vector<16xf32>)  : i32 {
      %get3A_1461 = arith.index_cast %scan3A_1459 : i32 to index
      %get3A_1462 = arith.constant 0 : index
      %get3A_1463 = tpu.vector_load %arg13[%get3A_1461, %get3A_1462] {strides = array<i32>} : memref<128x128xf32, #tpu.memory_space<vmem>>, vector<16xf32>,
      %get3A_1464 = arith.index_cast %scan3A_1459 : i32 to index
      %get3A_1465 = arith.constant 0 : index
      %get3A_1466 = tpu.vector_load %arg12[%get3A_1464, %get3A_1465] {strides = array<i32>} : memref<128x128xf32, #tpu.memory_space<vmem>>, vector<16xf32>,
      %sub3A = arith.subf %get3A_1463, %get3A_1466 : vector<16xf32>
      %get3A_1467 = arith.index_cast %scan3A_1459 : i32 to index
      %get3A_1468 = arith.constant 16 : index
      %get3A_1469 = tpu.vector_load %arg13[%get3A_1467, %get3A_1468] {strides = array<i32>} : memref<128x128xf32, #tpu.memory_space<vmem>>, vector<16xf32>,
      %get3A_1470 = arith.index_cast %scan3A_1459 : i32 to index
      %get3A_1471 = arith.constant 16 : index
      %get3A_1472 = tpu.vector_load %arg12[%get3A_1470, %get3A_1471] {strides = array<i32>} : memref<128x128xf32, #tpu.memory_space<vmem>>, vector<16xf32>,
      %sub3A_1473 = arith.subf %get3A_1469, %get3A_1472 : vector<16xf32>
      %get3A_1474 = arith.index_cast %scan3A_1459 : i32 to index
      %get3A_1475 = arith.constant 32 : index
      %get3A_1476 = tpu.vector_load %arg13[%get3A_1474, %get3A_1475] {strides = array<i32>} : memref<128x128xf32, #tpu.memory_space<vmem>>, vector<16xf32>,
      %get3A_1477 = arith.index_cast %scan3A_1459 : i32 to index
      %get3A_1478 = arith.constant 32 : index
      %get3A_1479 = tpu.vector_load %arg12[%get3A_1477, %get3A_1478] {strides = array<i32>} : memref<128x128xf32, #tpu.memory_space<vmem>>, vector<16xf32>,
      %sub3A_1480 = arith.subf %get3A_1476, %get3A_1479 : vector<16xf32>
      %get3A_1481 = arith.index_cast %scan3A_1459 : i32 to index
      %get3A_1482 = arith.constant 0 : index
      %get3A_1483 = tpu.vector_load %arg14[%get3A_1481, %get3A_1482] {strides = array<i32>} : memref<128x128xf32, #tpu.memory_space<vmem>>, vector<16xf32>,
      %get3A_1484 = arith.index_cast %scan3A_1459 : i32 to index
      %get3A_1485 = arith.constant 0 : index
      %get3A_1486 = tpu.vector_load %arg12[%get3A_1484, %get3A_1485] {strides = array<i32>} : memref<128x128xf32, #tpu.memory_space<vmem>>, vector<16xf32>,
      %sub3A_1487 = arith.subf %get3A_1483, %get3A_1486 : vector<16xf32>
      %get3A_1488 = arith.index_cast %scan3A_1459 : i32 to index
      %get3A_1489 = arith.constant 16 : index
      %get3A_1490 = tpu.vector_load %arg14[%get3A_1488, %get3A_1489] {strides = array<i32>} : memref<128x128xf32, #tpu.memory_space<vmem>>, vector<16xf32>,
      %get3A_1491 = arith.index_cast %scan3A_1459 : i32 to index
      %get3A_1492 = arith.constant 16 : index
      %get3A_1493 = tpu.vector_load %arg12[%get3A_1491, %get3A_1492] {strides = array<i32>} : memref<128x128xf32, #tpu.memory_space<vmem>>, vector<16xf32>,
      %sub3A_1494 = arith.subf %get3A_1490, %get3A_1493 : vector<16xf32>
      %get3A_1495 = arith.index_cast %scan3A_1459 : i32 to index
      %get3A_1496 = arith.constant 32 : index
      %get3A_1497 = tpu.vector_load %arg14[%get3A_1495, %get3A_1496] {strides = array<i32>} : memref<128x128xf32, #tpu.memory_space<vmem>>, vector<16xf32>,
      %get3A_1498 = arith.index_cast %scan3A_1459 : i32 to index
      %get3A_1499 = arith.constant 32 : index
      %get3A_1500 = tpu.vector_load %arg12[%get3A_1498, %get3A_1499] {strides = array<i32>} : memref<128x128xf32, #tpu.memory_space<vmem>>, vector<16xf32>,
      %sub3A_1501 = arith.subf %get3A_1497, %get3A_1500 : vector<16xf32>
      %get3A_1502 = arith.index_cast %scan3A_1459 : i32 to index
      %get3A_1503 = arith.constant 0 : index
      %get3A_1504 = tpu.vector_load %arg14[%get3A_1502, %get3A_1503] {strides = array<i32>} : memref<128x128xf32, #tpu.memory_space<vmem>>, vector<16xf32>,
      %get3A_1505 = arith.index_cast %scan3A_1459 : i32 to index
      %get3A_1506 = arith.constant 0 : index
      %get3A_1507 = tpu.vector_load %arg13[%get3A_1505, %get3A_1506] {strides = array<i32>} : memref<128x128xf32, #tpu.memory_space<vmem>>, vector<16xf32>,
      %sub3A_1508 = arith.subf %get3A_1504, %get3A_1507 : vector<16xf32>
      %get3A_1509 = arith.index_cast %scan3A_1459 : i32 to index
      %get3A_1510 = arith.constant 16 : index
      %get3A_1511 = tpu.vector_load %arg14[%get3A_1509, %get3A_1510] {strides = array<i32>} : memref<128x128xf32, #tpu.memory_space<vmem>>, vector<16xf32>,
      %get3A_1512 = arith.index_cast %scan3A_1459 : i32 to index
      %get3A_1513 = arith.constant 16 : index
      %get3A_1514 = tpu.vector_load %arg13[%get3A_1512, %get3A_1513] {strides = array<i32>} : memref<128x128xf32, #tpu.memory_space<vmem>>, vector<16xf32>,
      %sub3A_1515 = arith.subf %get3A_1511, %get3A_1514 : vector<16xf32>
      %get3A_1516 = arith.index_cast %scan3A_1459 : i32 to index
      %get3A_1517 = arith.constant 32 : index
      %get3A_1518 = tpu.vector_load %arg14[%get3A_1516, %get3A_1517] {strides = array<i32>} : memref<128x128xf32, #tpu.memory_space<vmem>>, vector<16xf32>,
      %get3A_1519 = arith.index_cast %scan3A_1459 : i32 to index
      %get3A_1520 = arith.constant 32 : index
      %get3A_1521 = tpu.vector_load %arg13[%get3A_1519, %get3A_1520] {strides = array<i32>} : memref<128x128xf32, #tpu.memory_space<vmem>>, vector<16xf32>,
      %sub3A_1522 = arith.subf %get3A_1518, %get3A_1521 : vector<16xf32>
      %get3A_1523 = arith.index_cast %scan3A_1459 : i32 to index
      %get3A_1524 = arith.constant 48 : index
      %get3A_1525 = tpu.vector_load %arg13[%get3A_1523, %get3A_1524] {strides = array<i32>} : memref<128x128xf32, #tpu.memory_space<vmem>>, vector<16xf32>,
      %get3A_1526 = arith.index_cast %scan3A_1459 : i32 to index
      %get3A_1527 = arith.constant 48 : index
      %get3A_1528 = tpu.vector_load %arg12[%get3A_1526, %get3A_1527] {strides = array<i32>} : memref<128x128xf32, #tpu.memory_space<vmem>>, vector<16xf32>,
      %sub3A_1529 = arith.subf %get3A_1525, %get3A_1528 : vector<16xf32>
      %get3A_1530 = arith.index_cast %scan3A_1459 : i32 to index
      %get3A_1531 = arith.constant 64 : index
      %get3A_1532 = tpu.vector_load %arg13[%get3A_1530, %get3A_1531] {strides = array<i32>} : memref<128x128xf32, #tpu.memory_space<vmem>>, vector<16xf32>,
      %get3A_1533 = arith.index_cast %scan3A_1459 : i32 to index
      %get3A_1534 = arith.constant 64 : index
      %get3A_1535 = tpu.vector_load %arg12[%get3A_1533, %get3A_1534] {strides = array<i32>} : memref<128x128xf32, #tpu.memory_space<vmem>>, vector<16xf32>,
      %sub3A_1536 = arith.subf %get3A_1532, %get3A_1535 : vector<16xf32>
      %get3A_1537 = arith.index_cast %scan3A_1459 : i32 to index
      %get3A_1538 = arith.constant 80 : index
      %get3A_1539 = tpu.vector_load %arg13[%get3A_1537, %get3A_1538] {strides = array<i32>} : memref<128x128xf32, #tpu.memory_space<vmem>>, vector<16xf32>,
      %get3A_1540 = arith.index_cast %scan3A_1459 : i32 to index
      %get3A_1541 = arith.constant 80 : index
      %get3A_1542 = tpu.vector_load %arg12[%get3A_1540, %get3A_1541] {strides = array<i32>} : memref<128x128xf32, #tpu.memory_space<vmem>>, vector<16xf32>,
      %sub3A_1543 = arith.subf %get3A_1539, %get3A_1542 : vector<16xf32>
      %get3A_1544 = arith.index_cast %scan3A_1459 : i32 to index
      %get3A_1545 = arith.constant 48 : index
      %get3A_1546 = tpu.vector_load %arg14[%get3A_1544, %get3A_1545] {strides = array<i32>} : memref<128x128xf32, #tpu.memory_space<vmem>>, vector<16xf32>,
      %get3A_1547 = arith.index_cast %scan3A_1459 : i32 to index
      %get3A_1548 = arith.constant 48 : index
      %get3A_1549 = tpu.vector_load %arg12[%get3A_1547, %get3A_1548] {strides = array<i32>} : memref<128x128xf32, #tpu.memory_space<vmem>>, vector<16xf32>,
      %sub3A_1550 = arith.subf %get3A_1546, %get3A_1549 : vector<16xf32>
      %get3A_1551 = arith.index_cast %scan3A_1459 : i32 to index
      %get3A_1552 = arith.constant 64 : index
      %get3A_1553 = tpu.vector_load %arg14[%get3A_1551, %get3A_1552] {strides = array<i32>} : memref<128x128xf32, #tpu.memory_space<vmem>>, vector<16xf32>,
      %get3A_1554 = arith.index_cast %scan3A_1459 : i32 to index
      %get3A_1555 = arith.constant 64 : index
      %get3A_1556 = tpu.vector_load %arg12[%get3A_1554, %get3A_1555] {strides = array<i32>} : memref<128x128xf32, #tpu.memory_space<vmem>>, vector<16xf32>,
      %sub3A_1557 = arith.subf %get3A_1553, %get3A_1556 : vector<16xf32>
      %get3A_1558 = arith.index_cast %scan3A_1459 : i32 to index
      %get3A_1559 = arith.constant 80 : index
      %get3A_1560 = tpu.vector_load %arg14[%get3A_1558, %get3A_1559] {strides = array<i32>} : memref<128x128xf32, #tpu.memory_space<vmem>>, vector<16xf32>,
      %get3A_1561 = arith.index_cast %scan3A_1459 : i32 to index
      %get3A_1562 = arith.constant 80 : index
      %get3A_1563 = tpu.vector_load %arg12[%get3A_1561, %get3A_1562] {strides = array<i32>} : memref<128x128xf32, #tpu.memory_space<vmem>>, vector<16xf32>,
      %sub3A_1564 = arith.subf %get3A_1560, %get3A_1563 : vector<16xf32>
      %mul3A_1565 = arith.mulf %sub3A_1536, %sub3A_1564 : vector<16xf32>
      %mul3A_1566 = arith.mulf %sub3A_1543, %sub3A_1557 : vector<16xf32>
      %sub3A_1567 = arith.subf %mul3A_1565, %mul3A_1566 : vector<16xf32>
      %mul3A_1568 = arith.mulf %sub3A_1543, %sub3A_1550 : vector<16xf32>
      %mul3A_1569 = arith.mulf %sub3A_1529, %sub3A_1564 : vector<16xf32>
      %sub3A_1570 = arith.subf %mul3A_1568, %mul3A_1569 : vector<16xf32>
      %mul3A_1571 = arith.mulf %sub3A_1529, %sub3A_1557 : vector<16xf32>
      %mul3A_1572 = arith.mulf %sub3A_1536, %sub3A_1550 : vector<16xf32>
      %sub3A_1573 = arith.subf %mul3A_1571, %mul3A_1572 : vector<16xf32>
      %mul3A_1574 = arith.mulf %sub3A_1567, %sub3A_1567 : vector<16xf32>
      %mul3A_1575 = arith.mulf %sub3A_1570, %sub3A_1570 : vector<16xf32>
      %add3A_1576 = arith.addf %mul3A_1574, %mul3A_1575 : vector<16xf32>
      %mul3A_1577 = arith.mulf %sub3A_1573, %sub3A_1573 : vector<16xf32>
      %add3A_1578 = arith.addf %add3A_1576, %mul3A_1577 : vector<16xf32>
      %bitcast_convert_type3A = tpu.bitcast %add3A_1578 : vector<16xf32> -> vector<16xi32>
      %shift_right_arithmetic3A = arith.constant 1 : i32
      %shift_right_arithmetic3A_1579 = vector.broadcast %shift_right_arithmetic3A : i32 to vector<16xi32>
      %shift_right_arithmetic3A_1580 = arith.shrsi %bitcast_convert_type3A, %shift_right_arithmetic3A_1579 : vector<16xi32>
      %sub3A_1581 = arith.constant 1597463007 : i32
      %sub3A_1582 = vector.broadcast %sub3A_1581 : i32 to vector<16xi32>
      %sub3A_1583 = arith.subi %sub3A_1582, %shift_right_arithmetic3A_1580 : vector<16xi32>
      %bitcast_convert_type3A_1584 = tpu.bitcast %sub3A_1583 : vector<16xi32> -> vector<16xf32>
      %mul3A_1585 = arith.constant -5.000000e-01 : f32
      %mul3A_1586 = vector.broadcast %mul3A_1585 : f32 to vector<16xf32>
      %mul3A_1587 = arith.mulf %add3A_1578, %mul3A_1586 : vector<16xf32>
      %mul3A_1588 = arith.mulf %mul3A_1587, %bitcast_convert_type3A_1584 : vector<16xf32>
      %mul3A_1589 = arith.mulf %mul3A_1588, %bitcast_convert_type3A_1584 : vector<16xf32>
      %add3A_1590 = arith.constant 1.500000e+00 : f32
      %add3A_1591 = vector.broadcast %add3A_1590 : f32 to vector<16xf32>
      %add3A_1592 = arith.addf %add3A_1591, %mul3A_1589 : vector<16xf32>
      %mul3A_1593 = arith.mulf %bitcast_convert_type3A_1584, %add3A_1592 : vector<16xf32>
      %mul3A_1594 = arith.mulf %mul3A_1587, %mul3A_1593 : vector<16xf32>
      %mul3A_1595 = arith.mulf %mul3A_1594, %mul3A_1593 : vector<16xf32>
      %add3A_1596 = arith.constant 1.500000e+00 : f32
      %add3A_1597 = vector.broadcast %add3A_1596 : f32 to vector<16xf32>
      %add3A_1598 = arith.addf %add3A_1597, %mul3A_1595 : vector<16xf32>
      %mul3A_1599 = arith.mulf %mul3A_1593, %add3A_1598 : vector<16xf32>
      %lt3A = arith.constant 1.000000e-24 : f32
      %lt3A_1600 = vector.broadcast %lt3A : f32 to vector<16xf32>
      %lt3A_1601 = arith.cmpf olt, %add3A_1578, %lt3A_1600 : vector<16xf32>
      %jit3A = arith.constant 9.99999995E+11 : f32
      %broadcast_in_dim3A_1602 = vector.broadcast %jit3A : f32 to vector<16xf32>
      %select_n3A = arith.select %lt3A_1601, %broadcast_in_dim3A_1602, %mul3A_1599 : vector<16xi1>, vector<16xf32>
      %mul3A_1603 = arith.mulf %sub3A, %sub3A : vector<16xf32>
      %mul3A_1604 = arith.mulf %sub3A_1473, %sub3A_1473 : vector<16xf32>
      %add3A_1605 = arith.addf %mul3A_1603, %mul3A_1604 : vector<16xf32>
      %mul3A_1606 = arith.mulf %sub3A_1480, %sub3A_1480 : vector<16xf32>
      %add3A_1607 = arith.addf %add3A_1605, %mul3A_1606 : vector<16xf32>
      %bitcast_convert_type3A_1608 = tpu.bitcast %add3A_1607 : vector<16xf32> -> vector<16xi32>
      %shift_right_arithmetic3A_1609 = arith.constant 1 : i32
      %shift_right_arithmetic3A_1610 = vector.broadcast %shift_right_arithmetic3A_1609 : i32 to vector<16xi32>
      %shift_right_arithmetic3A_1611 = arith.shrsi %bitcast_convert_type3A_1608, %shift_right_arithmetic3A_1610 : vector<16xi32>
      %sub3A_1612 = arith.constant 1597463007 : i32
      %sub3A_1613 = vector.broadcast %sub3A_1612 : i32 to vector<16xi32>
      %sub3A_1614 = arith.subi %sub3A_1613, %shift_right_arithmetic3A_1611 : vector<16xi32>
      %bitcast_convert_type3A_1615 = tpu.bitcast %sub3A_1614 : vector<16xi32> -> vector<16xf32>
      %mul3A_1616 = arith.constant -5.000000e-01 : f32
      %mul3A_1617 = vector.broadcast %mul3A_1616 : f32 to vector<16xf32>
      %mul3A_1618 = arith.mulf %add3A_1607, %mul3A_1617 : vector<16xf32>
      %mul3A_1619 = arith.mulf %mul3A_1618, %bitcast_convert_type3A_1615 : vector<16xf32>
      %mul3A_1620 = arith.mulf %mul3A_1619, %bitcast_convert_type3A_1615 : vector<16xf32>
      %add3A_1621 = arith.constant 1.500000e+00 : f32
      %add3A_1622 = vector.broadcast %add3A_1621 : f32 to vector<16xf32>
      %add3A_1623 = arith.addf %add3A_1622, %mul3A_1620 : vector<16xf32>
      %mul3A_1624 = arith.mulf %bitcast_convert_type3A_1615, %add3A_1623 : vector<16xf32>
      %mul3A_1625 = arith.mulf %mul3A_1618, %mul3A_1624 : vector<16xf32>
      %mul3A_1626 = arith.mulf %mul3A_1625, %mul3A_1624 : vector<16xf32>
      %add3A_1627 = arith.constant 1.500000e+00 : f32
      %add3A_1628 = vector.broadcast %add3A_1627 : f32 to vector<16xf32>
      %add3A_1629 = arith.addf %add3A_1628, %mul3A_1626 : vector<16xf32>
      %mul3A_1630 = arith.mulf %mul3A_1624, %add3A_1629 : vector<16xf32>
      %lt3A_1631 = arith.constant 1.000000e-24 : f32
      %lt3A_1632 = vector.broadcast %lt3A_1631 : f32 to vector<16xf32>
      %lt3A_1633 = arith.cmpf olt, %add3A_1607, %lt3A_1632 : vector<16xf32>
      %jit3A_1634 = arith.constant 9.99999995E+11 : f32
      %broadcast_in_dim3A_1635 = vector.broadcast %jit3A_1634 : f32 to vector<16xf32>
      %select_n3A_1636 = arith.select %lt3A_1633, %broadcast_in_dim3A_1635, %mul3A_1630 : vector<16xi1>, vector<16xf32>
      %mul3A_1637 = arith.mulf %sub3A_1487, %sub3A_1487 : vector<16xf32>
      %mul3A_1638 = arith.mulf %sub3A_1494, %sub3A_1494 : vector<16xf32>
      %add3A_1639 = arith.addf %mul3A_1637, %mul3A_1638 : vector<16xf32>
      %mul3A_1640 = arith.mulf %sub3A_1501, %sub3A_1501 : vector<16xf32>
      %add3A_1641 = arith.addf %add3A_1639, %mul3A_1640 : vector<16xf32>
      %bitcast_convert_type3A_1642 = tpu.bitcast %add3A_1641 : vector<16xf32> -> vector<16xi32>
      %shift_right_arithmetic3A_1643 = arith.constant 1 : i32
      %shift_right_arithmetic3A_1644 = vector.broadcast %shift_right_arithmetic3A_1643 : i32 to vector<16xi32>
      %shift_right_arithmetic3A_1645 = arith.shrsi %bitcast_convert_type3A_1642, %shift_right_arithmetic3A_1644 : vector<16xi32>
      %sub3A_1646 = arith.constant 1597463007 : i32
      %sub3A_1647 = vector.broadcast %sub3A_1646 : i32 to vector<16xi32>
      %sub3A_1648 = arith.subi %sub3A_1647, %shift_right_arithmetic3A_1645 : vector<16xi32>
      %bitcast_convert_type3A_1649 = tpu.bitcast %sub3A_1648 : vector<16xi32> -> vector<16xf32>
      %mul3A_1650 = arith.constant -5.000000e-01 : f32
      %mul3A_1651 = vector.broadcast %mul3A_1650 : f32 to vector<16xf32>
      %mul3A_1652 = arith.mulf %add3A_1641, %mul3A_1651 : vector<16xf32>
      %mul3A_1653 = arith.mulf %mul3A_1652, %bitcast_convert_type3A_1649 : vector<16xf32>
      %mul3A_1654 = arith.mulf %mul3A_1653, %bitcast_convert_type3A_1649 : vector<16xf32>
      %add3A_1655 = arith.constant 1.500000e+00 : f32
      %add3A_1656 = vector.broadcast %add3A_1655 : f32 to vector<16xf32>
      %add3A_1657 = arith.addf %add3A_1656, %mul3A_1654 : vector<16xf32>
      %mul3A_1658 = arith.mulf %bitcast_convert_type3A_1649, %add3A_1657 : vector<16xf32>
      %mul3A_1659 = arith.mulf %mul3A_1652, %mul3A_1658 : vector<16xf32>
      %mul3A_1660 = arith.mulf %mul3A_1659, %mul3A_1658 : vector<16xf32>
      %add3A_1661 = arith.constant 1.500000e+00 : f32
      %add3A_1662 = vector.broadcast %add3A_1661 : f32 to vector<16xf32>
      %add3A_1663 = arith.addf %add3A_1662, %mul3A_1660 : vector<16xf32>
      %mul3A_1664 = arith.mulf %mul3A_1658, %add3A_1663 : vector<16xf32>
      %lt3A_1665 = arith.constant 1.000000e-24 : f32
      %lt3A_1666 = vector.broadcast %lt3A_1665 : f32 to vector<16xf32>
      %lt3A_1667 = arith.cmpf olt, %add3A_1641, %lt3A_1666 : vector<16xf32>
      %jit3A_1668 = arith.constant 9.99999995E+11 : f32
      %broadcast_in_dim3A_1669 = vector.broadcast %jit3A_1668 : f32 to vector<16xf32>
      %select_n3A_1670 = arith.select %lt3A_1667, %broadcast_in_dim3A_1669, %mul3A_1664 : vector<16xi1>, vector<16xf32>
      %mul3A_1671 = arith.mulf %sub3A_1508, %sub3A_1508 : vector<16xf32>
      %mul3A_1672 = arith.mulf %sub3A_1515, %sub3A_1515 : vector<16xf32>
      %add3A_1673 = arith.addf %mul3A_1671, %mul3A_1672 : vector<16xf32>
      %mul3A_1674 = arith.mulf %sub3A_1522, %sub3A_1522 : vector<16xf32>
      %add3A_1675 = arith.addf %add3A_1673, %mul3A_1674 : vector<16xf32>
      %bitcast_convert_type3A_1676 = tpu.bitcast %add3A_1675 : vector<16xf32> -> vector<16xi32>
      %shift_right_arithmetic3A_1677 = arith.constant 1 : i32
      %shift_right_arithmetic3A_1678 = vector.broadcast %shift_right_arithmetic3A_1677 : i32 to vector<16xi32>
      %shift_right_arithmetic3A_1679 = arith.shrsi %bitcast_convert_type3A_1676, %shift_right_arithmetic3A_1678 : vector<16xi32>
      %sub3A_1680 = arith.constant 1597463007 : i32
      %sub3A_1681 = vector.broadcast %sub3A_1680 : i32 to vector<16xi32>
      %sub3A_1682 = arith.subi %sub3A_1681, %shift_right_arithmetic3A_1679 : vector<16xi32>
      %bitcast_convert_type3A_1683 = tpu.bitcast %sub3A_1682 : vector<16xi32> -> vector<16xf32>
      %mul3A_1684 = arith.constant -5.000000e-01 : f32
      %mul3A_1685 = vector.broadcast %mul3A_1684 : f32 to vector<16xf32>
      %mul3A_1686 = arith.mulf %add3A_1675, %mul3A_1685 : vector<16xf32>
      %mul3A_1687 = arith.mulf %mul3A_1686, %bitcast_convert_type3A_1683 : vector<16xf32>
      %mul3A_1688 = arith.mulf %mul3A_1687, %bitcast_convert_type3A_1683 : vector<16xf32>
      %add3A_1689 = arith.constant 1.500000e+00 : f32
      %add3A_1690 = vector.broadcast %add3A_1689 : f32 to vector<16xf32>
      %add3A_1691 = arith.addf %add3A_1690, %mul3A_1688 : vector<16xf32>
      %mul3A_1692 = arith.mulf %bitcast_convert_type3A_1683, %add3A_1691 : vector<16xf32>
      %mul3A_1693 = arith.mulf %mul3A_1686, %mul3A_1692 : vector<16xf32>
      %mul3A_1694 = arith.mulf %mul3A_1693, %mul3A_1692 : vector<16xf32>
      %add3A_1695 = arith.constant 1.500000e+00 : f32
      %add3A_1696 = vector.broadcast %add3A_1695 : f32 to vector<16xf32>
      %add3A_1697 = arith.addf %add3A_1696, %mul3A_1694 : vector<16xf32>
      %mul3A_1698 = arith.mulf %mul3A_1692, %add3A_1697 : vector<16xf32>
      %lt3A_1699 = arith.constant 1.000000e-24 : f32
      %lt3A_1700 = vector.broadcast %lt3A_1699 : f32 to vector<16xf32>
      %lt3A_1701 = arith.cmpf olt, %add3A_1675, %lt3A_1700 : vector<16xf32>
      %jit3A_1702 = arith.constant 9.99999995E+11 : f32
      %broadcast_in_dim3A_1703 = vector.broadcast %jit3A_1702 : f32 to vector<16xf32>
      %select_n3A_1704 = arith.select %lt3A_1701, %broadcast_in_dim3A_1703, %mul3A_1698 : vector<16xi1>, vector<16xf32>
      %mul3A_1705 = arith.mulf %sub3A, %sub3A_1567 : vector<16xf32>
      %mul3A_1706 = arith.mulf %sub3A_1473, %sub3A_1570 : vector<16xf32>
      %add3A_1707 = arith.addf %mul3A_1705, %mul3A_1706 : vector<16xf32>
      %mul3A_1708 = arith.mulf %sub3A_1480, %sub3A_1573 : vector<16xf32>
      %add3A_1709 = arith.addf %add3A_1707, %mul3A_1708 : vector<16xf32>
      %abs3A = math.absf %add3A_1709 : vector<16xf32>
      %mul3A_1710 = arith.mulf %abs3A, %select_n3A_1636 : vector<16xf32>
      %mul3A_1711 = arith.mulf %sub3A_1487, %sub3A_1567 : vector<16xf32>
      %mul3A_1712 = arith.mulf %sub3A_1494, %sub3A_1570 : vector<16xf32>
      %add3A_1713 = arith.addf %mul3A_1711, %mul3A_1712 : vector<16xf32>
      %mul3A_1714 = arith.mulf %sub3A_1501, %sub3A_1573 : vector<16xf32>
      %add3A_1715 = arith.addf %add3A_1713, %mul3A_1714 : vector<16xf32>
      %abs3A_1716 = math.absf %add3A_1715 : vector<16xf32>
      %mul3A_1717 = arith.mulf %abs3A_1716, %select_n3A_1670 : vector<16xf32>
      %mul3A_1718 = arith.mulf %sub3A_1508, %sub3A_1567 : vector<16xf32>
      %mul3A_1719 = arith.mulf %sub3A_1515, %sub3A_1570 : vector<16xf32>
      %add3A_1720 = arith.addf %mul3A_1718, %mul3A_1719 : vector<16xf32>
      %mul3A_1721 = arith.mulf %sub3A_1522, %sub3A_1573 : vector<16xf32>
      %add3A_1722 = arith.addf %add3A_1720, %mul3A_1721 : vector<16xf32>
      %abs3A_1723 = math.absf %add3A_1722 : vector<16xf32>
      %mul3A_1724 = arith.mulf %abs3A_1723, %select_n3A_1704 : vector<16xf32>
      %add3A_1725 = arith.addf %mul3A_1710, %mul3A_1717 : vector<16xf32>
      %add3A_1726 = arith.addf %add3A_1725, %mul3A_1724 : vector<16xf32>
      %mul3A_1727 = arith.mulf %add3A_1726, %select_n3A : vector<16xf32>
      %add3A_1728 = arith.addf %scan3A_1460, %mul3A_1727 : vector<16xf32>
      scf.yield %add3A_1728 : vector<16xf32>
    }
    %scan3A_708 = arith.constant 128 : i32
    %mul3A_709 = arith.constant 512 : i32
    %mul3A_710 = arith.muli %add3A, %mul3A_709 : i32
    %add3A_711 = arith.constant 256 : i32
    %add3A_712 = arith.addi %mul3A_710, %add3A_711 : i32
    "tpu.region"() ({
      %run_scoped3A = tpu.sem_alloc : memref<!tpu.dma_semaphore, #tpu.memory_space<semaphore_mem>>
      %dma_start3A_1459 = arith.constant 0 : i32
      %dma_start3A_1460 = tpu.memref_slice %arg3[%dma_start3A_1459, %add3A_712] : memref<6x16384xi32, #tpu.memory_space<hbm>> -> memref<6x128xi32, #tpu.memory_space<hbm>>
      %dma_start3A_1461 = arith.constant 0 : i32
      %dma_start3A_1462 = tpu.memref_slice %arg3[%dma_start3A_1461, %add3A_712] : memref<6x16384xi32, #tpu.memory_space<hbm>> -> memref<6x128xi32, #tpu.memory_space<hbm>>
      tpu.enqueue_dma source(%dma_start3A_1462 : memref<6x128xi32, #tpu.memory_space<hbm>>) target(%arg5 : memref<6x128xi32, #tpu.memory_space<vmem>>) target_semaphore(%run_scoped3A : memref<!tpu.dma_semaphore, #tpu.memory_space<semaphore_mem>>)
      %dma_wait3A_1463 = arith.constant 0 : i32
      %dma_wait3A_1464 = tpu.memref_slice %arg3[%dma_wait3A_1463, %add3A_712] : memref<6x16384xi32, #tpu.memory_space<hbm>> -> memref<6x128xi32, #tpu.memory_space<hbm>>
      %dma_wait3A_1465 = arith.constant 0 : i32
      %dma_wait3A_1466 = tpu.memref_slice %arg3[%dma_wait3A_1465, %add3A_712] : memref<6x16384xi32, #tpu.memory_space<hbm>> -> memref<6x128xi32, #tpu.memory_space<hbm>>
      tpu.wait_dma2 semaphore(%run_scoped3A : memref<!tpu.dma_semaphore, #tpu.memory_space<semaphore_mem>>) src(%dma_wait3A_1466 : memref<6x128xi32, #tpu.memory_space<hbm>>) dst(%arg5 : memref<6x128xi32, #tpu.memory_space<vmem>>)
      tpu.yield
    }) : () -> ()
    %get3A_713 = arith.constant 0 : i32
    %get3A_714 = arith.index_cast %get3A_713 : i32 to index
    %get3A_715 = arith.constant 0 : index
    %get3A_716 = tpu.vector_load %arg5[%get3A_714, %get3A_715] {strides = array<i32>} : memref<6x128xi32, #tpu.memory_space<vmem>>, vector<16xi32>,
    %shift_left3A_717 = arith.constant 8 : i32
    %shift_left3A_718 = vector.broadcast %shift_left3A_717 : i32 to vector<16xi32>
    %shift_left3A_719 = arith.shli %get3A_716, %shift_left3A_718 : vector<16xi32>
    %get3A_720 = arith.constant 1 : i32
    %get3A_721 = arith.index_cast %get3A_720 : i32 to index
    %get3A_722 = arith.constant 0 : index
    %get3A_723 = tpu.vector_load %arg5[%get3A_721, %get3A_722] {strides = array<i32>} : memref<6x128xi32, #tpu.memory_space<vmem>>, vector<16xi32>,
    %add3A_724 = arith.addi %shift_left3A_719, %get3A_723 : vector<16xi32>
    %swap3A_725 = arith.constant 0 : index
    %swap3A_726 = tpu.vector_load %arg6[%swap3A_725] {strides = array<i32>} : memref<128xi32, #tpu.memory_space<vmem>>, vector<16xi32>,
    tpu.vector_store %arg6[%swap3A_725], %add3A_724 {strides = array<i32>} : memref<128xi32, #tpu.memory_space<vmem>>, vector<16xi32>,
    %get3A_727 = arith.constant 2 : i32
    %get3A_728 = arith.index_cast %get3A_727 : i32 to index
    %get3A_729 = arith.constant 0 : index
    %get3A_730 = tpu.vector_load %arg5[%get3A_728, %get3A_729] {strides = array<i32>} : memref<6x128xi32, #tpu.memory_space<vmem>>, vector<16xi32>,
    %shift_left3A_731 = arith.constant 8 : i32
    %shift_left3A_732 = vector.broadcast %shift_left3A_731 : i32 to vector<16xi32>
    %shift_left3A_733 = arith.shli %get3A_730, %shift_left3A_732 : vector<16xi32>
    %get3A_734 = arith.constant 3 : i32
    %get3A_735 = arith.index_cast %get3A_734 : i32 to index
    %get3A_736 = arith.constant 0 : index
    %get3A_737 = tpu.vector_load %arg5[%get3A_735, %get3A_736] {strides = array<i32>} : memref<6x128xi32, #tpu.memory_space<vmem>>, vector<16xi32>,
    %add3A_738 = arith.addi %shift_left3A_733, %get3A_737 : vector<16xi32>
    %swap3A_739 = arith.constant 0 : index
    %swap3A_740 = tpu.vector_load %arg7[%swap3A_739] {strides = array<i32>} : memref<128xi32, #tpu.memory_space<vmem>>, vector<16xi32>,
    tpu.vector_store %arg7[%swap3A_739], %add3A_738 {strides = array<i32>} : memref<128xi32, #tpu.memory_space<vmem>>, vector<16xi32>,
    %get3A_741 = arith.constant 4 : i32
    %get3A_742 = arith.index_cast %get3A_741 : i32 to index
    %get3A_743 = arith.constant 0 : index
    %get3A_744 = tpu.vector_load %arg5[%get3A_742, %get3A_743] {strides = array<i32>} : memref<6x128xi32, #tpu.memory_space<vmem>>, vector<16xi32>,
    %shift_left3A_745 = arith.constant 8 : i32
    %shift_left3A_746 = vector.broadcast %shift_left3A_745 : i32 to vector<16xi32>
    %shift_left3A_747 = arith.shli %get3A_744, %shift_left3A_746 : vector<16xi32>
    %get3A_748 = arith.constant 5 : i32
    %get3A_749 = arith.index_cast %get3A_748 : i32 to index
    %get3A_750 = arith.constant 0 : index
    %get3A_751 = tpu.vector_load %arg5[%get3A_749, %get3A_750] {strides = array<i32>} : memref<6x128xi32, #tpu.memory_space<vmem>>, vector<16xi32>,
    %add3A_752 = arith.addi %shift_left3A_747, %get3A_751 : vector<16xi32>
    %swap3A_753 = arith.constant 0 : index
    %swap3A_754 = tpu.vector_load %arg8[%swap3A_753] {strides = array<i32>} : memref<128xi32, #tpu.memory_space<vmem>>, vector<16xi32>,
    tpu.vector_store %arg8[%swap3A_753], %add3A_752 {strides = array<i32>} : memref<128xi32, #tpu.memory_space<vmem>>, vector<16xi32>,
    %get3A_755 = arith.constant 0 : i32
    %get3A_756 = arith.index_cast %get3A_755 : i32 to index
    %get3A_757 = arith.constant 16 : index
    %get3A_758 = tpu.vector_load %arg5[%get3A_756, %get3A_757] {strides = array<i32>} : memref<6x128xi32, #tpu.memory_space<vmem>>, vector<16xi32>,
    %shift_left3A_759 = arith.constant 8 : i32
    %shift_left3A_760 = vector.broadcast %shift_left3A_759 : i32 to vector<16xi32>
    %shift_left3A_761 = arith.shli %get3A_758, %shift_left3A_760 : vector<16xi32>
    %get3A_762 = arith.constant 1 : i32
    %get3A_763 = arith.index_cast %get3A_762 : i32 to index
    %get3A_764 = arith.constant 16 : index
    %get3A_765 = tpu.vector_load %arg5[%get3A_763, %get3A_764] {strides = array<i32>} : memref<6x128xi32, #tpu.memory_space<vmem>>, vector<16xi32>,
    %add3A_766 = arith.addi %shift_left3A_761, %get3A_765 : vector<16xi32>
    %swap3A_767 = arith.constant 16 : index
    %swap3A_768 = tpu.vector_load %arg6[%swap3A_767] {strides = array<i32>} : memref<128xi32, #tpu.memory_space<vmem>>, vector<16xi32>,
    tpu.vector_store %arg6[%swap3A_767], %add3A_766 {strides = array<i32>} : memref<128xi32, #tpu.memory_space<vmem>>, vector<16xi32>,
    %get3A_769 = arith.constant 2 : i32
    %get3A_770 = arith.index_cast %get3A_769 : i32 to index
    %get3A_771 = arith.constant 16 : index
    %get3A_772 = tpu.vector_load %arg5[%get3A_770, %get3A_771] {strides = array<i32>} : memref<6x128xi32, #tpu.memory_space<vmem>>, vector<16xi32>,
    %shift_left3A_773 = arith.constant 8 : i32
    %shift_left3A_774 = vector.broadcast %shift_left3A_773 : i32 to vector<16xi32>
    %shift_left3A_775 = arith.shli %get3A_772, %shift_left3A_774 : vector<16xi32>
    %get3A_776 = arith.constant 3 : i32
    %get3A_777 = arith.index_cast %get3A_776 : i32 to index
    %get3A_778 = arith.constant 16 : index
    %get3A_779 = tpu.vector_load %arg5[%get3A_777, %get3A_778] {strides = array<i32>} : memref<6x128xi32, #tpu.memory_space<vmem>>, vector<16xi32>,
    %add3A_780 = arith.addi %shift_left3A_775, %get3A_779 : vector<16xi32>
    %swap3A_781 = arith.constant 16 : index
    %swap3A_782 = tpu.vector_load %arg7[%swap3A_781] {strides = array<i32>} : memref<128xi32, #tpu.memory_space<vmem>>, vector<16xi32>,
    tpu.vector_store %arg7[%swap3A_781], %add3A_780 {strides = array<i32>} : memref<128xi32, #tpu.memory_space<vmem>>, vector<16xi32>,
    %get3A_783 = arith.constant 4 : i32
    %get3A_784 = arith.index_cast %get3A_783 : i32 to index
    %get3A_785 = arith.constant 16 : index
    %get3A_786 = tpu.vector_load %arg5[%get3A_784, %get3A_785] {strides = array<i32>} : memref<6x128xi32, #tpu.memory_space<vmem>>, vector<16xi32>,
    %shift_left3A_787 = arith.constant 8 : i32
    %shift_left3A_788 = vector.broadcast %shift_left3A_787 : i32 to vector<16xi32>
    %shift_left3A_789 = arith.shli %get3A_786, %shift_left3A_788 : vector<16xi32>
    %get3A_790 = arith.constant 5 : i32
    %get3A_791 = arith.index_cast %get3A_790 : i32 to index
    %get3A_792 = arith.constant 16 : index
    %get3A_793 = tpu.vector_load %arg5[%get3A_791, %get3A_792] {strides = array<i32>} : memref<6x128xi32, #tpu.memory_space<vmem>>, vector<16xi32>,
    %add3A_794 = arith.addi %shift_left3A_789, %get3A_793 : vector<16xi32>
    %swap3A_795 = arith.constant 16 : index
    %swap3A_796 = tpu.vector_load %arg8[%swap3A_795] {strides = array<i32>} : memref<128xi32, #tpu.memory_space<vmem>>, vector<16xi32>,
    tpu.vector_store %arg8[%swap3A_795], %add3A_794 {strides = array<i32>} : memref<128xi32, #tpu.memory_space<vmem>>, vector<16xi32>,
    %get3A_797 = arith.constant 0 : i32
    %get3A_798 = arith.index_cast %get3A_797 : i32 to index
    %get3A_799 = arith.constant 32 : index
    %get3A_800 = tpu.vector_load %arg5[%get3A_798, %get3A_799] {strides = array<i32>} : memref<6x128xi32, #tpu.memory_space<vmem>>, vector<16xi32>,
    %shift_left3A_801 = arith.constant 8 : i32
    %shift_left3A_802 = vector.broadcast %shift_left3A_801 : i32 to vector<16xi32>
    %shift_left3A_803 = arith.shli %get3A_800, %shift_left3A_802 : vector<16xi32>
    %get3A_804 = arith.constant 1 : i32
    %get3A_805 = arith.index_cast %get3A_804 : i32 to index
    %get3A_806 = arith.constant 32 : index
    %get3A_807 = tpu.vector_load %arg5[%get3A_805, %get3A_806] {strides = array<i32>} : memref<6x128xi32, #tpu.memory_space<vmem>>, vector<16xi32>,
    %add3A_808 = arith.addi %shift_left3A_803, %get3A_807 : vector<16xi32>
    %swap3A_809 = arith.constant 32 : index
    %swap3A_810 = tpu.vector_load %arg6[%swap3A_809] {strides = array<i32>} : memref<128xi32, #tpu.memory_space<vmem>>, vector<16xi32>,
    tpu.vector_store %arg6[%swap3A_809], %add3A_808 {strides = array<i32>} : memref<128xi32, #tpu.memory_space<vmem>>, vector<16xi32>,
    %get3A_811 = arith.constant 2 : i32
    %get3A_812 = arith.index_cast %get3A_811 : i32 to index
    %get3A_813 = arith.constant 32 : index
    %get3A_814 = tpu.vector_load %arg5[%get3A_812, %get3A_813] {strides = array<i32>} : memref<6x128xi32, #tpu.memory_space<vmem>>, vector<16xi32>,
    %shift_left3A_815 = arith.constant 8 : i32
    %shift_left3A_816 = vector.broadcast %shift_left3A_815 : i32 to vector<16xi32>
    %shift_left3A_817 = arith.shli %get3A_814, %shift_left3A_816 : vector<16xi32>
    %get3A_818 = arith.constant 3 : i32
    %get3A_819 = arith.index_cast %get3A_818 : i32 to index
    %get3A_820 = arith.constant 32 : index
    %get3A_821 = tpu.vector_load %arg5[%get3A_819, %get3A_820] {strides = array<i32>} : memref<6x128xi32, #tpu.memory_space<vmem>>, vector<16xi32>,
    %add3A_822 = arith.addi %shift_left3A_817, %get3A_821 : vector<16xi32>
    %swap3A_823 = arith.constant 32 : index
    %swap3A_824 = tpu.vector_load %arg7[%swap3A_823] {strides = array<i32>} : memref<128xi32, #tpu.memory_space<vmem>>, vector<16xi32>,
    tpu.vector_store %arg7[%swap3A_823], %add3A_822 {strides = array<i32>} : memref<128xi32, #tpu.memory_space<vmem>>, vector<16xi32>,
    %get3A_825 = arith.constant 4 : i32
    %get3A_826 = arith.index_cast %get3A_825 : i32 to index
    %get3A_827 = arith.constant 32 : index
    %get3A_828 = tpu.vector_load %arg5[%get3A_826, %get3A_827] {strides = array<i32>} : memref<6x128xi32, #tpu.memory_space<vmem>>, vector<16xi32>,
    %shift_left3A_829 = arith.constant 8 : i32
    %shift_left3A_830 = vector.broadcast %shift_left3A_829 : i32 to vector<16xi32>
    %shift_left3A_831 = arith.shli %get3A_828, %shift_left3A_830 : vector<16xi32>
    %get3A_832 = arith.constant 5 : i32
    %get3A_833 = arith.index_cast %get3A_832 : i32 to index
    %get3A_834 = arith.constant 32 : index
    %get3A_835 = tpu.vector_load %arg5[%get3A_833, %get3A_834] {strides = array<i32>} : memref<6x128xi32, #tpu.memory_space<vmem>>, vector<16xi32>,
    %add3A_836 = arith.addi %shift_left3A_831, %get3A_835 : vector<16xi32>
    %swap3A_837 = arith.constant 32 : index
    %swap3A_838 = tpu.vector_load %arg8[%swap3A_837] {strides = array<i32>} : memref<128xi32, #tpu.memory_space<vmem>>, vector<16xi32>,
    tpu.vector_store %arg8[%swap3A_837], %add3A_836 {strides = array<i32>} : memref<128xi32, #tpu.memory_space<vmem>>, vector<16xi32>,
    %get3A_839 = arith.constant 0 : i32
    %get3A_840 = arith.index_cast %get3A_839 : i32 to index
    %get3A_841 = arith.constant 48 : index
    %get3A_842 = tpu.vector_load %arg5[%get3A_840, %get3A_841] {strides = array<i32>} : memref<6x128xi32, #tpu.memory_space<vmem>>, vector<16xi32>,
    %shift_left3A_843 = arith.constant 8 : i32
    %shift_left3A_844 = vector.broadcast %shift_left3A_843 : i32 to vector<16xi32>
    %shift_left3A_845 = arith.shli %get3A_842, %shift_left3A_844 : vector<16xi32>
    %get3A_846 = arith.constant 1 : i32
    %get3A_847 = arith.index_cast %get3A_846 : i32 to index
    %get3A_848 = arith.constant 48 : index
    %get3A_849 = tpu.vector_load %arg5[%get3A_847, %get3A_848] {strides = array<i32>} : memref<6x128xi32, #tpu.memory_space<vmem>>, vector<16xi32>,
    %add3A_850 = arith.addi %shift_left3A_845, %get3A_849 : vector<16xi32>
    %swap3A_851 = arith.constant 48 : index
    %swap3A_852 = tpu.vector_load %arg6[%swap3A_851] {strides = array<i32>} : memref<128xi32, #tpu.memory_space<vmem>>, vector<16xi32>,
    tpu.vector_store %arg6[%swap3A_851], %add3A_850 {strides = array<i32>} : memref<128xi32, #tpu.memory_space<vmem>>, vector<16xi32>,
    %get3A_853 = arith.constant 2 : i32
    %get3A_854 = arith.index_cast %get3A_853 : i32 to index
    %get3A_855 = arith.constant 48 : index
    %get3A_856 = tpu.vector_load %arg5[%get3A_854, %get3A_855] {strides = array<i32>} : memref<6x128xi32, #tpu.memory_space<vmem>>, vector<16xi32>,
    %shift_left3A_857 = arith.constant 8 : i32
    %shift_left3A_858 = vector.broadcast %shift_left3A_857 : i32 to vector<16xi32>
    %shift_left3A_859 = arith.shli %get3A_856, %shift_left3A_858 : vector<16xi32>
    %get3A_860 = arith.constant 3 : i32
    %get3A_861 = arith.index_cast %get3A_860 : i32 to index
    %get3A_862 = arith.constant 48 : index
    %get3A_863 = tpu.vector_load %arg5[%get3A_861, %get3A_862] {strides = array<i32>} : memref<6x128xi32, #tpu.memory_space<vmem>>, vector<16xi32>,
    %add3A_864 = arith.addi %shift_left3A_859, %get3A_863 : vector<16xi32>
    %swap3A_865 = arith.constant 48 : index
    %swap3A_866 = tpu.vector_load %arg7[%swap3A_865] {strides = array<i32>} : memref<128xi32, #tpu.memory_space<vmem>>, vector<16xi32>,
    tpu.vector_store %arg7[%swap3A_865], %add3A_864 {strides = array<i32>} : memref<128xi32, #tpu.memory_space<vmem>>, vector<16xi32>,
    %get3A_867 = arith.constant 4 : i32
    %get3A_868 = arith.index_cast %get3A_867 : i32 to index
    %get3A_869 = arith.constant 48 : index
    %get3A_870 = tpu.vector_load %arg5[%get3A_868, %get3A_869] {strides = array<i32>} : memref<6x128xi32, #tpu.memory_space<vmem>>, vector<16xi32>,
    %shift_left3A_871 = arith.constant 8 : i32
    %shift_left3A_872 = vector.broadcast %shift_left3A_871 : i32 to vector<16xi32>
    %shift_left3A_873 = arith.shli %get3A_870, %shift_left3A_872 : vector<16xi32>
    %get3A_874 = arith.constant 5 : i32
    %get3A_875 = arith.index_cast %get3A_874 : i32 to index
    %get3A_876 = arith.constant 48 : index
    %get3A_877 = tpu.vector_load %arg5[%get3A_875, %get3A_876] {strides = array<i32>} : memref<6x128xi32, #tpu.memory_space<vmem>>, vector<16xi32>,
    %add3A_878 = arith.addi %shift_left3A_873, %get3A_877 : vector<16xi32>
    %swap3A_879 = arith.constant 48 : index
    %swap3A_880 = tpu.vector_load %arg8[%swap3A_879] {strides = array<i32>} : memref<128xi32, #tpu.memory_space<vmem>>, vector<16xi32>,
    tpu.vector_store %arg8[%swap3A_879], %add3A_878 {strides = array<i32>} : memref<128xi32, #tpu.memory_space<vmem>>, vector<16xi32>,
    %get3A_881 = arith.constant 0 : i32
    %get3A_882 = arith.index_cast %get3A_881 : i32 to index
    %get3A_883 = arith.constant 64 : index
    %get3A_884 = tpu.vector_load %arg5[%get3A_882, %get3A_883] {strides = array<i32>} : memref<6x128xi32, #tpu.memory_space<vmem>>, vector<16xi32>,
    %shift_left3A_885 = arith.constant 8 : i32
    %shift_left3A_886 = vector.broadcast %shift_left3A_885 : i32 to vector<16xi32>
    %shift_left3A_887 = arith.shli %get3A_884, %shift_left3A_886 : vector<16xi32>
    %get3A_888 = arith.constant 1 : i32
    %get3A_889 = arith.index_cast %get3A_888 : i32 to index
    %get3A_890 = arith.constant 64 : index
    %get3A_891 = tpu.vector_load %arg5[%get3A_889, %get3A_890] {strides = array<i32>} : memref<6x128xi32, #tpu.memory_space<vmem>>, vector<16xi32>,
    %add3A_892 = arith.addi %shift_left3A_887, %get3A_891 : vector<16xi32>
    %swap3A_893 = arith.constant 64 : index
    %swap3A_894 = tpu.vector_load %arg6[%swap3A_893] {strides = array<i32>} : memref<128xi32, #tpu.memory_space<vmem>>, vector<16xi32>,
    tpu.vector_store %arg6[%swap3A_893], %add3A_892 {strides = array<i32>} : memref<128xi32, #tpu.memory_space<vmem>>, vector<16xi32>,
    %get3A_895 = arith.constant 2 : i32
    %get3A_896 = arith.index_cast %get3A_895 : i32 to index
    %get3A_897 = arith.constant 64 : index
    %get3A_898 = tpu.vector_load %arg5[%get3A_896, %get3A_897] {strides = array<i32>} : memref<6x128xi32, #tpu.memory_space<vmem>>, vector<16xi32>,
    %shift_left3A_899 = arith.constant 8 : i32
    %shift_left3A_900 = vector.broadcast %shift_left3A_899 : i32 to vector<16xi32>
    %shift_left3A_901 = arith.shli %get3A_898, %shift_left3A_900 : vector<16xi32>
    %get3A_902 = arith.constant 3 : i32
    %get3A_903 = arith.index_cast %get3A_902 : i32 to index
    %get3A_904 = arith.constant 64 : index
    %get3A_905 = tpu.vector_load %arg5[%get3A_903, %get3A_904] {strides = array<i32>} : memref<6x128xi32, #tpu.memory_space<vmem>>, vector<16xi32>,
    %add3A_906 = arith.addi %shift_left3A_901, %get3A_905 : vector<16xi32>
    %swap3A_907 = arith.constant 64 : index
    %swap3A_908 = tpu.vector_load %arg7[%swap3A_907] {strides = array<i32>} : memref<128xi32, #tpu.memory_space<vmem>>, vector<16xi32>,
    tpu.vector_store %arg7[%swap3A_907], %add3A_906 {strides = array<i32>} : memref<128xi32, #tpu.memory_space<vmem>>, vector<16xi32>,
    %get3A_909 = arith.constant 4 : i32
    %get3A_910 = arith.index_cast %get3A_909 : i32 to index
    %get3A_911 = arith.constant 64 : index
    %get3A_912 = tpu.vector_load %arg5[%get3A_910, %get3A_911] {strides = array<i32>} : memref<6x128xi32, #tpu.memory_space<vmem>>, vector<16xi32>,
    %shift_left3A_913 = arith.constant 8 : i32
    %shift_left3A_914 = vector.broadcast %shift_left3A_913 : i32 to vector<16xi32>
    %shift_left3A_915 = arith.shli %get3A_912, %shift_left3A_914 : vector<16xi32>
    %get3A_916 = arith.constant 5 : i32
    %get3A_917 = arith.index_cast %get3A_916 : i32 to index
    %get3A_918 = arith.constant 64 : index
    %get3A_919 = tpu.vector_load %arg5[%get3A_917, %get3A_918] {strides = array<i32>} : memref<6x128xi32, #tpu.memory_space<vmem>>, vector<16xi32>,
    %add3A_920 = arith.addi %shift_left3A_915, %get3A_919 : vector<16xi32>
    %swap3A_921 = arith.constant 64 : index
    %swap3A_922 = tpu.vector_load %arg8[%swap3A_921] {strides = array<i32>} : memref<128xi32, #tpu.memory_space<vmem>>, vector<16xi32>,
    tpu.vector_store %arg8[%swap3A_921], %add3A_920 {strides = array<i32>} : memref<128xi32, #tpu.memory_space<vmem>>, vector<16xi32>,
    %get3A_923 = arith.constant 0 : i32
    %get3A_924 = arith.index_cast %get3A_923 : i32 to index
    %get3A_925 = arith.constant 80 : index
    %get3A_926 = tpu.vector_load %arg5[%get3A_924, %get3A_925] {strides = array<i32>} : memref<6x128xi32, #tpu.memory_space<vmem>>, vector<16xi32>,
    %shift_left3A_927 = arith.constant 8 : i32
    %shift_left3A_928 = vector.broadcast %shift_left3A_927 : i32 to vector<16xi32>
    %shift_left3A_929 = arith.shli %get3A_926, %shift_left3A_928 : vector<16xi32>
    %get3A_930 = arith.constant 1 : i32
    %get3A_931 = arith.index_cast %get3A_930 : i32 to index
    %get3A_932 = arith.constant 80 : index
    %get3A_933 = tpu.vector_load %arg5[%get3A_931, %get3A_932] {strides = array<i32>} : memref<6x128xi32, #tpu.memory_space<vmem>>, vector<16xi32>,
    %add3A_934 = arith.addi %shift_left3A_929, %get3A_933 : vector<16xi32>
    %swap3A_935 = arith.constant 80 : index
    %swap3A_936 = tpu.vector_load %arg6[%swap3A_935] {strides = array<i32>} : memref<128xi32, #tpu.memory_space<vmem>>, vector<16xi32>,
    tpu.vector_store %arg6[%swap3A_935], %add3A_934 {strides = array<i32>} : memref<128xi32, #tpu.memory_space<vmem>>, vector<16xi32>,
    %get3A_937 = arith.constant 2 : i32
    %get3A_938 = arith.index_cast %get3A_937 : i32 to index
    %get3A_939 = arith.constant 80 : index
    %get3A_940 = tpu.vector_load %arg5[%get3A_938, %get3A_939] {strides = array<i32>} : memref<6x128xi32, #tpu.memory_space<vmem>>, vector<16xi32>,
    %shift_left3A_941 = arith.constant 8 : i32
    %shift_left3A_942 = vector.broadcast %shift_left3A_941 : i32 to vector<16xi32>
    %shift_left3A_943 = arith.shli %get3A_940, %shift_left3A_942 : vector<16xi32>
    %get3A_944 = arith.constant 3 : i32
    %get3A_945 = arith.index_cast %get3A_944 : i32 to index
    %get3A_946 = arith.constant 80 : index
    %get3A_947 = tpu.vector_load %arg5[%get3A_945, %get3A_946] {strides = array<i32>} : memref<6x128xi32, #tpu.memory_space<vmem>>, vector<16xi32>,
    %add3A_948 = arith.addi %shift_left3A_943, %get3A_947 : vector<16xi32>
    %swap3A_949 = arith.constant 80 : index
    %swap3A_950 = tpu.vector_load %arg7[%swap3A_949] {strides = array<i32>} : memref<128xi32, #tpu.memory_space<vmem>>, vector<16xi32>,
    tpu.vector_store %arg7[%swap3A_949], %add3A_948 {strides = array<i32>} : memref<128xi32, #tpu.memory_space<vmem>>, vector<16xi32>,
    %get3A_951 = arith.constant 4 : i32
    %get3A_952 = arith.index_cast %get3A_951 : i32 to index
    %get3A_953 = arith.constant 80 : index
    %get3A_954 = tpu.vector_load %arg5[%get3A_952, %get3A_953] {strides = array<i32>} : memref<6x128xi32, #tpu.memory_space<vmem>>, vector<16xi32>,
    %shift_left3A_955 = arith.constant 8 : i32
    %shift_left3A_956 = vector.broadcast %shift_left3A_955 : i32 to vector<16xi32>
    %shift_left3A_957 = arith.shli %get3A_954, %shift_left3A_956 : vector<16xi32>
    %get3A_958 = arith.constant 5 : i32
    %get3A_959 = arith.index_cast %get3A_958 : i32 to index
    %get3A_960 = arith.constant 80 : index
    %get3A_961 = tpu.vector_load %arg5[%get3A_959, %get3A_960] {strides = array<i32>} : memref<6x128xi32, #tpu.memory_space<vmem>>, vector<16xi32>,
    %add3A_962 = arith.addi %shift_left3A_957, %get3A_961 : vector<16xi32>
    %swap3A_963 = arith.constant 80 : index
    %swap3A_964 = tpu.vector_load %arg8[%swap3A_963] {strides = array<i32>} : memref<128xi32, #tpu.memory_space<vmem>>, vector<16xi32>,
    tpu.vector_store %arg8[%swap3A_963], %add3A_962 {strides = array<i32>} : memref<128xi32, #tpu.memory_space<vmem>>, vector<16xi32>,
    %get3A_965 = arith.constant 0 : i32
    %get3A_966 = arith.index_cast %get3A_965 : i32 to index
    %get3A_967 = arith.constant 96 : index
    %get3A_968 = tpu.vector_load %arg5[%get3A_966, %get3A_967] {strides = array<i32>} : memref<6x128xi32, #tpu.memory_space<vmem>>, vector<16xi32>,
    %shift_left3A_969 = arith.constant 8 : i32
    %shift_left3A_970 = vector.broadcast %shift_left3A_969 : i32 to vector<16xi32>
    %shift_left3A_971 = arith.shli %get3A_968, %shift_left3A_970 : vector<16xi32>
    %get3A_972 = arith.constant 1 : i32
    %get3A_973 = arith.index_cast %get3A_972 : i32 to index
    %get3A_974 = arith.constant 96 : index
    %get3A_975 = tpu.vector_load %arg5[%get3A_973, %get3A_974] {strides = array<i32>} : memref<6x128xi32, #tpu.memory_space<vmem>>, vector<16xi32>,
    %add3A_976 = arith.addi %shift_left3A_971, %get3A_975 : vector<16xi32>
    %swap3A_977 = arith.constant 96 : index
    %swap3A_978 = tpu.vector_load %arg6[%swap3A_977] {strides = array<i32>} : memref<128xi32, #tpu.memory_space<vmem>>, vector<16xi32>,
    tpu.vector_store %arg6[%swap3A_977], %add3A_976 {strides = array<i32>} : memref<128xi32, #tpu.memory_space<vmem>>, vector<16xi32>,
    %get3A_979 = arith.constant 2 : i32
    %get3A_980 = arith.index_cast %get3A_979 : i32 to index
    %get3A_981 = arith.constant 96 : index
    %get3A_982 = tpu.vector_load %arg5[%get3A_980, %get3A_981] {strides = array<i32>} : memref<6x128xi32, #tpu.memory_space<vmem>>, vector<16xi32>,
    %shift_left3A_983 = arith.constant 8 : i32
    %shift_left3A_984 = vector.broadcast %shift_left3A_983 : i32 to vector<16xi32>
    %shift_left3A_985 = arith.shli %get3A_982, %shift_left3A_984 : vector<16xi32>
    %get3A_986 = arith.constant 3 : i32
    %get3A_987 = arith.index_cast %get3A_986 : i32 to index
    %get3A_988 = arith.constant 96 : index
    %get3A_989 = tpu.vector_load %arg5[%get3A_987, %get3A_988] {strides = array<i32>} : memref<6x128xi32, #tpu.memory_space<vmem>>, vector<16xi32>,
    %add3A_990 = arith.addi %shift_left3A_985, %get3A_989 : vector<16xi32>
    %swap3A_991 = arith.constant 96 : index
    %swap3A_992 = tpu.vector_load %arg7[%swap3A_991] {strides = array<i32>} : memref<128xi32, #tpu.memory_space<vmem>>, vector<16xi32>,
    tpu.vector_store %arg7[%swap3A_991], %add3A_990 {strides = array<i32>} : memref<128xi32, #tpu.memory_space<vmem>>, vector<16xi32>,
    %get3A_993 = arith.constant 4 : i32
    %get3A_994 = arith.index_cast %get3A_993 : i32 to index
    %get3A_995 = arith.constant 96 : index
    %get3A_996 = tpu.vector_load %arg5[%get3A_994, %get3A_995] {strides = array<i32>} : memref<6x128xi32, #tpu.memory_space<vmem>>, vector<16xi32>,
    %shift_left3A_997 = arith.constant 8 : i32
    %shift_left3A_998 = vector.broadcast %shift_left3A_997 : i32 to vector<16xi32>
    %shift_left3A_999 = arith.shli %get3A_996, %shift_left3A_998 : vector<16xi32>
    %get3A_1000 = arith.constant 5 : i32
    %get3A_1001 = arith.index_cast %get3A_1000 : i32 to index
    %get3A_1002 = arith.constant 96 : index
    %get3A_1003 = tpu.vector_load %arg5[%get3A_1001, %get3A_1002] {strides = array<i32>} : memref<6x128xi32, #tpu.memory_space<vmem>>, vector<16xi32>,
    %add3A_1004 = arith.addi %shift_left3A_999, %get3A_1003 : vector<16xi32>
    %swap3A_1005 = arith.constant 96 : index
    %swap3A_1006 = tpu.vector_load %arg8[%swap3A_1005] {strides = array<i32>} : memref<128xi32, #tpu.memory_space<vmem>>, vector<16xi32>,
    tpu.vector_store %arg8[%swap3A_1005], %add3A_1004 {strides = array<i32>} : memref<128xi32, #tpu.memory_space<vmem>>, vector<16xi32>,
    %get3A_1007 = arith.constant 0 : i32
    %get3A_1008 = arith.index_cast %get3A_1007 : i32 to index
    %get3A_1009 = arith.constant 112 : index
    %get3A_1010 = tpu.vector_load %arg5[%get3A_1008, %get3A_1009] {strides = array<i32>} : memref<6x128xi32, #tpu.memory_space<vmem>>, vector<16xi32>,
    %shift_left3A_1011 = arith.constant 8 : i32
    %shift_left3A_1012 = vector.broadcast %shift_left3A_1011 : i32 to vector<16xi32>
    %shift_left3A_1013 = arith.shli %get3A_1010, %shift_left3A_1012 : vector<16xi32>
    %get3A_1014 = arith.constant 1 : i32
    %get3A_1015 = arith.index_cast %get3A_1014 : i32 to index
    %get3A_1016 = arith.constant 112 : index
    %get3A_1017 = tpu.vector_load %arg5[%get3A_1015, %get3A_1016] {strides = array<i32>} : memref<6x128xi32, #tpu.memory_space<vmem>>, vector<16xi32>,
    %add3A_1018 = arith.addi %shift_left3A_1013, %get3A_1017 : vector<16xi32>
    %swap3A_1019 = arith.constant 112 : index
    %swap3A_1020 = tpu.vector_load %arg6[%swap3A_1019] {strides = array<i32>} : memref<128xi32, #tpu.memory_space<vmem>>, vector<16xi32>,
    tpu.vector_store %arg6[%swap3A_1019], %add3A_1018 {strides = array<i32>} : memref<128xi32, #tpu.memory_space<vmem>>, vector<16xi32>,
    %get3A_1021 = arith.constant 2 : i32
    %get3A_1022 = arith.index_cast %get3A_1021 : i32 to index
    %get3A_1023 = arith.constant 112 : index
    %get3A_1024 = tpu.vector_load %arg5[%get3A_1022, %get3A_1023] {strides = array<i32>} : memref<6x128xi32, #tpu.memory_space<vmem>>, vector<16xi32>,
    %shift_left3A_1025 = arith.constant 8 : i32
    %shift_left3A_1026 = vector.broadcast %shift_left3A_1025 : i32 to vector<16xi32>
    %shift_left3A_1027 = arith.shli %get3A_1024, %shift_left3A_1026 : vector<16xi32>
    %get3A_1028 = arith.constant 3 : i32
    %get3A_1029 = arith.index_cast %get3A_1028 : i32 to index
    %get3A_1030 = arith.constant 112 : index
    %get3A_1031 = tpu.vector_load %arg5[%get3A_1029, %get3A_1030] {strides = array<i32>} : memref<6x128xi32, #tpu.memory_space<vmem>>, vector<16xi32>,
    %add3A_1032 = arith.addi %shift_left3A_1027, %get3A_1031 : vector<16xi32>
    %swap3A_1033 = arith.constant 112 : index
    %swap3A_1034 = tpu.vector_load %arg7[%swap3A_1033] {strides = array<i32>} : memref<128xi32, #tpu.memory_space<vmem>>, vector<16xi32>,
    tpu.vector_store %arg7[%swap3A_1033], %add3A_1032 {strides = array<i32>} : memref<128xi32, #tpu.memory_space<vmem>>, vector<16xi32>,
    %get3A_1035 = arith.constant 4 : i32
    %get3A_1036 = arith.index_cast %get3A_1035 : i32 to index
    %get3A_1037 = arith.constant 112 : index
    %get3A_1038 = tpu.vector_load %arg5[%get3A_1036, %get3A_1037] {strides = array<i32>} : memref<6x128xi32, #tpu.memory_space<vmem>>, vector<16xi32>,
    %shift_left3A_1039 = arith.constant 8 : i32
    %shift_left3A_1040 = vector.broadcast %shift_left3A_1039 : i32 to vector<16xi32>
    %shift_left3A_1041 = arith.shli %get3A_1038, %shift_left3A_1040 : vector<16xi32>
    %get3A_1042 = arith.constant 5 : i32
    %get3A_1043 = arith.index_cast %get3A_1042 : i32 to index
    %get3A_1044 = arith.constant 112 : index
    %get3A_1045 = tpu.vector_load %arg5[%get3A_1043, %get3A_1044] {strides = array<i32>} : memref<6x128xi32, #tpu.memory_space<vmem>>, vector<16xi32>,
    %add3A_1046 = arith.addi %shift_left3A_1041, %get3A_1045 : vector<16xi32>
    %swap3A_1047 = arith.constant 112 : index
    %swap3A_1048 = tpu.vector_load %arg8[%swap3A_1047] {strides = array<i32>} : memref<128xi32, #tpu.memory_space<vmem>>, vector<16xi32>,
    tpu.vector_store %arg8[%swap3A_1047], %add3A_1046 {strides = array<i32>} : memref<128xi32, #tpu.memory_space<vmem>>, vector<16xi32>,
    %dma_start3A_1049 = arith.constant 0 : i32
    %dma_start3A_1050 = arith.constant 0 : i32
    %dma_start3A_1051 = tpu.memref_slice %arg2[%dma_start3A_1049, %dma_start3A_1050] : memref<65536x128xf32, #tpu.memory_space<hbm>> -> memref<65536x128xf32, #tpu.memory_space<hbm>>
    tpu.enqueue_indirect_dma source(%dma_start3A_1051 : memref<65536x128xf32, #tpu.memory_space<hbm>>) target(%arg12 : memref<128x128xf32, #tpu.memory_space<vmem>>) offsets(%arg6 : memref<128xi32, #tpu.memory_space<vmem>>) semaphore(%arg22 : memref<!tpu.dma_semaphore, #tpu.memory_space<semaphore_mem>>)
    %dma_start3A_1052 = arith.constant 0 : i32
    %dma_start3A_1053 = arith.constant 0 : i32
    %dma_start3A_1054 = tpu.memref_slice %arg2[%dma_start3A_1052, %dma_start3A_1053] : memref<65536x128xf32, #tpu.memory_space<hbm>> -> memref<65536x128xf32, #tpu.memory_space<hbm>>
    tpu.enqueue_indirect_dma source(%dma_start3A_1054 : memref<65536x128xf32, #tpu.memory_space<hbm>>) target(%arg13 : memref<128x128xf32, #tpu.memory_space<vmem>>) offsets(%arg7 : memref<128xi32, #tpu.memory_space<vmem>>) semaphore(%arg22 : memref<!tpu.dma_semaphore, #tpu.memory_space<semaphore_mem>>)
    %dma_start3A_1055 = arith.constant 0 : i32
    %dma_start3A_1056 = arith.constant 0 : i32
    %dma_start3A_1057 = tpu.memref_slice %arg2[%dma_start3A_1055, %dma_start3A_1056] : memref<65536x128xf32, #tpu.memory_space<hbm>> -> memref<65536x128xf32, #tpu.memory_space<hbm>>
    tpu.enqueue_indirect_dma source(%dma_start3A_1057 : memref<65536x128xf32, #tpu.memory_space<hbm>>) target(%arg14 : memref<128x128xf32, #tpu.memory_space<vmem>>) offsets(%arg8 : memref<128xi32, #tpu.memory_space<vmem>>) semaphore(%arg22 : memref<!tpu.dma_semaphore, #tpu.memory_space<semaphore_mem>>)
    %dma_wait3A_1058 = arith.constant 0 : i32
    %dma_wait3A_1059 = arith.constant 0 : i32
    %dma_wait3A_1060 = tpu.memref_slice %arg2[%dma_wait3A_1058, %dma_wait3A_1059] : memref<65536x128xf32, #tpu.memory_space<hbm>> -> memref<65536x128xf32, #tpu.memory_space<hbm>>
    tpu.wait_indirect_dma semaphore(%arg23 : memref<!tpu.dma_semaphore, #tpu.memory_space<semaphore_mem>>) src(%dma_wait3A_1060 : memref<65536x128xf32, #tpu.memory_space<hbm>>) dst(%arg15 : memref<128x128xf32, #tpu.memory_space<vmem>>)
    %dma_wait3A_1061 = arith.constant 0 : i32
    %dma_wait3A_1062 = arith.constant 0 : i32
    %dma_wait3A_1063 = tpu.memref_slice %arg2[%dma_wait3A_1061, %dma_wait3A_1062] : memref<65536x128xf32, #tpu.memory_space<hbm>> -> memref<65536x128xf32, #tpu.memory_space<hbm>>
    tpu.wait_indirect_dma semaphore(%arg23 : memref<!tpu.dma_semaphore, #tpu.memory_space<semaphore_mem>>) src(%dma_wait3A_1063 : memref<65536x128xf32, #tpu.memory_space<hbm>>) dst(%arg16 : memref<128x128xf32, #tpu.memory_space<vmem>>)
    %dma_wait3A_1064 = arith.constant 0 : i32
    %dma_wait3A_1065 = arith.constant 0 : i32
    %dma_wait3A_1066 = tpu.memref_slice %arg2[%dma_wait3A_1064, %dma_wait3A_1065] : memref<65536x128xf32, #tpu.memory_space<hbm>> -> memref<65536x128xf32, #tpu.memory_space<hbm>>
    tpu.wait_indirect_dma semaphore(%arg23 : memref<!tpu.dma_semaphore, #tpu.memory_space<semaphore_mem>>) src(%dma_wait3A_1066 : memref<65536x128xf32, #tpu.memory_space<hbm>>) dst(%arg17 : memref<128x128xf32, #tpu.memory_space<vmem>>)
    %scan3A_1067 = arith.constant 0 : i32
    %scan3A_1068 = arith.constant 128 : i32
    %scan3A_1069 = arith.addi %scan3A_1067, %scan3A_1068 : i32
    %scan3A_1070 = arith.constant 1 : i32
    %scan3A_1071 = scf.for %scan3A_1459 = %scan3A_1067 to %scan3A_1069 step %scan3A_1070 iter_args(%scan3A_1460 = %scan3A_707) -> (vector<16xf32>)  : i32 {
      %get3A_1461 = arith.index_cast %scan3A_1459 : i32 to index
      %get3A_1462 = arith.constant 0 : index
      %get3A_1463 = tpu.vector_load %arg16[%get3A_1461, %get3A_1462] {strides = array<i32>} : memref<128x128xf32, #tpu.memory_space<vmem>>, vector<16xf32>,
      %get3A_1464 = arith.index_cast %scan3A_1459 : i32 to index
      %get3A_1465 = arith.constant 0 : index
      %get3A_1466 = tpu.vector_load %arg15[%get3A_1464, %get3A_1465] {strides = array<i32>} : memref<128x128xf32, #tpu.memory_space<vmem>>, vector<16xf32>,
      %sub3A = arith.subf %get3A_1463, %get3A_1466 : vector<16xf32>
      %get3A_1467 = arith.index_cast %scan3A_1459 : i32 to index
      %get3A_1468 = arith.constant 16 : index
      %get3A_1469 = tpu.vector_load %arg16[%get3A_1467, %get3A_1468] {strides = array<i32>} : memref<128x128xf32, #tpu.memory_space<vmem>>, vector<16xf32>,
      %get3A_1470 = arith.index_cast %scan3A_1459 : i32 to index
      %get3A_1471 = arith.constant 16 : index
      %get3A_1472 = tpu.vector_load %arg15[%get3A_1470, %get3A_1471] {strides = array<i32>} : memref<128x128xf32, #tpu.memory_space<vmem>>, vector<16xf32>,
      %sub3A_1473 = arith.subf %get3A_1469, %get3A_1472 : vector<16xf32>
      %get3A_1474 = arith.index_cast %scan3A_1459 : i32 to index
      %get3A_1475 = arith.constant 32 : index
      %get3A_1476 = tpu.vector_load %arg16[%get3A_1474, %get3A_1475] {strides = array<i32>} : memref<128x128xf32, #tpu.memory_space<vmem>>, vector<16xf32>,
      %get3A_1477 = arith.index_cast %scan3A_1459 : i32 to index
      %get3A_1478 = arith.constant 32 : index
      %get3A_1479 = tpu.vector_load %arg15[%get3A_1477, %get3A_1478] {strides = array<i32>} : memref<128x128xf32, #tpu.memory_space<vmem>>, vector<16xf32>,
      %sub3A_1480 = arith.subf %get3A_1476, %get3A_1479 : vector<16xf32>
      %get3A_1481 = arith.index_cast %scan3A_1459 : i32 to index
      %get3A_1482 = arith.constant 0 : index
      %get3A_1483 = tpu.vector_load %arg17[%get3A_1481, %get3A_1482] {strides = array<i32>} : memref<128x128xf32, #tpu.memory_space<vmem>>, vector<16xf32>,
      %get3A_1484 = arith.index_cast %scan3A_1459 : i32 to index
      %get3A_1485 = arith.constant 0 : index
      %get3A_1486 = tpu.vector_load %arg15[%get3A_1484, %get3A_1485] {strides = array<i32>} : memref<128x128xf32, #tpu.memory_space<vmem>>, vector<16xf32>,
      %sub3A_1487 = arith.subf %get3A_1483, %get3A_1486 : vector<16xf32>
      %get3A_1488 = arith.index_cast %scan3A_1459 : i32 to index
      %get3A_1489 = arith.constant 16 : index
      %get3A_1490 = tpu.vector_load %arg17[%get3A_1488, %get3A_1489] {strides = array<i32>} : memref<128x128xf32, #tpu.memory_space<vmem>>, vector<16xf32>,
      %get3A_1491 = arith.index_cast %scan3A_1459 : i32 to index
      %get3A_1492 = arith.constant 16 : index
      %get3A_1493 = tpu.vector_load %arg15[%get3A_1491, %get3A_1492] {strides = array<i32>} : memref<128x128xf32, #tpu.memory_space<vmem>>, vector<16xf32>,
      %sub3A_1494 = arith.subf %get3A_1490, %get3A_1493 : vector<16xf32>
      %get3A_1495 = arith.index_cast %scan3A_1459 : i32 to index
      %get3A_1496 = arith.constant 32 : index
      %get3A_1497 = tpu.vector_load %arg17[%get3A_1495, %get3A_1496] {strides = array<i32>} : memref<128x128xf32, #tpu.memory_space<vmem>>, vector<16xf32>,
      %get3A_1498 = arith.index_cast %scan3A_1459 : i32 to index
      %get3A_1499 = arith.constant 32 : index
      %get3A_1500 = tpu.vector_load %arg15[%get3A_1498, %get3A_1499] {strides = array<i32>} : memref<128x128xf32, #tpu.memory_space<vmem>>, vector<16xf32>,
      %sub3A_1501 = arith.subf %get3A_1497, %get3A_1500 : vector<16xf32>
      %get3A_1502 = arith.index_cast %scan3A_1459 : i32 to index
      %get3A_1503 = arith.constant 0 : index
      %get3A_1504 = tpu.vector_load %arg17[%get3A_1502, %get3A_1503] {strides = array<i32>} : memref<128x128xf32, #tpu.memory_space<vmem>>, vector<16xf32>,
      %get3A_1505 = arith.index_cast %scan3A_1459 : i32 to index
      %get3A_1506 = arith.constant 0 : index
      %get3A_1507 = tpu.vector_load %arg16[%get3A_1505, %get3A_1506] {strides = array<i32>} : memref<128x128xf32, #tpu.memory_space<vmem>>, vector<16xf32>,
      %sub3A_1508 = arith.subf %get3A_1504, %get3A_1507 : vector<16xf32>
      %get3A_1509 = arith.index_cast %scan3A_1459 : i32 to index
      %get3A_1510 = arith.constant 16 : index
      %get3A_1511 = tpu.vector_load %arg17[%get3A_1509, %get3A_1510] {strides = array<i32>} : memref<128x128xf32, #tpu.memory_space<vmem>>, vector<16xf32>,
      %get3A_1512 = arith.index_cast %scan3A_1459 : i32 to index
      %get3A_1513 = arith.constant 16 : index
      %get3A_1514 = tpu.vector_load %arg16[%get3A_1512, %get3A_1513] {strides = array<i32>} : memref<128x128xf32, #tpu.memory_space<vmem>>, vector<16xf32>,
      %sub3A_1515 = arith.subf %get3A_1511, %get3A_1514 : vector<16xf32>
      %get3A_1516 = arith.index_cast %scan3A_1459 : i32 to index
      %get3A_1517 = arith.constant 32 : index
      %get3A_1518 = tpu.vector_load %arg17[%get3A_1516, %get3A_1517] {strides = array<i32>} : memref<128x128xf32, #tpu.memory_space<vmem>>, vector<16xf32>,
      %get3A_1519 = arith.index_cast %scan3A_1459 : i32 to index
      %get3A_1520 = arith.constant 32 : index
      %get3A_1521 = tpu.vector_load %arg16[%get3A_1519, %get3A_1520] {strides = array<i32>} : memref<128x128xf32, #tpu.memory_space<vmem>>, vector<16xf32>,
      %sub3A_1522 = arith.subf %get3A_1518, %get3A_1521 : vector<16xf32>
      %get3A_1523 = arith.index_cast %scan3A_1459 : i32 to index
      %get3A_1524 = arith.constant 48 : index
      %get3A_1525 = tpu.vector_load %arg16[%get3A_1523, %get3A_1524] {strides = array<i32>} : memref<128x128xf32, #tpu.memory_space<vmem>>, vector<16xf32>,
      %get3A_1526 = arith.index_cast %scan3A_1459 : i32 to index
      %get3A_1527 = arith.constant 48 : index
      %get3A_1528 = tpu.vector_load %arg15[%get3A_1526, %get3A_1527] {strides = array<i32>} : memref<128x128xf32, #tpu.memory_space<vmem>>, vector<16xf32>,
      %sub3A_1529 = arith.subf %get3A_1525, %get3A_1528 : vector<16xf32>
      %get3A_1530 = arith.index_cast %scan3A_1459 : i32 to index
      %get3A_1531 = arith.constant 64 : index
      %get3A_1532 = tpu.vector_load %arg16[%get3A_1530, %get3A_1531] {strides = array<i32>} : memref<128x128xf32, #tpu.memory_space<vmem>>, vector<16xf32>,
      %get3A_1533 = arith.index_cast %scan3A_1459 : i32 to index
      %get3A_1534 = arith.constant 64 : index
      %get3A_1535 = tpu.vector_load %arg15[%get3A_1533, %get3A_1534] {strides = array<i32>} : memref<128x128xf32, #tpu.memory_space<vmem>>, vector<16xf32>,
      %sub3A_1536 = arith.subf %get3A_1532, %get3A_1535 : vector<16xf32>
      %get3A_1537 = arith.index_cast %scan3A_1459 : i32 to index
      %get3A_1538 = arith.constant 80 : index
      %get3A_1539 = tpu.vector_load %arg16[%get3A_1537, %get3A_1538] {strides = array<i32>} : memref<128x128xf32, #tpu.memory_space<vmem>>, vector<16xf32>,
      %get3A_1540 = arith.index_cast %scan3A_1459 : i32 to index
      %get3A_1541 = arith.constant 80 : index
      %get3A_1542 = tpu.vector_load %arg15[%get3A_1540, %get3A_1541] {strides = array<i32>} : memref<128x128xf32, #tpu.memory_space<vmem>>, vector<16xf32>,
      %sub3A_1543 = arith.subf %get3A_1539, %get3A_1542 : vector<16xf32>
      %get3A_1544 = arith.index_cast %scan3A_1459 : i32 to index
      %get3A_1545 = arith.constant 48 : index
      %get3A_1546 = tpu.vector_load %arg17[%get3A_1544, %get3A_1545] {strides = array<i32>} : memref<128x128xf32, #tpu.memory_space<vmem>>, vector<16xf32>,
      %get3A_1547 = arith.index_cast %scan3A_1459 : i32 to index
      %get3A_1548 = arith.constant 48 : index
      %get3A_1549 = tpu.vector_load %arg15[%get3A_1547, %get3A_1548] {strides = array<i32>} : memref<128x128xf32, #tpu.memory_space<vmem>>, vector<16xf32>,
      %sub3A_1550 = arith.subf %get3A_1546, %get3A_1549 : vector<16xf32>
      %get3A_1551 = arith.index_cast %scan3A_1459 : i32 to index
      %get3A_1552 = arith.constant 64 : index
      %get3A_1553 = tpu.vector_load %arg17[%get3A_1551, %get3A_1552] {strides = array<i32>} : memref<128x128xf32, #tpu.memory_space<vmem>>, vector<16xf32>,
      %get3A_1554 = arith.index_cast %scan3A_1459 : i32 to index
      %get3A_1555 = arith.constant 64 : index
      %get3A_1556 = tpu.vector_load %arg15[%get3A_1554, %get3A_1555] {strides = array<i32>} : memref<128x128xf32, #tpu.memory_space<vmem>>, vector<16xf32>,
      %sub3A_1557 = arith.subf %get3A_1553, %get3A_1556 : vector<16xf32>
      %get3A_1558 = arith.index_cast %scan3A_1459 : i32 to index
      %get3A_1559 = arith.constant 80 : index
      %get3A_1560 = tpu.vector_load %arg17[%get3A_1558, %get3A_1559] {strides = array<i32>} : memref<128x128xf32, #tpu.memory_space<vmem>>, vector<16xf32>,
      %get3A_1561 = arith.index_cast %scan3A_1459 : i32 to index
      %get3A_1562 = arith.constant 80 : index
      %get3A_1563 = tpu.vector_load %arg15[%get3A_1561, %get3A_1562] {strides = array<i32>} : memref<128x128xf32, #tpu.memory_space<vmem>>, vector<16xf32>,
      %sub3A_1564 = arith.subf %get3A_1560, %get3A_1563 : vector<16xf32>
      %mul3A_1565 = arith.mulf %sub3A_1536, %sub3A_1564 : vector<16xf32>
      %mul3A_1566 = arith.mulf %sub3A_1543, %sub3A_1557 : vector<16xf32>
      %sub3A_1567 = arith.subf %mul3A_1565, %mul3A_1566 : vector<16xf32>
      %mul3A_1568 = arith.mulf %sub3A_1543, %sub3A_1550 : vector<16xf32>
      %mul3A_1569 = arith.mulf %sub3A_1529, %sub3A_1564 : vector<16xf32>
      %sub3A_1570 = arith.subf %mul3A_1568, %mul3A_1569 : vector<16xf32>
      %mul3A_1571 = arith.mulf %sub3A_1529, %sub3A_1557 : vector<16xf32>
      %mul3A_1572 = arith.mulf %sub3A_1536, %sub3A_1550 : vector<16xf32>
      %sub3A_1573 = arith.subf %mul3A_1571, %mul3A_1572 : vector<16xf32>
      %mul3A_1574 = arith.mulf %sub3A_1567, %sub3A_1567 : vector<16xf32>
      %mul3A_1575 = arith.mulf %sub3A_1570, %sub3A_1570 : vector<16xf32>
      %add3A_1576 = arith.addf %mul3A_1574, %mul3A_1575 : vector<16xf32>
      %mul3A_1577 = arith.mulf %sub3A_1573, %sub3A_1573 : vector<16xf32>
      %add3A_1578 = arith.addf %add3A_1576, %mul3A_1577 : vector<16xf32>
      %bitcast_convert_type3A = tpu.bitcast %add3A_1578 : vector<16xf32> -> vector<16xi32>
      %shift_right_arithmetic3A = arith.constant 1 : i32
      %shift_right_arithmetic3A_1579 = vector.broadcast %shift_right_arithmetic3A : i32 to vector<16xi32>
      %shift_right_arithmetic3A_1580 = arith.shrsi %bitcast_convert_type3A, %shift_right_arithmetic3A_1579 : vector<16xi32>
      %sub3A_1581 = arith.constant 1597463007 : i32
      %sub3A_1582 = vector.broadcast %sub3A_1581 : i32 to vector<16xi32>
      %sub3A_1583 = arith.subi %sub3A_1582, %shift_right_arithmetic3A_1580 : vector<16xi32>
      %bitcast_convert_type3A_1584 = tpu.bitcast %sub3A_1583 : vector<16xi32> -> vector<16xf32>
      %mul3A_1585 = arith.constant -5.000000e-01 : f32
      %mul3A_1586 = vector.broadcast %mul3A_1585 : f32 to vector<16xf32>
      %mul3A_1587 = arith.mulf %add3A_1578, %mul3A_1586 : vector<16xf32>
      %mul3A_1588 = arith.mulf %mul3A_1587, %bitcast_convert_type3A_1584 : vector<16xf32>
      %mul3A_1589 = arith.mulf %mul3A_1588, %bitcast_convert_type3A_1584 : vector<16xf32>
      %add3A_1590 = arith.constant 1.500000e+00 : f32
      %add3A_1591 = vector.broadcast %add3A_1590 : f32 to vector<16xf32>
      %add3A_1592 = arith.addf %add3A_1591, %mul3A_1589 : vector<16xf32>
      %mul3A_1593 = arith.mulf %bitcast_convert_type3A_1584, %add3A_1592 : vector<16xf32>
      %mul3A_1594 = arith.mulf %mul3A_1587, %mul3A_1593 : vector<16xf32>
      %mul3A_1595 = arith.mulf %mul3A_1594, %mul3A_1593 : vector<16xf32>
      %add3A_1596 = arith.constant 1.500000e+00 : f32
      %add3A_1597 = vector.broadcast %add3A_1596 : f32 to vector<16xf32>
      %add3A_1598 = arith.addf %add3A_1597, %mul3A_1595 : vector<16xf32>
      %mul3A_1599 = arith.mulf %mul3A_1593, %add3A_1598 : vector<16xf32>
      %lt3A = arith.constant 1.000000e-24 : f32
      %lt3A_1600 = vector.broadcast %lt3A : f32 to vector<16xf32>
      %lt3A_1601 = arith.cmpf olt, %add3A_1578, %lt3A_1600 : vector<16xf32>
      %jit3A = arith.constant 9.99999995E+11 : f32
      %broadcast_in_dim3A_1602 = vector.broadcast %jit3A : f32 to vector<16xf32>
      %select_n3A = arith.select %lt3A_1601, %broadcast_in_dim3A_1602, %mul3A_1599 : vector<16xi1>, vector<16xf32>
      %mul3A_1603 = arith.mulf %sub3A, %sub3A : vector<16xf32>
      %mul3A_1604 = arith.mulf %sub3A_1473, %sub3A_1473 : vector<16xf32>
      %add3A_1605 = arith.addf %mul3A_1603, %mul3A_1604 : vector<16xf32>
      %mul3A_1606 = arith.mulf %sub3A_1480, %sub3A_1480 : vector<16xf32>
      %add3A_1607 = arith.addf %add3A_1605, %mul3A_1606 : vector<16xf32>
      %bitcast_convert_type3A_1608 = tpu.bitcast %add3A_1607 : vector<16xf32> -> vector<16xi32>
      %shift_right_arithmetic3A_1609 = arith.constant 1 : i32
      %shift_right_arithmetic3A_1610 = vector.broadcast %shift_right_arithmetic3A_1609 : i32 to vector<16xi32>
      %shift_right_arithmetic3A_1611 = arith.shrsi %bitcast_convert_type3A_1608, %shift_right_arithmetic3A_1610 : vector<16xi32>
      %sub3A_1612 = arith.constant 1597463007 : i32
      %sub3A_1613 = vector.broadcast %sub3A_1612 : i32 to vector<16xi32>
      %sub3A_1614 = arith.subi %sub3A_1613, %shift_right_arithmetic3A_1611 : vector<16xi32>
      %bitcast_convert_type3A_1615 = tpu.bitcast %sub3A_1614 : vector<16xi32> -> vector<16xf32>
      %mul3A_1616 = arith.constant -5.000000e-01 : f32
      %mul3A_1617 = vector.broadcast %mul3A_1616 : f32 to vector<16xf32>
      %mul3A_1618 = arith.mulf %add3A_1607, %mul3A_1617 : vector<16xf32>
      %mul3A_1619 = arith.mulf %mul3A_1618, %bitcast_convert_type3A_1615 : vector<16xf32>
      %mul3A_1620 = arith.mulf %mul3A_1619, %bitcast_convert_type3A_1615 : vector<16xf32>
      %add3A_1621 = arith.constant 1.500000e+00 : f32
      %add3A_1622 = vector.broadcast %add3A_1621 : f32 to vector<16xf32>
      %add3A_1623 = arith.addf %add3A_1622, %mul3A_1620 : vector<16xf32>
      %mul3A_1624 = arith.mulf %bitcast_convert_type3A_1615, %add3A_1623 : vector<16xf32>
      %mul3A_1625 = arith.mulf %mul3A_1618, %mul3A_1624 : vector<16xf32>
      %mul3A_1626 = arith.mulf %mul3A_1625, %mul3A_1624 : vector<16xf32>
      %add3A_1627 = arith.constant 1.500000e+00 : f32
      %add3A_1628 = vector.broadcast %add3A_1627 : f32 to vector<16xf32>
      %add3A_1629 = arith.addf %add3A_1628, %mul3A_1626 : vector<16xf32>
      %mul3A_1630 = arith.mulf %mul3A_1624, %add3A_1629 : vector<16xf32>
      %lt3A_1631 = arith.constant 1.000000e-24 : f32
      %lt3A_1632 = vector.broadcast %lt3A_1631 : f32 to vector<16xf32>
      %lt3A_1633 = arith.cmpf olt, %add3A_1607, %lt3A_1632 : vector<16xf32>
      %jit3A_1634 = arith.constant 9.99999995E+11 : f32
      %broadcast_in_dim3A_1635 = vector.broadcast %jit3A_1634 : f32 to vector<16xf32>
      %select_n3A_1636 = arith.select %lt3A_1633, %broadcast_in_dim3A_1635, %mul3A_1630 : vector<16xi1>, vector<16xf32>
      %mul3A_1637 = arith.mulf %sub3A_1487, %sub3A_1487 : vector<16xf32>
      %mul3A_1638 = arith.mulf %sub3A_1494, %sub3A_1494 : vector<16xf32>
      %add3A_1639 = arith.addf %mul3A_1637, %mul3A_1638 : vector<16xf32>
      %mul3A_1640 = arith.mulf %sub3A_1501, %sub3A_1501 : vector<16xf32>
      %add3A_1641 = arith.addf %add3A_1639, %mul3A_1640 : vector<16xf32>
      %bitcast_convert_type3A_1642 = tpu.bitcast %add3A_1641 : vector<16xf32> -> vector<16xi32>
      %shift_right_arithmetic3A_1643 = arith.constant 1 : i32
      %shift_right_arithmetic3A_1644 = vector.broadcast %shift_right_arithmetic3A_1643 : i32 to vector<16xi32>
      %shift_right_arithmetic3A_1645 = arith.shrsi %bitcast_convert_type3A_1642, %shift_right_arithmetic3A_1644 : vector<16xi32>
      %sub3A_1646 = arith.constant 1597463007 : i32
      %sub3A_1647 = vector.broadcast %sub3A_1646 : i32 to vector<16xi32>
      %sub3A_1648 = arith.subi %sub3A_1647, %shift_right_arithmetic3A_1645 : vector<16xi32>
      %bitcast_convert_type3A_1649 = tpu.bitcast %sub3A_1648 : vector<16xi32> -> vector<16xf32>
      %mul3A_1650 = arith.constant -5.000000e-01 : f32
      %mul3A_1651 = vector.broadcast %mul3A_1650 : f32 to vector<16xf32>
      %mul3A_1652 = arith.mulf %add3A_1641, %mul3A_1651 : vector<16xf32>
      %mul3A_1653 = arith.mulf %mul3A_1652, %bitcast_convert_type3A_1649 : vector<16xf32>
      %mul3A_1654 = arith.mulf %mul3A_1653, %bitcast_convert_type3A_1649 : vector<16xf32>
      %add3A_1655 = arith.constant 1.500000e+00 : f32
      %add3A_1656 = vector.broadcast %add3A_1655 : f32 to vector<16xf32>
      %add3A_1657 = arith.addf %add3A_1656, %mul3A_1654 : vector<16xf32>
      %mul3A_1658 = arith.mulf %bitcast_convert_type3A_1649, %add3A_1657 : vector<16xf32>
      %mul3A_1659 = arith.mulf %mul3A_1652, %mul3A_1658 : vector<16xf32>
      %mul3A_1660 = arith.mulf %mul3A_1659, %mul3A_1658 : vector<16xf32>
      %add3A_1661 = arith.constant 1.500000e+00 : f32
      %add3A_1662 = vector.broadcast %add3A_1661 : f32 to vector<16xf32>
      %add3A_1663 = arith.addf %add3A_1662, %mul3A_1660 : vector<16xf32>
      %mul3A_1664 = arith.mulf %mul3A_1658, %add3A_1663 : vector<16xf32>
      %lt3A_1665 = arith.constant 1.000000e-24 : f32
      %lt3A_1666 = vector.broadcast %lt3A_1665 : f32 to vector<16xf32>
      %lt3A_1667 = arith.cmpf olt, %add3A_1641, %lt3A_1666 : vector<16xf32>
      %jit3A_1668 = arith.constant 9.99999995E+11 : f32
      %broadcast_in_dim3A_1669 = vector.broadcast %jit3A_1668 : f32 to vector<16xf32>
      %select_n3A_1670 = arith.select %lt3A_1667, %broadcast_in_dim3A_1669, %mul3A_1664 : vector<16xi1>, vector<16xf32>
      %mul3A_1671 = arith.mulf %sub3A_1508, %sub3A_1508 : vector<16xf32>
      %mul3A_1672 = arith.mulf %sub3A_1515, %sub3A_1515 : vector<16xf32>
      %add3A_1673 = arith.addf %mul3A_1671, %mul3A_1672 : vector<16xf32>
      %mul3A_1674 = arith.mulf %sub3A_1522, %sub3A_1522 : vector<16xf32>
      %add3A_1675 = arith.addf %add3A_1673, %mul3A_1674 : vector<16xf32>
      %bitcast_convert_type3A_1676 = tpu.bitcast %add3A_1675 : vector<16xf32> -> vector<16xi32>
      %shift_right_arithmetic3A_1677 = arith.constant 1 : i32
      %shift_right_arithmetic3A_1678 = vector.broadcast %shift_right_arithmetic3A_1677 : i32 to vector<16xi32>
      %shift_right_arithmetic3A_1679 = arith.shrsi %bitcast_convert_type3A_1676, %shift_right_arithmetic3A_1678 : vector<16xi32>
      %sub3A_1680 = arith.constant 1597463007 : i32
      %sub3A_1681 = vector.broadcast %sub3A_1680 : i32 to vector<16xi32>
      %sub3A_1682 = arith.subi %sub3A_1681, %shift_right_arithmetic3A_1679 : vector<16xi32>
      %bitcast_convert_type3A_1683 = tpu.bitcast %sub3A_1682 : vector<16xi32> -> vector<16xf32>
      %mul3A_1684 = arith.constant -5.000000e-01 : f32
      %mul3A_1685 = vector.broadcast %mul3A_1684 : f32 to vector<16xf32>
      %mul3A_1686 = arith.mulf %add3A_1675, %mul3A_1685 : vector<16xf32>
      %mul3A_1687 = arith.mulf %mul3A_1686, %bitcast_convert_type3A_1683 : vector<16xf32>
      %mul3A_1688 = arith.mulf %mul3A_1687, %bitcast_convert_type3A_1683 : vector<16xf32>
      %add3A_1689 = arith.constant 1.500000e+00 : f32
      %add3A_1690 = vector.broadcast %add3A_1689 : f32 to vector<16xf32>
      %add3A_1691 = arith.addf %add3A_1690, %mul3A_1688 : vector<16xf32>
      %mul3A_1692 = arith.mulf %bitcast_convert_type3A_1683, %add3A_1691 : vector<16xf32>
      %mul3A_1693 = arith.mulf %mul3A_1686, %mul3A_1692 : vector<16xf32>
      %mul3A_1694 = arith.mulf %mul3A_1693, %mul3A_1692 : vector<16xf32>
      %add3A_1695 = arith.constant 1.500000e+00 : f32
      %add3A_1696 = vector.broadcast %add3A_1695 : f32 to vector<16xf32>
      %add3A_1697 = arith.addf %add3A_1696, %mul3A_1694 : vector<16xf32>
      %mul3A_1698 = arith.mulf %mul3A_1692, %add3A_1697 : vector<16xf32>
      %lt3A_1699 = arith.constant 1.000000e-24 : f32
      %lt3A_1700 = vector.broadcast %lt3A_1699 : f32 to vector<16xf32>
      %lt3A_1701 = arith.cmpf olt, %add3A_1675, %lt3A_1700 : vector<16xf32>
      %jit3A_1702 = arith.constant 9.99999995E+11 : f32
      %broadcast_in_dim3A_1703 = vector.broadcast %jit3A_1702 : f32 to vector<16xf32>
      %select_n3A_1704 = arith.select %lt3A_1701, %broadcast_in_dim3A_1703, %mul3A_1698 : vector<16xi1>, vector<16xf32>
      %mul3A_1705 = arith.mulf %sub3A, %sub3A_1567 : vector<16xf32>
      %mul3A_1706 = arith.mulf %sub3A_1473, %sub3A_1570 : vector<16xf32>
      %add3A_1707 = arith.addf %mul3A_1705, %mul3A_1706 : vector<16xf32>
      %mul3A_1708 = arith.mulf %sub3A_1480, %sub3A_1573 : vector<16xf32>
      %add3A_1709 = arith.addf %add3A_1707, %mul3A_1708 : vector<16xf32>
      %abs3A = math.absf %add3A_1709 : vector<16xf32>
      %mul3A_1710 = arith.mulf %abs3A, %select_n3A_1636 : vector<16xf32>
      %mul3A_1711 = arith.mulf %sub3A_1487, %sub3A_1567 : vector<16xf32>
      %mul3A_1712 = arith.mulf %sub3A_1494, %sub3A_1570 : vector<16xf32>
      %add3A_1713 = arith.addf %mul3A_1711, %mul3A_1712 : vector<16xf32>
      %mul3A_1714 = arith.mulf %sub3A_1501, %sub3A_1573 : vector<16xf32>
      %add3A_1715 = arith.addf %add3A_1713, %mul3A_1714 : vector<16xf32>
      %abs3A_1716 = math.absf %add3A_1715 : vector<16xf32>
      %mul3A_1717 = arith.mulf %abs3A_1716, %select_n3A_1670 : vector<16xf32>
      %mul3A_1718 = arith.mulf %sub3A_1508, %sub3A_1567 : vector<16xf32>
      %mul3A_1719 = arith.mulf %sub3A_1515, %sub3A_1570 : vector<16xf32>
      %add3A_1720 = arith.addf %mul3A_1718, %mul3A_1719 : vector<16xf32>
      %mul3A_1721 = arith.mulf %sub3A_1522, %sub3A_1573 : vector<16xf32>
      %add3A_1722 = arith.addf %add3A_1720, %mul3A_1721 : vector<16xf32>
      %abs3A_1723 = math.absf %add3A_1722 : vector<16xf32>
      %mul3A_1724 = arith.mulf %abs3A_1723, %select_n3A_1704 : vector<16xf32>
      %add3A_1725 = arith.addf %mul3A_1710, %mul3A_1717 : vector<16xf32>
      %add3A_1726 = arith.addf %add3A_1725, %mul3A_1724 : vector<16xf32>
      %mul3A_1727 = arith.mulf %add3A_1726, %select_n3A : vector<16xf32>
      %add3A_1728 = arith.addf %scan3A_1460, %mul3A_1727 : vector<16xf32>
      scf.yield %add3A_1728 : vector<16xf32>
    }
    %scan3A_1072 = arith.constant 128 : i32
    %mul3A_1073 = arith.constant 512 : i32
    %mul3A_1074 = arith.muli %add3A, %mul3A_1073 : i32
    %add3A_1075 = arith.constant 384 : i32
    %add3A_1076 = arith.addi %mul3A_1074, %add3A_1075 : i32
    "tpu.region"() ({
      %run_scoped3A = tpu.sem_alloc : memref<!tpu.dma_semaphore, #tpu.memory_space<semaphore_mem>>
      %dma_start3A_1459 = arith.constant 0 : i32
      %dma_start3A_1460 = tpu.memref_slice %arg3[%dma_start3A_1459, %add3A_1076] : memref<6x16384xi32, #tpu.memory_space<hbm>> -> memref<6x128xi32, #tpu.memory_space<hbm>>
      %dma_start3A_1461 = arith.constant 0 : i32
      %dma_start3A_1462 = tpu.memref_slice %arg3[%dma_start3A_1461, %add3A_1076] : memref<6x16384xi32, #tpu.memory_space<hbm>> -> memref<6x128xi32, #tpu.memory_space<hbm>>
      tpu.enqueue_dma source(%dma_start3A_1462 : memref<6x128xi32, #tpu.memory_space<hbm>>) target(%arg5 : memref<6x128xi32, #tpu.memory_space<vmem>>) target_semaphore(%run_scoped3A : memref<!tpu.dma_semaphore, #tpu.memory_space<semaphore_mem>>)
      %dma_wait3A_1463 = arith.constant 0 : i32
      %dma_wait3A_1464 = tpu.memref_slice %arg3[%dma_wait3A_1463, %add3A_1076] : memref<6x16384xi32, #tpu.memory_space<hbm>> -> memref<6x128xi32, #tpu.memory_space<hbm>>
      %dma_wait3A_1465 = arith.constant 0 : i32
      %dma_wait3A_1466 = tpu.memref_slice %arg3[%dma_wait3A_1465, %add3A_1076] : memref<6x16384xi32, #tpu.memory_space<hbm>> -> memref<6x128xi32, #tpu.memory_space<hbm>>
      tpu.wait_dma2 semaphore(%run_scoped3A : memref<!tpu.dma_semaphore, #tpu.memory_space<semaphore_mem>>) src(%dma_wait3A_1466 : memref<6x128xi32, #tpu.memory_space<hbm>>) dst(%arg5 : memref<6x128xi32, #tpu.memory_space<vmem>>)
      tpu.yield
    }) : () -> ()
    %get3A_1077 = arith.constant 0 : i32
    %get3A_1078 = arith.index_cast %get3A_1077 : i32 to index
    %get3A_1079 = arith.constant 0 : index
    %get3A_1080 = tpu.vector_load %arg5[%get3A_1078, %get3A_1079] {strides = array<i32>} : memref<6x128xi32, #tpu.memory_space<vmem>>, vector<16xi32>,
    %shift_left3A_1081 = arith.constant 8 : i32
    %shift_left3A_1082 = vector.broadcast %shift_left3A_1081 : i32 to vector<16xi32>
    %shift_left3A_1083 = arith.shli %get3A_1080, %shift_left3A_1082 : vector<16xi32>
    %get3A_1084 = arith.constant 1 : i32
    %get3A_1085 = arith.index_cast %get3A_1084 : i32 to index
    %get3A_1086 = arith.constant 0 : index
    %get3A_1087 = tpu.vector_load %arg5[%get3A_1085, %get3A_1086] {strides = array<i32>} : memref<6x128xi32, #tpu.memory_space<vmem>>, vector<16xi32>,
    %add3A_1088 = arith.addi %shift_left3A_1083, %get3A_1087 : vector<16xi32>
    %swap3A_1089 = arith.constant 0 : index
    %swap3A_1090 = tpu.vector_load %arg9[%swap3A_1089] {strides = array<i32>} : memref<128xi32, #tpu.memory_space<vmem>>, vector<16xi32>,
    tpu.vector_store %arg9[%swap3A_1089], %add3A_1088 {strides = array<i32>} : memref<128xi32, #tpu.memory_space<vmem>>, vector<16xi32>,
    %get3A_1091 = arith.constant 2 : i32
    %get3A_1092 = arith.index_cast %get3A_1091 : i32 to index
    %get3A_1093 = arith.constant 0 : index
    %get3A_1094 = tpu.vector_load %arg5[%get3A_1092, %get3A_1093] {strides = array<i32>} : memref<6x128xi32, #tpu.memory_space<vmem>>, vector<16xi32>,
    %shift_left3A_1095 = arith.constant 8 : i32
    %shift_left3A_1096 = vector.broadcast %shift_left3A_1095 : i32 to vector<16xi32>
    %shift_left3A_1097 = arith.shli %get3A_1094, %shift_left3A_1096 : vector<16xi32>
    %get3A_1098 = arith.constant 3 : i32
    %get3A_1099 = arith.index_cast %get3A_1098 : i32 to index
    %get3A_1100 = arith.constant 0 : index
    %get3A_1101 = tpu.vector_load %arg5[%get3A_1099, %get3A_1100] {strides = array<i32>} : memref<6x128xi32, #tpu.memory_space<vmem>>, vector<16xi32>,
    %add3A_1102 = arith.addi %shift_left3A_1097, %get3A_1101 : vector<16xi32>
    %swap3A_1103 = arith.constant 0 : index
    %swap3A_1104 = tpu.vector_load %arg10[%swap3A_1103] {strides = array<i32>} : memref<128xi32, #tpu.memory_space<vmem>>, vector<16xi32>,
    tpu.vector_store %arg10[%swap3A_1103], %add3A_1102 {strides = array<i32>} : memref<128xi32, #tpu.memory_space<vmem>>, vector<16xi32>,
    %get3A_1105 = arith.constant 4 : i32
    %get3A_1106 = arith.index_cast %get3A_1105 : i32 to index
    %get3A_1107 = arith.constant 0 : index
    %get3A_1108 = tpu.vector_load %arg5[%get3A_1106, %get3A_1107] {strides = array<i32>} : memref<6x128xi32, #tpu.memory_space<vmem>>, vector<16xi32>,
    %shift_left3A_1109 = arith.constant 8 : i32
    %shift_left3A_1110 = vector.broadcast %shift_left3A_1109 : i32 to vector<16xi32>
    %shift_left3A_1111 = arith.shli %get3A_1108, %shift_left3A_1110 : vector<16xi32>
    %get3A_1112 = arith.constant 5 : i32
    %get3A_1113 = arith.index_cast %get3A_1112 : i32 to index
    %get3A_1114 = arith.constant 0 : index
    %get3A_1115 = tpu.vector_load %arg5[%get3A_1113, %get3A_1114] {strides = array<i32>} : memref<6x128xi32, #tpu.memory_space<vmem>>, vector<16xi32>,
    %add3A_1116 = arith.addi %shift_left3A_1111, %get3A_1115 : vector<16xi32>
    %swap3A_1117 = arith.constant 0 : index
    %swap3A_1118 = tpu.vector_load %arg11[%swap3A_1117] {strides = array<i32>} : memref<128xi32, #tpu.memory_space<vmem>>, vector<16xi32>,
    tpu.vector_store %arg11[%swap3A_1117], %add3A_1116 {strides = array<i32>} : memref<128xi32, #tpu.memory_space<vmem>>, vector<16xi32>,
    %get3A_1119 = arith.constant 0 : i32
    %get3A_1120 = arith.index_cast %get3A_1119 : i32 to index
    %get3A_1121 = arith.constant 16 : index
    %get3A_1122 = tpu.vector_load %arg5[%get3A_1120, %get3A_1121] {strides = array<i32>} : memref<6x128xi32, #tpu.memory_space<vmem>>, vector<16xi32>,
    %shift_left3A_1123 = arith.constant 8 : i32
    %shift_left3A_1124 = vector.broadcast %shift_left3A_1123 : i32 to vector<16xi32>
    %shift_left3A_1125 = arith.shli %get3A_1122, %shift_left3A_1124 : vector<16xi32>
    %get3A_1126 = arith.constant 1 : i32
    %get3A_1127 = arith.index_cast %get3A_1126 : i32 to index
    %get3A_1128 = arith.constant 16 : index
    %get3A_1129 = tpu.vector_load %arg5[%get3A_1127, %get3A_1128] {strides = array<i32>} : memref<6x128xi32, #tpu.memory_space<vmem>>, vector<16xi32>,
    %add3A_1130 = arith.addi %shift_left3A_1125, %get3A_1129 : vector<16xi32>
    %swap3A_1131 = arith.constant 16 : index
    %swap3A_1132 = tpu.vector_load %arg9[%swap3A_1131] {strides = array<i32>} : memref<128xi32, #tpu.memory_space<vmem>>, vector<16xi32>,
    tpu.vector_store %arg9[%swap3A_1131], %add3A_1130 {strides = array<i32>} : memref<128xi32, #tpu.memory_space<vmem>>, vector<16xi32>,
    %get3A_1133 = arith.constant 2 : i32
    %get3A_1134 = arith.index_cast %get3A_1133 : i32 to index
    %get3A_1135 = arith.constant 16 : index
    %get3A_1136 = tpu.vector_load %arg5[%get3A_1134, %get3A_1135] {strides = array<i32>} : memref<6x128xi32, #tpu.memory_space<vmem>>, vector<16xi32>,
    %shift_left3A_1137 = arith.constant 8 : i32
    %shift_left3A_1138 = vector.broadcast %shift_left3A_1137 : i32 to vector<16xi32>
    %shift_left3A_1139 = arith.shli %get3A_1136, %shift_left3A_1138 : vector<16xi32>
    %get3A_1140 = arith.constant 3 : i32
    %get3A_1141 = arith.index_cast %get3A_1140 : i32 to index
    %get3A_1142 = arith.constant 16 : index
    %get3A_1143 = tpu.vector_load %arg5[%get3A_1141, %get3A_1142] {strides = array<i32>} : memref<6x128xi32, #tpu.memory_space<vmem>>, vector<16xi32>,
    %add3A_1144 = arith.addi %shift_left3A_1139, %get3A_1143 : vector<16xi32>
    %swap3A_1145 = arith.constant 16 : index
    %swap3A_1146 = tpu.vector_load %arg10[%swap3A_1145] {strides = array<i32>} : memref<128xi32, #tpu.memory_space<vmem>>, vector<16xi32>,
    tpu.vector_store %arg10[%swap3A_1145], %add3A_1144 {strides = array<i32>} : memref<128xi32, #tpu.memory_space<vmem>>, vector<16xi32>,
    %get3A_1147 = arith.constant 4 : i32
    %get3A_1148 = arith.index_cast %get3A_1147 : i32 to index
    %get3A_1149 = arith.constant 16 : index
    %get3A_1150 = tpu.vector_load %arg5[%get3A_1148, %get3A_1149] {strides = array<i32>} : memref<6x128xi32, #tpu.memory_space<vmem>>, vector<16xi32>,
    %shift_left3A_1151 = arith.constant 8 : i32
    %shift_left3A_1152 = vector.broadcast %shift_left3A_1151 : i32 to vector<16xi32>
    %shift_left3A_1153 = arith.shli %get3A_1150, %shift_left3A_1152 : vector<16xi32>
    %get3A_1154 = arith.constant 5 : i32
    %get3A_1155 = arith.index_cast %get3A_1154 : i32 to index
    %get3A_1156 = arith.constant 16 : index
    %get3A_1157 = tpu.vector_load %arg5[%get3A_1155, %get3A_1156] {strides = array<i32>} : memref<6x128xi32, #tpu.memory_space<vmem>>, vector<16xi32>,
    %add3A_1158 = arith.addi %shift_left3A_1153, %get3A_1157 : vector<16xi32>
    %swap3A_1159 = arith.constant 16 : index
    %swap3A_1160 = tpu.vector_load %arg11[%swap3A_1159] {strides = array<i32>} : memref<128xi32, #tpu.memory_space<vmem>>, vector<16xi32>,
    tpu.vector_store %arg11[%swap3A_1159], %add3A_1158 {strides = array<i32>} : memref<128xi32, #tpu.memory_space<vmem>>, vector<16xi32>,
    %get3A_1161 = arith.constant 0 : i32
    %get3A_1162 = arith.index_cast %get3A_1161 : i32 to index
    %get3A_1163 = arith.constant 32 : index
    %get3A_1164 = tpu.vector_load %arg5[%get3A_1162, %get3A_1163] {strides = array<i32>} : memref<6x128xi32, #tpu.memory_space<vmem>>, vector<16xi32>,
    %shift_left3A_1165 = arith.constant 8 : i32
    %shift_left3A_1166 = vector.broadcast %shift_left3A_1165 : i32 to vector<16xi32>
    %shift_left3A_1167 = arith.shli %get3A_1164, %shift_left3A_1166 : vector<16xi32>
    %get3A_1168 = arith.constant 1 : i32
    %get3A_1169 = arith.index_cast %get3A_1168 : i32 to index
    %get3A_1170 = arith.constant 32 : index
    %get3A_1171 = tpu.vector_load %arg5[%get3A_1169, %get3A_1170] {strides = array<i32>} : memref<6x128xi32, #tpu.memory_space<vmem>>, vector<16xi32>,
    %add3A_1172 = arith.addi %shift_left3A_1167, %get3A_1171 : vector<16xi32>
    %swap3A_1173 = arith.constant 32 : index
    %swap3A_1174 = tpu.vector_load %arg9[%swap3A_1173] {strides = array<i32>} : memref<128xi32, #tpu.memory_space<vmem>>, vector<16xi32>,
    tpu.vector_store %arg9[%swap3A_1173], %add3A_1172 {strides = array<i32>} : memref<128xi32, #tpu.memory_space<vmem>>, vector<16xi32>,
    %get3A_1175 = arith.constant 2 : i32
    %get3A_1176 = arith.index_cast %get3A_1175 : i32 to index
    %get3A_1177 = arith.constant 32 : index
    %get3A_1178 = tpu.vector_load %arg5[%get3A_1176, %get3A_1177] {strides = array<i32>} : memref<6x128xi32, #tpu.memory_space<vmem>>, vector<16xi32>,
    %shift_left3A_1179 = arith.constant 8 : i32
    %shift_left3A_1180 = vector.broadcast %shift_left3A_1179 : i32 to vector<16xi32>
    %shift_left3A_1181 = arith.shli %get3A_1178, %shift_left3A_1180 : vector<16xi32>
    %get3A_1182 = arith.constant 3 : i32
    %get3A_1183 = arith.index_cast %get3A_1182 : i32 to index
    %get3A_1184 = arith.constant 32 : index
    %get3A_1185 = tpu.vector_load %arg5[%get3A_1183, %get3A_1184] {strides = array<i32>} : memref<6x128xi32, #tpu.memory_space<vmem>>, vector<16xi32>,
    %add3A_1186 = arith.addi %shift_left3A_1181, %get3A_1185 : vector<16xi32>
    %swap3A_1187 = arith.constant 32 : index
    %swap3A_1188 = tpu.vector_load %arg10[%swap3A_1187] {strides = array<i32>} : memref<128xi32, #tpu.memory_space<vmem>>, vector<16xi32>,
    tpu.vector_store %arg10[%swap3A_1187], %add3A_1186 {strides = array<i32>} : memref<128xi32, #tpu.memory_space<vmem>>, vector<16xi32>,
    %get3A_1189 = arith.constant 4 : i32
    %get3A_1190 = arith.index_cast %get3A_1189 : i32 to index
    %get3A_1191 = arith.constant 32 : index
    %get3A_1192 = tpu.vector_load %arg5[%get3A_1190, %get3A_1191] {strides = array<i32>} : memref<6x128xi32, #tpu.memory_space<vmem>>, vector<16xi32>,
    %shift_left3A_1193 = arith.constant 8 : i32
    %shift_left3A_1194 = vector.broadcast %shift_left3A_1193 : i32 to vector<16xi32>
    %shift_left3A_1195 = arith.shli %get3A_1192, %shift_left3A_1194 : vector<16xi32>
    %get3A_1196 = arith.constant 5 : i32
    %get3A_1197 = arith.index_cast %get3A_1196 : i32 to index
    %get3A_1198 = arith.constant 32 : index
    %get3A_1199 = tpu.vector_load %arg5[%get3A_1197, %get3A_1198] {strides = array<i32>} : memref<6x128xi32, #tpu.memory_space<vmem>>, vector<16xi32>,
    %add3A_1200 = arith.addi %shift_left3A_1195, %get3A_1199 : vector<16xi32>
    %swap3A_1201 = arith.constant 32 : index
    %swap3A_1202 = tpu.vector_load %arg11[%swap3A_1201] {strides = array<i32>} : memref<128xi32, #tpu.memory_space<vmem>>, vector<16xi32>,
    tpu.vector_store %arg11[%swap3A_1201], %add3A_1200 {strides = array<i32>} : memref<128xi32, #tpu.memory_space<vmem>>, vector<16xi32>,
    %get3A_1203 = arith.constant 0 : i32
    %get3A_1204 = arith.index_cast %get3A_1203 : i32 to index
    %get3A_1205 = arith.constant 48 : index
    %get3A_1206 = tpu.vector_load %arg5[%get3A_1204, %get3A_1205] {strides = array<i32>} : memref<6x128xi32, #tpu.memory_space<vmem>>, vector<16xi32>,
    %shift_left3A_1207 = arith.constant 8 : i32
    %shift_left3A_1208 = vector.broadcast %shift_left3A_1207 : i32 to vector<16xi32>
    %shift_left3A_1209 = arith.shli %get3A_1206, %shift_left3A_1208 : vector<16xi32>
    %get3A_1210 = arith.constant 1 : i32
    %get3A_1211 = arith.index_cast %get3A_1210 : i32 to index
    %get3A_1212 = arith.constant 48 : index
    %get3A_1213 = tpu.vector_load %arg5[%get3A_1211, %get3A_1212] {strides = array<i32>} : memref<6x128xi32, #tpu.memory_space<vmem>>, vector<16xi32>,
    %add3A_1214 = arith.addi %shift_left3A_1209, %get3A_1213 : vector<16xi32>
    %swap3A_1215 = arith.constant 48 : index
    %swap3A_1216 = tpu.vector_load %arg9[%swap3A_1215] {strides = array<i32>} : memref<128xi32, #tpu.memory_space<vmem>>, vector<16xi32>,
    tpu.vector_store %arg9[%swap3A_1215], %add3A_1214 {strides = array<i32>} : memref<128xi32, #tpu.memory_space<vmem>>, vector<16xi32>,
    %get3A_1217 = arith.constant 2 : i32
    %get3A_1218 = arith.index_cast %get3A_1217 : i32 to index
    %get3A_1219 = arith.constant 48 : index
    %get3A_1220 = tpu.vector_load %arg5[%get3A_1218, %get3A_1219] {strides = array<i32>} : memref<6x128xi32, #tpu.memory_space<vmem>>, vector<16xi32>,
    %shift_left3A_1221 = arith.constant 8 : i32
    %shift_left3A_1222 = vector.broadcast %shift_left3A_1221 : i32 to vector<16xi32>
    %shift_left3A_1223 = arith.shli %get3A_1220, %shift_left3A_1222 : vector<16xi32>
    %get3A_1224 = arith.constant 3 : i32
    %get3A_1225 = arith.index_cast %get3A_1224 : i32 to index
    %get3A_1226 = arith.constant 48 : index
    %get3A_1227 = tpu.vector_load %arg5[%get3A_1225, %get3A_1226] {strides = array<i32>} : memref<6x128xi32, #tpu.memory_space<vmem>>, vector<16xi32>,
    %add3A_1228 = arith.addi %shift_left3A_1223, %get3A_1227 : vector<16xi32>
    %swap3A_1229 = arith.constant 48 : index
    %swap3A_1230 = tpu.vector_load %arg10[%swap3A_1229] {strides = array<i32>} : memref<128xi32, #tpu.memory_space<vmem>>, vector<16xi32>,
    tpu.vector_store %arg10[%swap3A_1229], %add3A_1228 {strides = array<i32>} : memref<128xi32, #tpu.memory_space<vmem>>, vector<16xi32>,
    %get3A_1231 = arith.constant 4 : i32
    %get3A_1232 = arith.index_cast %get3A_1231 : i32 to index
    %get3A_1233 = arith.constant 48 : index
    %get3A_1234 = tpu.vector_load %arg5[%get3A_1232, %get3A_1233] {strides = array<i32>} : memref<6x128xi32, #tpu.memory_space<vmem>>, vector<16xi32>,
    %shift_left3A_1235 = arith.constant 8 : i32
    %shift_left3A_1236 = vector.broadcast %shift_left3A_1235 : i32 to vector<16xi32>
    %shift_left3A_1237 = arith.shli %get3A_1234, %shift_left3A_1236 : vector<16xi32>
    %get3A_1238 = arith.constant 5 : i32
    %get3A_1239 = arith.index_cast %get3A_1238 : i32 to index
    %get3A_1240 = arith.constant 48 : index
    %get3A_1241 = tpu.vector_load %arg5[%get3A_1239, %get3A_1240] {strides = array<i32>} : memref<6x128xi32, #tpu.memory_space<vmem>>, vector<16xi32>,
    %add3A_1242 = arith.addi %shift_left3A_1237, %get3A_1241 : vector<16xi32>
    %swap3A_1243 = arith.constant 48 : index
    %swap3A_1244 = tpu.vector_load %arg11[%swap3A_1243] {strides = array<i32>} : memref<128xi32, #tpu.memory_space<vmem>>, vector<16xi32>,
    tpu.vector_store %arg11[%swap3A_1243], %add3A_1242 {strides = array<i32>} : memref<128xi32, #tpu.memory_space<vmem>>, vector<16xi32>,
    %get3A_1245 = arith.constant 0 : i32
    %get3A_1246 = arith.index_cast %get3A_1245 : i32 to index
    %get3A_1247 = arith.constant 64 : index
    %get3A_1248 = tpu.vector_load %arg5[%get3A_1246, %get3A_1247] {strides = array<i32>} : memref<6x128xi32, #tpu.memory_space<vmem>>, vector<16xi32>,
    %shift_left3A_1249 = arith.constant 8 : i32
    %shift_left3A_1250 = vector.broadcast %shift_left3A_1249 : i32 to vector<16xi32>
    %shift_left3A_1251 = arith.shli %get3A_1248, %shift_left3A_1250 : vector<16xi32>
    %get3A_1252 = arith.constant 1 : i32
    %get3A_1253 = arith.index_cast %get3A_1252 : i32 to index
    %get3A_1254 = arith.constant 64 : index
    %get3A_1255 = tpu.vector_load %arg5[%get3A_1253, %get3A_1254] {strides = array<i32>} : memref<6x128xi32, #tpu.memory_space<vmem>>, vector<16xi32>,
    %add3A_1256 = arith.addi %shift_left3A_1251, %get3A_1255 : vector<16xi32>
    %swap3A_1257 = arith.constant 64 : index
    %swap3A_1258 = tpu.vector_load %arg9[%swap3A_1257] {strides = array<i32>} : memref<128xi32, #tpu.memory_space<vmem>>, vector<16xi32>,
    tpu.vector_store %arg9[%swap3A_1257], %add3A_1256 {strides = array<i32>} : memref<128xi32, #tpu.memory_space<vmem>>, vector<16xi32>,
    %get3A_1259 = arith.constant 2 : i32
    %get3A_1260 = arith.index_cast %get3A_1259 : i32 to index
    %get3A_1261 = arith.constant 64 : index
    %get3A_1262 = tpu.vector_load %arg5[%get3A_1260, %get3A_1261] {strides = array<i32>} : memref<6x128xi32, #tpu.memory_space<vmem>>, vector<16xi32>,
    %shift_left3A_1263 = arith.constant 8 : i32
    %shift_left3A_1264 = vector.broadcast %shift_left3A_1263 : i32 to vector<16xi32>
    %shift_left3A_1265 = arith.shli %get3A_1262, %shift_left3A_1264 : vector<16xi32>
    %get3A_1266 = arith.constant 3 : i32
    %get3A_1267 = arith.index_cast %get3A_1266 : i32 to index
    %get3A_1268 = arith.constant 64 : index
    %get3A_1269 = tpu.vector_load %arg5[%get3A_1267, %get3A_1268] {strides = array<i32>} : memref<6x128xi32, #tpu.memory_space<vmem>>, vector<16xi32>,
    %add3A_1270 = arith.addi %shift_left3A_1265, %get3A_1269 : vector<16xi32>
    %swap3A_1271 = arith.constant 64 : index
    %swap3A_1272 = tpu.vector_load %arg10[%swap3A_1271] {strides = array<i32>} : memref<128xi32, #tpu.memory_space<vmem>>, vector<16xi32>,
    tpu.vector_store %arg10[%swap3A_1271], %add3A_1270 {strides = array<i32>} : memref<128xi32, #tpu.memory_space<vmem>>, vector<16xi32>,
    %get3A_1273 = arith.constant 4 : i32
    %get3A_1274 = arith.index_cast %get3A_1273 : i32 to index
    %get3A_1275 = arith.constant 64 : index
    %get3A_1276 = tpu.vector_load %arg5[%get3A_1274, %get3A_1275] {strides = array<i32>} : memref<6x128xi32, #tpu.memory_space<vmem>>, vector<16xi32>,
    %shift_left3A_1277 = arith.constant 8 : i32
    %shift_left3A_1278 = vector.broadcast %shift_left3A_1277 : i32 to vector<16xi32>
    %shift_left3A_1279 = arith.shli %get3A_1276, %shift_left3A_1278 : vector<16xi32>
    %get3A_1280 = arith.constant 5 : i32
    %get3A_1281 = arith.index_cast %get3A_1280 : i32 to index
    %get3A_1282 = arith.constant 64 : index
    %get3A_1283 = tpu.vector_load %arg5[%get3A_1281, %get3A_1282] {strides = array<i32>} : memref<6x128xi32, #tpu.memory_space<vmem>>, vector<16xi32>,
    %add3A_1284 = arith.addi %shift_left3A_1279, %get3A_1283 : vector<16xi32>
    %swap3A_1285 = arith.constant 64 : index
    %swap3A_1286 = tpu.vector_load %arg11[%swap3A_1285] {strides = array<i32>} : memref<128xi32, #tpu.memory_space<vmem>>, vector<16xi32>,
    tpu.vector_store %arg11[%swap3A_1285], %add3A_1284 {strides = array<i32>} : memref<128xi32, #tpu.memory_space<vmem>>, vector<16xi32>,
    %get3A_1287 = arith.constant 0 : i32
    %get3A_1288 = arith.index_cast %get3A_1287 : i32 to index
    %get3A_1289 = arith.constant 80 : index
    %get3A_1290 = tpu.vector_load %arg5[%get3A_1288, %get3A_1289] {strides = array<i32>} : memref<6x128xi32, #tpu.memory_space<vmem>>, vector<16xi32>,
    %shift_left3A_1291 = arith.constant 8 : i32
    %shift_left3A_1292 = vector.broadcast %shift_left3A_1291 : i32 to vector<16xi32>
    %shift_left3A_1293 = arith.shli %get3A_1290, %shift_left3A_1292 : vector<16xi32>
    %get3A_1294 = arith.constant 1 : i32
    %get3A_1295 = arith.index_cast %get3A_1294 : i32 to index
    %get3A_1296 = arith.constant 80 : index
    %get3A_1297 = tpu.vector_load %arg5[%get3A_1295, %get3A_1296] {strides = array<i32>} : memref<6x128xi32, #tpu.memory_space<vmem>>, vector<16xi32>,
    %add3A_1298 = arith.addi %shift_left3A_1293, %get3A_1297 : vector<16xi32>
    %swap3A_1299 = arith.constant 80 : index
    %swap3A_1300 = tpu.vector_load %arg9[%swap3A_1299] {strides = array<i32>} : memref<128xi32, #tpu.memory_space<vmem>>, vector<16xi32>,
    tpu.vector_store %arg9[%swap3A_1299], %add3A_1298 {strides = array<i32>} : memref<128xi32, #tpu.memory_space<vmem>>, vector<16xi32>,
    %get3A_1301 = arith.constant 2 : i32
    %get3A_1302 = arith.index_cast %get3A_1301 : i32 to index
    %get3A_1303 = arith.constant 80 : index
    %get3A_1304 = tpu.vector_load %arg5[%get3A_1302, %get3A_1303] {strides = array<i32>} : memref<6x128xi32, #tpu.memory_space<vmem>>, vector<16xi32>,
    %shift_left3A_1305 = arith.constant 8 : i32
    %shift_left3A_1306 = vector.broadcast %shift_left3A_1305 : i32 to vector<16xi32>
    %shift_left3A_1307 = arith.shli %get3A_1304, %shift_left3A_1306 : vector<16xi32>
    %get3A_1308 = arith.constant 3 : i32
    %get3A_1309 = arith.index_cast %get3A_1308 : i32 to index
    %get3A_1310 = arith.constant 80 : index
    %get3A_1311 = tpu.vector_load %arg5[%get3A_1309, %get3A_1310] {strides = array<i32>} : memref<6x128xi32, #tpu.memory_space<vmem>>, vector<16xi32>,
    %add3A_1312 = arith.addi %shift_left3A_1307, %get3A_1311 : vector<16xi32>
    %swap3A_1313 = arith.constant 80 : index
    %swap3A_1314 = tpu.vector_load %arg10[%swap3A_1313] {strides = array<i32>} : memref<128xi32, #tpu.memory_space<vmem>>, vector<16xi32>,
    tpu.vector_store %arg10[%swap3A_1313], %add3A_1312 {strides = array<i32>} : memref<128xi32, #tpu.memory_space<vmem>>, vector<16xi32>,
    %get3A_1315 = arith.constant 4 : i32
    %get3A_1316 = arith.index_cast %get3A_1315 : i32 to index
    %get3A_1317 = arith.constant 80 : index
    %get3A_1318 = tpu.vector_load %arg5[%get3A_1316, %get3A_1317] {strides = array<i32>} : memref<6x128xi32, #tpu.memory_space<vmem>>, vector<16xi32>,
    %shift_left3A_1319 = arith.constant 8 : i32
    %shift_left3A_1320 = vector.broadcast %shift_left3A_1319 : i32 to vector<16xi32>
    %shift_left3A_1321 = arith.shli %get3A_1318, %shift_left3A_1320 : vector<16xi32>
    %get3A_1322 = arith.constant 5 : i32
    %get3A_1323 = arith.index_cast %get3A_1322 : i32 to index
    %get3A_1324 = arith.constant 80 : index
    %get3A_1325 = tpu.vector_load %arg5[%get3A_1323, %get3A_1324] {strides = array<i32>} : memref<6x128xi32, #tpu.memory_space<vmem>>, vector<16xi32>,
    %add3A_1326 = arith.addi %shift_left3A_1321, %get3A_1325 : vector<16xi32>
    %swap3A_1327 = arith.constant 80 : index
    %swap3A_1328 = tpu.vector_load %arg11[%swap3A_1327] {strides = array<i32>} : memref<128xi32, #tpu.memory_space<vmem>>, vector<16xi32>,
    tpu.vector_store %arg11[%swap3A_1327], %add3A_1326 {strides = array<i32>} : memref<128xi32, #tpu.memory_space<vmem>>, vector<16xi32>,
    %get3A_1329 = arith.constant 0 : i32
    %get3A_1330 = arith.index_cast %get3A_1329 : i32 to index
    %get3A_1331 = arith.constant 96 : index
    %get3A_1332 = tpu.vector_load %arg5[%get3A_1330, %get3A_1331] {strides = array<i32>} : memref<6x128xi32, #tpu.memory_space<vmem>>, vector<16xi32>,
    %shift_left3A_1333 = arith.constant 8 : i32
    %shift_left3A_1334 = vector.broadcast %shift_left3A_1333 : i32 to vector<16xi32>
    %shift_left3A_1335 = arith.shli %get3A_1332, %shift_left3A_1334 : vector<16xi32>
    %get3A_1336 = arith.constant 1 : i32
    %get3A_1337 = arith.index_cast %get3A_1336 : i32 to index
    %get3A_1338 = arith.constant 96 : index
    %get3A_1339 = tpu.vector_load %arg5[%get3A_1337, %get3A_1338] {strides = array<i32>} : memref<6x128xi32, #tpu.memory_space<vmem>>, vector<16xi32>,
    %add3A_1340 = arith.addi %shift_left3A_1335, %get3A_1339 : vector<16xi32>
    %swap3A_1341 = arith.constant 96 : index
    %swap3A_1342 = tpu.vector_load %arg9[%swap3A_1341] {strides = array<i32>} : memref<128xi32, #tpu.memory_space<vmem>>, vector<16xi32>,
    tpu.vector_store %arg9[%swap3A_1341], %add3A_1340 {strides = array<i32>} : memref<128xi32, #tpu.memory_space<vmem>>, vector<16xi32>,
    %get3A_1343 = arith.constant 2 : i32
    %get3A_1344 = arith.index_cast %get3A_1343 : i32 to index
    %get3A_1345 = arith.constant 96 : index
    %get3A_1346 = tpu.vector_load %arg5[%get3A_1344, %get3A_1345] {strides = array<i32>} : memref<6x128xi32, #tpu.memory_space<vmem>>, vector<16xi32>,
    %shift_left3A_1347 = arith.constant 8 : i32
    %shift_left3A_1348 = vector.broadcast %shift_left3A_1347 : i32 to vector<16xi32>
    %shift_left3A_1349 = arith.shli %get3A_1346, %shift_left3A_1348 : vector<16xi32>
    %get3A_1350 = arith.constant 3 : i32
    %get3A_1351 = arith.index_cast %get3A_1350 : i32 to index
    %get3A_1352 = arith.constant 96 : index
    %get3A_1353 = tpu.vector_load %arg5[%get3A_1351, %get3A_1352] {strides = array<i32>} : memref<6x128xi32, #tpu.memory_space<vmem>>, vector<16xi32>,
    %add3A_1354 = arith.addi %shift_left3A_1349, %get3A_1353 : vector<16xi32>
    %swap3A_1355 = arith.constant 96 : index
    %swap3A_1356 = tpu.vector_load %arg10[%swap3A_1355] {strides = array<i32>} : memref<128xi32, #tpu.memory_space<vmem>>, vector<16xi32>,
    tpu.vector_store %arg10[%swap3A_1355], %add3A_1354 {strides = array<i32>} : memref<128xi32, #tpu.memory_space<vmem>>, vector<16xi32>,
    %get3A_1357 = arith.constant 4 : i32
    %get3A_1358 = arith.index_cast %get3A_1357 : i32 to index
    %get3A_1359 = arith.constant 96 : index
    %get3A_1360 = tpu.vector_load %arg5[%get3A_1358, %get3A_1359] {strides = array<i32>} : memref<6x128xi32, #tpu.memory_space<vmem>>, vector<16xi32>,
    %shift_left3A_1361 = arith.constant 8 : i32
    %shift_left3A_1362 = vector.broadcast %shift_left3A_1361 : i32 to vector<16xi32>
    %shift_left3A_1363 = arith.shli %get3A_1360, %shift_left3A_1362 : vector<16xi32>
    %get3A_1364 = arith.constant 5 : i32
    %get3A_1365 = arith.index_cast %get3A_1364 : i32 to index
    %get3A_1366 = arith.constant 96 : index
    %get3A_1367 = tpu.vector_load %arg5[%get3A_1365, %get3A_1366] {strides = array<i32>} : memref<6x128xi32, #tpu.memory_space<vmem>>, vector<16xi32>,
    %add3A_1368 = arith.addi %shift_left3A_1363, %get3A_1367 : vector<16xi32>
    %swap3A_1369 = arith.constant 96 : index
    %swap3A_1370 = tpu.vector_load %arg11[%swap3A_1369] {strides = array<i32>} : memref<128xi32, #tpu.memory_space<vmem>>, vector<16xi32>,
    tpu.vector_store %arg11[%swap3A_1369], %add3A_1368 {strides = array<i32>} : memref<128xi32, #tpu.memory_space<vmem>>, vector<16xi32>,
    %get3A_1371 = arith.constant 0 : i32
    %get3A_1372 = arith.index_cast %get3A_1371 : i32 to index
    %get3A_1373 = arith.constant 112 : index
    %get3A_1374 = tpu.vector_load %arg5[%get3A_1372, %get3A_1373] {strides = array<i32>} : memref<6x128xi32, #tpu.memory_space<vmem>>, vector<16xi32>,
    %shift_left3A_1375 = arith.constant 8 : i32
    %shift_left3A_1376 = vector.broadcast %shift_left3A_1375 : i32 to vector<16xi32>
    %shift_left3A_1377 = arith.shli %get3A_1374, %shift_left3A_1376 : vector<16xi32>
    %get3A_1378 = arith.constant 1 : i32
    %get3A_1379 = arith.index_cast %get3A_1378 : i32 to index
    %get3A_1380 = arith.constant 112 : index
    %get3A_1381 = tpu.vector_load %arg5[%get3A_1379, %get3A_1380] {strides = array<i32>} : memref<6x128xi32, #tpu.memory_space<vmem>>, vector<16xi32>,
    %add3A_1382 = arith.addi %shift_left3A_1377, %get3A_1381 : vector<16xi32>
    %swap3A_1383 = arith.constant 112 : index
    %swap3A_1384 = tpu.vector_load %arg9[%swap3A_1383] {strides = array<i32>} : memref<128xi32, #tpu.memory_space<vmem>>, vector<16xi32>,
    tpu.vector_store %arg9[%swap3A_1383], %add3A_1382 {strides = array<i32>} : memref<128xi32, #tpu.memory_space<vmem>>, vector<16xi32>,
    %get3A_1385 = arith.constant 2 : i32
    %get3A_1386 = arith.index_cast %get3A_1385 : i32 to index
    %get3A_1387 = arith.constant 112 : index
    %get3A_1388 = tpu.vector_load %arg5[%get3A_1386, %get3A_1387] {strides = array<i32>} : memref<6x128xi32, #tpu.memory_space<vmem>>, vector<16xi32>,
    %shift_left3A_1389 = arith.constant 8 : i32
    %shift_left3A_1390 = vector.broadcast %shift_left3A_1389 : i32 to vector<16xi32>
    %shift_left3A_1391 = arith.shli %get3A_1388, %shift_left3A_1390 : vector<16xi32>
    %get3A_1392 = arith.constant 3 : i32
    %get3A_1393 = arith.index_cast %get3A_1392 : i32 to index
    %get3A_1394 = arith.constant 112 : index
    %get3A_1395 = tpu.vector_load %arg5[%get3A_1393, %get3A_1394] {strides = array<i32>} : memref<6x128xi32, #tpu.memory_space<vmem>>, vector<16xi32>,
    %add3A_1396 = arith.addi %shift_left3A_1391, %get3A_1395 : vector<16xi32>
    %swap3A_1397 = arith.constant 112 : index
    %swap3A_1398 = tpu.vector_load %arg10[%swap3A_1397] {strides = array<i32>} : memref<128xi32, #tpu.memory_space<vmem>>, vector<16xi32>,
    tpu.vector_store %arg10[%swap3A_1397], %add3A_1396 {strides = array<i32>} : memref<128xi32, #tpu.memory_space<vmem>>, vector<16xi32>,
    %get3A_1399 = arith.constant 4 : i32
    %get3A_1400 = arith.index_cast %get3A_1399 : i32 to index
    %get3A_1401 = arith.constant 112 : index
    %get3A_1402 = tpu.vector_load %arg5[%get3A_1400, %get3A_1401] {strides = array<i32>} : memref<6x128xi32, #tpu.memory_space<vmem>>, vector<16xi32>,
    %shift_left3A_1403 = arith.constant 8 : i32
    %shift_left3A_1404 = vector.broadcast %shift_left3A_1403 : i32 to vector<16xi32>
    %shift_left3A_1405 = arith.shli %get3A_1402, %shift_left3A_1404 : vector<16xi32>
    %get3A_1406 = arith.constant 5 : i32
    %get3A_1407 = arith.index_cast %get3A_1406 : i32 to index
    %get3A_1408 = arith.constant 112 : index
    %get3A_1409 = tpu.vector_load %arg5[%get3A_1407, %get3A_1408] {strides = array<i32>} : memref<6x128xi32, #tpu.memory_space<vmem>>, vector<16xi32>,
    %add3A_1410 = arith.addi %shift_left3A_1405, %get3A_1409 : vector<16xi32>
    %swap3A_1411 = arith.constant 112 : index
    %swap3A_1412 = tpu.vector_load %arg11[%swap3A_1411] {strides = array<i32>} : memref<128xi32, #tpu.memory_space<vmem>>, vector<16xi32>,
    tpu.vector_store %arg11[%swap3A_1411], %add3A_1410 {strides = array<i32>} : memref<128xi32, #tpu.memory_space<vmem>>, vector<16xi32>,
    %dma_start3A_1413 = arith.constant 0 : i32
    %dma_start3A_1414 = arith.constant 0 : i32
    %dma_start3A_1415 = tpu.memref_slice %arg2[%dma_start3A_1413, %dma_start3A_1414] : memref<65536x128xf32, #tpu.memory_space<hbm>> -> memref<65536x128xf32, #tpu.memory_space<hbm>>
    tpu.enqueue_indirect_dma source(%dma_start3A_1415 : memref<65536x128xf32, #tpu.memory_space<hbm>>) target(%arg15 : memref<128x128xf32, #tpu.memory_space<vmem>>) offsets(%arg9 : memref<128xi32, #tpu.memory_space<vmem>>) semaphore(%arg23 : memref<!tpu.dma_semaphore, #tpu.memory_space<semaphore_mem>>)
    %dma_start3A_1416 = arith.constant 0 : i32
    %dma_start3A_1417 = arith.constant 0 : i32
    %dma_start3A_1418 = tpu.memref_slice %arg2[%dma_start3A_1416, %dma_start3A_1417] : memref<65536x128xf32, #tpu.memory_space<hbm>> -> memref<65536x128xf32, #tpu.memory_space<hbm>>
    tpu.enqueue_indirect_dma source(%dma_start3A_1418 : memref<65536x128xf32, #tpu.memory_space<hbm>>) target(%arg16 : memref<128x128xf32, #tpu.memory_space<vmem>>) offsets(%arg10 : memref<128xi32, #tpu.memory_space<vmem>>) semaphore(%arg23 : memref<!tpu.dma_semaphore, #tpu.memory_space<semaphore_mem>>)
    %dma_start3A_1419 = arith.constant 0 : i32
    %dma_start3A_1420 = arith.constant 0 : i32
    %dma_start3A_1421 = tpu.memref_slice %arg2[%dma_start3A_1419, %dma_start3A_1420] : memref<65536x128xf32, #tpu.memory_space<hbm>> -> memref<65536x128xf32, #tpu.memory_space<hbm>>
    tpu.enqueue_indirect_dma source(%dma_start3A_1421 : memref<65536x128xf32, #tpu.memory_space<hbm>>) target(%arg17 : memref<128x128xf32, #tpu.memory_space<vmem>>) offsets(%arg11 : memref<128xi32, #tpu.memory_space<vmem>>) semaphore(%arg23 : memref<!tpu.dma_semaphore, #tpu.memory_space<semaphore_mem>>)
    %dma_wait3A_1422 = arith.constant 0 : i32
    %dma_wait3A_1423 = arith.constant 0 : i32
    %dma_wait3A_1424 = tpu.memref_slice %arg2[%dma_wait3A_1422, %dma_wait3A_1423] : memref<65536x128xf32, #tpu.memory_space<hbm>> -> memref<65536x128xf32, #tpu.memory_space<hbm>>
    tpu.wait_indirect_dma semaphore(%arg22 : memref<!tpu.dma_semaphore, #tpu.memory_space<semaphore_mem>>) src(%dma_wait3A_1424 : memref<65536x128xf32, #tpu.memory_space<hbm>>) dst(%arg12 : memref<128x128xf32, #tpu.memory_space<vmem>>)
    %dma_wait3A_1425 = arith.constant 0 : i32
    %dma_wait3A_1426 = arith.constant 0 : i32
    %dma_wait3A_1427 = tpu.memref_slice %arg2[%dma_wait3A_1425, %dma_wait3A_1426] : memref<65536x128xf32, #tpu.memory_space<hbm>> -> memref<65536x128xf32, #tpu.memory_space<hbm>>
    tpu.wait_indirect_dma semaphore(%arg22 : memref<!tpu.dma_semaphore, #tpu.memory_space<semaphore_mem>>) src(%dma_wait3A_1427 : memref<65536x128xf32, #tpu.memory_space<hbm>>) dst(%arg13 : memref<128x128xf32, #tpu.memory_space<vmem>>)
    %dma_wait3A_1428 = arith.constant 0 : i32
    %dma_wait3A_1429 = arith.constant 0 : i32
    %dma_wait3A_1430 = tpu.memref_slice %arg2[%dma_wait3A_1428, %dma_wait3A_1429] : memref<65536x128xf32, #tpu.memory_space<hbm>> -> memref<65536x128xf32, #tpu.memory_space<hbm>>
    tpu.wait_indirect_dma semaphore(%arg22 : memref<!tpu.dma_semaphore, #tpu.memory_space<semaphore_mem>>) src(%dma_wait3A_1430 : memref<65536x128xf32, #tpu.memory_space<hbm>>) dst(%arg14 : memref<128x128xf32, #tpu.memory_space<vmem>>)
    %scan3A_1431 = arith.constant 0 : i32
    %scan3A_1432 = arith.constant 128 : i32
    %scan3A_1433 = arith.addi %scan3A_1431, %scan3A_1432 : i32
    %scan3A_1434 = arith.constant 1 : i32
    %scan3A_1435 = scf.for %scan3A_1459 = %scan3A_1431 to %scan3A_1433 step %scan3A_1434 iter_args(%scan3A_1460 = %scan3A_1071) -> (vector<16xf32>)  : i32 {
      %get3A_1461 = arith.index_cast %scan3A_1459 : i32 to index
      %get3A_1462 = arith.constant 0 : index
      %get3A_1463 = tpu.vector_load %arg13[%get3A_1461, %get3A_1462] {strides = array<i32>} : memref<128x128xf32, #tpu.memory_space<vmem>>, vector<16xf32>,
      %get3A_1464 = arith.index_cast %scan3A_1459 : i32 to index
      %get3A_1465 = arith.constant 0 : index
      %get3A_1466 = tpu.vector_load %arg12[%get3A_1464, %get3A_1465] {strides = array<i32>} : memref<128x128xf32, #tpu.memory_space<vmem>>, vector<16xf32>,
      %sub3A = arith.subf %get3A_1463, %get3A_1466 : vector<16xf32>
      %get3A_1467 = arith.index_cast %scan3A_1459 : i32 to index
      %get3A_1468 = arith.constant 16 : index
      %get3A_1469 = tpu.vector_load %arg13[%get3A_1467, %get3A_1468] {strides = array<i32>} : memref<128x128xf32, #tpu.memory_space<vmem>>, vector<16xf32>,
      %get3A_1470 = arith.index_cast %scan3A_1459 : i32 to index
      %get3A_1471 = arith.constant 16 : index
      %get3A_1472 = tpu.vector_load %arg12[%get3A_1470, %get3A_1471] {strides = array<i32>} : memref<128x128xf32, #tpu.memory_space<vmem>>, vector<16xf32>,
      %sub3A_1473 = arith.subf %get3A_1469, %get3A_1472 : vector<16xf32>
      %get3A_1474 = arith.index_cast %scan3A_1459 : i32 to index
      %get3A_1475 = arith.constant 32 : index
      %get3A_1476 = tpu.vector_load %arg13[%get3A_1474, %get3A_1475] {strides = array<i32>} : memref<128x128xf32, #tpu.memory_space<vmem>>, vector<16xf32>,
      %get3A_1477 = arith.index_cast %scan3A_1459 : i32 to index
      %get3A_1478 = arith.constant 32 : index
      %get3A_1479 = tpu.vector_load %arg12[%get3A_1477, %get3A_1478] {strides = array<i32>} : memref<128x128xf32, #tpu.memory_space<vmem>>, vector<16xf32>,
      %sub3A_1480 = arith.subf %get3A_1476, %get3A_1479 : vector<16xf32>
      %get3A_1481 = arith.index_cast %scan3A_1459 : i32 to index
      %get3A_1482 = arith.constant 0 : index
      %get3A_1483 = tpu.vector_load %arg14[%get3A_1481, %get3A_1482] {strides = array<i32>} : memref<128x128xf32, #tpu.memory_space<vmem>>, vector<16xf32>,
      %get3A_1484 = arith.index_cast %scan3A_1459 : i32 to index
      %get3A_1485 = arith.constant 0 : index
      %get3A_1486 = tpu.vector_load %arg12[%get3A_1484, %get3A_1485] {strides = array<i32>} : memref<128x128xf32, #tpu.memory_space<vmem>>, vector<16xf32>,
      %sub3A_1487 = arith.subf %get3A_1483, %get3A_1486 : vector<16xf32>
      %get3A_1488 = arith.index_cast %scan3A_1459 : i32 to index
      %get3A_1489 = arith.constant 16 : index
      %get3A_1490 = tpu.vector_load %arg14[%get3A_1488, %get3A_1489] {strides = array<i32>} : memref<128x128xf32, #tpu.memory_space<vmem>>, vector<16xf32>,
      %get3A_1491 = arith.index_cast %scan3A_1459 : i32 to index
      %get3A_1492 = arith.constant 16 : index
      %get3A_1493 = tpu.vector_load %arg12[%get3A_1491, %get3A_1492] {strides = array<i32>} : memref<128x128xf32, #tpu.memory_space<vmem>>, vector<16xf32>,
      %sub3A_1494 = arith.subf %get3A_1490, %get3A_1493 : vector<16xf32>
      %get3A_1495 = arith.index_cast %scan3A_1459 : i32 to index
      %get3A_1496 = arith.constant 32 : index
      %get3A_1497 = tpu.vector_load %arg14[%get3A_1495, %get3A_1496] {strides = array<i32>} : memref<128x128xf32, #tpu.memory_space<vmem>>, vector<16xf32>,
      %get3A_1498 = arith.index_cast %scan3A_1459 : i32 to index
      %get3A_1499 = arith.constant 32 : index
      %get3A_1500 = tpu.vector_load %arg12[%get3A_1498, %get3A_1499] {strides = array<i32>} : memref<128x128xf32, #tpu.memory_space<vmem>>, vector<16xf32>,
      %sub3A_1501 = arith.subf %get3A_1497, %get3A_1500 : vector<16xf32>
      %get3A_1502 = arith.index_cast %scan3A_1459 : i32 to index
      %get3A_1503 = arith.constant 0 : index
      %get3A_1504 = tpu.vector_load %arg14[%get3A_1502, %get3A_1503] {strides = array<i32>} : memref<128x128xf32, #tpu.memory_space<vmem>>, vector<16xf32>,
      %get3A_1505 = arith.index_cast %scan3A_1459 : i32 to index
      %get3A_1506 = arith.constant 0 : index
      %get3A_1507 = tpu.vector_load %arg13[%get3A_1505, %get3A_1506] {strides = array<i32>} : memref<128x128xf32, #tpu.memory_space<vmem>>, vector<16xf32>,
      %sub3A_1508 = arith.subf %get3A_1504, %get3A_1507 : vector<16xf32>
      %get3A_1509 = arith.index_cast %scan3A_1459 : i32 to index
      %get3A_1510 = arith.constant 16 : index
      %get3A_1511 = tpu.vector_load %arg14[%get3A_1509, %get3A_1510] {strides = array<i32>} : memref<128x128xf32, #tpu.memory_space<vmem>>, vector<16xf32>,
      %get3A_1512 = arith.index_cast %scan3A_1459 : i32 to index
      %get3A_1513 = arith.constant 16 : index
      %get3A_1514 = tpu.vector_load %arg13[%get3A_1512, %get3A_1513] {strides = array<i32>} : memref<128x128xf32, #tpu.memory_space<vmem>>, vector<16xf32>,
      %sub3A_1515 = arith.subf %get3A_1511, %get3A_1514 : vector<16xf32>
      %get3A_1516 = arith.index_cast %scan3A_1459 : i32 to index
      %get3A_1517 = arith.constant 32 : index
      %get3A_1518 = tpu.vector_load %arg14[%get3A_1516, %get3A_1517] {strides = array<i32>} : memref<128x128xf32, #tpu.memory_space<vmem>>, vector<16xf32>,
      %get3A_1519 = arith.index_cast %scan3A_1459 : i32 to index
      %get3A_1520 = arith.constant 32 : index
      %get3A_1521 = tpu.vector_load %arg13[%get3A_1519, %get3A_1520] {strides = array<i32>} : memref<128x128xf32, #tpu.memory_space<vmem>>, vector<16xf32>,
      %sub3A_1522 = arith.subf %get3A_1518, %get3A_1521 : vector<16xf32>
      %get3A_1523 = arith.index_cast %scan3A_1459 : i32 to index
      %get3A_1524 = arith.constant 48 : index
      %get3A_1525 = tpu.vector_load %arg13[%get3A_1523, %get3A_1524] {strides = array<i32>} : memref<128x128xf32, #tpu.memory_space<vmem>>, vector<16xf32>,
      %get3A_1526 = arith.index_cast %scan3A_1459 : i32 to index
      %get3A_1527 = arith.constant 48 : index
      %get3A_1528 = tpu.vector_load %arg12[%get3A_1526, %get3A_1527] {strides = array<i32>} : memref<128x128xf32, #tpu.memory_space<vmem>>, vector<16xf32>,
      %sub3A_1529 = arith.subf %get3A_1525, %get3A_1528 : vector<16xf32>
      %get3A_1530 = arith.index_cast %scan3A_1459 : i32 to index
      %get3A_1531 = arith.constant 64 : index
      %get3A_1532 = tpu.vector_load %arg13[%get3A_1530, %get3A_1531] {strides = array<i32>} : memref<128x128xf32, #tpu.memory_space<vmem>>, vector<16xf32>,
      %get3A_1533 = arith.index_cast %scan3A_1459 : i32 to index
      %get3A_1534 = arith.constant 64 : index
      %get3A_1535 = tpu.vector_load %arg12[%get3A_1533, %get3A_1534] {strides = array<i32>} : memref<128x128xf32, #tpu.memory_space<vmem>>, vector<16xf32>,
      %sub3A_1536 = arith.subf %get3A_1532, %get3A_1535 : vector<16xf32>
      %get3A_1537 = arith.index_cast %scan3A_1459 : i32 to index
      %get3A_1538 = arith.constant 80 : index
      %get3A_1539 = tpu.vector_load %arg13[%get3A_1537, %get3A_1538] {strides = array<i32>} : memref<128x128xf32, #tpu.memory_space<vmem>>, vector<16xf32>,
      %get3A_1540 = arith.index_cast %scan3A_1459 : i32 to index
      %get3A_1541 = arith.constant 80 : index
      %get3A_1542 = tpu.vector_load %arg12[%get3A_1540, %get3A_1541] {strides = array<i32>} : memref<128x128xf32, #tpu.memory_space<vmem>>, vector<16xf32>,
      %sub3A_1543 = arith.subf %get3A_1539, %get3A_1542 : vector<16xf32>
      %get3A_1544 = arith.index_cast %scan3A_1459 : i32 to index
      %get3A_1545 = arith.constant 48 : index
      %get3A_1546 = tpu.vector_load %arg14[%get3A_1544, %get3A_1545] {strides = array<i32>} : memref<128x128xf32, #tpu.memory_space<vmem>>, vector<16xf32>,
      %get3A_1547 = arith.index_cast %scan3A_1459 : i32 to index
      %get3A_1548 = arith.constant 48 : index
      %get3A_1549 = tpu.vector_load %arg12[%get3A_1547, %get3A_1548] {strides = array<i32>} : memref<128x128xf32, #tpu.memory_space<vmem>>, vector<16xf32>,
      %sub3A_1550 = arith.subf %get3A_1546, %get3A_1549 : vector<16xf32>
      %get3A_1551 = arith.index_cast %scan3A_1459 : i32 to index
      %get3A_1552 = arith.constant 64 : index
      %get3A_1553 = tpu.vector_load %arg14[%get3A_1551, %get3A_1552] {strides = array<i32>} : memref<128x128xf32, #tpu.memory_space<vmem>>, vector<16xf32>,
      %get3A_1554 = arith.index_cast %scan3A_1459 : i32 to index
      %get3A_1555 = arith.constant 64 : index
      %get3A_1556 = tpu.vector_load %arg12[%get3A_1554, %get3A_1555] {strides = array<i32>} : memref<128x128xf32, #tpu.memory_space<vmem>>, vector<16xf32>,
      %sub3A_1557 = arith.subf %get3A_1553, %get3A_1556 : vector<16xf32>
      %get3A_1558 = arith.index_cast %scan3A_1459 : i32 to index
      %get3A_1559 = arith.constant 80 : index
      %get3A_1560 = tpu.vector_load %arg14[%get3A_1558, %get3A_1559] {strides = array<i32>} : memref<128x128xf32, #tpu.memory_space<vmem>>, vector<16xf32>,
      %get3A_1561 = arith.index_cast %scan3A_1459 : i32 to index
      %get3A_1562 = arith.constant 80 : index
      %get3A_1563 = tpu.vector_load %arg12[%get3A_1561, %get3A_1562] {strides = array<i32>} : memref<128x128xf32, #tpu.memory_space<vmem>>, vector<16xf32>,
      %sub3A_1564 = arith.subf %get3A_1560, %get3A_1563 : vector<16xf32>
      %mul3A_1565 = arith.mulf %sub3A_1536, %sub3A_1564 : vector<16xf32>
      %mul3A_1566 = arith.mulf %sub3A_1543, %sub3A_1557 : vector<16xf32>
      %sub3A_1567 = arith.subf %mul3A_1565, %mul3A_1566 : vector<16xf32>
      %mul3A_1568 = arith.mulf %sub3A_1543, %sub3A_1550 : vector<16xf32>
      %mul3A_1569 = arith.mulf %sub3A_1529, %sub3A_1564 : vector<16xf32>
      %sub3A_1570 = arith.subf %mul3A_1568, %mul3A_1569 : vector<16xf32>
      %mul3A_1571 = arith.mulf %sub3A_1529, %sub3A_1557 : vector<16xf32>
      %mul3A_1572 = arith.mulf %sub3A_1536, %sub3A_1550 : vector<16xf32>
      %sub3A_1573 = arith.subf %mul3A_1571, %mul3A_1572 : vector<16xf32>
      %mul3A_1574 = arith.mulf %sub3A_1567, %sub3A_1567 : vector<16xf32>
      %mul3A_1575 = arith.mulf %sub3A_1570, %sub3A_1570 : vector<16xf32>
      %add3A_1576 = arith.addf %mul3A_1574, %mul3A_1575 : vector<16xf32>
      %mul3A_1577 = arith.mulf %sub3A_1573, %sub3A_1573 : vector<16xf32>
      %add3A_1578 = arith.addf %add3A_1576, %mul3A_1577 : vector<16xf32>
      %bitcast_convert_type3A = tpu.bitcast %add3A_1578 : vector<16xf32> -> vector<16xi32>
      %shift_right_arithmetic3A = arith.constant 1 : i32
      %shift_right_arithmetic3A_1579 = vector.broadcast %shift_right_arithmetic3A : i32 to vector<16xi32>
      %shift_right_arithmetic3A_1580 = arith.shrsi %bitcast_convert_type3A, %shift_right_arithmetic3A_1579 : vector<16xi32>
      %sub3A_1581 = arith.constant 1597463007 : i32
      %sub3A_1582 = vector.broadcast %sub3A_1581 : i32 to vector<16xi32>
      %sub3A_1583 = arith.subi %sub3A_1582, %shift_right_arithmetic3A_1580 : vector<16xi32>
      %bitcast_convert_type3A_1584 = tpu.bitcast %sub3A_1583 : vector<16xi32> -> vector<16xf32>
      %mul3A_1585 = arith.constant -5.000000e-01 : f32
      %mul3A_1586 = vector.broadcast %mul3A_1585 : f32 to vector<16xf32>
      %mul3A_1587 = arith.mulf %add3A_1578, %mul3A_1586 : vector<16xf32>
      %mul3A_1588 = arith.mulf %mul3A_1587, %bitcast_convert_type3A_1584 : vector<16xf32>
      %mul3A_1589 = arith.mulf %mul3A_1588, %bitcast_convert_type3A_1584 : vector<16xf32>
      %add3A_1590 = arith.constant 1.500000e+00 : f32
      %add3A_1591 = vector.broadcast %add3A_1590 : f32 to vector<16xf32>
      %add3A_1592 = arith.addf %add3A_1591, %mul3A_1589 : vector<16xf32>
      %mul3A_1593 = arith.mulf %bitcast_convert_type3A_1584, %add3A_1592 : vector<16xf32>
      %mul3A_1594 = arith.mulf %mul3A_1587, %mul3A_1593 : vector<16xf32>
      %mul3A_1595 = arith.mulf %mul3A_1594, %mul3A_1593 : vector<16xf32>
      %add3A_1596 = arith.constant 1.500000e+00 : f32
      %add3A_1597 = vector.broadcast %add3A_1596 : f32 to vector<16xf32>
      %add3A_1598 = arith.addf %add3A_1597, %mul3A_1595 : vector<16xf32>
      %mul3A_1599 = arith.mulf %mul3A_1593, %add3A_1598 : vector<16xf32>
      %lt3A = arith.constant 1.000000e-24 : f32
      %lt3A_1600 = vector.broadcast %lt3A : f32 to vector<16xf32>
      %lt3A_1601 = arith.cmpf olt, %add3A_1578, %lt3A_1600 : vector<16xf32>
      %jit3A = arith.constant 9.99999995E+11 : f32
      %broadcast_in_dim3A_1602 = vector.broadcast %jit3A : f32 to vector<16xf32>
      %select_n3A = arith.select %lt3A_1601, %broadcast_in_dim3A_1602, %mul3A_1599 : vector<16xi1>, vector<16xf32>
      %mul3A_1603 = arith.mulf %sub3A, %sub3A : vector<16xf32>
      %mul3A_1604 = arith.mulf %sub3A_1473, %sub3A_1473 : vector<16xf32>
      %add3A_1605 = arith.addf %mul3A_1603, %mul3A_1604 : vector<16xf32>
      %mul3A_1606 = arith.mulf %sub3A_1480, %sub3A_1480 : vector<16xf32>
      %add3A_1607 = arith.addf %add3A_1605, %mul3A_1606 : vector<16xf32>
      %bitcast_convert_type3A_1608 = tpu.bitcast %add3A_1607 : vector<16xf32> -> vector<16xi32>
      %shift_right_arithmetic3A_1609 = arith.constant 1 : i32
      %shift_right_arithmetic3A_1610 = vector.broadcast %shift_right_arithmetic3A_1609 : i32 to vector<16xi32>
      %shift_right_arithmetic3A_1611 = arith.shrsi %bitcast_convert_type3A_1608, %shift_right_arithmetic3A_1610 : vector<16xi32>
      %sub3A_1612 = arith.constant 1597463007 : i32
      %sub3A_1613 = vector.broadcast %sub3A_1612 : i32 to vector<16xi32>
      %sub3A_1614 = arith.subi %sub3A_1613, %shift_right_arithmetic3A_1611 : vector<16xi32>
      %bitcast_convert_type3A_1615 = tpu.bitcast %sub3A_1614 : vector<16xi32> -> vector<16xf32>
      %mul3A_1616 = arith.constant -5.000000e-01 : f32
      %mul3A_1617 = vector.broadcast %mul3A_1616 : f32 to vector<16xf32>
      %mul3A_1618 = arith.mulf %add3A_1607, %mul3A_1617 : vector<16xf32>
      %mul3A_1619 = arith.mulf %mul3A_1618, %bitcast_convert_type3A_1615 : vector<16xf32>
      %mul3A_1620 = arith.mulf %mul3A_1619, %bitcast_convert_type3A_1615 : vector<16xf32>
      %add3A_1621 = arith.constant 1.500000e+00 : f32
      %add3A_1622 = vector.broadcast %add3A_1621 : f32 to vector<16xf32>
      %add3A_1623 = arith.addf %add3A_1622, %mul3A_1620 : vector<16xf32>
      %mul3A_1624 = arith.mulf %bitcast_convert_type3A_1615, %add3A_1623 : vector<16xf32>
      %mul3A_1625 = arith.mulf %mul3A_1618, %mul3A_1624 : vector<16xf32>
      %mul3A_1626 = arith.mulf %mul3A_1625, %mul3A_1624 : vector<16xf32>
      %add3A_1627 = arith.constant 1.500000e+00 : f32
      %add3A_1628 = vector.broadcast %add3A_1627 : f32 to vector<16xf32>
      %add3A_1629 = arith.addf %add3A_1628, %mul3A_1626 : vector<16xf32>
      %mul3A_1630 = arith.mulf %mul3A_1624, %add3A_1629 : vector<16xf32>
      %lt3A_1631 = arith.constant 1.000000e-24 : f32
      %lt3A_1632 = vector.broadcast %lt3A_1631 : f32 to vector<16xf32>
      %lt3A_1633 = arith.cmpf olt, %add3A_1607, %lt3A_1632 : vector<16xf32>
      %jit3A_1634 = arith.constant 9.99999995E+11 : f32
      %broadcast_in_dim3A_1635 = vector.broadcast %jit3A_1634 : f32 to vector<16xf32>
      %select_n3A_1636 = arith.select %lt3A_1633, %broadcast_in_dim3A_1635, %mul3A_1630 : vector<16xi1>, vector<16xf32>
      %mul3A_1637 = arith.mulf %sub3A_1487, %sub3A_1487 : vector<16xf32>
      %mul3A_1638 = arith.mulf %sub3A_1494, %sub3A_1494 : vector<16xf32>
      %add3A_1639 = arith.addf %mul3A_1637, %mul3A_1638 : vector<16xf32>
      %mul3A_1640 = arith.mulf %sub3A_1501, %sub3A_1501 : vector<16xf32>
      %add3A_1641 = arith.addf %add3A_1639, %mul3A_1640 : vector<16xf32>
      %bitcast_convert_type3A_1642 = tpu.bitcast %add3A_1641 : vector<16xf32> -> vector<16xi32>
      %shift_right_arithmetic3A_1643 = arith.constant 1 : i32
      %shift_right_arithmetic3A_1644 = vector.broadcast %shift_right_arithmetic3A_1643 : i32 to vector<16xi32>
      %shift_right_arithmetic3A_1645 = arith.shrsi %bitcast_convert_type3A_1642, %shift_right_arithmetic3A_1644 : vector<16xi32>
      %sub3A_1646 = arith.constant 1597463007 : i32
      %sub3A_1647 = vector.broadcast %sub3A_1646 : i32 to vector<16xi32>
      %sub3A_1648 = arith.subi %sub3A_1647, %shift_right_arithmetic3A_1645 : vector<16xi32>
      %bitcast_convert_type3A_1649 = tpu.bitcast %sub3A_1648 : vector<16xi32> -> vector<16xf32>
      %mul3A_1650 = arith.constant -5.000000e-01 : f32
      %mul3A_1651 = vector.broadcast %mul3A_1650 : f32 to vector<16xf32>
      %mul3A_1652 = arith.mulf %add3A_1641, %mul3A_1651 : vector<16xf32>
      %mul3A_1653 = arith.mulf %mul3A_1652, %bitcast_convert_type3A_1649 : vector<16xf32>
      %mul3A_1654 = arith.mulf %mul3A_1653, %bitcast_convert_type3A_1649 : vector<16xf32>
      %add3A_1655 = arith.constant 1.500000e+00 : f32
      %add3A_1656 = vector.broadcast %add3A_1655 : f32 to vector<16xf32>
      %add3A_1657 = arith.addf %add3A_1656, %mul3A_1654 : vector<16xf32>
      %mul3A_1658 = arith.mulf %bitcast_convert_type3A_1649, %add3A_1657 : vector<16xf32>
      %mul3A_1659 = arith.mulf %mul3A_1652, %mul3A_1658 : vector<16xf32>
      %mul3A_1660 = arith.mulf %mul3A_1659, %mul3A_1658 : vector<16xf32>
      %add3A_1661 = arith.constant 1.500000e+00 : f32
      %add3A_1662 = vector.broadcast %add3A_1661 : f32 to vector<16xf32>
      %add3A_1663 = arith.addf %add3A_1662, %mul3A_1660 : vector<16xf32>
      %mul3A_1664 = arith.mulf %mul3A_1658, %add3A_1663 : vector<16xf32>
      %lt3A_1665 = arith.constant 1.000000e-24 : f32
      %lt3A_1666 = vector.broadcast %lt3A_1665 : f32 to vector<16xf32>
      %lt3A_1667 = arith.cmpf olt, %add3A_1641, %lt3A_1666 : vector<16xf32>
      %jit3A_1668 = arith.constant 9.99999995E+11 : f32
      %broadcast_in_dim3A_1669 = vector.broadcast %jit3A_1668 : f32 to vector<16xf32>
      %select_n3A_1670 = arith.select %lt3A_1667, %broadcast_in_dim3A_1669, %mul3A_1664 : vector<16xi1>, vector<16xf32>
      %mul3A_1671 = arith.mulf %sub3A_1508, %sub3A_1508 : vector<16xf32>
      %mul3A_1672 = arith.mulf %sub3A_1515, %sub3A_1515 : vector<16xf32>
      %add3A_1673 = arith.addf %mul3A_1671, %mul3A_1672 : vector<16xf32>
      %mul3A_1674 = arith.mulf %sub3A_1522, %sub3A_1522 : vector<16xf32>
      %add3A_1675 = arith.addf %add3A_1673, %mul3A_1674 : vector<16xf32>
      %bitcast_convert_type3A_1676 = tpu.bitcast %add3A_1675 : vector<16xf32> -> vector<16xi32>
      %shift_right_arithmetic3A_1677 = arith.constant 1 : i32
      %shift_right_arithmetic3A_1678 = vector.broadcast %shift_right_arithmetic3A_1677 : i32 to vector<16xi32>
      %shift_right_arithmetic3A_1679 = arith.shrsi %bitcast_convert_type3A_1676, %shift_right_arithmetic3A_1678 : vector<16xi32>
      %sub3A_1680 = arith.constant 1597463007 : i32
      %sub3A_1681 = vector.broadcast %sub3A_1680 : i32 to vector<16xi32>
      %sub3A_1682 = arith.subi %sub3A_1681, %shift_right_arithmetic3A_1679 : vector<16xi32>
      %bitcast_convert_type3A_1683 = tpu.bitcast %sub3A_1682 : vector<16xi32> -> vector<16xf32>
      %mul3A_1684 = arith.constant -5.000000e-01 : f32
      %mul3A_1685 = vector.broadcast %mul3A_1684 : f32 to vector<16xf32>
      %mul3A_1686 = arith.mulf %add3A_1675, %mul3A_1685 : vector<16xf32>
      %mul3A_1687 = arith.mulf %mul3A_1686, %bitcast_convert_type3A_1683 : vector<16xf32>
      %mul3A_1688 = arith.mulf %mul3A_1687, %bitcast_convert_type3A_1683 : vector<16xf32>
      %add3A_1689 = arith.constant 1.500000e+00 : f32
      %add3A_1690 = vector.broadcast %add3A_1689 : f32 to vector<16xf32>
      %add3A_1691 = arith.addf %add3A_1690, %mul3A_1688 : vector<16xf32>
      %mul3A_1692 = arith.mulf %bitcast_convert_type3A_1683, %add3A_1691 : vector<16xf32>
      %mul3A_1693 = arith.mulf %mul3A_1686, %mul3A_1692 : vector<16xf32>
      %mul3A_1694 = arith.mulf %mul3A_1693, %mul3A_1692 : vector<16xf32>
      %add3A_1695 = arith.constant 1.500000e+00 : f32
      %add3A_1696 = vector.broadcast %add3A_1695 : f32 to vector<16xf32>
      %add3A_1697 = arith.addf %add3A_1696, %mul3A_1694 : vector<16xf32>
      %mul3A_1698 = arith.mulf %mul3A_1692, %add3A_1697 : vector<16xf32>
      %lt3A_1699 = arith.constant 1.000000e-24 : f32
      %lt3A_1700 = vector.broadcast %lt3A_1699 : f32 to vector<16xf32>
      %lt3A_1701 = arith.cmpf olt, %add3A_1675, %lt3A_1700 : vector<16xf32>
      %jit3A_1702 = arith.constant 9.99999995E+11 : f32
      %broadcast_in_dim3A_1703 = vector.broadcast %jit3A_1702 : f32 to vector<16xf32>
      %select_n3A_1704 = arith.select %lt3A_1701, %broadcast_in_dim3A_1703, %mul3A_1698 : vector<16xi1>, vector<16xf32>
      %mul3A_1705 = arith.mulf %sub3A, %sub3A_1567 : vector<16xf32>
      %mul3A_1706 = arith.mulf %sub3A_1473, %sub3A_1570 : vector<16xf32>
      %add3A_1707 = arith.addf %mul3A_1705, %mul3A_1706 : vector<16xf32>
      %mul3A_1708 = arith.mulf %sub3A_1480, %sub3A_1573 : vector<16xf32>
      %add3A_1709 = arith.addf %add3A_1707, %mul3A_1708 : vector<16xf32>
      %abs3A = math.absf %add3A_1709 : vector<16xf32>
      %mul3A_1710 = arith.mulf %abs3A, %select_n3A_1636 : vector<16xf32>
      %mul3A_1711 = arith.mulf %sub3A_1487, %sub3A_1567 : vector<16xf32>
      %mul3A_1712 = arith.mulf %sub3A_1494, %sub3A_1570 : vector<16xf32>
      %add3A_1713 = arith.addf %mul3A_1711, %mul3A_1712 : vector<16xf32>
      %mul3A_1714 = arith.mulf %sub3A_1501, %sub3A_1573 : vector<16xf32>
      %add3A_1715 = arith.addf %add3A_1713, %mul3A_1714 : vector<16xf32>
      %abs3A_1716 = math.absf %add3A_1715 : vector<16xf32>
      %mul3A_1717 = arith.mulf %abs3A_1716, %select_n3A_1670 : vector<16xf32>
      %mul3A_1718 = arith.mulf %sub3A_1508, %sub3A_1567 : vector<16xf32>
      %mul3A_1719 = arith.mulf %sub3A_1515, %sub3A_1570 : vector<16xf32>
      %add3A_1720 = arith.addf %mul3A_1718, %mul3A_1719 : vector<16xf32>
      %mul3A_1721 = arith.mulf %sub3A_1522, %sub3A_1573 : vector<16xf32>
      %add3A_1722 = arith.addf %add3A_1720, %mul3A_1721 : vector<16xf32>
      %abs3A_1723 = math.absf %add3A_1722 : vector<16xf32>
      %mul3A_1724 = arith.mulf %abs3A_1723, %select_n3A_1704 : vector<16xf32>
      %add3A_1725 = arith.addf %mul3A_1710, %mul3A_1717 : vector<16xf32>
      %add3A_1726 = arith.addf %add3A_1725, %mul3A_1724 : vector<16xf32>
      %mul3A_1727 = arith.mulf %add3A_1726, %select_n3A : vector<16xf32>
      %add3A_1728 = arith.addf %scan3A_1460, %mul3A_1727 : vector<16xf32>
      scf.yield %add3A_1728 : vector<16xf32>
    }
    %scan3A_1436 = arith.constant 128 : i32
    %dma_wait3A_1437 = arith.constant 0 : i32
    %dma_wait3A_1438 = arith.constant 0 : i32
    %dma_wait3A_1439 = tpu.memref_slice %arg2[%dma_wait3A_1437, %dma_wait3A_1438] : memref<65536x128xf32, #tpu.memory_space<hbm>> -> memref<65536x128xf32, #tpu.memory_space<hbm>>
    tpu.wait_indirect_dma semaphore(%arg23 : memref<!tpu.dma_semaphore, #tpu.memory_space<semaphore_mem>>) src(%dma_wait3A_1439 : memref<65536x128xf32, #tpu.memory_space<hbm>>) dst(%arg15 : memref<128x128xf32, #tpu.memory_space<vmem>>)
    %dma_wait3A_1440 = arith.constant 0 : i32
    %dma_wait3A_1441 = arith.constant 0 : i32
    %dma_wait3A_1442 = tpu.memref_slice %arg2[%dma_wait3A_1440, %dma_wait3A_1441] : memref<65536x128xf32, #tpu.memory_space<hbm>> -> memref<65536x128xf32, #tpu.memory_space<hbm>>
    tpu.wait_indirect_dma semaphore(%arg23 : memref<!tpu.dma_semaphore, #tpu.memory_space<semaphore_mem>>) src(%dma_wait3A_1442 : memref<65536x128xf32, #tpu.memory_space<hbm>>) dst(%arg16 : memref<128x128xf32, #tpu.memory_space<vmem>>)
    %dma_wait3A_1443 = arith.constant 0 : i32
    %dma_wait3A_1444 = arith.constant 0 : i32
    %dma_wait3A_1445 = tpu.memref_slice %arg2[%dma_wait3A_1443, %dma_wait3A_1444] : memref<65536x128xf32, #tpu.memory_space<hbm>> -> memref<65536x128xf32, #tpu.memory_space<hbm>>
    tpu.wait_indirect_dma semaphore(%arg23 : memref<!tpu.dma_semaphore, #tpu.memory_space<semaphore_mem>>) src(%dma_wait3A_1445 : memref<65536x128xf32, #tpu.memory_space<hbm>>) dst(%arg17 : memref<128x128xf32, #tpu.memory_space<vmem>>)
    %scan3A_1446 = arith.constant 0 : i32
    %scan3A_1447 = arith.constant 128 : i32
    %scan3A_1448 = arith.addi %scan3A_1446, %scan3A_1447 : i32
    %scan3A_1449 = arith.constant 1 : i32
    %scan3A_1450 = scf.for %scan3A_1459 = %scan3A_1446 to %scan3A_1448 step %scan3A_1449 iter_args(%scan3A_1460 = %scan3A_1435) -> (vector<16xf32>)  : i32 {
      %get3A_1461 = arith.index_cast %scan3A_1459 : i32 to index
      %get3A_1462 = arith.constant 0 : index
      %get3A_1463 = tpu.vector_load %arg16[%get3A_1461, %get3A_1462] {strides = array<i32>} : memref<128x128xf32, #tpu.memory_space<vmem>>, vector<16xf32>,
      %get3A_1464 = arith.index_cast %scan3A_1459 : i32 to index
      %get3A_1465 = arith.constant 0 : index
      %get3A_1466 = tpu.vector_load %arg15[%get3A_1464, %get3A_1465] {strides = array<i32>} : memref<128x128xf32, #tpu.memory_space<vmem>>, vector<16xf32>,
      %sub3A = arith.subf %get3A_1463, %get3A_1466 : vector<16xf32>
      %get3A_1467 = arith.index_cast %scan3A_1459 : i32 to index
      %get3A_1468 = arith.constant 16 : index
      %get3A_1469 = tpu.vector_load %arg16[%get3A_1467, %get3A_1468] {strides = array<i32>} : memref<128x128xf32, #tpu.memory_space<vmem>>, vector<16xf32>,
      %get3A_1470 = arith.index_cast %scan3A_1459 : i32 to index
      %get3A_1471 = arith.constant 16 : index
      %get3A_1472 = tpu.vector_load %arg15[%get3A_1470, %get3A_1471] {strides = array<i32>} : memref<128x128xf32, #tpu.memory_space<vmem>>, vector<16xf32>,
      %sub3A_1473 = arith.subf %get3A_1469, %get3A_1472 : vector<16xf32>
      %get3A_1474 = arith.index_cast %scan3A_1459 : i32 to index
      %get3A_1475 = arith.constant 32 : index
      %get3A_1476 = tpu.vector_load %arg16[%get3A_1474, %get3A_1475] {strides = array<i32>} : memref<128x128xf32, #tpu.memory_space<vmem>>, vector<16xf32>,
      %get3A_1477 = arith.index_cast %scan3A_1459 : i32 to index
      %get3A_1478 = arith.constant 32 : index
      %get3A_1479 = tpu.vector_load %arg15[%get3A_1477, %get3A_1478] {strides = array<i32>} : memref<128x128xf32, #tpu.memory_space<vmem>>, vector<16xf32>,
      %sub3A_1480 = arith.subf %get3A_1476, %get3A_1479 : vector<16xf32>
      %get3A_1481 = arith.index_cast %scan3A_1459 : i32 to index
      %get3A_1482 = arith.constant 0 : index
      %get3A_1483 = tpu.vector_load %arg17[%get3A_1481, %get3A_1482] {strides = array<i32>} : memref<128x128xf32, #tpu.memory_space<vmem>>, vector<16xf32>,
      %get3A_1484 = arith.index_cast %scan3A_1459 : i32 to index
      %get3A_1485 = arith.constant 0 : index
      %get3A_1486 = tpu.vector_load %arg15[%get3A_1484, %get3A_1485] {strides = array<i32>} : memref<128x128xf32, #tpu.memory_space<vmem>>, vector<16xf32>,
      %sub3A_1487 = arith.subf %get3A_1483, %get3A_1486 : vector<16xf32>
      %get3A_1488 = arith.index_cast %scan3A_1459 : i32 to index
      %get3A_1489 = arith.constant 16 : index
      %get3A_1490 = tpu.vector_load %arg17[%get3A_1488, %get3A_1489] {strides = array<i32>} : memref<128x128xf32, #tpu.memory_space<vmem>>, vector<16xf32>,
      %get3A_1491 = arith.index_cast %scan3A_1459 : i32 to index
      %get3A_1492 = arith.constant 16 : index
      %get3A_1493 = tpu.vector_load %arg15[%get3A_1491, %get3A_1492] {strides = array<i32>} : memref<128x128xf32, #tpu.memory_space<vmem>>, vector<16xf32>,
      %sub3A_1494 = arith.subf %get3A_1490, %get3A_1493 : vector<16xf32>
      %get3A_1495 = arith.index_cast %scan3A_1459 : i32 to index
      %get3A_1496 = arith.constant 32 : index
      %get3A_1497 = tpu.vector_load %arg17[%get3A_1495, %get3A_1496] {strides = array<i32>} : memref<128x128xf32, #tpu.memory_space<vmem>>, vector<16xf32>,
      %get3A_1498 = arith.index_cast %scan3A_1459 : i32 to index
      %get3A_1499 = arith.constant 32 : index
      %get3A_1500 = tpu.vector_load %arg15[%get3A_1498, %get3A_1499] {strides = array<i32>} : memref<128x128xf32, #tpu.memory_space<vmem>>, vector<16xf32>,
      %sub3A_1501 = arith.subf %get3A_1497, %get3A_1500 : vector<16xf32>
      %get3A_1502 = arith.index_cast %scan3A_1459 : i32 to index
      %get3A_1503 = arith.constant 0 : index
      %get3A_1504 = tpu.vector_load %arg17[%get3A_1502, %get3A_1503] {strides = array<i32>} : memref<128x128xf32, #tpu.memory_space<vmem>>, vector<16xf32>,
      %get3A_1505 = arith.index_cast %scan3A_1459 : i32 to index
      %get3A_1506 = arith.constant 0 : index
      %get3A_1507 = tpu.vector_load %arg16[%get3A_1505, %get3A_1506] {strides = array<i32>} : memref<128x128xf32, #tpu.memory_space<vmem>>, vector<16xf32>,
      %sub3A_1508 = arith.subf %get3A_1504, %get3A_1507 : vector<16xf32>
      %get3A_1509 = arith.index_cast %scan3A_1459 : i32 to index
      %get3A_1510 = arith.constant 16 : index
      %get3A_1511 = tpu.vector_load %arg17[%get3A_1509, %get3A_1510] {strides = array<i32>} : memref<128x128xf32, #tpu.memory_space<vmem>>, vector<16xf32>,
      %get3A_1512 = arith.index_cast %scan3A_1459 : i32 to index
      %get3A_1513 = arith.constant 16 : index
      %get3A_1514 = tpu.vector_load %arg16[%get3A_1512, %get3A_1513] {strides = array<i32>} : memref<128x128xf32, #tpu.memory_space<vmem>>, vector<16xf32>,
      %sub3A_1515 = arith.subf %get3A_1511, %get3A_1514 : vector<16xf32>
      %get3A_1516 = arith.index_cast %scan3A_1459 : i32 to index
      %get3A_1517 = arith.constant 32 : index
      %get3A_1518 = tpu.vector_load %arg17[%get3A_1516, %get3A_1517] {strides = array<i32>} : memref<128x128xf32, #tpu.memory_space<vmem>>, vector<16xf32>,
      %get3A_1519 = arith.index_cast %scan3A_1459 : i32 to index
      %get3A_1520 = arith.constant 32 : index
      %get3A_1521 = tpu.vector_load %arg16[%get3A_1519, %get3A_1520] {strides = array<i32>} : memref<128x128xf32, #tpu.memory_space<vmem>>, vector<16xf32>,
      %sub3A_1522 = arith.subf %get3A_1518, %get3A_1521 : vector<16xf32>
      %get3A_1523 = arith.index_cast %scan3A_1459 : i32 to index
      %get3A_1524 = arith.constant 48 : index
      %get3A_1525 = tpu.vector_load %arg16[%get3A_1523, %get3A_1524] {strides = array<i32>} : memref<128x128xf32, #tpu.memory_space<vmem>>, vector<16xf32>,
      %get3A_1526 = arith.index_cast %scan3A_1459 : i32 to index
      %get3A_1527 = arith.constant 48 : index
      %get3A_1528 = tpu.vector_load %arg15[%get3A_1526, %get3A_1527] {strides = array<i32>} : memref<128x128xf32, #tpu.memory_space<vmem>>, vector<16xf32>,
      %sub3A_1529 = arith.subf %get3A_1525, %get3A_1528 : vector<16xf32>
      %get3A_1530 = arith.index_cast %scan3A_1459 : i32 to index
      %get3A_1531 = arith.constant 64 : index
      %get3A_1532 = tpu.vector_load %arg16[%get3A_1530, %get3A_1531] {strides = array<i32>} : memref<128x128xf32, #tpu.memory_space<vmem>>, vector<16xf32>,
      %get3A_1533 = arith.index_cast %scan3A_1459 : i32 to index
      %get3A_1534 = arith.constant 64 : index
      %get3A_1535 = tpu.vector_load %arg15[%get3A_1533, %get3A_1534] {strides = array<i32>} : memref<128x128xf32, #tpu.memory_space<vmem>>, vector<16xf32>,
      %sub3A_1536 = arith.subf %get3A_1532, %get3A_1535 : vector<16xf32>
      %get3A_1537 = arith.index_cast %scan3A_1459 : i32 to index
      %get3A_1538 = arith.constant 80 : index
      %get3A_1539 = tpu.vector_load %arg16[%get3A_1537, %get3A_1538] {strides = array<i32>} : memref<128x128xf32, #tpu.memory_space<vmem>>, vector<16xf32>,
      %get3A_1540 = arith.index_cast %scan3A_1459 : i32 to index
      %get3A_1541 = arith.constant 80 : index
      %get3A_1542 = tpu.vector_load %arg15[%get3A_1540, %get3A_1541] {strides = array<i32>} : memref<128x128xf32, #tpu.memory_space<vmem>>, vector<16xf32>,
      %sub3A_1543 = arith.subf %get3A_1539, %get3A_1542 : vector<16xf32>
      %get3A_1544 = arith.index_cast %scan3A_1459 : i32 to index
      %get3A_1545 = arith.constant 48 : index
      %get3A_1546 = tpu.vector_load %arg17[%get3A_1544, %get3A_1545] {strides = array<i32>} : memref<128x128xf32, #tpu.memory_space<vmem>>, vector<16xf32>,
      %get3A_1547 = arith.index_cast %scan3A_1459 : i32 to index
      %get3A_1548 = arith.constant 48 : index
      %get3A_1549 = tpu.vector_load %arg15[%get3A_1547, %get3A_1548] {strides = array<i32>} : memref<128x128xf32, #tpu.memory_space<vmem>>, vector<16xf32>,
      %sub3A_1550 = arith.subf %get3A_1546, %get3A_1549 : vector<16xf32>
      %get3A_1551 = arith.index_cast %scan3A_1459 : i32 to index
      %get3A_1552 = arith.constant 64 : index
      %get3A_1553 = tpu.vector_load %arg17[%get3A_1551, %get3A_1552] {strides = array<i32>} : memref<128x128xf32, #tpu.memory_space<vmem>>, vector<16xf32>,
      %get3A_1554 = arith.index_cast %scan3A_1459 : i32 to index
      %get3A_1555 = arith.constant 64 : index
      %get3A_1556 = tpu.vector_load %arg15[%get3A_1554, %get3A_1555] {strides = array<i32>} : memref<128x128xf32, #tpu.memory_space<vmem>>, vector<16xf32>,
      %sub3A_1557 = arith.subf %get3A_1553, %get3A_1556 : vector<16xf32>
      %get3A_1558 = arith.index_cast %scan3A_1459 : i32 to index
      %get3A_1559 = arith.constant 80 : index
      %get3A_1560 = tpu.vector_load %arg17[%get3A_1558, %get3A_1559] {strides = array<i32>} : memref<128x128xf32, #tpu.memory_space<vmem>>, vector<16xf32>,
      %get3A_1561 = arith.index_cast %scan3A_1459 : i32 to index
      %get3A_1562 = arith.constant 80 : index
      %get3A_1563 = tpu.vector_load %arg15[%get3A_1561, %get3A_1562] {strides = array<i32>} : memref<128x128xf32, #tpu.memory_space<vmem>>, vector<16xf32>,
      %sub3A_1564 = arith.subf %get3A_1560, %get3A_1563 : vector<16xf32>
      %mul3A_1565 = arith.mulf %sub3A_1536, %sub3A_1564 : vector<16xf32>
      %mul3A_1566 = arith.mulf %sub3A_1543, %sub3A_1557 : vector<16xf32>
      %sub3A_1567 = arith.subf %mul3A_1565, %mul3A_1566 : vector<16xf32>
      %mul3A_1568 = arith.mulf %sub3A_1543, %sub3A_1550 : vector<16xf32>
      %mul3A_1569 = arith.mulf %sub3A_1529, %sub3A_1564 : vector<16xf32>
      %sub3A_1570 = arith.subf %mul3A_1568, %mul3A_1569 : vector<16xf32>
      %mul3A_1571 = arith.mulf %sub3A_1529, %sub3A_1557 : vector<16xf32>
      %mul3A_1572 = arith.mulf %sub3A_1536, %sub3A_1550 : vector<16xf32>
      %sub3A_1573 = arith.subf %mul3A_1571, %mul3A_1572 : vector<16xf32>
      %mul3A_1574 = arith.mulf %sub3A_1567, %sub3A_1567 : vector<16xf32>
      %mul3A_1575 = arith.mulf %sub3A_1570, %sub3A_1570 : vector<16xf32>
      %add3A_1576 = arith.addf %mul3A_1574, %mul3A_1575 : vector<16xf32>
      %mul3A_1577 = arith.mulf %sub3A_1573, %sub3A_1573 : vector<16xf32>
      %add3A_1578 = arith.addf %add3A_1576, %mul3A_1577 : vector<16xf32>
      %bitcast_convert_type3A = tpu.bitcast %add3A_1578 : vector<16xf32> -> vector<16xi32>
      %shift_right_arithmetic3A = arith.constant 1 : i32
      %shift_right_arithmetic3A_1579 = vector.broadcast %shift_right_arithmetic3A : i32 to vector<16xi32>
      %shift_right_arithmetic3A_1580 = arith.shrsi %bitcast_convert_type3A, %shift_right_arithmetic3A_1579 : vector<16xi32>
      %sub3A_1581 = arith.constant 1597463007 : i32
      %sub3A_1582 = vector.broadcast %sub3A_1581 : i32 to vector<16xi32>
      %sub3A_1583 = arith.subi %sub3A_1582, %shift_right_arithmetic3A_1580 : vector<16xi32>
      %bitcast_convert_type3A_1584 = tpu.bitcast %sub3A_1583 : vector<16xi32> -> vector<16xf32>
      %mul3A_1585 = arith.constant -5.000000e-01 : f32
      %mul3A_1586 = vector.broadcast %mul3A_1585 : f32 to vector<16xf32>
      %mul3A_1587 = arith.mulf %add3A_1578, %mul3A_1586 : vector<16xf32>
      %mul3A_1588 = arith.mulf %mul3A_1587, %bitcast_convert_type3A_1584 : vector<16xf32>
      %mul3A_1589 = arith.mulf %mul3A_1588, %bitcast_convert_type3A_1584 : vector<16xf32>
      %add3A_1590 = arith.constant 1.500000e+00 : f32
      %add3A_1591 = vector.broadcast %add3A_1590 : f32 to vector<16xf32>
      %add3A_1592 = arith.addf %add3A_1591, %mul3A_1589 : vector<16xf32>
      %mul3A_1593 = arith.mulf %bitcast_convert_type3A_1584, %add3A_1592 : vector<16xf32>
      %mul3A_1594 = arith.mulf %mul3A_1587, %mul3A_1593 : vector<16xf32>
      %mul3A_1595 = arith.mulf %mul3A_1594, %mul3A_1593 : vector<16xf32>
      %add3A_1596 = arith.constant 1.500000e+00 : f32
      %add3A_1597 = vector.broadcast %add3A_1596 : f32 to vector<16xf32>
      %add3A_1598 = arith.addf %add3A_1597, %mul3A_1595 : vector<16xf32>
      %mul3A_1599 = arith.mulf %mul3A_1593, %add3A_1598 : vector<16xf32>
      %lt3A = arith.constant 1.000000e-24 : f32
      %lt3A_1600 = vector.broadcast %lt3A : f32 to vector<16xf32>
      %lt3A_1601 = arith.cmpf olt, %add3A_1578, %lt3A_1600 : vector<16xf32>
      %jit3A = arith.constant 9.99999995E+11 : f32
      %broadcast_in_dim3A_1602 = vector.broadcast %jit3A : f32 to vector<16xf32>
      %select_n3A = arith.select %lt3A_1601, %broadcast_in_dim3A_1602, %mul3A_1599 : vector<16xi1>, vector<16xf32>
      %mul3A_1603 = arith.mulf %sub3A, %sub3A : vector<16xf32>
      %mul3A_1604 = arith.mulf %sub3A_1473, %sub3A_1473 : vector<16xf32>
      %add3A_1605 = arith.addf %mul3A_1603, %mul3A_1604 : vector<16xf32>
      %mul3A_1606 = arith.mulf %sub3A_1480, %sub3A_1480 : vector<16xf32>
      %add3A_1607 = arith.addf %add3A_1605, %mul3A_1606 : vector<16xf32>
      %bitcast_convert_type3A_1608 = tpu.bitcast %add3A_1607 : vector<16xf32> -> vector<16xi32>
      %shift_right_arithmetic3A_1609 = arith.constant 1 : i32
      %shift_right_arithmetic3A_1610 = vector.broadcast %shift_right_arithmetic3A_1609 : i32 to vector<16xi32>
      %shift_right_arithmetic3A_1611 = arith.shrsi %bitcast_convert_type3A_1608, %shift_right_arithmetic3A_1610 : vector<16xi32>
      %sub3A_1612 = arith.constant 1597463007 : i32
      %sub3A_1613 = vector.broadcast %sub3A_1612 : i32 to vector<16xi32>
      %sub3A_1614 = arith.subi %sub3A_1613, %shift_right_arithmetic3A_1611 : vector<16xi32>
      %bitcast_convert_type3A_1615 = tpu.bitcast %sub3A_1614 : vector<16xi32> -> vector<16xf32>
      %mul3A_1616 = arith.constant -5.000000e-01 : f32
      %mul3A_1617 = vector.broadcast %mul3A_1616 : f32 to vector<16xf32>
      %mul3A_1618 = arith.mulf %add3A_1607, %mul3A_1617 : vector<16xf32>
      %mul3A_1619 = arith.mulf %mul3A_1618, %bitcast_convert_type3A_1615 : vector<16xf32>
      %mul3A_1620 = arith.mulf %mul3A_1619, %bitcast_convert_type3A_1615 : vector<16xf32>
      %add3A_1621 = arith.constant 1.500000e+00 : f32
      %add3A_1622 = vector.broadcast %add3A_1621 : f32 to vector<16xf32>
      %add3A_1623 = arith.addf %add3A_1622, %mul3A_1620 : vector<16xf32>
      %mul3A_1624 = arith.mulf %bitcast_convert_type3A_1615, %add3A_1623 : vector<16xf32>
      %mul3A_1625 = arith.mulf %mul3A_1618, %mul3A_1624 : vector<16xf32>
      %mul3A_1626 = arith.mulf %mul3A_1625, %mul3A_1624 : vector<16xf32>
      %add3A_1627 = arith.constant 1.500000e+00 : f32
      %add3A_1628 = vector.broadcast %add3A_1627 : f32 to vector<16xf32>
      %add3A_1629 = arith.addf %add3A_1628, %mul3A_1626 : vector<16xf32>
      %mul3A_1630 = arith.mulf %mul3A_1624, %add3A_1629 : vector<16xf32>
      %lt3A_1631 = arith.constant 1.000000e-24 : f32
      %lt3A_1632 = vector.broadcast %lt3A_1631 : f32 to vector<16xf32>
      %lt3A_1633 = arith.cmpf olt, %add3A_1607, %lt3A_1632 : vector<16xf32>
      %jit3A_1634 = arith.constant 9.99999995E+11 : f32
      %broadcast_in_dim3A_1635 = vector.broadcast %jit3A_1634 : f32 to vector<16xf32>
      %select_n3A_1636 = arith.select %lt3A_1633, %broadcast_in_dim3A_1635, %mul3A_1630 : vector<16xi1>, vector<16xf32>
      %mul3A_1637 = arith.mulf %sub3A_1487, %sub3A_1487 : vector<16xf32>
      %mul3A_1638 = arith.mulf %sub3A_1494, %sub3A_1494 : vector<16xf32>
      %add3A_1639 = arith.addf %mul3A_1637, %mul3A_1638 : vector<16xf32>
      %mul3A_1640 = arith.mulf %sub3A_1501, %sub3A_1501 : vector<16xf32>
      %add3A_1641 = arith.addf %add3A_1639, %mul3A_1640 : vector<16xf32>
      %bitcast_convert_type3A_1642 = tpu.bitcast %add3A_1641 : vector<16xf32> -> vector<16xi32>
      %shift_right_arithmetic3A_1643 = arith.constant 1 : i32
      %shift_right_arithmetic3A_1644 = vector.broadcast %shift_right_arithmetic3A_1643 : i32 to vector<16xi32>
      %shift_right_arithmetic3A_1645 = arith.shrsi %bitcast_convert_type3A_1642, %shift_right_arithmetic3A_1644 : vector<16xi32>
      %sub3A_1646 = arith.constant 1597463007 : i32
      %sub3A_1647 = vector.broadcast %sub3A_1646 : i32 to vector<16xi32>
      %sub3A_1648 = arith.subi %sub3A_1647, %shift_right_arithmetic3A_1645 : vector<16xi32>
      %bitcast_convert_type3A_1649 = tpu.bitcast %sub3A_1648 : vector<16xi32> -> vector<16xf32>
      %mul3A_1650 = arith.constant -5.000000e-01 : f32
      %mul3A_1651 = vector.broadcast %mul3A_1650 : f32 to vector<16xf32>
      %mul3A_1652 = arith.mulf %add3A_1641, %mul3A_1651 : vector<16xf32>
      %mul3A_1653 = arith.mulf %mul3A_1652, %bitcast_convert_type3A_1649 : vector<16xf32>
      %mul3A_1654 = arith.mulf %mul3A_1653, %bitcast_convert_type3A_1649 : vector<16xf32>
      %add3A_1655 = arith.constant 1.500000e+00 : f32
      %add3A_1656 = vector.broadcast %add3A_1655 : f32 to vector<16xf32>
      %add3A_1657 = arith.addf %add3A_1656, %mul3A_1654 : vector<16xf32>
      %mul3A_1658 = arith.mulf %bitcast_convert_type3A_1649, %add3A_1657 : vector<16xf32>
      %mul3A_1659 = arith.mulf %mul3A_1652, %mul3A_1658 : vector<16xf32>
      %mul3A_1660 = arith.mulf %mul3A_1659, %mul3A_1658 : vector<16xf32>
      %add3A_1661 = arith.constant 1.500000e+00 : f32
      %add3A_1662 = vector.broadcast %add3A_1661 : f32 to vector<16xf32>
      %add3A_1663 = arith.addf %add3A_1662, %mul3A_1660 : vector<16xf32>
      %mul3A_1664 = arith.mulf %mul3A_1658, %add3A_1663 : vector<16xf32>
      %lt3A_1665 = arith.constant 1.000000e-24 : f32
      %lt3A_1666 = vector.broadcast %lt3A_1665 : f32 to vector<16xf32>
      %lt3A_1667 = arith.cmpf olt, %add3A_1641, %lt3A_1666 : vector<16xf32>
      %jit3A_1668 = arith.constant 9.99999995E+11 : f32
      %broadcast_in_dim3A_1669 = vector.broadcast %jit3A_1668 : f32 to vector<16xf32>
      %select_n3A_1670 = arith.select %lt3A_1667, %broadcast_in_dim3A_1669, %mul3A_1664 : vector<16xi1>, vector<16xf32>
      %mul3A_1671 = arith.mulf %sub3A_1508, %sub3A_1508 : vector<16xf32>
      %mul3A_1672 = arith.mulf %sub3A_1515, %sub3A_1515 : vector<16xf32>
      %add3A_1673 = arith.addf %mul3A_1671, %mul3A_1672 : vector<16xf32>
      %mul3A_1674 = arith.mulf %sub3A_1522, %sub3A_1522 : vector<16xf32>
      %add3A_1675 = arith.addf %add3A_1673, %mul3A_1674 : vector<16xf32>
      %bitcast_convert_type3A_1676 = tpu.bitcast %add3A_1675 : vector<16xf32> -> vector<16xi32>
      %shift_right_arithmetic3A_1677 = arith.constant 1 : i32
      %shift_right_arithmetic3A_1678 = vector.broadcast %shift_right_arithmetic3A_1677 : i32 to vector<16xi32>
      %shift_right_arithmetic3A_1679 = arith.shrsi %bitcast_convert_type3A_1676, %shift_right_arithmetic3A_1678 : vector<16xi32>
      %sub3A_1680 = arith.constant 1597463007 : i32
      %sub3A_1681 = vector.broadcast %sub3A_1680 : i32 to vector<16xi32>
      %sub3A_1682 = arith.subi %sub3A_1681, %shift_right_arithmetic3A_1679 : vector<16xi32>
      %bitcast_convert_type3A_1683 = tpu.bitcast %sub3A_1682 : vector<16xi32> -> vector<16xf32>
      %mul3A_1684 = arith.constant -5.000000e-01 : f32
      %mul3A_1685 = vector.broadcast %mul3A_1684 : f32 to vector<16xf32>
      %mul3A_1686 = arith.mulf %add3A_1675, %mul3A_1685 : vector<16xf32>
      %mul3A_1687 = arith.mulf %mul3A_1686, %bitcast_convert_type3A_1683 : vector<16xf32>
      %mul3A_1688 = arith.mulf %mul3A_1687, %bitcast_convert_type3A_1683 : vector<16xf32>
      %add3A_1689 = arith.constant 1.500000e+00 : f32
      %add3A_1690 = vector.broadcast %add3A_1689 : f32 to vector<16xf32>
      %add3A_1691 = arith.addf %add3A_1690, %mul3A_1688 : vector<16xf32>
      %mul3A_1692 = arith.mulf %bitcast_convert_type3A_1683, %add3A_1691 : vector<16xf32>
      %mul3A_1693 = arith.mulf %mul3A_1686, %mul3A_1692 : vector<16xf32>
      %mul3A_1694 = arith.mulf %mul3A_1693, %mul3A_1692 : vector<16xf32>
      %add3A_1695 = arith.constant 1.500000e+00 : f32
      %add3A_1696 = vector.broadcast %add3A_1695 : f32 to vector<16xf32>
      %add3A_1697 = arith.addf %add3A_1696, %mul3A_1694 : vector<16xf32>
      %mul3A_1698 = arith.mulf %mul3A_1692, %add3A_1697 : vector<16xf32>
      %lt3A_1699 = arith.constant 1.000000e-24 : f32
      %lt3A_1700 = vector.broadcast %lt3A_1699 : f32 to vector<16xf32>
      %lt3A_1701 = arith.cmpf olt, %add3A_1675, %lt3A_1700 : vector<16xf32>
      %jit3A_1702 = arith.constant 9.99999995E+11 : f32
      %broadcast_in_dim3A_1703 = vector.broadcast %jit3A_1702 : f32 to vector<16xf32>
      %select_n3A_1704 = arith.select %lt3A_1701, %broadcast_in_dim3A_1703, %mul3A_1698 : vector<16xi1>, vector<16xf32>
      %mul3A_1705 = arith.mulf %sub3A, %sub3A_1567 : vector<16xf32>
      %mul3A_1706 = arith.mulf %sub3A_1473, %sub3A_1570 : vector<16xf32>
      %add3A_1707 = arith.addf %mul3A_1705, %mul3A_1706 : vector<16xf32>
      %mul3A_1708 = arith.mulf %sub3A_1480, %sub3A_1573 : vector<16xf32>
      %add3A_1709 = arith.addf %add3A_1707, %mul3A_1708 : vector<16xf32>
      %abs3A = math.absf %add3A_1709 : vector<16xf32>
      %mul3A_1710 = arith.mulf %abs3A, %select_n3A_1636 : vector<16xf32>
      %mul3A_1711 = arith.mulf %sub3A_1487, %sub3A_1567 : vector<16xf32>
      %mul3A_1712 = arith.mulf %sub3A_1494, %sub3A_1570 : vector<16xf32>
      %add3A_1713 = arith.addf %mul3A_1711, %mul3A_1712 : vector<16xf32>
      %mul3A_1714 = arith.mulf %sub3A_1501, %sub3A_1573 : vector<16xf32>
      %add3A_1715 = arith.addf %add3A_1713, %mul3A_1714 : vector<16xf32>
      %abs3A_1716 = math.absf %add3A_1715 : vector<16xf32>
      %mul3A_1717 = arith.mulf %abs3A_1716, %select_n3A_1670 : vector<16xf32>
      %mul3A_1718 = arith.mulf %sub3A_1508, %sub3A_1567 : vector<16xf32>
      %mul3A_1719 = arith.mulf %sub3A_1515, %sub3A_1570 : vector<16xf32>
      %add3A_1720 = arith.addf %mul3A_1718, %mul3A_1719 : vector<16xf32>
      %mul3A_1721 = arith.mulf %sub3A_1522, %sub3A_1573 : vector<16xf32>
      %add3A_1722 = arith.addf %add3A_1720, %mul3A_1721 : vector<16xf32>
      %abs3A_1723 = math.absf %add3A_1722 : vector<16xf32>
      %mul3A_1724 = arith.mulf %abs3A_1723, %select_n3A_1704 : vector<16xf32>
      %add3A_1725 = arith.addf %mul3A_1710, %mul3A_1717 : vector<16xf32>
      %add3A_1726 = arith.addf %add3A_1725, %mul3A_1724 : vector<16xf32>
      %mul3A_1727 = arith.mulf %add3A_1726, %select_n3A : vector<16xf32>
      %add3A_1728 = arith.addf %scan3A_1460, %mul3A_1727 : vector<16xf32>
      scf.yield %add3A_1728 : vector<16xf32>
    }
    %scan3A_1451 = arith.constant 128 : i32
    %mul3A_1452 = arith.constant 1.27156579E-6 : f32
    %mul3A_1453 = vector.broadcast %mul3A_1452 : f32 to vector<16xf32>
    %mul3A_1454 = arith.mulf %scan3A_1450, %mul3A_1453 : vector<16xf32>
    %swap3A_1455 = arith.constant 0 : index
    %swap3A_1456 = tpu.vector_load %arg18[%swap3A_1455] {strides = array<i32>} : memref<16xf32, #tpu.memory_space<vmem>>, vector<16xf32>,
    tpu.vector_store %arg18[%swap3A_1455], %mul3A_1454 {strides = array<i32>} : memref<16xf32, #tpu.memory_space<vmem>>, vector<16xf32>,
    "tpu.region"() ({
      %run_scoped3A = tpu.sem_alloc : memref<!tpu.dma_semaphore, #tpu.memory_space<semaphore_mem>>
      %dma_start3A_1459 = arith.constant 0 : i32
      %dma_start3A_1460 = tpu.memref_slice %arg20[%arg1, %dma_start3A_1459] : memref<16x16xf32, #tpu.memory_space<vmem_shared>> -> memref<1x16xf32, #tpu.memory_space<vmem_shared>>
      %dma_start3A_1461 = tpu.memref_squeeze %dma_start3A_1460 : memref<1x16xf32, #tpu.memory_space<vmem_shared>> -> memref<16xf32, #tpu.memory_space<vmem_shared>>
      %dma_start3A_1462 = arith.constant 0 : i32
      %dma_start3A_1463 = tpu.memref_slice %arg20[%arg1, %dma_start3A_1462] : memref<16x16xf32, #tpu.memory_space<vmem_shared>> -> memref<1x16xf32, #tpu.memory_space<vmem_shared>>
      %dma_start3A_1464 = tpu.memref_squeeze %dma_start3A_1463 : memref<1x16xf32, #tpu.memory_space<vmem_shared>> -> memref<16xf32, #tpu.memory_space<vmem_shared>>
      tpu.enqueue_dma source(%arg18 : memref<16xf32, #tpu.memory_space<vmem>>) target(%dma_start3A_1464 : memref<16xf32, #tpu.memory_space<vmem_shared>>) target_semaphore(%run_scoped3A : memref<!tpu.dma_semaphore, #tpu.memory_space<semaphore_mem>>)
      %dma_wait3A_1465 = arith.constant 0 : i32
      %dma_wait3A_1466 = tpu.memref_slice %arg20[%arg1, %dma_wait3A_1465] : memref<16x16xf32, #tpu.memory_space<vmem_shared>> -> memref<1x16xf32, #tpu.memory_space<vmem_shared>>
      %dma_wait3A_1467 = tpu.memref_squeeze %dma_wait3A_1466 : memref<1x16xf32, #tpu.memory_space<vmem_shared>> -> memref<16xf32, #tpu.memory_space<vmem_shared>>
      %dma_wait3A_1468 = arith.constant 0 : i32
      %dma_wait3A_1469 = tpu.memref_slice %arg20[%arg1, %dma_wait3A_1468] : memref<16x16xf32, #tpu.memory_space<vmem_shared>> -> memref<1x16xf32, #tpu.memory_space<vmem_shared>>
      %dma_wait3A_1470 = tpu.memref_squeeze %dma_wait3A_1469 : memref<1x16xf32, #tpu.memory_space<vmem_shared>> -> memref<16xf32, #tpu.memory_space<vmem_shared>>
      tpu.wait_dma2 semaphore(%run_scoped3A : memref<!tpu.dma_semaphore, #tpu.memory_space<semaphore_mem>>) src(%arg18 : memref<16xf32, #tpu.memory_space<vmem>>) dst(%dma_wait3A_1470 : memref<16xf32, #tpu.memory_space<vmem_shared>>)
      tpu.yield
    }) : () -> ()
    %barrier3A = arith.constant 0 : index
    tpu.barrier barrier_id(%barrier3A)
    %eq3A = arith.constant 0 : i32
    %eq3A_1457 = arith.cmpi eq, %arg1, %eq3A : i32
    %convert_element_type3A = arith.extui %eq3A_1457 : i1 to i32
    %cond3A = arith.constant 0 : i32
    %cond3A_1458 = arith.cmpi ne, %convert_element_type3A, %cond3A : i32
    scf.if %cond3A_1458 {
      "tpu.region"() ({
        %run_scoped3A = tpu.sem_alloc : memref<!tpu.dma_semaphore, #tpu.memory_space<semaphore_mem>>
        tpu.enqueue_dma source(%arg20 : memref<16x16xf32, #tpu.memory_space<vmem_shared>>) target(%arg21 : memref<16x16xf32, #tpu.memory_space<vmem>>) target_semaphore(%run_scoped3A : memref<!tpu.dma_semaphore, #tpu.memory_space<semaphore_mem>>)
        tpu.wait_dma2 semaphore(%run_scoped3A : memref<!tpu.dma_semaphore, #tpu.memory_space<semaphore_mem>>) src(%arg20 : memref<16x16xf32, #tpu.memory_space<vmem_shared>>) dst(%arg21 : memref<16x16xf32, #tpu.memory_space<vmem>>)
        tpu.yield
      }) : () -> ()
      %get3A_1459 = arith.constant 0 : i32
      %get3A_1460 = arith.index_cast %get3A_1459 : i32 to index
      %get3A_1461 = arith.constant 0 : index
      %get3A_1462 = tpu.vector_load %arg21[%get3A_1460, %get3A_1461] {strides = array<i32>} : memref<16x16xf32, #tpu.memory_space<vmem>>, vector<16xf32>,
      %get3A_1463 = arith.constant 1 : i32
      %get3A_1464 = arith.index_cast %get3A_1463 : i32 to index
      %get3A_1465 = arith.constant 0 : index
      %get3A_1466 = tpu.vector_load %arg21[%get3A_1464, %get3A_1465] {strides = array<i32>} : memref<16x16xf32, #tpu.memory_space<vmem>>, vector<16xf32>,
      %add3A_1467 = arith.addf %get3A_1462, %get3A_1466 : vector<16xf32>
      %get3A_1468 = arith.constant 2 : i32
      %get3A_1469 = arith.index_cast %get3A_1468 : i32 to index
      %get3A_1470 = arith.constant 0 : index
      %get3A_1471 = tpu.vector_load %arg21[%get3A_1469, %get3A_1470] {strides = array<i32>} : memref<16x16xf32, #tpu.memory_space<vmem>>, vector<16xf32>,
      %add3A_1472 = arith.addf %add3A_1467, %get3A_1471 : vector<16xf32>
      %get3A_1473 = arith.constant 3 : i32
      %get3A_1474 = arith.index_cast %get3A_1473 : i32 to index
      %get3A_1475 = arith.constant 0 : index
      %get3A_1476 = tpu.vector_load %arg21[%get3A_1474, %get3A_1475] {strides = array<i32>} : memref<16x16xf32, #tpu.memory_space<vmem>>, vector<16xf32>,
      %add3A_1477 = arith.addf %add3A_1472, %get3A_1476 : vector<16xf32>
      %get3A_1478 = arith.constant 4 : i32
      %get3A_1479 = arith.index_cast %get3A_1478 : i32 to index
      %get3A_1480 = arith.constant 0 : index
      %get3A_1481 = tpu.vector_load %arg21[%get3A_1479, %get3A_1480] {strides = array<i32>} : memref<16x16xf32, #tpu.memory_space<vmem>>, vector<16xf32>,
      %add3A_1482 = arith.addf %add3A_1477, %get3A_1481 : vector<16xf32>
      %get3A_1483 = arith.constant 5 : i32
      %get3A_1484 = arith.index_cast %get3A_1483 : i32 to index
      %get3A_1485 = arith.constant 0 : index
      %get3A_1486 = tpu.vector_load %arg21[%get3A_1484, %get3A_1485] {strides = array<i32>} : memref<16x16xf32, #tpu.memory_space<vmem>>, vector<16xf32>,
      %add3A_1487 = arith.addf %add3A_1482, %get3A_1486 : vector<16xf32>
      %get3A_1488 = arith.constant 6 : i32
      %get3A_1489 = arith.index_cast %get3A_1488 : i32 to index
      %get3A_1490 = arith.constant 0 : index
      %get3A_1491 = tpu.vector_load %arg21[%get3A_1489, %get3A_1490] {strides = array<i32>} : memref<16x16xf32, #tpu.memory_space<vmem>>, vector<16xf32>,
      %add3A_1492 = arith.addf %add3A_1487, %get3A_1491 : vector<16xf32>
      %get3A_1493 = arith.constant 7 : i32
      %get3A_1494 = arith.index_cast %get3A_1493 : i32 to index
      %get3A_1495 = arith.constant 0 : index
      %get3A_1496 = tpu.vector_load %arg21[%get3A_1494, %get3A_1495] {strides = array<i32>} : memref<16x16xf32, #tpu.memory_space<vmem>>, vector<16xf32>,
      %add3A_1497 = arith.addf %add3A_1492, %get3A_1496 : vector<16xf32>
      %get3A_1498 = arith.constant 8 : i32
      %get3A_1499 = arith.index_cast %get3A_1498 : i32 to index
      %get3A_1500 = arith.constant 0 : index
      %get3A_1501 = tpu.vector_load %arg21[%get3A_1499, %get3A_1500] {strides = array<i32>} : memref<16x16xf32, #tpu.memory_space<vmem>>, vector<16xf32>,
      %add3A_1502 = arith.addf %add3A_1497, %get3A_1501 : vector<16xf32>
      %get3A_1503 = arith.constant 9 : i32
      %get3A_1504 = arith.index_cast %get3A_1503 : i32 to index
      %get3A_1505 = arith.constant 0 : index
      %get3A_1506 = tpu.vector_load %arg21[%get3A_1504, %get3A_1505] {strides = array<i32>} : memref<16x16xf32, #tpu.memory_space<vmem>>, vector<16xf32>,
      %add3A_1507 = arith.addf %add3A_1502, %get3A_1506 : vector<16xf32>
      %get3A_1508 = arith.constant 10 : i32
      %get3A_1509 = arith.index_cast %get3A_1508 : i32 to index
      %get3A_1510 = arith.constant 0 : index
      %get3A_1511 = tpu.vector_load %arg21[%get3A_1509, %get3A_1510] {strides = array<i32>} : memref<16x16xf32, #tpu.memory_space<vmem>>, vector<16xf32>,
      %add3A_1512 = arith.addf %add3A_1507, %get3A_1511 : vector<16xf32>
      %get3A_1513 = arith.constant 11 : i32
      %get3A_1514 = arith.index_cast %get3A_1513 : i32 to index
      %get3A_1515 = arith.constant 0 : index
      %get3A_1516 = tpu.vector_load %arg21[%get3A_1514, %get3A_1515] {strides = array<i32>} : memref<16x16xf32, #tpu.memory_space<vmem>>, vector<16xf32>,
      %add3A_1517 = arith.addf %add3A_1512, %get3A_1516 : vector<16xf32>
      %get3A_1518 = arith.constant 12 : i32
      %get3A_1519 = arith.index_cast %get3A_1518 : i32 to index
      %get3A_1520 = arith.constant 0 : index
      %get3A_1521 = tpu.vector_load %arg21[%get3A_1519, %get3A_1520] {strides = array<i32>} : memref<16x16xf32, #tpu.memory_space<vmem>>, vector<16xf32>,
      %add3A_1522 = arith.addf %add3A_1517, %get3A_1521 : vector<16xf32>
      %get3A_1523 = arith.constant 13 : i32
      %get3A_1524 = arith.index_cast %get3A_1523 : i32 to index
      %get3A_1525 = arith.constant 0 : index
      %get3A_1526 = tpu.vector_load %arg21[%get3A_1524, %get3A_1525] {strides = array<i32>} : memref<16x16xf32, #tpu.memory_space<vmem>>, vector<16xf32>,
      %add3A_1527 = arith.addf %add3A_1522, %get3A_1526 : vector<16xf32>
      %get3A_1528 = arith.constant 14 : i32
      %get3A_1529 = arith.index_cast %get3A_1528 : i32 to index
      %get3A_1530 = arith.constant 0 : index
      %get3A_1531 = tpu.vector_load %arg21[%get3A_1529, %get3A_1530] {strides = array<i32>} : memref<16x16xf32, #tpu.memory_space<vmem>>, vector<16xf32>,
      %add3A_1532 = arith.addf %add3A_1527, %get3A_1531 : vector<16xf32>
      %get3A_1533 = arith.constant 15 : i32
      %get3A_1534 = arith.index_cast %get3A_1533 : i32 to index
      %get3A_1535 = arith.constant 0 : index
      %get3A_1536 = tpu.vector_load %arg21[%get3A_1534, %get3A_1535] {strides = array<i32>} : memref<16x16xf32, #tpu.memory_space<vmem>>, vector<16xf32>,
      %add3A_1537 = arith.addf %add3A_1532, %get3A_1536 : vector<16xf32>
      %broadcast_in_dim3A_1538 = arith.constant 0.000000e+00 : f32
      %broadcast_in_dim3A_1539 = vector.broadcast %broadcast_in_dim3A_1538 : f32 to vector<16xf32>
      %swap3A_1540 = arith.constant 0 : index
      %swap3A_1541 = tpu.vector_load %arg19[%swap3A_1540] {strides = array<i32>} : memref<128xf32, #tpu.memory_space<vmem>>, vector<16xf32>,
      tpu.vector_store %arg19[%swap3A_1540], %broadcast_in_dim3A_1539 {strides = array<i32>} : memref<128xf32, #tpu.memory_space<vmem>>, vector<16xf32>,
      %broadcast_in_dim3A_1542 = arith.constant 0.000000e+00 : f32
      %broadcast_in_dim3A_1543 = vector.broadcast %broadcast_in_dim3A_1542 : f32 to vector<16xf32>
      %swap3A_1544 = arith.constant 16 : index
      %swap3A_1545 = tpu.vector_load %arg19[%swap3A_1544] {strides = array<i32>} : memref<128xf32, #tpu.memory_space<vmem>>, vector<16xf32>,
      tpu.vector_store %arg19[%swap3A_1544], %broadcast_in_dim3A_1543 {strides = array<i32>} : memref<128xf32, #tpu.memory_space<vmem>>, vector<16xf32>,
      %broadcast_in_dim3A_1546 = arith.constant 0.000000e+00 : f32
      %broadcast_in_dim3A_1547 = vector.broadcast %broadcast_in_dim3A_1546 : f32 to vector<16xf32>
      %swap3A_1548 = arith.constant 32 : index
      %swap3A_1549 = tpu.vector_load %arg19[%swap3A_1548] {strides = array<i32>} : memref<128xf32, #tpu.memory_space<vmem>>, vector<16xf32>,
      tpu.vector_store %arg19[%swap3A_1548], %broadcast_in_dim3A_1547 {strides = array<i32>} : memref<128xf32, #tpu.memory_space<vmem>>, vector<16xf32>,
      %broadcast_in_dim3A_1550 = arith.constant 0.000000e+00 : f32
      %broadcast_in_dim3A_1551 = vector.broadcast %broadcast_in_dim3A_1550 : f32 to vector<16xf32>
      %swap3A_1552 = arith.constant 48 : index
      %swap3A_1553 = tpu.vector_load %arg19[%swap3A_1552] {strides = array<i32>} : memref<128xf32, #tpu.memory_space<vmem>>, vector<16xf32>,
      tpu.vector_store %arg19[%swap3A_1552], %broadcast_in_dim3A_1551 {strides = array<i32>} : memref<128xf32, #tpu.memory_space<vmem>>, vector<16xf32>,
      %broadcast_in_dim3A_1554 = arith.constant 0.000000e+00 : f32
      %broadcast_in_dim3A_1555 = vector.broadcast %broadcast_in_dim3A_1554 : f32 to vector<16xf32>
      %swap3A_1556 = arith.constant 64 : index
      %swap3A_1557 = tpu.vector_load %arg19[%swap3A_1556] {strides = array<i32>} : memref<128xf32, #tpu.memory_space<vmem>>, vector<16xf32>,
      tpu.vector_store %arg19[%swap3A_1556], %broadcast_in_dim3A_1555 {strides = array<i32>} : memref<128xf32, #tpu.memory_space<vmem>>, vector<16xf32>,
      %broadcast_in_dim3A_1558 = arith.constant 0.000000e+00 : f32
      %broadcast_in_dim3A_1559 = vector.broadcast %broadcast_in_dim3A_1558 : f32 to vector<16xf32>
      %swap3A_1560 = arith.constant 80 : index
      %swap3A_1561 = tpu.vector_load %arg19[%swap3A_1560] {strides = array<i32>} : memref<128xf32, #tpu.memory_space<vmem>>, vector<16xf32>,
      tpu.vector_store %arg19[%swap3A_1560], %broadcast_in_dim3A_1559 {strides = array<i32>} : memref<128xf32, #tpu.memory_space<vmem>>, vector<16xf32>,
      %broadcast_in_dim3A_1562 = arith.constant 0.000000e+00 : f32
      %broadcast_in_dim3A_1563 = vector.broadcast %broadcast_in_dim3A_1562 : f32 to vector<16xf32>
      %swap3A_1564 = arith.constant 96 : index
      %swap3A_1565 = tpu.vector_load %arg19[%swap3A_1564] {strides = array<i32>} : memref<128xf32, #tpu.memory_space<vmem>>, vector<16xf32>,
      tpu.vector_store %arg19[%swap3A_1564], %broadcast_in_dim3A_1563 {strides = array<i32>} : memref<128xf32, #tpu.memory_space<vmem>>, vector<16xf32>,
      %broadcast_in_dim3A_1566 = arith.constant 0.000000e+00 : f32
      %broadcast_in_dim3A_1567 = vector.broadcast %broadcast_in_dim3A_1566 : f32 to vector<16xf32>
      %swap3A_1568 = arith.constant 112 : index
      %swap3A_1569 = tpu.vector_load %arg19[%swap3A_1568] {strides = array<i32>} : memref<128xf32, #tpu.memory_space<vmem>>, vector<16xf32>,
      tpu.vector_store %arg19[%swap3A_1568], %broadcast_in_dim3A_1567 {strides = array<i32>} : memref<128xf32, #tpu.memory_space<vmem>>, vector<16xf32>,
      %swap3A_1570 = arith.constant 0 : index
      %swap3A_1571 = tpu.vector_load %arg19[%swap3A_1570] {strides = array<i32>} : memref<128xf32, #tpu.memory_space<vmem>>, vector<16xf32>,
      tpu.vector_store %arg19[%swap3A_1570], %add3A_1537 {strides = array<i32>} : memref<128xf32, #tpu.memory_space<vmem>>, vector<16xf32>,
      "tpu.region"() ({
        %run_scoped3A = tpu.sem_alloc : memref<!tpu.dma_semaphore, #tpu.memory_space<semaphore_mem>>
        %dma_start3A_1572 = arith.constant 0 : i32
        %dma_start3A_1573 = tpu.memref_slice %arg4[%arg0, %dma_start3A_1572] : memref<2x128xf32, #tpu.memory_space<hbm>> -> memref<1x128xf32, #tpu.memory_space<hbm>>
        %dma_start3A_1574 = tpu.memref_squeeze %dma_start3A_1573 : memref<1x128xf32, #tpu.memory_space<hbm>> -> memref<128xf32, #tpu.memory_space<hbm>>
        %dma_start3A_1575 = arith.constant 0 : i32
        %dma_start3A_1576 = tpu.memref_slice %arg4[%arg0, %dma_start3A_1575] : memref<2x128xf32, #tpu.memory_space<hbm>> -> memref<1x128xf32, #tpu.memory_space<hbm>>
        %dma_start3A_1577 = tpu.memref_squeeze %dma_start3A_1576 : memref<1x128xf32, #tpu.memory_space<hbm>> -> memref<128xf32, #tpu.memory_space<hbm>>
        tpu.enqueue_dma source(%arg19 : memref<128xf32, #tpu.memory_space<vmem>>) target(%dma_start3A_1577 : memref<128xf32, #tpu.memory_space<hbm>>) target_semaphore(%run_scoped3A : memref<!tpu.dma_semaphore, #tpu.memory_space<semaphore_mem>>)
        %dma_wait3A_1578 = arith.constant 0 : i32
        %dma_wait3A_1579 = tpu.memref_slice %arg4[%arg0, %dma_wait3A_1578] : memref<2x128xf32, #tpu.memory_space<hbm>> -> memref<1x128xf32, #tpu.memory_space<hbm>>
        %dma_wait3A_1580 = tpu.memref_squeeze %dma_wait3A_1579 : memref<1x128xf32, #tpu.memory_space<hbm>> -> memref<128xf32, #tpu.memory_space<hbm>>
        %dma_wait3A_1581 = arith.constant 0 : i32
        %dma_wait3A_1582 = tpu.memref_slice %arg4[%arg0, %dma_wait3A_1581] : memref<2x128xf32, #tpu.memory_space<hbm>> -> memref<1x128xf32, #tpu.memory_space<hbm>>
        %dma_wait3A_1583 = tpu.memref_squeeze %dma_wait3A_1582 : memref<1x128xf32, #tpu.memory_space<hbm>> -> memref<128xf32, #tpu.memory_space<hbm>>
        tpu.wait_dma2 semaphore(%run_scoped3A : memref<!tpu.dma_semaphore, #tpu.memory_space<semaphore_mem>>) src(%arg19 : memref<128xf32, #tpu.memory_space<vmem>>) dst(%dma_wait3A_1583 : memref<128xf32, #tpu.memory_space<hbm>>)
        tpu.yield
      }) : () -> ()
    } else {
    }
    return
  }
}

module attributes {stable_mosaic.version = 14 : i64} {
  func.func @_tc_prep_body(%arg0: i32, %arg1: memref<16x3x32x256xf32, #tpu.memory_space<vmem>>, %arg2: memref<16x3x32x256xf32, #tpu.memory_space<vmem>>, %arg3: memref<8192x128xf32, #tpu.memory_space<vmem>>) attributes {dimension_semantics = [#tpu.dimension_semantics<arbitrary>], iteration_bounds = array<i64: 8>, scalar_prefetch = 0 : i64, scratch_operands = 0 : i64, tpu.core_type = #tpu.core_type<tc>, window_params = [{transform_indices = @transform_0, window_bounds = array<i64: 16, 3, 32, 256>}, {transform_indices = @transform_1, window_bounds = array<i64: 16, 3, 32, 256>}, {transform_indices = @transform_2, window_bounds = array<i64: 8192, 128>}]} {
    %broadcast_in_dim3A = arith.constant 0.000000e+00 : f32
    %broadcast_in_dim3A_0 = vector.broadcast %broadcast_in_dim3A : f32 to vector<32x256xf32>
    %get3A = arith.constant 0 : index
    %get3A_1 = arith.constant 0 : index
    %get3A_2 = arith.constant 0 : index
    %get3A_3 = arith.constant 0 : index
    %get3A_4 = vector.load %arg1[%get3A, %get3A_1, %get3A_2, %get3A_3] : memref<16x3x32x256xf32, #tpu.memory_space<vmem>>, vector<16x3x1x256xf32>
    %get3A_5 = vector.shape_cast %get3A_4 : vector<16x3x1x256xf32> to vector<16x3x256xf32>
    %transpose3A = tpu.transpose %get3A_5, [1, 0, 2] : vector<16x3x256xf32> -> vector<3x16x256xf32>
    %reshape3A = vector.shape_cast %transpose3A : vector<3x16x256xf32> to vector<48x256xf32>
    %get3A_6 = arith.constant 0 : index
    %get3A_7 = arith.constant 0 : index
    %get3A_8 = arith.constant 0 : index
    %get3A_9 = arith.constant 0 : index
    %get3A_10 = vector.load %arg2[%get3A_6, %get3A_7, %get3A_8, %get3A_9] : memref<16x3x32x256xf32, #tpu.memory_space<vmem>>, vector<16x3x1x256xf32>
    %get3A_11 = vector.shape_cast %get3A_10 : vector<16x3x1x256xf32> to vector<16x3x256xf32>
    %transpose3A_12 = tpu.transpose %get3A_11, [1, 0, 2] : vector<16x3x256xf32> -> vector<3x16x256xf32>
    %reshape3A_13 = vector.shape_cast %transpose3A_12 : vector<3x16x256xf32> to vector<48x256xf32>
    %concatenate3A = tpu.concatenate %reshape3A, %reshape3A_13, %broadcast_in_dim3A_0 in 0 : vector<48x256xf32>, vector<48x256xf32>, vector<32x256xf32> -> vector<128x256xf32>
    %transpose3A_14 = tpu.transpose %concatenate3A, [1, 0] : vector<128x256xf32> -> vector<256x128xf32>
    %swap3A = arith.constant 0 : index
    %swap3A_15 = arith.constant 0 : index
    %swap3A_16 = vector.load %arg3[%swap3A, %swap3A_15] : memref<8192x128xf32, #tpu.memory_space<vmem>>, vector<256x128xf32>
    tpu.vector_store %arg3[%swap3A, %swap3A_15], %transpose3A_14 {strides = array<i32>} : memref<8192x128xf32, #tpu.memory_space<vmem>>, vector<256x128xf32>,
    %get3A_17 = arith.constant 0 : index
    %get3A_18 = arith.constant 0 : index
    %get3A_19 = arith.constant 1 : index
    %get3A_20 = arith.constant 0 : index
    %get3A_21 = vector.load %arg1[%get3A_17, %get3A_18, %get3A_19, %get3A_20] : memref<16x3x32x256xf32, #tpu.memory_space<vmem>>, vector<16x3x1x256xf32>
    %get3A_22 = vector.shape_cast %get3A_21 : vector<16x3x1x256xf32> to vector<16x3x256xf32>
    %transpose3A_23 = tpu.transpose %get3A_22, [1, 0, 2] : vector<16x3x256xf32> -> vector<3x16x256xf32>
    %reshape3A_24 = vector.shape_cast %transpose3A_23 : vector<3x16x256xf32> to vector<48x256xf32>
    %get3A_25 = arith.constant 0 : index
    %get3A_26 = arith.constant 0 : index
    %get3A_27 = arith.constant 1 : index
    %get3A_28 = arith.constant 0 : index
    %get3A_29 = vector.load %arg2[%get3A_25, %get3A_26, %get3A_27, %get3A_28] : memref<16x3x32x256xf32, #tpu.memory_space<vmem>>, vector<16x3x1x256xf32>
    %get3A_30 = vector.shape_cast %get3A_29 : vector<16x3x1x256xf32> to vector<16x3x256xf32>
    %transpose3A_31 = tpu.transpose %get3A_30, [1, 0, 2] : vector<16x3x256xf32> -> vector<3x16x256xf32>
    %reshape3A_32 = vector.shape_cast %transpose3A_31 : vector<3x16x256xf32> to vector<48x256xf32>
    %concatenate3A_33 = tpu.concatenate %reshape3A_24, %reshape3A_32, %broadcast_in_dim3A_0 in 0 : vector<48x256xf32>, vector<48x256xf32>, vector<32x256xf32> -> vector<128x256xf32>
    %transpose3A_34 = tpu.transpose %concatenate3A_33, [1, 0] : vector<128x256xf32> -> vector<256x128xf32>
    %swap3A_35 = arith.constant 256 : index
    %swap3A_36 = arith.constant 0 : index
    %swap3A_37 = vector.load %arg3[%swap3A_35, %swap3A_36] : memref<8192x128xf32, #tpu.memory_space<vmem>>, vector<256x128xf32>
    tpu.vector_store %arg3[%swap3A_35, %swap3A_36], %transpose3A_34 {strides = array<i32>} : memref<8192x128xf32, #tpu.memory_space<vmem>>, vector<256x128xf32>,
    %get3A_38 = arith.constant 0 : index
    %get3A_39 = arith.constant 0 : index
    %get3A_40 = arith.constant 2 : index
    %get3A_41 = arith.constant 0 : index
    %get3A_42 = vector.load %arg1[%get3A_38, %get3A_39, %get3A_40, %get3A_41] : memref<16x3x32x256xf32, #tpu.memory_space<vmem>>, vector<16x3x1x256xf32>
    %get3A_43 = vector.shape_cast %get3A_42 : vector<16x3x1x256xf32> to vector<16x3x256xf32>
    %transpose3A_44 = tpu.transpose %get3A_43, [1, 0, 2] : vector<16x3x256xf32> -> vector<3x16x256xf32>
    %reshape3A_45 = vector.shape_cast %transpose3A_44 : vector<3x16x256xf32> to vector<48x256xf32>
    %get3A_46 = arith.constant 0 : index
    %get3A_47 = arith.constant 0 : index
    %get3A_48 = arith.constant 2 : index
    %get3A_49 = arith.constant 0 : index
    %get3A_50 = vector.load %arg2[%get3A_46, %get3A_47, %get3A_48, %get3A_49] : memref<16x3x32x256xf32, #tpu.memory_space<vmem>>, vector<16x3x1x256xf32>
    %get3A_51 = vector.shape_cast %get3A_50 : vector<16x3x1x256xf32> to vector<16x3x256xf32>
    %transpose3A_52 = tpu.transpose %get3A_51, [1, 0, 2] : vector<16x3x256xf32> -> vector<3x16x256xf32>
    %reshape3A_53 = vector.shape_cast %transpose3A_52 : vector<3x16x256xf32> to vector<48x256xf32>
    %concatenate3A_54 = tpu.concatenate %reshape3A_45, %reshape3A_53, %broadcast_in_dim3A_0 in 0 : vector<48x256xf32>, vector<48x256xf32>, vector<32x256xf32> -> vector<128x256xf32>
    %transpose3A_55 = tpu.transpose %concatenate3A_54, [1, 0] : vector<128x256xf32> -> vector<256x128xf32>
    %swap3A_56 = arith.constant 512 : index
    %swap3A_57 = arith.constant 0 : index
    %swap3A_58 = vector.load %arg3[%swap3A_56, %swap3A_57] : memref<8192x128xf32, #tpu.memory_space<vmem>>, vector<256x128xf32>
    tpu.vector_store %arg3[%swap3A_56, %swap3A_57], %transpose3A_55 {strides = array<i32>} : memref<8192x128xf32, #tpu.memory_space<vmem>>, vector<256x128xf32>,
    %get3A_59 = arith.constant 0 : index
    %get3A_60 = arith.constant 0 : index
    %get3A_61 = arith.constant 3 : index
    %get3A_62 = arith.constant 0 : index
    %get3A_63 = vector.load %arg1[%get3A_59, %get3A_60, %get3A_61, %get3A_62] : memref<16x3x32x256xf32, #tpu.memory_space<vmem>>, vector<16x3x1x256xf32>
    %get3A_64 = vector.shape_cast %get3A_63 : vector<16x3x1x256xf32> to vector<16x3x256xf32>
    %transpose3A_65 = tpu.transpose %get3A_64, [1, 0, 2] : vector<16x3x256xf32> -> vector<3x16x256xf32>
    %reshape3A_66 = vector.shape_cast %transpose3A_65 : vector<3x16x256xf32> to vector<48x256xf32>
    %get3A_67 = arith.constant 0 : index
    %get3A_68 = arith.constant 0 : index
    %get3A_69 = arith.constant 3 : index
    %get3A_70 = arith.constant 0 : index
    %get3A_71 = vector.load %arg2[%get3A_67, %get3A_68, %get3A_69, %get3A_70] : memref<16x3x32x256xf32, #tpu.memory_space<vmem>>, vector<16x3x1x256xf32>
    %get3A_72 = vector.shape_cast %get3A_71 : vector<16x3x1x256xf32> to vector<16x3x256xf32>
    %transpose3A_73 = tpu.transpose %get3A_72, [1, 0, 2] : vector<16x3x256xf32> -> vector<3x16x256xf32>
    %reshape3A_74 = vector.shape_cast %transpose3A_73 : vector<3x16x256xf32> to vector<48x256xf32>
    %concatenate3A_75 = tpu.concatenate %reshape3A_66, %reshape3A_74, %broadcast_in_dim3A_0 in 0 : vector<48x256xf32>, vector<48x256xf32>, vector<32x256xf32> -> vector<128x256xf32>
    %transpose3A_76 = tpu.transpose %concatenate3A_75, [1, 0] : vector<128x256xf32> -> vector<256x128xf32>
    %swap3A_77 = arith.constant 768 : index
    %swap3A_78 = arith.constant 0 : index
    %swap3A_79 = vector.load %arg3[%swap3A_77, %swap3A_78] : memref<8192x128xf32, #tpu.memory_space<vmem>>, vector<256x128xf32>
    tpu.vector_store %arg3[%swap3A_77, %swap3A_78], %transpose3A_76 {strides = array<i32>} : memref<8192x128xf32, #tpu.memory_space<vmem>>, vector<256x128xf32>,
    %get3A_80 = arith.constant 0 : index
    %get3A_81 = arith.constant 0 : index
    %get3A_82 = arith.constant 4 : index
    %get3A_83 = arith.constant 0 : index
    %get3A_84 = vector.load %arg1[%get3A_80, %get3A_81, %get3A_82, %get3A_83] : memref<16x3x32x256xf32, #tpu.memory_space<vmem>>, vector<16x3x1x256xf32>
    %get3A_85 = vector.shape_cast %get3A_84 : vector<16x3x1x256xf32> to vector<16x3x256xf32>
    %transpose3A_86 = tpu.transpose %get3A_85, [1, 0, 2] : vector<16x3x256xf32> -> vector<3x16x256xf32>
    %reshape3A_87 = vector.shape_cast %transpose3A_86 : vector<3x16x256xf32> to vector<48x256xf32>
    %get3A_88 = arith.constant 0 : index
    %get3A_89 = arith.constant 0 : index
    %get3A_90 = arith.constant 4 : index
    %get3A_91 = arith.constant 0 : index
    %get3A_92 = vector.load %arg2[%get3A_88, %get3A_89, %get3A_90, %get3A_91] : memref<16x3x32x256xf32, #tpu.memory_space<vmem>>, vector<16x3x1x256xf32>
    %get3A_93 = vector.shape_cast %get3A_92 : vector<16x3x1x256xf32> to vector<16x3x256xf32>
    %transpose3A_94 = tpu.transpose %get3A_93, [1, 0, 2] : vector<16x3x256xf32> -> vector<3x16x256xf32>
    %reshape3A_95 = vector.shape_cast %transpose3A_94 : vector<3x16x256xf32> to vector<48x256xf32>
    %concatenate3A_96 = tpu.concatenate %reshape3A_87, %reshape3A_95, %broadcast_in_dim3A_0 in 0 : vector<48x256xf32>, vector<48x256xf32>, vector<32x256xf32> -> vector<128x256xf32>
    %transpose3A_97 = tpu.transpose %concatenate3A_96, [1, 0] : vector<128x256xf32> -> vector<256x128xf32>
    %swap3A_98 = arith.constant 1024 : index
    %swap3A_99 = arith.constant 0 : index
    %swap3A_100 = vector.load %arg3[%swap3A_98, %swap3A_99] : memref<8192x128xf32, #tpu.memory_space<vmem>>, vector<256x128xf32>
    tpu.vector_store %arg3[%swap3A_98, %swap3A_99], %transpose3A_97 {strides = array<i32>} : memref<8192x128xf32, #tpu.memory_space<vmem>>, vector<256x128xf32>,
    %get3A_101 = arith.constant 0 : index
    %get3A_102 = arith.constant 0 : index
    %get3A_103 = arith.constant 5 : index
    %get3A_104 = arith.constant 0 : index
    %get3A_105 = vector.load %arg1[%get3A_101, %get3A_102, %get3A_103, %get3A_104] : memref<16x3x32x256xf32, #tpu.memory_space<vmem>>, vector<16x3x1x256xf32>
    %get3A_106 = vector.shape_cast %get3A_105 : vector<16x3x1x256xf32> to vector<16x3x256xf32>
    %transpose3A_107 = tpu.transpose %get3A_106, [1, 0, 2] : vector<16x3x256xf32> -> vector<3x16x256xf32>
    %reshape3A_108 = vector.shape_cast %transpose3A_107 : vector<3x16x256xf32> to vector<48x256xf32>
    %get3A_109 = arith.constant 0 : index
    %get3A_110 = arith.constant 0 : index
    %get3A_111 = arith.constant 5 : index
    %get3A_112 = arith.constant 0 : index
    %get3A_113 = vector.load %arg2[%get3A_109, %get3A_110, %get3A_111, %get3A_112] : memref<16x3x32x256xf32, #tpu.memory_space<vmem>>, vector<16x3x1x256xf32>
    %get3A_114 = vector.shape_cast %get3A_113 : vector<16x3x1x256xf32> to vector<16x3x256xf32>
    %transpose3A_115 = tpu.transpose %get3A_114, [1, 0, 2] : vector<16x3x256xf32> -> vector<3x16x256xf32>
    %reshape3A_116 = vector.shape_cast %transpose3A_115 : vector<3x16x256xf32> to vector<48x256xf32>
    %concatenate3A_117 = tpu.concatenate %reshape3A_108, %reshape3A_116, %broadcast_in_dim3A_0 in 0 : vector<48x256xf32>, vector<48x256xf32>, vector<32x256xf32> -> vector<128x256xf32>
    %transpose3A_118 = tpu.transpose %concatenate3A_117, [1, 0] : vector<128x256xf32> -> vector<256x128xf32>
    %swap3A_119 = arith.constant 1280 : index
    %swap3A_120 = arith.constant 0 : index
    %swap3A_121 = vector.load %arg3[%swap3A_119, %swap3A_120] : memref<8192x128xf32, #tpu.memory_space<vmem>>, vector<256x128xf32>
    tpu.vector_store %arg3[%swap3A_119, %swap3A_120], %transpose3A_118 {strides = array<i32>} : memref<8192x128xf32, #tpu.memory_space<vmem>>, vector<256x128xf32>,
    %get3A_122 = arith.constant 0 : index
    %get3A_123 = arith.constant 0 : index
    %get3A_124 = arith.constant 6 : index
    %get3A_125 = arith.constant 0 : index
    %get3A_126 = vector.load %arg1[%get3A_122, %get3A_123, %get3A_124, %get3A_125] : memref<16x3x32x256xf32, #tpu.memory_space<vmem>>, vector<16x3x1x256xf32>
    %get3A_127 = vector.shape_cast %get3A_126 : vector<16x3x1x256xf32> to vector<16x3x256xf32>
    %transpose3A_128 = tpu.transpose %get3A_127, [1, 0, 2] : vector<16x3x256xf32> -> vector<3x16x256xf32>
    %reshape3A_129 = vector.shape_cast %transpose3A_128 : vector<3x16x256xf32> to vector<48x256xf32>
    %get3A_130 = arith.constant 0 : index
    %get3A_131 = arith.constant 0 : index
    %get3A_132 = arith.constant 6 : index
    %get3A_133 = arith.constant 0 : index
    %get3A_134 = vector.load %arg2[%get3A_130, %get3A_131, %get3A_132, %get3A_133] : memref<16x3x32x256xf32, #tpu.memory_space<vmem>>, vector<16x3x1x256xf32>
    %get3A_135 = vector.shape_cast %get3A_134 : vector<16x3x1x256xf32> to vector<16x3x256xf32>
    %transpose3A_136 = tpu.transpose %get3A_135, [1, 0, 2] : vector<16x3x256xf32> -> vector<3x16x256xf32>
    %reshape3A_137 = vector.shape_cast %transpose3A_136 : vector<3x16x256xf32> to vector<48x256xf32>
    %concatenate3A_138 = tpu.concatenate %reshape3A_129, %reshape3A_137, %broadcast_in_dim3A_0 in 0 : vector<48x256xf32>, vector<48x256xf32>, vector<32x256xf32> -> vector<128x256xf32>
    %transpose3A_139 = tpu.transpose %concatenate3A_138, [1, 0] : vector<128x256xf32> -> vector<256x128xf32>
    %swap3A_140 = arith.constant 1536 : index
    %swap3A_141 = arith.constant 0 : index
    %swap3A_142 = vector.load %arg3[%swap3A_140, %swap3A_141] : memref<8192x128xf32, #tpu.memory_space<vmem>>, vector<256x128xf32>
    tpu.vector_store %arg3[%swap3A_140, %swap3A_141], %transpose3A_139 {strides = array<i32>} : memref<8192x128xf32, #tpu.memory_space<vmem>>, vector<256x128xf32>,
    %get3A_143 = arith.constant 0 : index
    %get3A_144 = arith.constant 0 : index
    %get3A_145 = arith.constant 7 : index
    %get3A_146 = arith.constant 0 : index
    %get3A_147 = vector.load %arg1[%get3A_143, %get3A_144, %get3A_145, %get3A_146] : memref<16x3x32x256xf32, #tpu.memory_space<vmem>>, vector<16x3x1x256xf32>
    %get3A_148 = vector.shape_cast %get3A_147 : vector<16x3x1x256xf32> to vector<16x3x256xf32>
    %transpose3A_149 = tpu.transpose %get3A_148, [1, 0, 2] : vector<16x3x256xf32> -> vector<3x16x256xf32>
    %reshape3A_150 = vector.shape_cast %transpose3A_149 : vector<3x16x256xf32> to vector<48x256xf32>
    %get3A_151 = arith.constant 0 : index
    %get3A_152 = arith.constant 0 : index
    %get3A_153 = arith.constant 7 : index
    %get3A_154 = arith.constant 0 : index
    %get3A_155 = vector.load %arg2[%get3A_151, %get3A_152, %get3A_153, %get3A_154] : memref<16x3x32x256xf32, #tpu.memory_space<vmem>>, vector<16x3x1x256xf32>
    %get3A_156 = vector.shape_cast %get3A_155 : vector<16x3x1x256xf32> to vector<16x3x256xf32>
    %transpose3A_157 = tpu.transpose %get3A_156, [1, 0, 2] : vector<16x3x256xf32> -> vector<3x16x256xf32>
    %reshape3A_158 = vector.shape_cast %transpose3A_157 : vector<3x16x256xf32> to vector<48x256xf32>
    %concatenate3A_159 = tpu.concatenate %reshape3A_150, %reshape3A_158, %broadcast_in_dim3A_0 in 0 : vector<48x256xf32>, vector<48x256xf32>, vector<32x256xf32> -> vector<128x256xf32>
    %transpose3A_160 = tpu.transpose %concatenate3A_159, [1, 0] : vector<128x256xf32> -> vector<256x128xf32>
    %swap3A_161 = arith.constant 1792 : index
    %swap3A_162 = arith.constant 0 : index
    %swap3A_163 = vector.load %arg3[%swap3A_161, %swap3A_162] : memref<8192x128xf32, #tpu.memory_space<vmem>>, vector<256x128xf32>
    tpu.vector_store %arg3[%swap3A_161, %swap3A_162], %transpose3A_160 {strides = array<i32>} : memref<8192x128xf32, #tpu.memory_space<vmem>>, vector<256x128xf32>,
    %get3A_164 = arith.constant 0 : index
    %get3A_165 = arith.constant 0 : index
    %get3A_166 = arith.constant 8 : index
    %get3A_167 = arith.constant 0 : index
    %get3A_168 = vector.load %arg1[%get3A_164, %get3A_165, %get3A_166, %get3A_167] : memref<16x3x32x256xf32, #tpu.memory_space<vmem>>, vector<16x3x1x256xf32>
    %get3A_169 = vector.shape_cast %get3A_168 : vector<16x3x1x256xf32> to vector<16x3x256xf32>
    %transpose3A_170 = tpu.transpose %get3A_169, [1, 0, 2] : vector<16x3x256xf32> -> vector<3x16x256xf32>
    %reshape3A_171 = vector.shape_cast %transpose3A_170 : vector<3x16x256xf32> to vector<48x256xf32>
    %get3A_172 = arith.constant 0 : index
    %get3A_173 = arith.constant 0 : index
    %get3A_174 = arith.constant 8 : index
    %get3A_175 = arith.constant 0 : index
    %get3A_176 = vector.load %arg2[%get3A_172, %get3A_173, %get3A_174, %get3A_175] : memref<16x3x32x256xf32, #tpu.memory_space<vmem>>, vector<16x3x1x256xf32>
    %get3A_177 = vector.shape_cast %get3A_176 : vector<16x3x1x256xf32> to vector<16x3x256xf32>
    %transpose3A_178 = tpu.transpose %get3A_177, [1, 0, 2] : vector<16x3x256xf32> -> vector<3x16x256xf32>
    %reshape3A_179 = vector.shape_cast %transpose3A_178 : vector<3x16x256xf32> to vector<48x256xf32>
    %concatenate3A_180 = tpu.concatenate %reshape3A_171, %reshape3A_179, %broadcast_in_dim3A_0 in 0 : vector<48x256xf32>, vector<48x256xf32>, vector<32x256xf32> -> vector<128x256xf32>
    %transpose3A_181 = tpu.transpose %concatenate3A_180, [1, 0] : vector<128x256xf32> -> vector<256x128xf32>
    %swap3A_182 = arith.constant 2048 : index
    %swap3A_183 = arith.constant 0 : index
    %swap3A_184 = vector.load %arg3[%swap3A_182, %swap3A_183] : memref<8192x128xf32, #tpu.memory_space<vmem>>, vector<256x128xf32>
    tpu.vector_store %arg3[%swap3A_182, %swap3A_183], %transpose3A_181 {strides = array<i32>} : memref<8192x128xf32, #tpu.memory_space<vmem>>, vector<256x128xf32>,
    %get3A_185 = arith.constant 0 : index
    %get3A_186 = arith.constant 0 : index
    %get3A_187 = arith.constant 9 : index
    %get3A_188 = arith.constant 0 : index
    %get3A_189 = vector.load %arg1[%get3A_185, %get3A_186, %get3A_187, %get3A_188] : memref<16x3x32x256xf32, #tpu.memory_space<vmem>>, vector<16x3x1x256xf32>
    %get3A_190 = vector.shape_cast %get3A_189 : vector<16x3x1x256xf32> to vector<16x3x256xf32>
    %transpose3A_191 = tpu.transpose %get3A_190, [1, 0, 2] : vector<16x3x256xf32> -> vector<3x16x256xf32>
    %reshape3A_192 = vector.shape_cast %transpose3A_191 : vector<3x16x256xf32> to vector<48x256xf32>
    %get3A_193 = arith.constant 0 : index
    %get3A_194 = arith.constant 0 : index
    %get3A_195 = arith.constant 9 : index
    %get3A_196 = arith.constant 0 : index
    %get3A_197 = vector.load %arg2[%get3A_193, %get3A_194, %get3A_195, %get3A_196] : memref<16x3x32x256xf32, #tpu.memory_space<vmem>>, vector<16x3x1x256xf32>
    %get3A_198 = vector.shape_cast %get3A_197 : vector<16x3x1x256xf32> to vector<16x3x256xf32>
    %transpose3A_199 = tpu.transpose %get3A_198, [1, 0, 2] : vector<16x3x256xf32> -> vector<3x16x256xf32>
    %reshape3A_200 = vector.shape_cast %transpose3A_199 : vector<3x16x256xf32> to vector<48x256xf32>
    %concatenate3A_201 = tpu.concatenate %reshape3A_192, %reshape3A_200, %broadcast_in_dim3A_0 in 0 : vector<48x256xf32>, vector<48x256xf32>, vector<32x256xf32> -> vector<128x256xf32>
    %transpose3A_202 = tpu.transpose %concatenate3A_201, [1, 0] : vector<128x256xf32> -> vector<256x128xf32>
    %swap3A_203 = arith.constant 2304 : index
    %swap3A_204 = arith.constant 0 : index
    %swap3A_205 = vector.load %arg3[%swap3A_203, %swap3A_204] : memref<8192x128xf32, #tpu.memory_space<vmem>>, vector<256x128xf32>
    tpu.vector_store %arg3[%swap3A_203, %swap3A_204], %transpose3A_202 {strides = array<i32>} : memref<8192x128xf32, #tpu.memory_space<vmem>>, vector<256x128xf32>,
    %get3A_206 = arith.constant 0 : index
    %get3A_207 = arith.constant 0 : index
    %get3A_208 = arith.constant 10 : index
    %get3A_209 = arith.constant 0 : index
    %get3A_210 = vector.load %arg1[%get3A_206, %get3A_207, %get3A_208, %get3A_209] : memref<16x3x32x256xf32, #tpu.memory_space<vmem>>, vector<16x3x1x256xf32>
    %get3A_211 = vector.shape_cast %get3A_210 : vector<16x3x1x256xf32> to vector<16x3x256xf32>
    %transpose3A_212 = tpu.transpose %get3A_211, [1, 0, 2] : vector<16x3x256xf32> -> vector<3x16x256xf32>
    %reshape3A_213 = vector.shape_cast %transpose3A_212 : vector<3x16x256xf32> to vector<48x256xf32>
    %get3A_214 = arith.constant 0 : index
    %get3A_215 = arith.constant 0 : index
    %get3A_216 = arith.constant 10 : index
    %get3A_217 = arith.constant 0 : index
    %get3A_218 = vector.load %arg2[%get3A_214, %get3A_215, %get3A_216, %get3A_217] : memref<16x3x32x256xf32, #tpu.memory_space<vmem>>, vector<16x3x1x256xf32>
    %get3A_219 = vector.shape_cast %get3A_218 : vector<16x3x1x256xf32> to vector<16x3x256xf32>
    %transpose3A_220 = tpu.transpose %get3A_219, [1, 0, 2] : vector<16x3x256xf32> -> vector<3x16x256xf32>
    %reshape3A_221 = vector.shape_cast %transpose3A_220 : vector<3x16x256xf32> to vector<48x256xf32>
    %concatenate3A_222 = tpu.concatenate %reshape3A_213, %reshape3A_221, %broadcast_in_dim3A_0 in 0 : vector<48x256xf32>, vector<48x256xf32>, vector<32x256xf32> -> vector<128x256xf32>
    %transpose3A_223 = tpu.transpose %concatenate3A_222, [1, 0] : vector<128x256xf32> -> vector<256x128xf32>
    %swap3A_224 = arith.constant 2560 : index
    %swap3A_225 = arith.constant 0 : index
    %swap3A_226 = vector.load %arg3[%swap3A_224, %swap3A_225] : memref<8192x128xf32, #tpu.memory_space<vmem>>, vector<256x128xf32>
    tpu.vector_store %arg3[%swap3A_224, %swap3A_225], %transpose3A_223 {strides = array<i32>} : memref<8192x128xf32, #tpu.memory_space<vmem>>, vector<256x128xf32>,
    %get3A_227 = arith.constant 0 : index
    %get3A_228 = arith.constant 0 : index
    %get3A_229 = arith.constant 11 : index
    %get3A_230 = arith.constant 0 : index
    %get3A_231 = vector.load %arg1[%get3A_227, %get3A_228, %get3A_229, %get3A_230] : memref<16x3x32x256xf32, #tpu.memory_space<vmem>>, vector<16x3x1x256xf32>
    %get3A_232 = vector.shape_cast %get3A_231 : vector<16x3x1x256xf32> to vector<16x3x256xf32>
    %transpose3A_233 = tpu.transpose %get3A_232, [1, 0, 2] : vector<16x3x256xf32> -> vector<3x16x256xf32>
    %reshape3A_234 = vector.shape_cast %transpose3A_233 : vector<3x16x256xf32> to vector<48x256xf32>
    %get3A_235 = arith.constant 0 : index
    %get3A_236 = arith.constant 0 : index
    %get3A_237 = arith.constant 11 : index
    %get3A_238 = arith.constant 0 : index
    %get3A_239 = vector.load %arg2[%get3A_235, %get3A_236, %get3A_237, %get3A_238] : memref<16x3x32x256xf32, #tpu.memory_space<vmem>>, vector<16x3x1x256xf32>
    %get3A_240 = vector.shape_cast %get3A_239 : vector<16x3x1x256xf32> to vector<16x3x256xf32>
    %transpose3A_241 = tpu.transpose %get3A_240, [1, 0, 2] : vector<16x3x256xf32> -> vector<3x16x256xf32>
    %reshape3A_242 = vector.shape_cast %transpose3A_241 : vector<3x16x256xf32> to vector<48x256xf32>
    %concatenate3A_243 = tpu.concatenate %reshape3A_234, %reshape3A_242, %broadcast_in_dim3A_0 in 0 : vector<48x256xf32>, vector<48x256xf32>, vector<32x256xf32> -> vector<128x256xf32>
    %transpose3A_244 = tpu.transpose %concatenate3A_243, [1, 0] : vector<128x256xf32> -> vector<256x128xf32>
    %swap3A_245 = arith.constant 2816 : index
    %swap3A_246 = arith.constant 0 : index
    %swap3A_247 = vector.load %arg3[%swap3A_245, %swap3A_246] : memref<8192x128xf32, #tpu.memory_space<vmem>>, vector<256x128xf32>
    tpu.vector_store %arg3[%swap3A_245, %swap3A_246], %transpose3A_244 {strides = array<i32>} : memref<8192x128xf32, #tpu.memory_space<vmem>>, vector<256x128xf32>,
    %get3A_248 = arith.constant 0 : index
    %get3A_249 = arith.constant 0 : index
    %get3A_250 = arith.constant 12 : index
    %get3A_251 = arith.constant 0 : index
    %get3A_252 = vector.load %arg1[%get3A_248, %get3A_249, %get3A_250, %get3A_251] : memref<16x3x32x256xf32, #tpu.memory_space<vmem>>, vector<16x3x1x256xf32>
    %get3A_253 = vector.shape_cast %get3A_252 : vector<16x3x1x256xf32> to vector<16x3x256xf32>
    %transpose3A_254 = tpu.transpose %get3A_253, [1, 0, 2] : vector<16x3x256xf32> -> vector<3x16x256xf32>
    %reshape3A_255 = vector.shape_cast %transpose3A_254 : vector<3x16x256xf32> to vector<48x256xf32>
    %get3A_256 = arith.constant 0 : index
    %get3A_257 = arith.constant 0 : index
    %get3A_258 = arith.constant 12 : index
    %get3A_259 = arith.constant 0 : index
    %get3A_260 = vector.load %arg2[%get3A_256, %get3A_257, %get3A_258, %get3A_259] : memref<16x3x32x256xf32, #tpu.memory_space<vmem>>, vector<16x3x1x256xf32>
    %get3A_261 = vector.shape_cast %get3A_260 : vector<16x3x1x256xf32> to vector<16x3x256xf32>
    %transpose3A_262 = tpu.transpose %get3A_261, [1, 0, 2] : vector<16x3x256xf32> -> vector<3x16x256xf32>
    %reshape3A_263 = vector.shape_cast %transpose3A_262 : vector<3x16x256xf32> to vector<48x256xf32>
    %concatenate3A_264 = tpu.concatenate %reshape3A_255, %reshape3A_263, %broadcast_in_dim3A_0 in 0 : vector<48x256xf32>, vector<48x256xf32>, vector<32x256xf32> -> vector<128x256xf32>
    %transpose3A_265 = tpu.transpose %concatenate3A_264, [1, 0] : vector<128x256xf32> -> vector<256x128xf32>
    %swap3A_266 = arith.constant 3072 : index
    %swap3A_267 = arith.constant 0 : index
    %swap3A_268 = vector.load %arg3[%swap3A_266, %swap3A_267] : memref<8192x128xf32, #tpu.memory_space<vmem>>, vector<256x128xf32>
    tpu.vector_store %arg3[%swap3A_266, %swap3A_267], %transpose3A_265 {strides = array<i32>} : memref<8192x128xf32, #tpu.memory_space<vmem>>, vector<256x128xf32>,
    %get3A_269 = arith.constant 0 : index
    %get3A_270 = arith.constant 0 : index
    %get3A_271 = arith.constant 13 : index
    %get3A_272 = arith.constant 0 : index
    %get3A_273 = vector.load %arg1[%get3A_269, %get3A_270, %get3A_271, %get3A_272] : memref<16x3x32x256xf32, #tpu.memory_space<vmem>>, vector<16x3x1x256xf32>
    %get3A_274 = vector.shape_cast %get3A_273 : vector<16x3x1x256xf32> to vector<16x3x256xf32>
    %transpose3A_275 = tpu.transpose %get3A_274, [1, 0, 2] : vector<16x3x256xf32> -> vector<3x16x256xf32>
    %reshape3A_276 = vector.shape_cast %transpose3A_275 : vector<3x16x256xf32> to vector<48x256xf32>
    %get3A_277 = arith.constant 0 : index
    %get3A_278 = arith.constant 0 : index
    %get3A_279 = arith.constant 13 : index
    %get3A_280 = arith.constant 0 : index
    %get3A_281 = vector.load %arg2[%get3A_277, %get3A_278, %get3A_279, %get3A_280] : memref<16x3x32x256xf32, #tpu.memory_space<vmem>>, vector<16x3x1x256xf32>
    %get3A_282 = vector.shape_cast %get3A_281 : vector<16x3x1x256xf32> to vector<16x3x256xf32>
    %transpose3A_283 = tpu.transpose %get3A_282, [1, 0, 2] : vector<16x3x256xf32> -> vector<3x16x256xf32>
    %reshape3A_284 = vector.shape_cast %transpose3A_283 : vector<3x16x256xf32> to vector<48x256xf32>
    %concatenate3A_285 = tpu.concatenate %reshape3A_276, %reshape3A_284, %broadcast_in_dim3A_0 in 0 : vector<48x256xf32>, vector<48x256xf32>, vector<32x256xf32> -> vector<128x256xf32>
    %transpose3A_286 = tpu.transpose %concatenate3A_285, [1, 0] : vector<128x256xf32> -> vector<256x128xf32>
    %swap3A_287 = arith.constant 3328 : index
    %swap3A_288 = arith.constant 0 : index
    %swap3A_289 = vector.load %arg3[%swap3A_287, %swap3A_288] : memref<8192x128xf32, #tpu.memory_space<vmem>>, vector<256x128xf32>
    tpu.vector_store %arg3[%swap3A_287, %swap3A_288], %transpose3A_286 {strides = array<i32>} : memref<8192x128xf32, #tpu.memory_space<vmem>>, vector<256x128xf32>,
    %get3A_290 = arith.constant 0 : index
    %get3A_291 = arith.constant 0 : index
    %get3A_292 = arith.constant 14 : index
    %get3A_293 = arith.constant 0 : index
    %get3A_294 = vector.load %arg1[%get3A_290, %get3A_291, %get3A_292, %get3A_293] : memref<16x3x32x256xf32, #tpu.memory_space<vmem>>, vector<16x3x1x256xf32>
    %get3A_295 = vector.shape_cast %get3A_294 : vector<16x3x1x256xf32> to vector<16x3x256xf32>
    %transpose3A_296 = tpu.transpose %get3A_295, [1, 0, 2] : vector<16x3x256xf32> -> vector<3x16x256xf32>
    %reshape3A_297 = vector.shape_cast %transpose3A_296 : vector<3x16x256xf32> to vector<48x256xf32>
    %get3A_298 = arith.constant 0 : index
    %get3A_299 = arith.constant 0 : index
    %get3A_300 = arith.constant 14 : index
    %get3A_301 = arith.constant 0 : index
    %get3A_302 = vector.load %arg2[%get3A_298, %get3A_299, %get3A_300, %get3A_301] : memref<16x3x32x256xf32, #tpu.memory_space<vmem>>, vector<16x3x1x256xf32>
    %get3A_303 = vector.shape_cast %get3A_302 : vector<16x3x1x256xf32> to vector<16x3x256xf32>
    %transpose3A_304 = tpu.transpose %get3A_303, [1, 0, 2] : vector<16x3x256xf32> -> vector<3x16x256xf32>
    %reshape3A_305 = vector.shape_cast %transpose3A_304 : vector<3x16x256xf32> to vector<48x256xf32>
    %concatenate3A_306 = tpu.concatenate %reshape3A_297, %reshape3A_305, %broadcast_in_dim3A_0 in 0 : vector<48x256xf32>, vector<48x256xf32>, vector<32x256xf32> -> vector<128x256xf32>
    %transpose3A_307 = tpu.transpose %concatenate3A_306, [1, 0] : vector<128x256xf32> -> vector<256x128xf32>
    %swap3A_308 = arith.constant 3584 : index
    %swap3A_309 = arith.constant 0 : index
    %swap3A_310 = vector.load %arg3[%swap3A_308, %swap3A_309] : memref<8192x128xf32, #tpu.memory_space<vmem>>, vector<256x128xf32>
    tpu.vector_store %arg3[%swap3A_308, %swap3A_309], %transpose3A_307 {strides = array<i32>} : memref<8192x128xf32, #tpu.memory_space<vmem>>, vector<256x128xf32>,
    %get3A_311 = arith.constant 0 : index
    %get3A_312 = arith.constant 0 : index
    %get3A_313 = arith.constant 15 : index
    %get3A_314 = arith.constant 0 : index
    %get3A_315 = vector.load %arg1[%get3A_311, %get3A_312, %get3A_313, %get3A_314] : memref<16x3x32x256xf32, #tpu.memory_space<vmem>>, vector<16x3x1x256xf32>
    %get3A_316 = vector.shape_cast %get3A_315 : vector<16x3x1x256xf32> to vector<16x3x256xf32>
    %transpose3A_317 = tpu.transpose %get3A_316, [1, 0, 2] : vector<16x3x256xf32> -> vector<3x16x256xf32>
    %reshape3A_318 = vector.shape_cast %transpose3A_317 : vector<3x16x256xf32> to vector<48x256xf32>
    %get3A_319 = arith.constant 0 : index
    %get3A_320 = arith.constant 0 : index
    %get3A_321 = arith.constant 15 : index
    %get3A_322 = arith.constant 0 : index
    %get3A_323 = vector.load %arg2[%get3A_319, %get3A_320, %get3A_321, %get3A_322] : memref<16x3x32x256xf32, #tpu.memory_space<vmem>>, vector<16x3x1x256xf32>
    %get3A_324 = vector.shape_cast %get3A_323 : vector<16x3x1x256xf32> to vector<16x3x256xf32>
    %transpose3A_325 = tpu.transpose %get3A_324, [1, 0, 2] : vector<16x3x256xf32> -> vector<3x16x256xf32>
    %reshape3A_326 = vector.shape_cast %transpose3A_325 : vector<3x16x256xf32> to vector<48x256xf32>
    %concatenate3A_327 = tpu.concatenate %reshape3A_318, %reshape3A_326, %broadcast_in_dim3A_0 in 0 : vector<48x256xf32>, vector<48x256xf32>, vector<32x256xf32> -> vector<128x256xf32>
    %transpose3A_328 = tpu.transpose %concatenate3A_327, [1, 0] : vector<128x256xf32> -> vector<256x128xf32>
    %swap3A_329 = arith.constant 3840 : index
    %swap3A_330 = arith.constant 0 : index
    %swap3A_331 = vector.load %arg3[%swap3A_329, %swap3A_330] : memref<8192x128xf32, #tpu.memory_space<vmem>>, vector<256x128xf32>
    tpu.vector_store %arg3[%swap3A_329, %swap3A_330], %transpose3A_328 {strides = array<i32>} : memref<8192x128xf32, #tpu.memory_space<vmem>>, vector<256x128xf32>,
    %get3A_332 = arith.constant 0 : index
    %get3A_333 = arith.constant 0 : index
    %get3A_334 = arith.constant 16 : index
    %get3A_335 = arith.constant 0 : index
    %get3A_336 = vector.load %arg1[%get3A_332, %get3A_333, %get3A_334, %get3A_335] : memref<16x3x32x256xf32, #tpu.memory_space<vmem>>, vector<16x3x1x256xf32>
    %get3A_337 = vector.shape_cast %get3A_336 : vector<16x3x1x256xf32> to vector<16x3x256xf32>
    %transpose3A_338 = tpu.transpose %get3A_337, [1, 0, 2] : vector<16x3x256xf32> -> vector<3x16x256xf32>
    %reshape3A_339 = vector.shape_cast %transpose3A_338 : vector<3x16x256xf32> to vector<48x256xf32>
    %get3A_340 = arith.constant 0 : index
    %get3A_341 = arith.constant 0 : index
    %get3A_342 = arith.constant 16 : index
    %get3A_343 = arith.constant 0 : index
    %get3A_344 = vector.load %arg2[%get3A_340, %get3A_341, %get3A_342, %get3A_343] : memref<16x3x32x256xf32, #tpu.memory_space<vmem>>, vector<16x3x1x256xf32>
    %get3A_345 = vector.shape_cast %get3A_344 : vector<16x3x1x256xf32> to vector<16x3x256xf32>
    %transpose3A_346 = tpu.transpose %get3A_345, [1, 0, 2] : vector<16x3x256xf32> -> vector<3x16x256xf32>
    %reshape3A_347 = vector.shape_cast %transpose3A_346 : vector<3x16x256xf32> to vector<48x256xf32>
    %concatenate3A_348 = tpu.concatenate %reshape3A_339, %reshape3A_347, %broadcast_in_dim3A_0 in 0 : vector<48x256xf32>, vector<48x256xf32>, vector<32x256xf32> -> vector<128x256xf32>
    %transpose3A_349 = tpu.transpose %concatenate3A_348, [1, 0] : vector<128x256xf32> -> vector<256x128xf32>
    %swap3A_350 = arith.constant 4096 : index
    %swap3A_351 = arith.constant 0 : index
    %swap3A_352 = vector.load %arg3[%swap3A_350, %swap3A_351] : memref<8192x128xf32, #tpu.memory_space<vmem>>, vector<256x128xf32>
    tpu.vector_store %arg3[%swap3A_350, %swap3A_351], %transpose3A_349 {strides = array<i32>} : memref<8192x128xf32, #tpu.memory_space<vmem>>, vector<256x128xf32>,
    %get3A_353 = arith.constant 0 : index
    %get3A_354 = arith.constant 0 : index
    %get3A_355 = arith.constant 17 : index
    %get3A_356 = arith.constant 0 : index
    %get3A_357 = vector.load %arg1[%get3A_353, %get3A_354, %get3A_355, %get3A_356] : memref<16x3x32x256xf32, #tpu.memory_space<vmem>>, vector<16x3x1x256xf32>
    %get3A_358 = vector.shape_cast %get3A_357 : vector<16x3x1x256xf32> to vector<16x3x256xf32>
    %transpose3A_359 = tpu.transpose %get3A_358, [1, 0, 2] : vector<16x3x256xf32> -> vector<3x16x256xf32>
    %reshape3A_360 = vector.shape_cast %transpose3A_359 : vector<3x16x256xf32> to vector<48x256xf32>
    %get3A_361 = arith.constant 0 : index
    %get3A_362 = arith.constant 0 : index
    %get3A_363 = arith.constant 17 : index
    %get3A_364 = arith.constant 0 : index
    %get3A_365 = vector.load %arg2[%get3A_361, %get3A_362, %get3A_363, %get3A_364] : memref<16x3x32x256xf32, #tpu.memory_space<vmem>>, vector<16x3x1x256xf32>
    %get3A_366 = vector.shape_cast %get3A_365 : vector<16x3x1x256xf32> to vector<16x3x256xf32>
    %transpose3A_367 = tpu.transpose %get3A_366, [1, 0, 2] : vector<16x3x256xf32> -> vector<3x16x256xf32>
    %reshape3A_368 = vector.shape_cast %transpose3A_367 : vector<3x16x256xf32> to vector<48x256xf32>
    %concatenate3A_369 = tpu.concatenate %reshape3A_360, %reshape3A_368, %broadcast_in_dim3A_0 in 0 : vector<48x256xf32>, vector<48x256xf32>, vector<32x256xf32> -> vector<128x256xf32>
    %transpose3A_370 = tpu.transpose %concatenate3A_369, [1, 0] : vector<128x256xf32> -> vector<256x128xf32>
    %swap3A_371 = arith.constant 4352 : index
    %swap3A_372 = arith.constant 0 : index
    %swap3A_373 = vector.load %arg3[%swap3A_371, %swap3A_372] : memref<8192x128xf32, #tpu.memory_space<vmem>>, vector<256x128xf32>
    tpu.vector_store %arg3[%swap3A_371, %swap3A_372], %transpose3A_370 {strides = array<i32>} : memref<8192x128xf32, #tpu.memory_space<vmem>>, vector<256x128xf32>,
    %get3A_374 = arith.constant 0 : index
    %get3A_375 = arith.constant 0 : index
    %get3A_376 = arith.constant 18 : index
    %get3A_377 = arith.constant 0 : index
    %get3A_378 = vector.load %arg1[%get3A_374, %get3A_375, %get3A_376, %get3A_377] : memref<16x3x32x256xf32, #tpu.memory_space<vmem>>, vector<16x3x1x256xf32>
    %get3A_379 = vector.shape_cast %get3A_378 : vector<16x3x1x256xf32> to vector<16x3x256xf32>
    %transpose3A_380 = tpu.transpose %get3A_379, [1, 0, 2] : vector<16x3x256xf32> -> vector<3x16x256xf32>
    %reshape3A_381 = vector.shape_cast %transpose3A_380 : vector<3x16x256xf32> to vector<48x256xf32>
    %get3A_382 = arith.constant 0 : index
    %get3A_383 = arith.constant 0 : index
    %get3A_384 = arith.constant 18 : index
    %get3A_385 = arith.constant 0 : index
    %get3A_386 = vector.load %arg2[%get3A_382, %get3A_383, %get3A_384, %get3A_385] : memref<16x3x32x256xf32, #tpu.memory_space<vmem>>, vector<16x3x1x256xf32>
    %get3A_387 = vector.shape_cast %get3A_386 : vector<16x3x1x256xf32> to vector<16x3x256xf32>
    %transpose3A_388 = tpu.transpose %get3A_387, [1, 0, 2] : vector<16x3x256xf32> -> vector<3x16x256xf32>
    %reshape3A_389 = vector.shape_cast %transpose3A_388 : vector<3x16x256xf32> to vector<48x256xf32>
    %concatenate3A_390 = tpu.concatenate %reshape3A_381, %reshape3A_389, %broadcast_in_dim3A_0 in 0 : vector<48x256xf32>, vector<48x256xf32>, vector<32x256xf32> -> vector<128x256xf32>
    %transpose3A_391 = tpu.transpose %concatenate3A_390, [1, 0] : vector<128x256xf32> -> vector<256x128xf32>
    %swap3A_392 = arith.constant 4608 : index
    %swap3A_393 = arith.constant 0 : index
    %swap3A_394 = vector.load %arg3[%swap3A_392, %swap3A_393] : memref<8192x128xf32, #tpu.memory_space<vmem>>, vector<256x128xf32>
    tpu.vector_store %arg3[%swap3A_392, %swap3A_393], %transpose3A_391 {strides = array<i32>} : memref<8192x128xf32, #tpu.memory_space<vmem>>, vector<256x128xf32>,
    %get3A_395 = arith.constant 0 : index
    %get3A_396 = arith.constant 0 : index
    %get3A_397 = arith.constant 19 : index
    %get3A_398 = arith.constant 0 : index
    %get3A_399 = vector.load %arg1[%get3A_395, %get3A_396, %get3A_397, %get3A_398] : memref<16x3x32x256xf32, #tpu.memory_space<vmem>>, vector<16x3x1x256xf32>
    %get3A_400 = vector.shape_cast %get3A_399 : vector<16x3x1x256xf32> to vector<16x3x256xf32>
    %transpose3A_401 = tpu.transpose %get3A_400, [1, 0, 2] : vector<16x3x256xf32> -> vector<3x16x256xf32>
    %reshape3A_402 = vector.shape_cast %transpose3A_401 : vector<3x16x256xf32> to vector<48x256xf32>
    %get3A_403 = arith.constant 0 : index
    %get3A_404 = arith.constant 0 : index
    %get3A_405 = arith.constant 19 : index
    %get3A_406 = arith.constant 0 : index
    %get3A_407 = vector.load %arg2[%get3A_403, %get3A_404, %get3A_405, %get3A_406] : memref<16x3x32x256xf32, #tpu.memory_space<vmem>>, vector<16x3x1x256xf32>
    %get3A_408 = vector.shape_cast %get3A_407 : vector<16x3x1x256xf32> to vector<16x3x256xf32>
    %transpose3A_409 = tpu.transpose %get3A_408, [1, 0, 2] : vector<16x3x256xf32> -> vector<3x16x256xf32>
    %reshape3A_410 = vector.shape_cast %transpose3A_409 : vector<3x16x256xf32> to vector<48x256xf32>
    %concatenate3A_411 = tpu.concatenate %reshape3A_402, %reshape3A_410, %broadcast_in_dim3A_0 in 0 : vector<48x256xf32>, vector<48x256xf32>, vector<32x256xf32> -> vector<128x256xf32>
    %transpose3A_412 = tpu.transpose %concatenate3A_411, [1, 0] : vector<128x256xf32> -> vector<256x128xf32>
    %swap3A_413 = arith.constant 4864 : index
    %swap3A_414 = arith.constant 0 : index
    %swap3A_415 = vector.load %arg3[%swap3A_413, %swap3A_414] : memref<8192x128xf32, #tpu.memory_space<vmem>>, vector<256x128xf32>
    tpu.vector_store %arg3[%swap3A_413, %swap3A_414], %transpose3A_412 {strides = array<i32>} : memref<8192x128xf32, #tpu.memory_space<vmem>>, vector<256x128xf32>,
    %get3A_416 = arith.constant 0 : index
    %get3A_417 = arith.constant 0 : index
    %get3A_418 = arith.constant 20 : index
    %get3A_419 = arith.constant 0 : index
    %get3A_420 = vector.load %arg1[%get3A_416, %get3A_417, %get3A_418, %get3A_419] : memref<16x3x32x256xf32, #tpu.memory_space<vmem>>, vector<16x3x1x256xf32>
    %get3A_421 = vector.shape_cast %get3A_420 : vector<16x3x1x256xf32> to vector<16x3x256xf32>
    %transpose3A_422 = tpu.transpose %get3A_421, [1, 0, 2] : vector<16x3x256xf32> -> vector<3x16x256xf32>
    %reshape3A_423 = vector.shape_cast %transpose3A_422 : vector<3x16x256xf32> to vector<48x256xf32>
    %get3A_424 = arith.constant 0 : index
    %get3A_425 = arith.constant 0 : index
    %get3A_426 = arith.constant 20 : index
    %get3A_427 = arith.constant 0 : index
    %get3A_428 = vector.load %arg2[%get3A_424, %get3A_425, %get3A_426, %get3A_427] : memref<16x3x32x256xf32, #tpu.memory_space<vmem>>, vector<16x3x1x256xf32>
    %get3A_429 = vector.shape_cast %get3A_428 : vector<16x3x1x256xf32> to vector<16x3x256xf32>
    %transpose3A_430 = tpu.transpose %get3A_429, [1, 0, 2] : vector<16x3x256xf32> -> vector<3x16x256xf32>
    %reshape3A_431 = vector.shape_cast %transpose3A_430 : vector<3x16x256xf32> to vector<48x256xf32>
    %concatenate3A_432 = tpu.concatenate %reshape3A_423, %reshape3A_431, %broadcast_in_dim3A_0 in 0 : vector<48x256xf32>, vector<48x256xf32>, vector<32x256xf32> -> vector<128x256xf32>
    %transpose3A_433 = tpu.transpose %concatenate3A_432, [1, 0] : vector<128x256xf32> -> vector<256x128xf32>
    %swap3A_434 = arith.constant 5120 : index
    %swap3A_435 = arith.constant 0 : index
    %swap3A_436 = vector.load %arg3[%swap3A_434, %swap3A_435] : memref<8192x128xf32, #tpu.memory_space<vmem>>, vector<256x128xf32>
    tpu.vector_store %arg3[%swap3A_434, %swap3A_435], %transpose3A_433 {strides = array<i32>} : memref<8192x128xf32, #tpu.memory_space<vmem>>, vector<256x128xf32>,
    %get3A_437 = arith.constant 0 : index
    %get3A_438 = arith.constant 0 : index
    %get3A_439 = arith.constant 21 : index
    %get3A_440 = arith.constant 0 : index
    %get3A_441 = vector.load %arg1[%get3A_437, %get3A_438, %get3A_439, %get3A_440] : memref<16x3x32x256xf32, #tpu.memory_space<vmem>>, vector<16x3x1x256xf32>
    %get3A_442 = vector.shape_cast %get3A_441 : vector<16x3x1x256xf32> to vector<16x3x256xf32>
    %transpose3A_443 = tpu.transpose %get3A_442, [1, 0, 2] : vector<16x3x256xf32> -> vector<3x16x256xf32>
    %reshape3A_444 = vector.shape_cast %transpose3A_443 : vector<3x16x256xf32> to vector<48x256xf32>
    %get3A_445 = arith.constant 0 : index
    %get3A_446 = arith.constant 0 : index
    %get3A_447 = arith.constant 21 : index
    %get3A_448 = arith.constant 0 : index
    %get3A_449 = vector.load %arg2[%get3A_445, %get3A_446, %get3A_447, %get3A_448] : memref<16x3x32x256xf32, #tpu.memory_space<vmem>>, vector<16x3x1x256xf32>
    %get3A_450 = vector.shape_cast %get3A_449 : vector<16x3x1x256xf32> to vector<16x3x256xf32>
    %transpose3A_451 = tpu.transpose %get3A_450, [1, 0, 2] : vector<16x3x256xf32> -> vector<3x16x256xf32>
    %reshape3A_452 = vector.shape_cast %transpose3A_451 : vector<3x16x256xf32> to vector<48x256xf32>
    %concatenate3A_453 = tpu.concatenate %reshape3A_444, %reshape3A_452, %broadcast_in_dim3A_0 in 0 : vector<48x256xf32>, vector<48x256xf32>, vector<32x256xf32> -> vector<128x256xf32>
    %transpose3A_454 = tpu.transpose %concatenate3A_453, [1, 0] : vector<128x256xf32> -> vector<256x128xf32>
    %swap3A_455 = arith.constant 5376 : index
    %swap3A_456 = arith.constant 0 : index
    %swap3A_457 = vector.load %arg3[%swap3A_455, %swap3A_456] : memref<8192x128xf32, #tpu.memory_space<vmem>>, vector<256x128xf32>
    tpu.vector_store %arg3[%swap3A_455, %swap3A_456], %transpose3A_454 {strides = array<i32>} : memref<8192x128xf32, #tpu.memory_space<vmem>>, vector<256x128xf32>,
    %get3A_458 = arith.constant 0 : index
    %get3A_459 = arith.constant 0 : index
    %get3A_460 = arith.constant 22 : index
    %get3A_461 = arith.constant 0 : index
    %get3A_462 = vector.load %arg1[%get3A_458, %get3A_459, %get3A_460, %get3A_461] : memref<16x3x32x256xf32, #tpu.memory_space<vmem>>, vector<16x3x1x256xf32>
    %get3A_463 = vector.shape_cast %get3A_462 : vector<16x3x1x256xf32> to vector<16x3x256xf32>
    %transpose3A_464 = tpu.transpose %get3A_463, [1, 0, 2] : vector<16x3x256xf32> -> vector<3x16x256xf32>
    %reshape3A_465 = vector.shape_cast %transpose3A_464 : vector<3x16x256xf32> to vector<48x256xf32>
    %get3A_466 = arith.constant 0 : index
    %get3A_467 = arith.constant 0 : index
    %get3A_468 = arith.constant 22 : index
    %get3A_469 = arith.constant 0 : index
    %get3A_470 = vector.load %arg2[%get3A_466, %get3A_467, %get3A_468, %get3A_469] : memref<16x3x32x256xf32, #tpu.memory_space<vmem>>, vector<16x3x1x256xf32>
    %get3A_471 = vector.shape_cast %get3A_470 : vector<16x3x1x256xf32> to vector<16x3x256xf32>
    %transpose3A_472 = tpu.transpose %get3A_471, [1, 0, 2] : vector<16x3x256xf32> -> vector<3x16x256xf32>
    %reshape3A_473 = vector.shape_cast %transpose3A_472 : vector<3x16x256xf32> to vector<48x256xf32>
    %concatenate3A_474 = tpu.concatenate %reshape3A_465, %reshape3A_473, %broadcast_in_dim3A_0 in 0 : vector<48x256xf32>, vector<48x256xf32>, vector<32x256xf32> -> vector<128x256xf32>
    %transpose3A_475 = tpu.transpose %concatenate3A_474, [1, 0] : vector<128x256xf32> -> vector<256x128xf32>
    %swap3A_476 = arith.constant 5632 : index
    %swap3A_477 = arith.constant 0 : index
    %swap3A_478 = vector.load %arg3[%swap3A_476, %swap3A_477] : memref<8192x128xf32, #tpu.memory_space<vmem>>, vector<256x128xf32>
    tpu.vector_store %arg3[%swap3A_476, %swap3A_477], %transpose3A_475 {strides = array<i32>} : memref<8192x128xf32, #tpu.memory_space<vmem>>, vector<256x128xf32>,
    %get3A_479 = arith.constant 0 : index
    %get3A_480 = arith.constant 0 : index
    %get3A_481 = arith.constant 23 : index
    %get3A_482 = arith.constant 0 : index
    %get3A_483 = vector.load %arg1[%get3A_479, %get3A_480, %get3A_481, %get3A_482] : memref<16x3x32x256xf32, #tpu.memory_space<vmem>>, vector<16x3x1x256xf32>
    %get3A_484 = vector.shape_cast %get3A_483 : vector<16x3x1x256xf32> to vector<16x3x256xf32>
    %transpose3A_485 = tpu.transpose %get3A_484, [1, 0, 2] : vector<16x3x256xf32> -> vector<3x16x256xf32>
    %reshape3A_486 = vector.shape_cast %transpose3A_485 : vector<3x16x256xf32> to vector<48x256xf32>
    %get3A_487 = arith.constant 0 : index
    %get3A_488 = arith.constant 0 : index
    %get3A_489 = arith.constant 23 : index
    %get3A_490 = arith.constant 0 : index
    %get3A_491 = vector.load %arg2[%get3A_487, %get3A_488, %get3A_489, %get3A_490] : memref<16x3x32x256xf32, #tpu.memory_space<vmem>>, vector<16x3x1x256xf32>
    %get3A_492 = vector.shape_cast %get3A_491 : vector<16x3x1x256xf32> to vector<16x3x256xf32>
    %transpose3A_493 = tpu.transpose %get3A_492, [1, 0, 2] : vector<16x3x256xf32> -> vector<3x16x256xf32>
    %reshape3A_494 = vector.shape_cast %transpose3A_493 : vector<3x16x256xf32> to vector<48x256xf32>
    %concatenate3A_495 = tpu.concatenate %reshape3A_486, %reshape3A_494, %broadcast_in_dim3A_0 in 0 : vector<48x256xf32>, vector<48x256xf32>, vector<32x256xf32> -> vector<128x256xf32>
    %transpose3A_496 = tpu.transpose %concatenate3A_495, [1, 0] : vector<128x256xf32> -> vector<256x128xf32>
    %swap3A_497 = arith.constant 5888 : index
    %swap3A_498 = arith.constant 0 : index
    %swap3A_499 = vector.load %arg3[%swap3A_497, %swap3A_498] : memref<8192x128xf32, #tpu.memory_space<vmem>>, vector<256x128xf32>
    tpu.vector_store %arg3[%swap3A_497, %swap3A_498], %transpose3A_496 {strides = array<i32>} : memref<8192x128xf32, #tpu.memory_space<vmem>>, vector<256x128xf32>,
    %get3A_500 = arith.constant 0 : index
    %get3A_501 = arith.constant 0 : index
    %get3A_502 = arith.constant 24 : index
    %get3A_503 = arith.constant 0 : index
    %get3A_504 = vector.load %arg1[%get3A_500, %get3A_501, %get3A_502, %get3A_503] : memref<16x3x32x256xf32, #tpu.memory_space<vmem>>, vector<16x3x1x256xf32>
    %get3A_505 = vector.shape_cast %get3A_504 : vector<16x3x1x256xf32> to vector<16x3x256xf32>
    %transpose3A_506 = tpu.transpose %get3A_505, [1, 0, 2] : vector<16x3x256xf32> -> vector<3x16x256xf32>
    %reshape3A_507 = vector.shape_cast %transpose3A_506 : vector<3x16x256xf32> to vector<48x256xf32>
    %get3A_508 = arith.constant 0 : index
    %get3A_509 = arith.constant 0 : index
    %get3A_510 = arith.constant 24 : index
    %get3A_511 = arith.constant 0 : index
    %get3A_512 = vector.load %arg2[%get3A_508, %get3A_509, %get3A_510, %get3A_511] : memref<16x3x32x256xf32, #tpu.memory_space<vmem>>, vector<16x3x1x256xf32>
    %get3A_513 = vector.shape_cast %get3A_512 : vector<16x3x1x256xf32> to vector<16x3x256xf32>
    %transpose3A_514 = tpu.transpose %get3A_513, [1, 0, 2] : vector<16x3x256xf32> -> vector<3x16x256xf32>
    %reshape3A_515 = vector.shape_cast %transpose3A_514 : vector<3x16x256xf32> to vector<48x256xf32>
    %concatenate3A_516 = tpu.concatenate %reshape3A_507, %reshape3A_515, %broadcast_in_dim3A_0 in 0 : vector<48x256xf32>, vector<48x256xf32>, vector<32x256xf32> -> vector<128x256xf32>
    %transpose3A_517 = tpu.transpose %concatenate3A_516, [1, 0] : vector<128x256xf32> -> vector<256x128xf32>
    %swap3A_518 = arith.constant 6144 : index
    %swap3A_519 = arith.constant 0 : index
    %swap3A_520 = vector.load %arg3[%swap3A_518, %swap3A_519] : memref<8192x128xf32, #tpu.memory_space<vmem>>, vector<256x128xf32>
    tpu.vector_store %arg3[%swap3A_518, %swap3A_519], %transpose3A_517 {strides = array<i32>} : memref<8192x128xf32, #tpu.memory_space<vmem>>, vector<256x128xf32>,
    %get3A_521 = arith.constant 0 : index
    %get3A_522 = arith.constant 0 : index
    %get3A_523 = arith.constant 25 : index
    %get3A_524 = arith.constant 0 : index
    %get3A_525 = vector.load %arg1[%get3A_521, %get3A_522, %get3A_523, %get3A_524] : memref<16x3x32x256xf32, #tpu.memory_space<vmem>>, vector<16x3x1x256xf32>
    %get3A_526 = vector.shape_cast %get3A_525 : vector<16x3x1x256xf32> to vector<16x3x256xf32>
    %transpose3A_527 = tpu.transpose %get3A_526, [1, 0, 2] : vector<16x3x256xf32> -> vector<3x16x256xf32>
    %reshape3A_528 = vector.shape_cast %transpose3A_527 : vector<3x16x256xf32> to vector<48x256xf32>
    %get3A_529 = arith.constant 0 : index
    %get3A_530 = arith.constant 0 : index
    %get3A_531 = arith.constant 25 : index
    %get3A_532 = arith.constant 0 : index
    %get3A_533 = vector.load %arg2[%get3A_529, %get3A_530, %get3A_531, %get3A_532] : memref<16x3x32x256xf32, #tpu.memory_space<vmem>>, vector<16x3x1x256xf32>
    %get3A_534 = vector.shape_cast %get3A_533 : vector<16x3x1x256xf32> to vector<16x3x256xf32>
    %transpose3A_535 = tpu.transpose %get3A_534, [1, 0, 2] : vector<16x3x256xf32> -> vector<3x16x256xf32>
    %reshape3A_536 = vector.shape_cast %transpose3A_535 : vector<3x16x256xf32> to vector<48x256xf32>
    %concatenate3A_537 = tpu.concatenate %reshape3A_528, %reshape3A_536, %broadcast_in_dim3A_0 in 0 : vector<48x256xf32>, vector<48x256xf32>, vector<32x256xf32> -> vector<128x256xf32>
    %transpose3A_538 = tpu.transpose %concatenate3A_537, [1, 0] : vector<128x256xf32> -> vector<256x128xf32>
    %swap3A_539 = arith.constant 6400 : index
    %swap3A_540 = arith.constant 0 : index
    %swap3A_541 = vector.load %arg3[%swap3A_539, %swap3A_540] : memref<8192x128xf32, #tpu.memory_space<vmem>>, vector<256x128xf32>
    tpu.vector_store %arg3[%swap3A_539, %swap3A_540], %transpose3A_538 {strides = array<i32>} : memref<8192x128xf32, #tpu.memory_space<vmem>>, vector<256x128xf32>,
    %get3A_542 = arith.constant 0 : index
    %get3A_543 = arith.constant 0 : index
    %get3A_544 = arith.constant 26 : index
    %get3A_545 = arith.constant 0 : index
    %get3A_546 = vector.load %arg1[%get3A_542, %get3A_543, %get3A_544, %get3A_545] : memref<16x3x32x256xf32, #tpu.memory_space<vmem>>, vector<16x3x1x256xf32>
    %get3A_547 = vector.shape_cast %get3A_546 : vector<16x3x1x256xf32> to vector<16x3x256xf32>
    %transpose3A_548 = tpu.transpose %get3A_547, [1, 0, 2] : vector<16x3x256xf32> -> vector<3x16x256xf32>
    %reshape3A_549 = vector.shape_cast %transpose3A_548 : vector<3x16x256xf32> to vector<48x256xf32>
    %get3A_550 = arith.constant 0 : index
    %get3A_551 = arith.constant 0 : index
    %get3A_552 = arith.constant 26 : index
    %get3A_553 = arith.constant 0 : index
    %get3A_554 = vector.load %arg2[%get3A_550, %get3A_551, %get3A_552, %get3A_553] : memref<16x3x32x256xf32, #tpu.memory_space<vmem>>, vector<16x3x1x256xf32>
    %get3A_555 = vector.shape_cast %get3A_554 : vector<16x3x1x256xf32> to vector<16x3x256xf32>
    %transpose3A_556 = tpu.transpose %get3A_555, [1, 0, 2] : vector<16x3x256xf32> -> vector<3x16x256xf32>
    %reshape3A_557 = vector.shape_cast %transpose3A_556 : vector<3x16x256xf32> to vector<48x256xf32>
    %concatenate3A_558 = tpu.concatenate %reshape3A_549, %reshape3A_557, %broadcast_in_dim3A_0 in 0 : vector<48x256xf32>, vector<48x256xf32>, vector<32x256xf32> -> vector<128x256xf32>
    %transpose3A_559 = tpu.transpose %concatenate3A_558, [1, 0] : vector<128x256xf32> -> vector<256x128xf32>
    %swap3A_560 = arith.constant 6656 : index
    %swap3A_561 = arith.constant 0 : index
    %swap3A_562 = vector.load %arg3[%swap3A_560, %swap3A_561] : memref<8192x128xf32, #tpu.memory_space<vmem>>, vector<256x128xf32>
    tpu.vector_store %arg3[%swap3A_560, %swap3A_561], %transpose3A_559 {strides = array<i32>} : memref<8192x128xf32, #tpu.memory_space<vmem>>, vector<256x128xf32>,
    %get3A_563 = arith.constant 0 : index
    %get3A_564 = arith.constant 0 : index
    %get3A_565 = arith.constant 27 : index
    %get3A_566 = arith.constant 0 : index
    %get3A_567 = vector.load %arg1[%get3A_563, %get3A_564, %get3A_565, %get3A_566] : memref<16x3x32x256xf32, #tpu.memory_space<vmem>>, vector<16x3x1x256xf32>
    %get3A_568 = vector.shape_cast %get3A_567 : vector<16x3x1x256xf32> to vector<16x3x256xf32>
    %transpose3A_569 = tpu.transpose %get3A_568, [1, 0, 2] : vector<16x3x256xf32> -> vector<3x16x256xf32>
    %reshape3A_570 = vector.shape_cast %transpose3A_569 : vector<3x16x256xf32> to vector<48x256xf32>
    %get3A_571 = arith.constant 0 : index
    %get3A_572 = arith.constant 0 : index
    %get3A_573 = arith.constant 27 : index
    %get3A_574 = arith.constant 0 : index
    %get3A_575 = vector.load %arg2[%get3A_571, %get3A_572, %get3A_573, %get3A_574] : memref<16x3x32x256xf32, #tpu.memory_space<vmem>>, vector<16x3x1x256xf32>
    %get3A_576 = vector.shape_cast %get3A_575 : vector<16x3x1x256xf32> to vector<16x3x256xf32>
    %transpose3A_577 = tpu.transpose %get3A_576, [1, 0, 2] : vector<16x3x256xf32> -> vector<3x16x256xf32>
    %reshape3A_578 = vector.shape_cast %transpose3A_577 : vector<3x16x256xf32> to vector<48x256xf32>
    %concatenate3A_579 = tpu.concatenate %reshape3A_570, %reshape3A_578, %broadcast_in_dim3A_0 in 0 : vector<48x256xf32>, vector<48x256xf32>, vector<32x256xf32> -> vector<128x256xf32>
    %transpose3A_580 = tpu.transpose %concatenate3A_579, [1, 0] : vector<128x256xf32> -> vector<256x128xf32>
    %swap3A_581 = arith.constant 6912 : index
    %swap3A_582 = arith.constant 0 : index
    %swap3A_583 = vector.load %arg3[%swap3A_581, %swap3A_582] : memref<8192x128xf32, #tpu.memory_space<vmem>>, vector<256x128xf32>
    tpu.vector_store %arg3[%swap3A_581, %swap3A_582], %transpose3A_580 {strides = array<i32>} : memref<8192x128xf32, #tpu.memory_space<vmem>>, vector<256x128xf32>,
    %get3A_584 = arith.constant 0 : index
    %get3A_585 = arith.constant 0 : index
    %get3A_586 = arith.constant 28 : index
    %get3A_587 = arith.constant 0 : index
    %get3A_588 = vector.load %arg1[%get3A_584, %get3A_585, %get3A_586, %get3A_587] : memref<16x3x32x256xf32, #tpu.memory_space<vmem>>, vector<16x3x1x256xf32>
    %get3A_589 = vector.shape_cast %get3A_588 : vector<16x3x1x256xf32> to vector<16x3x256xf32>
    %transpose3A_590 = tpu.transpose %get3A_589, [1, 0, 2] : vector<16x3x256xf32> -> vector<3x16x256xf32>
    %reshape3A_591 = vector.shape_cast %transpose3A_590 : vector<3x16x256xf32> to vector<48x256xf32>
    %get3A_592 = arith.constant 0 : index
    %get3A_593 = arith.constant 0 : index
    %get3A_594 = arith.constant 28 : index
    %get3A_595 = arith.constant 0 : index
    %get3A_596 = vector.load %arg2[%get3A_592, %get3A_593, %get3A_594, %get3A_595] : memref<16x3x32x256xf32, #tpu.memory_space<vmem>>, vector<16x3x1x256xf32>
    %get3A_597 = vector.shape_cast %get3A_596 : vector<16x3x1x256xf32> to vector<16x3x256xf32>
    %transpose3A_598 = tpu.transpose %get3A_597, [1, 0, 2] : vector<16x3x256xf32> -> vector<3x16x256xf32>
    %reshape3A_599 = vector.shape_cast %transpose3A_598 : vector<3x16x256xf32> to vector<48x256xf32>
    %concatenate3A_600 = tpu.concatenate %reshape3A_591, %reshape3A_599, %broadcast_in_dim3A_0 in 0 : vector<48x256xf32>, vector<48x256xf32>, vector<32x256xf32> -> vector<128x256xf32>
    %transpose3A_601 = tpu.transpose %concatenate3A_600, [1, 0] : vector<128x256xf32> -> vector<256x128xf32>
    %swap3A_602 = arith.constant 7168 : index
    %swap3A_603 = arith.constant 0 : index
    %swap3A_604 = vector.load %arg3[%swap3A_602, %swap3A_603] : memref<8192x128xf32, #tpu.memory_space<vmem>>, vector<256x128xf32>
    tpu.vector_store %arg3[%swap3A_602, %swap3A_603], %transpose3A_601 {strides = array<i32>} : memref<8192x128xf32, #tpu.memory_space<vmem>>, vector<256x128xf32>,
    %get3A_605 = arith.constant 0 : index
    %get3A_606 = arith.constant 0 : index
    %get3A_607 = arith.constant 29 : index
    %get3A_608 = arith.constant 0 : index
    %get3A_609 = vector.load %arg1[%get3A_605, %get3A_606, %get3A_607, %get3A_608] : memref<16x3x32x256xf32, #tpu.memory_space<vmem>>, vector<16x3x1x256xf32>
    %get3A_610 = vector.shape_cast %get3A_609 : vector<16x3x1x256xf32> to vector<16x3x256xf32>
    %transpose3A_611 = tpu.transpose %get3A_610, [1, 0, 2] : vector<16x3x256xf32> -> vector<3x16x256xf32>
    %reshape3A_612 = vector.shape_cast %transpose3A_611 : vector<3x16x256xf32> to vector<48x256xf32>
    %get3A_613 = arith.constant 0 : index
    %get3A_614 = arith.constant 0 : index
    %get3A_615 = arith.constant 29 : index
    %get3A_616 = arith.constant 0 : index
    %get3A_617 = vector.load %arg2[%get3A_613, %get3A_614, %get3A_615, %get3A_616] : memref<16x3x32x256xf32, #tpu.memory_space<vmem>>, vector<16x3x1x256xf32>
    %get3A_618 = vector.shape_cast %get3A_617 : vector<16x3x1x256xf32> to vector<16x3x256xf32>
    %transpose3A_619 = tpu.transpose %get3A_618, [1, 0, 2] : vector<16x3x256xf32> -> vector<3x16x256xf32>
    %reshape3A_620 = vector.shape_cast %transpose3A_619 : vector<3x16x256xf32> to vector<48x256xf32>
    %concatenate3A_621 = tpu.concatenate %reshape3A_612, %reshape3A_620, %broadcast_in_dim3A_0 in 0 : vector<48x256xf32>, vector<48x256xf32>, vector<32x256xf32> -> vector<128x256xf32>
    %transpose3A_622 = tpu.transpose %concatenate3A_621, [1, 0] : vector<128x256xf32> -> vector<256x128xf32>
    %swap3A_623 = arith.constant 7424 : index
    %swap3A_624 = arith.constant 0 : index
    %swap3A_625 = vector.load %arg3[%swap3A_623, %swap3A_624] : memref<8192x128xf32, #tpu.memory_space<vmem>>, vector<256x128xf32>
    tpu.vector_store %arg3[%swap3A_623, %swap3A_624], %transpose3A_622 {strides = array<i32>} : memref<8192x128xf32, #tpu.memory_space<vmem>>, vector<256x128xf32>,
    %get3A_626 = arith.constant 0 : index
    %get3A_627 = arith.constant 0 : index
    %get3A_628 = arith.constant 30 : index
    %get3A_629 = arith.constant 0 : index
    %get3A_630 = vector.load %arg1[%get3A_626, %get3A_627, %get3A_628, %get3A_629] : memref<16x3x32x256xf32, #tpu.memory_space<vmem>>, vector<16x3x1x256xf32>
    %get3A_631 = vector.shape_cast %get3A_630 : vector<16x3x1x256xf32> to vector<16x3x256xf32>
    %transpose3A_632 = tpu.transpose %get3A_631, [1, 0, 2] : vector<16x3x256xf32> -> vector<3x16x256xf32>
    %reshape3A_633 = vector.shape_cast %transpose3A_632 : vector<3x16x256xf32> to vector<48x256xf32>
    %get3A_634 = arith.constant 0 : index
    %get3A_635 = arith.constant 0 : index
    %get3A_636 = arith.constant 30 : index
    %get3A_637 = arith.constant 0 : index
    %get3A_638 = vector.load %arg2[%get3A_634, %get3A_635, %get3A_636, %get3A_637] : memref<16x3x32x256xf32, #tpu.memory_space<vmem>>, vector<16x3x1x256xf32>
    %get3A_639 = vector.shape_cast %get3A_638 : vector<16x3x1x256xf32> to vector<16x3x256xf32>
    %transpose3A_640 = tpu.transpose %get3A_639, [1, 0, 2] : vector<16x3x256xf32> -> vector<3x16x256xf32>
    %reshape3A_641 = vector.shape_cast %transpose3A_640 : vector<3x16x256xf32> to vector<48x256xf32>
    %concatenate3A_642 = tpu.concatenate %reshape3A_633, %reshape3A_641, %broadcast_in_dim3A_0 in 0 : vector<48x256xf32>, vector<48x256xf32>, vector<32x256xf32> -> vector<128x256xf32>
    %transpose3A_643 = tpu.transpose %concatenate3A_642, [1, 0] : vector<128x256xf32> -> vector<256x128xf32>
    %swap3A_644 = arith.constant 7680 : index
    %swap3A_645 = arith.constant 0 : index
    %swap3A_646 = vector.load %arg3[%swap3A_644, %swap3A_645] : memref<8192x128xf32, #tpu.memory_space<vmem>>, vector<256x128xf32>
    tpu.vector_store %arg3[%swap3A_644, %swap3A_645], %transpose3A_643 {strides = array<i32>} : memref<8192x128xf32, #tpu.memory_space<vmem>>, vector<256x128xf32>,
    %get3A_647 = arith.constant 0 : index
    %get3A_648 = arith.constant 0 : index
    %get3A_649 = arith.constant 31 : index
    %get3A_650 = arith.constant 0 : index
    %get3A_651 = vector.load %arg1[%get3A_647, %get3A_648, %get3A_649, %get3A_650] : memref<16x3x32x256xf32, #tpu.memory_space<vmem>>, vector<16x3x1x256xf32>
    %get3A_652 = vector.shape_cast %get3A_651 : vector<16x3x1x256xf32> to vector<16x3x256xf32>
    %transpose3A_653 = tpu.transpose %get3A_652, [1, 0, 2] : vector<16x3x256xf32> -> vector<3x16x256xf32>
    %reshape3A_654 = vector.shape_cast %transpose3A_653 : vector<3x16x256xf32> to vector<48x256xf32>
    %get3A_655 = arith.constant 0 : index
    %get3A_656 = arith.constant 0 : index
    %get3A_657 = arith.constant 31 : index
    %get3A_658 = arith.constant 0 : index
    %get3A_659 = vector.load %arg2[%get3A_655, %get3A_656, %get3A_657, %get3A_658] : memref<16x3x32x256xf32, #tpu.memory_space<vmem>>, vector<16x3x1x256xf32>
    %get3A_660 = vector.shape_cast %get3A_659 : vector<16x3x1x256xf32> to vector<16x3x256xf32>
    %transpose3A_661 = tpu.transpose %get3A_660, [1, 0, 2] : vector<16x3x256xf32> -> vector<3x16x256xf32>
    %reshape3A_662 = vector.shape_cast %transpose3A_661 : vector<3x16x256xf32> to vector<48x256xf32>
    %concatenate3A_663 = tpu.concatenate %reshape3A_654, %reshape3A_662, %broadcast_in_dim3A_0 in 0 : vector<48x256xf32>, vector<48x256xf32>, vector<32x256xf32> -> vector<128x256xf32>
    %transpose3A_664 = tpu.transpose %concatenate3A_663, [1, 0] : vector<128x256xf32> -> vector<256x128xf32>
    %swap3A_665 = arith.constant 7936 : index
    %swap3A_666 = arith.constant 0 : index
    %swap3A_667 = vector.load %arg3[%swap3A_665, %swap3A_666] : memref<8192x128xf32, #tpu.memory_space<vmem>>, vector<256x128xf32>
    tpu.vector_store %arg3[%swap3A_665, %swap3A_666], %transpose3A_664 {strides = array<i32>} : memref<8192x128xf32, #tpu.memory_space<vmem>>, vector<256x128xf32>,
    return
  }
  func.func @transform_0(%arg0: i32) -> (i32, i32, i32, i32) {
    %c0_i32 = arith.constant 0 : i32
    %c0_i32_0 = arith.constant 0 : i32
    %c0_i32_1 = arith.constant 0 : i32
    %c0_i32_2 = arith.constant 0 : i32
    return %c0_i32, %c0_i32_0, %arg0, %c0_i32_1 : i32, i32, i32, i32
  }
  func.func @transform_1(%arg0: i32) -> (i32, i32, i32, i32) {
    %c0_i32 = arith.constant 0 : i32
    %c0_i32_0 = arith.constant 0 : i32
    %c0_i32_1 = arith.constant 0 : i32
    %c0_i32_2 = arith.constant 0 : i32
    return %c0_i32, %c0_i32_0, %arg0, %c0_i32_1 : i32, i32, i32, i32
  }
  func.func @transform_2(%arg0: i32) -> (i32, i32) {
    %c0_i32 = arith.constant 0 : i32
    %c0_i32_0 = arith.constant 0 : i32
    return %arg0, %c0_i32 : i32, i32
  }
}

</mosaic_0001>

<sc_bundles>
// kernel: kernel.4.cloned.1.call-start
scs
__scs_entry_jumppad:
0x0: {  	(pc) =	sbr.rel $0x88, $3  }
0x1: {  	(tag) =	ssettag $0x0;
	lr =	simm.s32 $0x1  }
0x2: {  	[smem:$0x3F9E] =	sst lr;
	_ =	strace $0xD0000000  }
0x3: {  	_ = 	snop  }
0x4: {  	_ = 	snop  }
0x5: {  	_ = 	snop  }
0x6: {  	_ = 	snop  }
0x7: {  	_ = 	snop  }
__scs_overlays_trampoline_lowered:
0x8: {  	[smem:$0x3FAD] =	sst s0  }
0x9: {  	[smem:$0x3FAE] =	sst s1  }
0xa: {  	[smem:$0x3FAF] =	sst s2  }
0xb: {  	[smem:$0x3FB0] =	sst s3  }
0xc: {  	[smem:$0x3FB1] =	sst s4  }
0xd: {  	[smem:$0x3FB2] =	sst s5  }
0xe: {  	[smem:$0x3FB3] =	sst s6  }
0xf: {  	[smem:$0x3FB4] =	sst s7  }
0x10: {  	[smem:$0x3FB5] =	sst s8  }
0x11: {  	[smem:$0x3FB6] =	sst s9;
	s0 =	simm.s32 @!p0 $0x0  }
0x12: {  	s1 =	sld [smem:$0x3F9C];
	s0 =	simm.s32 @p0 $0x1  }
0x13: {  	[smem:$0x3FB7] =	sst s0;
	s0 =	simm.s32 @!p1 $0x0  }
0x14: {  	s2 =	sld [smem:$0x3F9B];
	s0 =	simm.s32 @p1 $0x1  }
0x15: {  	[smem:$0x3FB8] =	sst s0;
	s0 =	simm.s32 @!p2 $0x0  }
0x16: {  	s3 =	sld [smem:$0x3FDB];
	s0 =	simm.s32 @p2 $0x1  }
0x17: {  	s4 =	simm.s32 $0x1BF5;
	[smem:$0x3FBA] =	sst s0  }
0x18: {  	s0 =	sld [smem:$0x3F9D];
	_ =	swait.ge [sflag:s4], $0x0  }
0x19: {  	s7 =	sld [smem:$0x3F9E]  }
0x1a: {  	s8 =	sadd.s32 $0xFFFFE003, lr  }
0x1b: {  	s9 =	sadd.s32 $0xFFFFFEF7, lr;
	s5 =	simm.s32 $0xFFFFFFFF;
	p2 =	slt.u32 s8, $0xFFFFF086  }
0x1c: {  	p1 =	slt.u32 s9, $0xF7A;
	s5 =	simm.s32 @!p2 $0x0  }
0x1d: {  	s5 =	simm.s32 @p1 $0x1;
	p0 =	seq.s32 s7, s2  }
0x1e: {  	s7 =	smul.u32 @!p0 $0xF7A, s2;
	p2 =	seq.s32 @!p0 s5, $0x0  }
0x1f: {  	s9 =	smul.u32 $0xF7A, s1;
	s8 =	simm.s32 @!p0 $0x1BF5;
	p2 =	por !p2, p0  }
0x20: {  	[sflag:s8] =	ssyncset.s32 @!p0 $0xFFFFF086;
	s6 =	sadd.s32 @!p0 s3, s7;
	s7 =	simm.s32 @!p0 $0x108  }
0x21: {  	s3 =	sadd.s32 s3, s9;
	s6 =	sadd.s32 @!p0 $0x88, s6;
	s7 =	simm.s32 @p2 $0x1082  }
0x22: {  	[simem:s7], [sflag:s8] =	dma.local @!p0 [hbm:s6], $0xF7A  }
0x23: {  	s9 =	sor.u32 $0xD0000000, s2;
	s6 =	simm.s32 $0x108;
	_ =	swait.ge @!p0 [sflag:s8], $0x0  }
0x24: {  	s3 =	sadd.s32 $0x88, s3;
	s6 =	simm.s32 @!p1 $0x1082;
	[sflag:s4] =	ssyncset.s32 $0xFFFFF086  }
0x25: {  	[simem:s6], [sflag:s4] =	dma.local [hbm:s3], $0xF7A  }
0x26: {  	[smem:$0x3F9E] =	sst s1;
	(tag) =	ssettag s2;
	_ =	strace s9  }
0x27: {  	s1 =	sld [smem:$0x3FAE]  }
0x28: {  	s2 =	sld [smem:$0x3FAF]  }
0x29: {  	s4 =	sld [smem:$0x3FB1]  }
0x2a: {  	p0 =	seq.s32 s5, $0x0;
	s5 =	sld [smem:$0x3FB2]  }
0x2b: {  	s6 =	sld [smem:$0x3FB3]  }
0x2c: {  	s7 =	sld [smem:$0x3FB4]  }
0x2d: {  	s3 =	simm.s32 $0x108;
	s8 =	sld [smem:$0x3FB5]  }
0x2e: {  	s3 =	simm.s32 @!p0 $0x1082;
	s9 =	sld [smem:$0x3FB6]  }
0x2f: {  	lr =	sadd.s32 s0, s3;
	s0 =	sld [smem:$0x3FAD]  }
0x30: {  	s3 =	sld [smem:$0x3FB0]  }
0x31: {  	[smem:$0x3FB9] =	sst s10  }
0x32: {  	s10 =	sld [smem:$0x3FB7];
	_ =	sdelay $0x3  }
0x33: {  	p0 =	seq.s32 s10, $0x1;
	s10 =	sld [smem:$0x3FB9];
	_ =	sdelay $0x3  }
0x34: {  	[smem:$0x3FB9] =	sst s10  }
0x35: {  	s10 =	sld [smem:$0x3FB8];
	_ =	sdelay $0x3  }
0x36: {  	p1 =	seq.s32 s10, $0x1;
	s10 =	sld [smem:$0x3FB9];
	_ =	sdelay $0x3  }
0x37: {  	[smem:$0x3FB9] =	sst s10  }
0x38: {  	s10 =	sld [smem:$0x3FBA]  }
0x39: {  	_ = 	snop;
	(pc) =	sbr.ind lr, $3  }
0x3a: {  	_ = 	snop  }
0x3b: {  	_ = 	snop  }
0x3c: {  	p2 =	seq.s32 s10, $0x1;
	s10 =	sld [smem:$0x3FB9]  }
0x3d: {  	_ =	shalt  }
0x3e: {  	_ =	shalt  }
0x3f: {  	_ =	shalt  }
0x40: {  	_ =	shalt  }
0x41: {  	_ =	shalt  }
0x42: {  	_ =	shalt  }
0x43: {  	_ =	shalt  }
0x44: {  	_ =	shalt  }
0x45: {  	_ =	shalt  }
0x46: {  	_ =	shalt  }
0x47: {  	_ =	shalt  }
0x48: {  	_ =	shalt  }
0x49: {  	_ =	shalt  }
0x4a: {  	_ =	shalt  }
0x4b: {  	_ =	shalt  }
0x4c: {  	_ =	shalt  }
0x4d: {  	_ =	shalt  }
0x4e: {  	_ =	shalt  }
0x4f: {  	_ =	shalt  }
0x50: {  	_ =	shalt  }
0x51: {  	_ =	shalt  }
0x52: {  	_ =	shalt  }
0x53: {  	_ =	shalt  }
0x54: {  	_ =	shalt  }
0x55: {  	_ =	shalt  }
0x56: {  	_ =	shalt  }
0x57: {  	_ =	shalt  }
0x58: {  	_ =	shalt  }
0x59: {  	_ =	shalt  }
0x5a: {  	_ =	shalt  }
0x5b: {  	_ =	shalt  }
0x5c: {  	_ =	shalt  }
0x5d: {  	_ =	shalt  }
0x5e: {  	_ =	shalt  }
0x5f: {  	_ =	shalt  }
0x60: {  	_ =	shalt  }
0x61: {  	_ =	shalt  }
0x62: {  	_ =	shalt  }
0x63: {  	_ =	shalt  }
0x64: {  	_ =	shalt  }
0x65: {  	_ =	shalt  }
0x66: {  	_ =	shalt  }
0x67: {  	_ =	shalt  }
0x68: {  	_ =	shalt  }
0x69: {  	_ =	shalt  }
0x6a: {  	_ =	shalt  }
0x6b: {  	_ =	shalt  }
0x6c: {  	_ =	shalt  }
0x6d: {  	_ =	shalt  }
0x6e: {  	_ =	shalt  }
0x6f: {  	_ =	shalt  }
0x70: {  	_ =	shalt  }
0x71: {  	_ =	shalt  }
0x72: {  	_ =	shalt  }
0x73: {  	_ =	shalt  }
0x74: {  	_ =	shalt  }
0x75: {  	_ =	shalt  }
0x76: {  	_ =	shalt  }
0x77: {  	_ =	shalt  }
0x78: {  	_ =	shalt  }
0x79: {  	_ =	shalt  }
0x7a: {  	_ =	shalt  }
0x7b: {  	_ =	shalt  }
0x7c: {  	_ =	shalt  }
0x7d: {  	_ =	shalt  }
0x7e: {  	_ =	shalt  }
0x7f: {  	_ =	shalt  }
0x80: {  	_ =	shalt  }
0x81: {  	_ =	shalt  }
0x82: {  	_ =	shalt  }
0x83: {  	_ =	shalt  }
0x84: {  	_ =	shalt  }
0x85: {  	_ =	shalt  }
0x86: {  	_ =	shalt  }
0x87: {  	_ =	shalt  }
.Lfunc_end0:
.L_simem_size_0:
called_computation_lowered:
.L_overlay_start_0:
0x88: {  	s2 =	sld [smem:$0x3FD9]  }
0x89: {  	s3 =	sld [smem:$0x3FFE];
	_ =	sdelay $0x1  }
0x8a: {  	s1 =	srdreg.scid  }
0x8b: {  	s0 =	sand.u32 $0x1, s1  }
0x8c: {  	s16 =	sshll.u32 s0, $0xA;
	s2 =	sadd.s32 s3, s2  }
0x8d: {  	s2 =	sadd.s32 s2, s16  }
0x8e: {  	[smem:$0x3FC5] =	sst s2  }
0x8f: {  	_ = 	snop  }
0x90: {  	(tm) =	ssettm $0x1  }
0x91: {  	s17 =	sld [smem:$0x3FFB];
	_ =	sdelay $0x3  }
0x92: {  	_ =	strace s17  }
0x93: {  	s2 =	sld [smem:$0x3FFC];
	_ =	sdelay $0x3  }
0x94: {  	_ =	strace s2  }
0x95: {  	s2 =	sld [smem:$0x3FFD];
	_ =	sdelay $0x3  }
0x96: {  	_ =	strace s2  }
0x97: {  	_ =	strace $0x8FFFFFFF  }
0x98: {  	s18 =	sld [smem:$0x3FDB];
	_ =	sdelay $0x1  }
0x99: {  	s19 =	simm.s32 $_scs_section_size  }
0x9a: {  	s4 =	simm.s32 $_size__tile_overlayer_lowered;
	s5 =	simm.s32 $_tile_overlayer_lowered  }
0x9b: {  	s22 =	simm.s32 $0x1BFF;
	s21 =	sshll.u32 s5, $0x1;
	s2 =	sadd.s32 s19, s18  }
0x9c: {  	s6 =	simm.s32 $0x0;
	s20 =	sshll.u32 s4, $0x1;
	s4 =	sadd.s32 s21, s2  }
0x9d: {  	[timem:s6], [sflag:s22] =	dma.local [hbm:s4], s20  }
0x9e: {  	_ =	swait.ge [sflag:s22], s20  }
0x9f: {  	s3 =	ssub.s32 $0x0, s20;
	[sflag:s22] =	ssyncset.done $0x0  }
0xa0: {  	[sflag:s22] =	ssyncadd.s32 s3;
	_ =	sdelay $0x1  }
0xa1: {  	s23 =	simm.s32 $0x1B8B  }
0xa2: {  	_ =	swait.ge [sflag:s23], $0x1  }
0xa3: {  	[sflag:s23] =	ssyncset.done $0x0  }
0xa4: {  	s25 =	simm.s32 $0x1B8E;
	s24 =	sld [smem:$0x3FFE];
	[sflag:s23] =	ssyncadd.s32 $0xFFFFFFFF  }
0xa5: {  	s26 =	simm.s32 $execute0_lowered;
	[smem:$0x3FD2] =	sst s25  }
0xa6: {  	s4 =	sshll.u32 s26, $0x1;
	_ =	strace $0x80000046;
	[dreg:$0x1] =	wrdreg $0xFFFFFFFF  }
0xa7: {  	s28 =	simm.s32 $_size_execute0_lowered;
	s2 =	sadd.s32 s2, s4;
	[dreg:$0x0] =	wrdreg $0x0  }
0xa8: {  	s4 =	sshll.u32 s28, $0x1;
	[dreg:$0x2] =	wrdreg s2  }
0xa9: {  	[dreg:$0x3] =	wrdreg s4  }
0xaa: {  	[dreg:$0x4] =	wrdreg $0xC0  }
0xab: {  	_ =	task [dreg:s6], $0x5FFFF  }
0xac: {  	[dreg:$0x1] =	wrdreg $0xFFFFFFFF  }
0xad: {  	[dreg:$0x0] =	wrdreg $0x60  }
0xae: {  	[dreg:$0x2] =	wrdreg s24  }
0xaf: {  	[dreg:$0x3] =	wrdreg $0x186900  }
0xb0: {  	[dreg:$0x4] =	wrdreg $0x9  }
0xb1: {  	_ =	task.clear_ibuf [dreg:s6], $0x5FFFF;
	_ =	strace $0x90000046  }
0xb2: {  	s29 =	simm.s32 $0x9;
	_ =	strace $0x80000048  }
0xb3: {  	_ =	swait.ge [sflag:s29], $0x1  }
0xb4: {  	[sflag:s29] =	ssyncadd.s32 $0xFFFFFFFF  }
0xb5: {  	_ =	strace $0x90000048  }
0xb6: {  	_ =	sfence  }
0xb7: {  	s30 =	sld [smem:$0x0];
	_ =	sdelay $0x2  }
0xb8: {  	s31 =	sshll.u32 s1, $0xD;
	s1 =	sshrl.u32 s1, $0x2  }
0xb9: {  	s3 =	sand.u32 $0x4000, s31;
	s1 =	sadd.s32 s1, s30  }
0xba: {  	s0 =	sor.u32 s3, s0;
	s1 =	sshll.u32 s1, $0x11  }
0xbb: {  	s0 =	sor.u32 s1, s0  }
0xbc: {  	s0 =	sadd.s32 $0x8F2B, s0  }
0xbd: {  	[sflag:s0] =	ssyncadd.remote.s32 $0x1  }
0xbe: {  	_ =	sfence.sel $0xFFFF  }
0xbf: {  	[dreg:$0x0] =	wrdreg $0xFFFFFFFF;
	(pc) =	sbr.abs _section_cstart, $3  }
0xc0: {  	[dreg:$0x1] =	wrdreg $0xFFFFFFFF  }
0xc1: {  	_ =	task.clear_ibuf [dreg:s6], $0x2FFFF;
	_ =	strace $0x9FFFFFFF  }
0xc2: {  	(tm) =	ssettm $0x7FFFFFFF  }
0xc3: {  	_ =	shalt  }
tec
execute0_lowered:
.L_overlay_start_1:
0x0: {  	(tag) =	ssettag $0x1  }
0x1: {  	s0 =	rddreg [dreg:$0x0]  }
0x2: {  	s1 =	rddreg [dreg:$0x1];
	s2 =	simm.s32 $0x0  }
0x3: {  	s3 =	srdreg.scid;
	s25 =	stileid.u32;
	s11 =	simm.s32 $0x80  }
0x4: {  	s12 =	simm.s32 $0x4000;
	s13 =	simm.s32 $0x3;
	s14 =	simm.s32 $0x300  }
0x5: {  	s15 =	simm.s32 $0x600;
	s16 =	simm.s32 $0x380;
	s17 =	simm.s32 $0x4600  }
0x6: {  	s18 =	simm.s32 $0x400;
	s19 =	simm.s32 $0x8600;
	s20 =	simm.s32 $0x480  }
0x7: {  	s21 =	simm.s32 $0xC600;
	s22 =	simm.s32 $0x500;
	s23 =	simm.s32 $0x10600  }
0x8: {  	s24 =	simm.s32 $0x580;
	s26 =	simm.s32 $0x1;
	s28 =	simm.s32 $0x2  }
0x9: {  	s30 =	simm.s32 $0x0;
	[smem:$0x7FF] =	sst s2;
	s4 =	sand.u32 $0x1, s3  }
0xa: {  	s5 =	sshll.u32 s25, $0x7;
	s3 =	sadd.s32 $0x3200, s0;
	s8 =	sshll.u32 s25, $0x4  }
0xb: {  	p0 =	sne.s32 s25, $0x0;
	s25 =	simm.s32 $0x14600;
	_ =	strace $0x80000047  }
0xc: {  	s6 =	sshll.u32 s4, $0x6;
	s29 =	ssub.s32 $0x2, s4;
	s4 =	sshll.u32 s4, $0x4  }
0xd: {  	s8 =	sadd.s32 s8, s1;
	s5 =	sor.u32 s6, s5;
	s31 =	sshrl.u32 s29, $0x1  }
0xe: {  	s7 =	sadd.s32 s5, s0;
	s0 =	sadd.s32 s4, s0;
	s10 =	ssub.s32 s29, s31  }
0xf: {  	s4 =	sadd.s32 $0x200, s7;
	s5 =	sadd.s32 $0x210, s7;
	s6 =	sadd.s32 $0x220, s7  }
0x10: {  	s7 =	sadd.s32 $0x230, s7;
	s9 =	sadd.s32 $0x103200, s0;
	s10 =	smax.u32 s10, $0x1  }
.LBB2_1:
0x11: {  	[tilespmem:s2], [sflag:$0x3] =	stream.strided.gather [hbm4b:s4+s11], $0x300, s12, s11, $0x38;
	[tilespmem:$0x187A0] =	vst v63  }
0x12: {  	_ =	swait.ge [sflag:s13], $0x300  }
0x13: {  	[sflag:s13] =	ssyncset.done $0x0  }
0x14: {  	[sflag:s13] =	ssyncadd.s32 $0xFFFFFD00  }
0x15: {  	v0 =	vld [tilespmem:$0x0]  }
0x16: {  	v1 =	vld [tilespmem:$0x80]  }
0x17: {  	v2 =	vld [tilespmem:$0x100]  }
0x18: {  	v3 =	vld [tilespmem:$0x180]  }
0x19: {  	v4 =	vld [tilespmem:$0x200]  }
0x1a: {  	v5 =	vld [tilespmem:$0x280]  }
0x1b: {  	v6 =	vld [tilespmem:$0x10]  }
0x1c: {  	v7 =	vld [tilespmem:$0x90]  }
0x1d: {  	v8 =	vld [tilespmem:$0x110]  }
0x1e: {  	v9 =	vld [tilespmem:$0x190]  }
0x1f: {  	v10 =	vld [tilespmem:$0x210]  }
0x20: {  	v11 =	vld [tilespmem:$0x290]  }
0x21: {  	v12 =	vld [tilespmem:$0x20]  }
0x22: {  	v13 =	vld [tilespmem:$0xA0]  }
0x23: {  	v14 =	vld [tilespmem:$0x120]  }
0x24: {  	v15 =	vld [tilespmem:$0x1A0]  }
0x25: {  	v16 =	vld [tilespmem:$0x220]  }
0x26: {  	v17 =	vld [tilespmem:$0x2A0]  }
0x27: {  	v18 =	vld [tilespmem:$0x30]  }
0x28: {  	v19 =	vld [tilespmem:$0xB0]  }
0x29: {  	v20 =	vld [tilespmem:$0x130]  }
0x2a: {  	v21 =	vld [tilespmem:$0x1B0]  }
0x2b: {  	v22 =	vld [tilespmem:$0x230]  }
0x2c: {  	v23 =	vld [tilespmem:$0x2B0]  }
0x2d: {  	v24 =	vld [tilespmem:$0x40]  }
0x2e: {  	v25 =	vld [tilespmem:$0xC0]  }
0x2f: {  	v26 =	vld [tilespmem:$0x140]  }
0x30: {  	v27 =	vld [tilespmem:$0x1C0]  }
0x31: {  	v28 =	vld [tilespmem:$0x240];
	v0 =	vshll.u32 v0, $0x8  }
0x32: {  	v0 =	vadd.s32 v1, v0;
	v1 =	vshll.u32 v2, $0x8;
	v2 =	vld [tilespmem:$0x2C0]  }
0x33: {  	[tilespmem:$0x300] =	vst v0;
	v0 =	vadd.s32 v3, v1;
	v1 =	vshll.u32 v4, $0x8;
	v3 =	vld [tilespmem:$0x50]  }
0x34: {  	v4 =	vld [tilespmem:$0xD0];
	[tilespmem:$0x380] =	vst v0;
	v0 =	vadd.s32 v5, v1;
	v1 =	vshll.u32 v6, $0x8  }
0x35: {  	v5 =	vld [tilespmem:$0x150];
	[tilespmem:$0x400] =	vst v0;
	v0 =	vadd.s32 v7, v1;
	v1 =	vshll.u32 v8, $0x8  }
0x36: {  	v6 =	vld [tilespmem:$0x1D0];
	[tilespmem:$0x310] =	vst v0;
	v0 =	vadd.s32 v9, v1;
	v1 =	vshll.u32 v10, $0x8  }
0x37: {  	v7 =	vld [tilespmem:$0x250];
	[tilespmem:$0x390] =	vst v0;
	v0 =	vadd.s32 v11, v1;
	v1 =	vshll.u32 v12, $0x8  }
0x38: {  	v8 =	vld [tilespmem:$0x2D0];
	[tilespmem:$0x410] =	vst v0;
	v0 =	vadd.s32 v13, v1;
	v1 =	vshll.u32 v14, $0x8  }
0x39: {  	v9 =	vld [tilespmem:$0x60];
	[tilespmem:$0x320] =	vst v0;
	v0 =	vadd.s32 v15, v1;
	v1 =	vshll.u32 v16, $0x8  }
0x3a: {  	v10 =	vld [tilespmem:$0xE0];
	[tilespmem:$0x3A0] =	vst v0;
	v0 =	vadd.s32 v17, v1;
	v1 =	vshll.u32 v18, $0x8  }
0x3b: {  	v11 =	vld [tilespmem:$0x160];
	[tilespmem:$0x420] =	vst v0;
	v0 =	vadd.s32 v19, v1;
	v1 =	vshll.u32 v20, $0x8  }
0x3c: {  	v12 =	vld [tilespmem:$0x1E0];
	[tilespmem:$0x330] =	vst v0;
	v0 =	vadd.s32 v21, v1;
	v1 =	vshll.u32 v22, $0x8  }
0x3d: {  	v13 =	vld [tilespmem:$0x260];
	[tilespmem:$0x3B0] =	vst v0;
	v0 =	vadd.s32 v23, v1;
	v1 =	vshll.u32 v24, $0x8  }
0x3e: {  	v14 =	vld [tilespmem:$0x2E0];
	[tilespmem:$0x430] =	vst v0;
	v0 =	vadd.s32 v25, v1;
	v1 =	vshll.u32 v26, $0x8  }
0x3f: {  	v15 =	vld [tilespmem:$0x70];
	[tilespmem:$0x340] =	vst v0;
	v0 =	vadd.s32 v27, v1;
	v1 =	vshll.u32 v28, $0x8  }
0x40: {  	[tilespmem:$0x3C0] =	vst v0;
	v0 =	vadd.s32 v2, v1;
	v1 =	vshll.u32 v3, $0x8;
	v2 =	vld [tilespmem:$0xF0]  }
0x41: {  	v3 =	vld [tilespmem:$0x170];
	[tilespmem:$0x440] =	vst v0;
	v0 =	vadd.s32 v4, v1;
	v1 =	vshll.u32 v5, $0x8  }
0x42: {  	v4 =	vld [tilespmem:$0x1F0];
	[tilespmem:$0x350] =	vst v0;
	v0 =	vadd.s32 v6, v1;
	v1 =	vshll.u32 v7, $0x8  }
0x43: {  	v5 =	vld [tilespmem:$0x270];
	[tilespmem:$0x3D0] =	vst v0;
	v0 =	vadd.s32 v8, v1;
	v1 =	vshll.u32 v9, $0x8  }
0x44: {  	v6 =	vld [tilespmem:$0x2F0];
	[tilespmem:$0x450] =	vst v0;
	v0 =	vadd.s32 v10, v1;
	v1 =	vshll.u32 v11, $0x8  }
0x45: {  	[tilespmem:$0x360] =	vst v0;
	v0 =	vadd.s32 v12, v1;
	v1 =	vshll.u32 v13, $0x8  }
0x46: {  	[tilespmem:$0x3E0] =	vst v0;
	v0 =	vadd.s32 v14, v1;
	v1 =	vshll.u32 v15, $0x8  }
0x47: {  	[tilespmem:$0x460] =	vst v0;
	v0 =	vadd.s32 v2, v1;
	v1 =	vshll.u32 v3, $0x8  }
0x48: {  	[tilespmem:$0x370] =	vst v0;
	v0 =	vadd.s32 v4, v1;
	v1 =	vshll.u32 v5, $0x8  }
0x49: {  	[tilespmem:$0x3F0] =	vst v0;
	v0 =	vadd.s32 v6, v1  }
0x4a: {  	[tilespmem:$0x470] =	vst v0  }
0x4b: {  	[tilespmem:s15], [sflag:$0x1] =	stream.indirect.gather [hbm4b:s3+s11], $0x80, s14, s11, $0xb8;
	[tilespmem:$0x187A0] =	vst v63  }
0x4c: {  	_ = 	snop  }
0x4d: {  	[tilespmem:s17], [sflag:$0x1] =	stream.indirect.gather [hbm4b:s3+s11], $0x80, s16, s11, $0xb8;
	[tilespmem:$0x187A0] =	vst v63  }
0x4e: {  	_ = 	snop  }
0x4f: {  	[tilespmem:s19], [sflag:$0x1] =	stream.indirect.gather [hbm4b:s3+s11], $0x80, s18, s11, $0xb8;
	[tilespmem:$0x187A0] =	vst v63  }
0x50: {  	_ = 	snop  }
0x51: {  	[tilespmem:s2], [sflag:$0x3] =	stream.strided.gather [hbm4b:s5+s11], $0x300, s12, s11, $0x38;
	[tilespmem:$0x187A0] =	vst v63  }
0x52: {  	_ =	swait.ge [sflag:s13], $0x300  }
0x53: {  	[sflag:s13] =	ssyncset.done $0x0  }
0x54: {  	[sflag:s13] =	ssyncadd.s32 $0xFFFFFD00  }
0x55: {  	v0 =	vld [tilespmem:$0x0]  }
0x56: {  	v1 =	vld [tilespmem:$0x80]  }
0x57: {  	v2 =	vld [tilespmem:$0x100]  }
0x58: {  	v3 =	vld [tilespmem:$0x180]  }
0x59: {  	v4 =	vld [tilespmem:$0x200]  }
0x5a: {  	v5 =	vld [tilespmem:$0x280]  }
0x5b: {  	v6 =	vld [tilespmem:$0x10]  }
0x5c: {  	v7 =	vld [tilespmem:$0x90]  }
0x5d: {  	v8 =	vld [tilespmem:$0x110]  }
0x5e: {  	v9 =	vld [tilespmem:$0x190]  }
0x5f: {  	v10 =	vld [tilespmem:$0x210]  }
0x60: {  	v11 =	vld [tilespmem:$0x290]  }
0x61: {  	v12 =	vld [tilespmem:$0x20]  }
0x62: {  	v13 =	vld [tilespmem:$0xA0]  }
0x63: {  	v14 =	vld [tilespmem:$0x120]  }
0x64: {  	v15 =	vld [tilespmem:$0x1A0]  }
0x65: {  	v16 =	vld [tilespmem:$0x220]  }
0x66: {  	v17 =	vld [tilespmem:$0x2A0]  }
0x67: {  	v18 =	vld [tilespmem:$0x30]  }
0x68: {  	v19 =	vld [tilespmem:$0xB0]  }
0x69: {  	v20 =	vld [tilespmem:$0x130]  }
0x6a: {  	v21 =	vld [tilespmem:$0x1B0]  }
0x6b: {  	v22 =	vld [tilespmem:$0x230]  }
0x6c: {  	v23 =	vld [tilespmem:$0x2B0]  }
0x6d: {  	v59 =	vld [tilespmem:$0x40]  }
0x6e: {  	v60 =	vld [tilespmem:$0xC0]  }
0x6f: {  	v61 =	vld [tilespmem:$0x140]  }
0x70: {  	v62 =	vld [tilespmem:$0x1C0]  }
0x71: {  	v63 =	vld [tilespmem:$0x240];
	v0 =	vshll.u32 v0, $0x8  }
0x72: {  	v0 =	vadd.s32 v1, v0;
	v1 =	vshll.u32 v2, $0x8;
	v2 =	vld [tilespmem:$0x2C0]  }
0x73: {  	[tilespmem:$0x480] =	vst v0;
	v0 =	vadd.s32 v3, v1;
	v1 =	vshll.u32 v4, $0x8;
	v3 =	vld [tilespmem:$0x50]  }
0x74: {  	v4 =	vld [tilespmem:$0xD0];
	[tilespmem:$0x500] =	vst v0;
	v0 =	vadd.s32 v5, v1;
	v1 =	vshll.u32 v6, $0x8  }
0x75: {  	v5 =	vld [tilespmem:$0x150];
	[tilespmem:$0x580] =	vst v0;
	v0 =	vadd.s32 v7, v1;
	v1 =	vshll.u32 v8, $0x8  }
0x76: {  	v6 =	vld [tilespmem:$0x1D0];
	[tilespmem:$0x490] =	vst v0;
	v0 =	vadd.s32 v9, v1;
	v1 =	vshll.u32 v10, $0x8  }
0x77: {  	v7 =	vld [tilespmem:$0x250];
	[tilespmem:$0x510] =	vst v0;
	v0 =	vadd.s32 v11, v1;
	v1 =	vshll.u32 v12, $0x8  }
0x78: {  	v8 =	vld [tilespmem:$0x2D0];
	[tilespmem:$0x590] =	vst v0;
	v0 =	vadd.s32 v13, v1;
	v1 =	vshll.u32 v14, $0x8  }
0x79: {  	v9 =	vld [tilespmem:$0x60];
	[tilespmem:$0x4A0] =	vst v0;
	v0 =	vadd.s32 v15, v1;
	v1 =	vshll.u32 v16, $0x8  }
0x7a: {  	v10 =	vld [tilespmem:$0xE0];
	[tilespmem:$0x520] =	vst v0;
	v0 =	vadd.s32 v17, v1;
	v1 =	vshll.u32 v18, $0x8  }
0x7b: {  	v11 =	vld [tilespmem:$0x160];
	[tilespmem:$0x5A0] =	vst v0;
	v0 =	vadd.s32 v19, v1;
	v1 =	vshll.u32 v20, $0x8  }
0x7c: {  	v12 =	vld [tilespmem:$0x1E0];
	[tilespmem:$0x4B0] =	vst v0;
	v0 =	vadd.s32 v21, v1;
	v1 =	vshll.u32 v22, $0x8  }
0x7d: {  	v13 =	vld [tilespmem:$0x260];
	[tilespmem:$0x530] =	vst v0;
	v0 =	vadd.s32 v23, v1;
	v1 =	vshll.u32 v59, $0x8  }
0x7e: {  	v14 =	vld [tilespmem:$0x2E0];
	[tilespmem:$0x5B0] =	vst v0;
	v0 =	vadd.s32 v60, v1;
	v1 =	vshll.u32 v61, $0x8  }
0x7f: {  	v15 =	vld [tilespmem:$0x70];
	[tilespmem:$0x4C0] =	vst v0;
	v0 =	vadd.s32 v62, v1;
	v1 =	vshll.u32 v63, $0x8  }
0x80: {  	[tilespmem:$0x540] =	vst v0;
	v0 =	vadd.s32 v2, v1;
	v1 =	vshll.u32 v3, $0x8;
	v2 =	vld [tilespmem:$0xF0]  }
0x81: {  	v3 =	vld [tilespmem:$0x170];
	[tilespmem:$0x5C0] =	vst v0;
	v0 =	vadd.s32 v4, v1;
	v1 =	vshll.u32 v5, $0x8  }
0x82: {  	v4 =	vld [tilespmem:$0x1F0];
	[tilespmem:$0x4D0] =	vst v0;
	v0 =	vadd.s32 v6, v1;
	v1 =	vshll.u32 v7, $0x8  }
0x83: {  	v5 =	vld [tilespmem:$0x270];
	[tilespmem:$0x550] =	vst v0;
	v0 =	vadd.s32 v8, v1;
	v1 =	vshll.u32 v9, $0x8  }
0x84: {  	v6 =	vld [tilespmem:$0x2F0];
	[tilespmem:$0x5D0] =	vst v0;
	v0 =	vadd.s32 v10, v1;
	v1 =	vshll.u32 v11, $0x8  }
0x85: {  	[tilespmem:$0x4E0] =	vst v0;
	v0 =	vadd.s32 v12, v1;
	v1 =	vshll.u32 v13, $0x8  }
0x86: {  	[tilespmem:$0x560] =	vst v0;
	v0 =	vadd.s32 v14, v1;
	v1 =	vshll.u32 v15, $0x8  }
0x87: {  	[tilespmem:$0x5E0] =	vst v0;
	v0 =	vadd.s32 v2, v1;
	v1 =	vshll.u32 v3, $0x8  }
0x88: {  	[tilespmem:$0x4F0] =	vst v0;
	v0 =	vadd.s32 v4, v1;
	v1 =	vshll.u32 v5, $0x8  }
0x89: {  	[tilespmem:$0x570] =	vst v0;
	v0 =	vadd.s32 v6, v1  }
0x8a: {  	[tilespmem:$0x5F0] =	vst v0  }
0x8b: {  	[tilespmem:s21], [sflag:$0x2] =	stream.indirect.gather [hbm4b:s3+s11], $0x80, s20, s11, $0xb8;
	[tilespmem:$0x187A0] =	vst v63  }
0x8c: {  	_ = 	snop  }
0x8d: {  	[tilespmem:s23], [sflag:$0x2] =	stream.indirect.gather [hbm4b:s3+s11], $0x80, s22, s11, $0xb8;
	[tilespmem:$0x187A0] =	vst v63  }
0x8e: {  	_ = 	snop  }
0x8f: {  	[tilespmem:s25], [sflag:$0x2] =	stream.indirect.gather [hbm4b:s3+s11], $0x80, s24, s11, $0xb8;
	[tilespmem:$0x187A0] =	vst v63  }
0x90: {  	_ =	swait.ge [sflag:s26], $0x4000  }
0x91: {  	[sflag:s26] =	ssyncset.done $0x0  }
0x92: {  	[sflag:s26] =	ssyncadd.s32 $0xFFFFC000  }
0x93: {  	_ =	swait.ge [sflag:s26], $0x4000  }
0x94: {  	[sflag:s26] =	ssyncset.done $0x0  }
0x95: {  	[sflag:s26] =	ssyncadd.s32 $0xFFFFC000  }
0x96: {  	_ =	swait.ge [sflag:s26], $0x4000  }
0x97: {  	[sflag:s26] =	ssyncset.done $0x0  }
0x98: {  	s0 =	simm.s32 $0x0;
	[sflag:s26] =	ssyncadd.s32 $0xFFFFC000  }
0x99: {  	v0 =	vld [tilespmem:s0+$0x4620]  }
0x9a: {  	v3 =	vld [tilespmem:s0+$0x8620]  }
0x9b: {  	v4 =	vld [tilespmem:s0+$0x620]  }
0x9c: {  	v5 =	vld [tilespmem:s0+$0x4630]  }
0x9d: {  	v6 =	vld [tilespmem:s0+$0x630]  }
0x9e: {  	v11 =	vld [tilespmem:s0+$0x4640]  }
0x9f: {  	v12 =	vld [tilespmem:s0+$0x640]  }
0xa0: {  	v13 =	vld [tilespmem:s0+$0x4650]  }
0xa1: {  	v15 =	vld [tilespmem:s0+$0x650]  }
0xa2: {  	v9 =	vld [tilespmem:s0+$0x4600]  }
0xa3: {  	v7 =	vld [tilespmem:s0+$0x4610]  }
0xa4: {  	v8 =	vld [tilespmem:s0+$0x8600]  }
0xa5: {  	v16 =	vld [tilespmem:s0+$0x8640]  }
0xa6: {  	v18 =	vld [tilespmem:s0+$0x8630]  }
0xa7: {  	v19 =	vld [tilespmem:s0+$0x8650]  }
0xa8: {  	v10 =	vld [tilespmem:s0+$0x8610];
	v1 =	vsub.f32 v3, v0;
	v2 =	vsub.f32 v0, v4  }
0xa9: {  	v4 =	vsub.f32 v3, v4;
	v17 =	vsub.f32 v11, v12;
	v11 =	vld [tilespmem:s0+$0x600]  }
0xaa: {  	v14 =	vsub.f32 v5, v6;
	v16 =	vsub.f32 v16, v12;
	v12 =	vld [tilespmem:s0+$0x610]  }
0xab: {  	v3 =	vsub.f32 v8, v9;
	v0 =	vimm.f32 $0.0e+00;
	v18 =	vsub.f32 v18, v6  }
0xac: {  	v20 =	vsub.f32 v13, v15;
	v19 =	vsub.f32 v19, v15;
	v13 =	vmul.f32 v16, v14  }
0xad: {  	s31 =	simm.s32 $0x200;
	v5 =	vsub.f32 v10, v7;
	v15 =	vmul.f32 v18, v17;
	v6 =	vmul.f32 v1, v1  }
.LBB2_2:
0xae: {  	p1 =	sne.s32 s31, $0xFE00;
	v9 =	vsub.f32 v9, v11;
	v17 =	vmul.f32 v19, v17;
	v16 =	vmul.f32 v16, v20  }
0xaf: {  	v18 =	vmul.f32 v18, v20;
	v14 =	vmul.f32 v19, v14;
	v7 =	vsub.f32 v7, v12  }
0xb0: {  	v8 =	vsub.f32 v8, v11;
	v11 =	vmul.f32 v2, v2;
	v19 =	vmul.f32 v4, v4  }
0xb1: {  	v20 =	vmul.f32 v5, v5;
	v10 =	vsub.f32 v10, v12;
	v12 =	vmul.f32 v3, v3  }
0xb2: {  	v13 =	vsub.f32 v13, v15;
	v15 =	vmul.f32 v9, v9;
	v21 =	vmul.f32 v7, v7  }
0xb3: {  	v22 =	vmul.f32 v8, v8;
	v23 =	vmul.f32 v10, v10  }
0xb4: {  	v16 =	vsub.f32 v17, v16;
	v14 =	vsub.f32 v18, v14;
	v17 =	vmul.f32 v13, v1  }
0xb5: {  	v1 =	vadd.f32 v20, v12;
	v2 =	vmul.f32 v13, v2;
	v4 =	vmul.f32 v13, v4  }
0xb6: {  	v3 =	vmul.f32 v16, v3;
	v5 =	vmul.f32 v14, v5;
	v12 =	vadd.f32 v21, v15  }
0xb7: {  	v9 =	vmul.f32 v16, v9;
	v15 =	vmul.f32 v16, v16;
	v18 =	vadd.f32 v23, v22  }
0xb8: {  	v20 =	vmul.f32 v14, v14;
	v6 =	vadd.f32 v6, v1;
	v11 =	vadd.f32 v11, v12  }
0xb9: {  	v7 =	vmul.f32 v14, v7;
	v1 =	vmul.f32 v13, v13;
	v12 =	vadd.f32 v19, v18  }
0xba: {  	v13 =	vadd.f32 v20, v15;
	v18 =	vshra.s32 v6, $0x1;
	v15 =	vshra.s32 v11, $0x1  }
0xbb: {  	v19 =	vmul.f32 $-5.000000000e-01, v11;
	v20 =	vshra.s32 v12, $0x1;
	v21 =	vmul.f32 $-5.000000000e-01, v12  }
0xbc: {  	s0 =	sshra.s32 s31, $0x2;
	v22 =	vmul.f32 $-5.000000000e-01, v6;
	v15 =	vsub.s32 $0x5F3759DF, v15;
	v20 =	vsub.s32 $0x5F3759DF, v20  }
0xbd: {  	v18 =	vsub.s32 $0x5F3759DF, v18;
	v24 =	vmul.f32 v15, v19;
	v25 =	vmul.f32 v20, v21;
	v23 =	vld [tilespmem:s0+$0x4620]  }
0xbe: {  	v8 =	vmul.f32 v16, v8;
	v13 =	vadd.f32 v13, v1;
	v1 =	vmul.f32 v18, v22;
	v26 =	vld [tilespmem:s0+$0x8620]  }
0xbf: {  	v16 =	vmul.f32 v15, v24;
	v24 =	vmul.f32 v20, v25  }
0xc0: {  	v27 =	vmul.f32 $-5.000000000e-01, v13;
	v1 =	vmul.f32 v18, v1;
	v25 =	vshra.s32 v13, $0x1  }
0xc1: {  	v25 =	vsub.s32 $0x5F3759DF, v25;
	v16 =	vadd.f32 $1.500000000e+00, v16;
	v24 =	vadd.f32 $1.500000000e+00, v24  }
0xc2: {  	v10 =	vmul.f32 v14, v10;
	v29 =	vadd.f32 $1.500000000e+00, v1;
	v28 =	vmul.f32 v25, v27  }
0xc3: {  	v15 =	vmul.f32 v15, v16;
	v16 =	vmul.f32 v20, v24;
	v14 =	vld [tilespmem:s0+$0x620];
	v1 =	vsub.f32 v26, v23  }
0xc4: {  	vm0 =	vlt.f32 v11, $1.000000020e-24;
	v11 =	vmul.f32 v18, v29;
	v24 =	vmul.f32 v25, v28;
	v20 =	vld [tilespmem:s0+$0x4630]  }
0xc5: {  	vm1 =	vlt.f32 v12, $1.000000020e-24;
	v19 =	vmul.f32 v15, v19;
	v21 =	vmul.f32 v16, v21;
	v18 =	vld [tilespmem:s0+$0x630]  }
0xc6: {  	v3 =	vadd.f32 v5, v3;
	v22 =	vmul.f32 v11, v22;
	v12 =	vadd.f32 $1.500000000e+00, v24;
	v28 =	vld [tilespmem:s0+$0x4640]  }
0xc7: {  	v7 =	vadd.f32 v7, v9;
	v5 =	vmul.f32 v19, v15;
	v19 =	vmul.f32 v21, v16;
	v24 =	vld [tilespmem:s0+$0x640]  }
0xc8: {  	v8 =	vadd.f32 v10, v8;
	v3 =	vadd.f32 v3, v17;
	v12 =	vmul.f32 v25, v12;
	v21 =	vld [tilespmem:s0+$0x4650]  }
0xc9: {  	v17 =	vmul.f32 v22, v11;
	v5 =	vadd.f32 $1.500000000e+00, v5;
	v10 =	vadd.f32 $1.500000000e+00, v19;
	v25 =	vld [tilespmem:s0+$0x650]  }
0xca: {  	v2 =	vadd.f32 v7, v2;
	v4 =	vadd.f32 v8, v4;
	v19 =	vmul.f32 v12, v27;
	v9 =	vld [tilespmem:s0+$0x4600]  }
0xcb: {  	v5 =	vmul.f32 v5, v15;
	v15 =	vmul.f32 v10, v16;
	v16 =	vadd.f32 $1.500000000e+00, v17;
	v7 =	vld [tilespmem:s0+$0x4610]  }
0xcc: {  	v2 =	vand.u32 $0x7FFFFFFF, v2;
	v4 =	vand.u32 $0x7FFFFFFF, v4;
	v17 =	vmul.f32 v19, v12;
	v8 =	vld [tilespmem:s0+$0x8600]  }
0xcd: {  	v5 =	vsel vm0, $0x5368D4A5, v5;
	v15 =	vsel vm1, $0x5368D4A5, v15;
	v11 =	vmul.f32 v16, v11;
	v10 =	vld [tilespmem:s0+$0x8610]  }
0xce: {  	vm0 =	vlt.f32 v6, $1.000000020e-24;
	v5 =	vmul.f32 v2, v5;
	v4 =	vmul.f32 v15, v4;
	v16 =	vld [tilespmem:s0+$0x8640]  }
0xcf: {  	v3 =	vand.u32 $0x7FFFFFFF, v3;
	v15 =	vadd.f32 $1.500000000e+00, v17;
	v11 =	vsel vm0, $0x5368D4A5, v11;
	v6 =	vld [tilespmem:s0+$0x8630]  }
0xd0: {  	v2 =	vsub.f32 v23, v14;
	v17 =	vmul.f32 v11, v3;
	v22 =	vadd.f32 v4, v5;
	v19 =	vld [tilespmem:s0+$0x8650]  }
0xd1: {  	v4 =	vsub.f32 v26, v14;
	v15 =	vmul.f32 v15, v12;
	v3 =	vsub.f32 v8, v9  }
.Ltmp0:
0xd2: {  	vm0 =	vlt.f32 v13, $1.000000020e-24;
	v13 =	vadd.f32 v22, v17;
	v11 =	vld [tilespmem:s0+$0x600];
	v5 =	vsub.f32 v10, v7;
	(pc) =	sbr.rel @p1 .LBB2_2-.Ltmp0, $4  }
0xd3: {  	v14 =	vsub.f32 v20, v18;
	v15 =	vsel vm0, $0x5368D4A5, v15;
	v12 =	vld [tilespmem:s0+$0x610];
	v16 =	vsub.f32 v16, v24  }
0xd4: {  	v17 =	vsub.f32 v28, v24;
	v22 =	vmul.f32 v15, v13;
	v18 =	vsub.f32 v6, v18  }
0xd5: {  	v20 =	vsub.f32 v21, v25;
	v19 =	vsub.f32 v19, v25;
	v13 =	vmul.f32 v16, v14  }
0xd6: {  	s31 =	sadd.s32 $0x200, s31;
	v0 =	vadd.f32 v22, v0;
	v6 =	vmul.f32 v1, v1;
	v15 =	vmul.f32 v18, v17  }
0xd7: {  	s0 =	simm.s32 $0x0  }
0xd8: {  	[tilespmem:s0], [sflag:$0x3] =	stream.strided.gather [hbm4b:s6+s11], $0x300, s12, s11, $0x38;
	[tilespmem:$0x187A0] =	vst v63  }
0xd9: {  	_ =	swait.ge [sflag:s13], $0x300  }
0xda: {  	[sflag:s13] =	ssyncset.done $0x0  }
0xdb: {  	[sflag:s13] =	ssyncadd.s32 $0xFFFFFD00  }
0xdc: {  	v21 =	vld [tilespmem:$0x0]  }
0xdd: {  	v22 =	vld [tilespmem:$0x80]  }
0xde: {  	v23 =	vld [tilespmem:$0x100]  }
0xdf: {  	v24 =	vld [tilespmem:$0x180]  }
0xe0: {  	v25 =	vld [tilespmem:$0x200]  }
0xe1: {  	v26 =	vld [tilespmem:$0x280]  }
0xe2: {  	v27 =	vld [tilespmem:$0x10]  }
0xe3: {  	v28 =	vld [tilespmem:$0x90]  }
0xe4: {  	v29 =	vld [tilespmem:$0x110]  }
0xe5: {  	v30 =	vld [tilespmem:$0x190]  }
0xe6: {  	v31 =	vld [tilespmem:$0x210]  }
0xe7: {  	v32 =	vld [tilespmem:$0x290]  }
0xe8: {  	v33 =	vld [tilespmem:$0x20]  }
0xe9: {  	v34 =	vld [tilespmem:$0xA0]  }
0xea: {  	v35 =	vld [tilespmem:$0x120]  }
0xeb: {  	v36 =	vld [tilespmem:$0x1A0]  }
0xec: {  	v37 =	vld [tilespmem:$0x220]  }
0xed: {  	v38 =	vld [tilespmem:$0x2A0]  }
0xee: {  	v39 =	vld [tilespmem:$0x30]  }
0xef: {  	v40 =	vld [tilespmem:$0xB0]  }
0xf0: {  	v41 =	vld [tilespmem:$0x130]  }
0xf1: {  	v42 =	vld [tilespmem:$0x1B0]  }
0xf2: {  	v43 =	vld [tilespmem:$0x230]  }
0xf3: {  	v44 =	vld [tilespmem:$0x2B0]  }
0xf4: {  	v16 =	vmul.f32 v16, v20;
	v17 =	vmul.f32 v19, v17;
	v45 =	vld [tilespmem:$0x40]  }
0xf5: {  	v13 =	vsub.f32 v13, v15;
	v15 =	vld [tilespmem:$0x50]  }
0xf6: {  	v16 =	vsub.f32 v17, v16;
	v17 =	vld [tilespmem:$0xD0]  }
0xf7: {  	v18 =	vmul.f32 v18, v20;
	v9 =	vsub.f32 v9, v11;
	v14 =	vmul.f32 v19, v14;
	v46 =	vld [tilespmem:$0xC0]  }
0xf8: {  	v8 =	vsub.f32 v8, v11;
	v47 =	vsub.f32 v7, v12;
	v20 =	vld [tilespmem:$0x140];
	v11 =	vshll.u32 v21, $0x8  }
0xf9: {  	v7 =	vsub.f32 v10, v12;
	v19 =	vld [tilespmem:$0x1C0];
	v61 =	vshll.u32 v31, $0x8;
	v10 =	vadd.s32 v22, v11  }
0xfa: {  	v14 =	vsub.f32 v18, v14;
	v12 =	vld [tilespmem:$0x2C0];
	v15 =	vshll.u32 v15, $0x8;
	v18 =	vadd.s32 v32, v61;
	[tilespmem:$0x300] =	vst v10  }
0xfb: {  	v62 =	vld [tilespmem:$0x1D0];
	v11 =	vshll.u32 v23, $0x8;
	v15 =	vadd.s32 v17, v15;
	[tilespmem:$0x410] =	vst v18  }
0xfc: {  	v63 =	vld [tilespmem:$0x250];
	v22 =	vshll.u32 v29, $0x8;
	v10 =	vadd.s32 v24, v11;
	[tilespmem:$0x350] =	vst v15  }
0xfd: {  	v49 =	vld [tilespmem:$0xE0];
	v11 =	vshll.u32 v25, $0x8;
	v22 =	vadd.s32 v30, v22;
	[tilespmem:$0x380] =	vst v10  }
0xfe: {  	v52 =	vld [tilespmem:$0x160];
	v10 =	vadd.s32 v26, v11;
	v11 =	vshll.u32 v27, $0x8;
	[tilespmem:$0x390] =	vst v22  }
0xff: {  	v55 =	vld [tilespmem:$0x1E0];
	v51 =	vshll.u32 v41, $0x8;
	v18 =	vshll.u32 v35, $0x8;
	[tilespmem:$0x400] =	vst v10;
	v11 =	vadd.s32 v28, v11  }
0x100: {  	v57 =	vld [tilespmem:$0x260];
	v30 =	vadd.s32 v42, v51;
	v10 =	vmul.f32 v3, v3;
	[tilespmem:$0x310] =	vst v11;
	v11 =	vmul.f32 v5, v5  }
0x101: {  	v48 =	vshll.u32 v39, $0x8;
	v23 =	vld [tilespmem:$0x150];
	v22 =	vshll.u32 v33, $0x8;
	v18 =	vadd.s32 v36, v18;
	[tilespmem:$0x3B0] =	vst v30  }
0x102: {  	v21 =	vld [tilespmem:$0x240];
	v36 =	vshll.u32 v37, $0x8;
	[tilespmem:$0x3A0] =	vst v18;
	v10 =	vadd.f32 v11, v10;
	v11 =	vadd.s32 v34, v22  }
0x103: {  	v37 =	vld [tilespmem:$0x60];
	v18 =	vmul.f32 v47, v47;
	v26 =	vadd.s32 v38, v36;
	[tilespmem:$0x320] =	vst v11;
	v11 =	vmul.f32 v9, v9  }
0x104: {  	v54 =	vshll.u32 v43, $0x8;
	v28 =	vadd.s32 v40, v48;
	[tilespmem:$0x420] =	vst v26;
	v22 =	vld [tilespmem:$0x2D0]  }
0x105: {  	v58 =	vld [tilespmem:$0x2E0];
	v56 =	vshll.u32 v45, $0x8;
	[tilespmem:$0x330] =	vst v28;
	v11 =	vadd.f32 v18, v11;
	v18 =	vadd.s32 v44, v54  }
0x106: {  	v59 =	vld [tilespmem:$0x270];
	v20 =	vshll.u32 v20, $0x8;
	v17 =	vshll.u32 v23, $0x8;
	[tilespmem:$0x430] =	vst v18;
	v18 =	vadd.s32 v46, v56  }
0x107: {  	v17 =	vadd.s32 v62, v17;
	[tilespmem:$0x340] =	vst v18;
	v18 =	vadd.s32 v19, v20;
	v19 =	vshll.u32 v21, $0x8;
	v20 =	vld [tilespmem:$0x70]  }
0x108: {  	[tilespmem:$0x3D0] =	vst v17;
	v21 =	vld [tilespmem:$0x170];
	v12 =	vadd.s32 v12, v19;
	v19 =	vshll.u32 v63, $0x8  }
0x109: {  	[tilespmem:$0x3C0] =	vst v18;
	v18 =	vld [tilespmem:$0xF0];
	v19 =	vadd.s32 v22, v19;
	v22 =	vshll.u32 v37, $0x8  }
0x10a: {  	v23 =	vld [tilespmem:$0x1F0];
	[tilespmem:$0x440] =	vst v12;
	v17 =	vadd.s32 v49, v22;
	v22 =	vshll.u32 v52, $0x8  }
0x10b: {  	v50 =	vmul.f32 v8, v8;
	[tilespmem:$0x450] =	vst v19;
	v19 =	vadd.s32 v55, v22;
	v22 =	vld [tilespmem:$0x2F0]  }
0x10c: {  	v53 =	vmul.f32 v7, v7;
	v1 =	vmul.f32 v13, v1;
	[tilespmem:$0x360] =	vst v17;
	v17 =	vshll.u32 v57, $0x8  }
0x10d: {  	v8 =	vmul.f32 v16, v8;
	[tilespmem:$0x3E0] =	vst v19;
	v17 =	vadd.s32 v58, v17;
	v20 =	vshll.u32 v20, $0x8  }
0x10e: {  	v7 =	vmul.f32 v14, v7;
	[tilespmem:$0x460] =	vst v17;
	v17 =	vadd.s32 v18, v20;
	v18 =	vshll.u32 v21, $0x8  }
0x10f: {  	v15 =	vmul.f32 v4, v4;
	[tilespmem:$0x370] =	vst v17;
	v17 =	vadd.s32 v23, v18;
	v18 =	vshll.u32 v59, $0x8  }
0x110: {  	v4 =	vmul.f32 v13, v4;
	v6 =	vadd.f32 v6, v10;
	[tilespmem:$0x3F0] =	vst v17;
	v10 =	vadd.s32 v22, v18  }
0x111: {  	v3 =	vmul.f32 v16, v3;
	v26 =	vadd.f32 v53, v50;
	v12 =	vmul.f32 v2, v2;
	[tilespmem:$0x470] =	vst v10  }
0x112: {  	v7 =	vadd.f32 v7, v8;
	v5 =	vmul.f32 v14, v5;
	v2 =	vmul.f32 v13, v2;
	[tilespmem:s15], [sflag:$0x1] =	stream.indirect.gather [hbm4b:s3+s11], $0x80, s14, s11, $0xb8;
	[tilespmem:$0x187A0] =	vst v63  }
0x113: {  	v11 =	vadd.f32 v12, v11;
	v12 =	vmul.f32 v13, v13;
	v13 =	vadd.f32 v15, v26  }
0x114: {  	v4 =	vadd.f32 v7, v4;
	v19 =	vmul.f32 v16, v16;
	v20 =	vmul.f32 v14, v14;
	[tilespmem:s17], [sflag:$0x1] =	stream.indirect.gather [hbm4b:s3+s11], $0x80, s16, s11, $0xb8;
	[tilespmem:$0x187A0] =	vst v63  }
0x115: {  	v21 =	vmul.f32 $-5.000000000e-01, v13;
	v17 =	vshra.s32 v11, $0x1;
	v18 =	vshra.s32 v6, $0x1  }
0x116: {  	v10 =	vadd.f32 v20, v19;
	v19 =	vmul.f32 $-5.000000000e-01, v11;
	v20 =	vshra.s32 v13, $0x1;
	[tilespmem:s19], [sflag:$0x1] =	stream.indirect.gather [hbm4b:s3+s11], $0x80, s18, s11, $0xb8;
	[tilespmem:$0x187A0] =	vst v63  }
0x117: {  	v17 =	vsub.s32 $0x5F3759DF, v17;
	v22 =	vmul.f32 $-5.000000000e-01, v6;
	v20 =	vsub.s32 $0x5F3759DF, v20;
	_ =	swait.ge [sflag:s28], $0x4000  }
0x118: {  	v18 =	vsub.s32 $0x5F3759DF, v18;
	v23 =	vmul.f32 v17, v19;
	v60 =	vmul.f32 v20, v21;
	[sflag:s28] =	ssyncset.done $0x0  }
0x119: {  	v9 =	vmul.f32 v16, v9;
	v10 =	vadd.f32 v10, v12;
	v12 =	vmul.f32 v18, v22;
	[sflag:s28] =	ssyncadd.s32 $0xFFFFC000  }
0x11a: {  	v3 =	vadd.f32 v5, v3;
	v16 =	vmul.f32 v17, v23;
	v23 =	vmul.f32 v20, v60;
	_ =	swait.ge [sflag:s28], $0x4000  }
0x11b: {  	v61 =	vshra.s32 v10, $0x1;
	v62 =	vmul.f32 $-5.000000000e-01, v10;
	v12 =	vmul.f32 v18, v12;
	[sflag:s28] =	ssyncset.done $0x0  }
0x11c: {  	v24 =	vsub.s32 $0x5F3759DF, v61;
	v16 =	vadd.f32 $1.500000000e+00, v16;
	v23 =	vadd.f32 $1.500000000e+00, v23;
	[sflag:s28] =	ssyncadd.s32 $0xFFFFC000  }
0x11d: {  	v15 =	vmul.f32 v14, v47;
	v63 =	vmul.f32 v24, v62;
	v12 =	vadd.f32 $1.500000000e+00, v12;
	_ =	swait.ge [sflag:s28], $0x4000  }
0x11e: {  	v1 =	vadd.f32 v3, v1;
	v14 =	vmul.f32 v17, v16;
	v16 =	vmul.f32 v20, v23;
	[sflag:s28] =	ssyncset.done $0x0  }
0x11f: {  	s29 =	simm.s32 $0x0;
	vm0 =	vlt.f32 v11, $1.000000020e-24;
	v17 =	vmul.f32 v24, v63;
	v11 =	vmul.f32 v18, v12;
	[sflag:s28] =	ssyncadd.s32 $0xFFFFC000  }
0x120: {  	vm1 =	vlt.f32 v13, $1.000000020e-24;
	v12 =	vmul.f32 v14, v19;
	v18 =	vmul.f32 v16, v21;
	v3 =	vld [tilespmem:s29+$0x10620]  }
0x121: {  	v9 =	vadd.f32 v15, v9;
	v13 =	vadd.f32 $1.500000000e+00, v17;
	v17 =	vmul.f32 v11, v22;
	v15 =	vld [tilespmem:s29+$0x14620]  }
0x122: {  	v5 =	vmul.f32 v12, v14;
	v12 =	vmul.f32 v18, v16;
	v18 =	vld [tilespmem:s29+$0xC620]  }
0x123: {  	v4 =	vand.u32 $0x7FFFFFFF, v4;
	v13 =	vmul.f32 v24, v13;
	v19 =	vld [tilespmem:s29+$0xC630]  }
0x124: {  	v5 =	vadd.f32 $1.500000000e+00, v5;
	v8 =	vadd.f32 $1.500000000e+00, v12;
	v12 =	vmul.f32 v17, v11;
	v20 =	vld [tilespmem:s29+$0x10650]  }
0x125: {  	v2 =	vadd.f32 v9, v2;
	vm15 =	vlt.f32 v10, $1.000000020e-24;
	v17 =	vmul.f32 v13, v62;
	v21 =	vld [tilespmem:s29+$0xC650]  }
0x126: {  	v10 =	vld [tilespmem:s29+$0x14610];
	v5 =	vmul.f32 v5, v14;
	v7 =	vmul.f32 v8, v16;
	v8 =	vadd.f32 $1.500000000e+00, v12  }
0x127: {  	vm14 =	vlt.f32 v6, $1.000000020e-24;
	v2 =	vand.u32 $0x7FFFFFFF, v2;
	v22 =	vld [tilespmem:s29+$0x14650];
	v9 =	vmul.f32 v17, v13  }
0x128: {  	v12 =	vld [tilespmem:s29+$0x10630];
	v5 =	vsel vm0, $0x5368D4A5, v5;
	v7 =	vsel vm1, $0x5368D4A5, v7;
	v8 =	vmul.f32 v8, v11  }
0x129: {  	v11 =	vld [tilespmem:s29+$0x10640];
	v6 =	vadd.f32 $1.500000000e+00, v9;
	v2 =	vmul.f32 v2, v5;
	v4 =	vmul.f32 v7, v4  }
0x12a: {  	v1 =	vand.u32 $0x7FFFFFFF, v1;
	v5 =	vld [tilespmem:s29+$0xC640]  }
0x12b: {  	v7 =	vsel vm14, $0x5368D4A5, v8;
	v2 =	vadd.f32 v4, v2;
	v4 =	vmul.f32 v6, v13;
	v6 =	vld [tilespmem:s29+$0x14640]  }
0x12c: {  	v1 =	vmul.f32 v7, v1;
	v13 =	vld [tilespmem:s29+$0x14630]  }
0x12d: {  	v9 =	vld [tilespmem:s29+$0x14600]  }
0x12e: {  	v8 =	vld [tilespmem:s29+$0x10610];
	v20 =	vsub.f32 v20, v21;
	v1 =	vadd.f32 v2, v1  }
0x12f: {  	v7 =	vld [tilespmem:s29+$0x10600];
	v14 =	vsub.f32 v12, v19;
	v2 =	vsel vm15, $0x5368D4A5, v4;
	v4 =	vsub.f32 v15, v18  }
0x130: {  	v17 =	vsub.f32 v11, v5;
	v11 =	vld [tilespmem:s29+$0xC600];
	v1 =	vmul.f32 v2, v1;
	v2 =	vsub.f32 v3, v18  }
0x131: {  	v12 =	vld [tilespmem:s29+$0xC610];
	v16 =	vsub.f32 v6, v5;
	v18 =	vsub.f32 v13, v19  }
0x132: {  	v0 =	vadd.f32 v1, v0;
	v1 =	vsub.f32 v15, v3  }
0x133: {  	v5 =	vsub.f32 v10, v8;
	v19 =	vsub.f32 v22, v21;
	v13 =	vmul.f32 v16, v14  }
0x134: {  	s31 =	simm.s32 $0x200;
	v3 =	vsub.f32 v9, v7;
	v15 =	vmul.f32 v18, v17;
	v6 =	vmul.f32 v1, v1  }
.LBB2_4:
0x135: {  	p1 =	sne.s32 s31, $0xFE00;
	v7 =	vsub.f32 v7, v11;
	v17 =	vmul.f32 v19, v17;
	v16 =	vmul.f32 v16, v20  }
0x136: {  	v18 =	vmul.f32 v18, v20;
	v14 =	vmul.f32 v19, v14;
	v8 =	vsub.f32 v8, v12  }
0x137: {  	v9 =	vsub.f32 v9, v11;
	v11 =	vmul.f32 v2, v2;
	v19 =	vmul.f32 v4, v4  }
0x138: {  	v20 =	vmul.f32 v5, v5;
	v10 =	vsub.f32 v10, v12;
	v12 =	vmul.f32 v3, v3  }
0x139: {  	v13 =	vsub.f32 v13, v15;
	v15 =	vmul.f32 v7, v7;
	v21 =	vmul.f32 v8, v8  }
0x13a: {  	v22 =	vmul.f32 v9, v9;
	v23 =	vmul.f32 v10, v10  }
0x13b: {  	v16 =	vsub.f32 v17, v16;
	v14 =	vsub.f32 v18, v14;
	v17 =	vmul.f32 v13, v1  }
0x13c: {  	v1 =	vadd.f32 v20, v12;
	v2 =	vmul.f32 v13, v2;
	v4 =	vmul.f32 v13, v4  }
0x13d: {  	v3 =	vmul.f32 v16, v3;
	v5 =	vmul.f32 v14, v5;
	v12 =	vadd.f32 v21, v15  }
0x13e: {  	v7 =	vmul.f32 v16, v7;
	v15 =	vmul.f32 v16, v16;
	v18 =	vadd.f32 v23, v22  }
0x13f: {  	v20 =	vmul.f32 v14, v14;
	v6 =	vadd.f32 v6, v1;
	v11 =	vadd.f32 v11, v12  }
0x140: {  	v8 =	vmul.f32 v14, v8;
	v1 =	vmul.f32 v13, v13;
	v12 =	vadd.f32 v19, v18  }
0x141: {  	v13 =	vadd.f32 v20, v15;
	v18 =	vshra.s32 v6, $0x1;
	v15 =	vshra.s32 v11, $0x1  }
0x142: {  	v19 =	vmul.f32 $-5.000000000e-01, v11;
	v20 =	vshra.s32 v12, $0x1;
	v21 =	vmul.f32 $-5.000000000e-01, v12  }
0x143: {  	s0 =	sshra.s32 s31, $0x2;
	v22 =	vmul.f32 $-5.000000000e-01, v6;
	v15 =	vsub.s32 $0x5F3759DF, v15;
	v20 =	vsub.s32 $0x5F3759DF, v20  }
0x144: {  	v18 =	vsub.s32 $0x5F3759DF, v18;
	v24 =	vmul.f32 v15, v19;
	v25 =	vmul.f32 v20, v21;
	v23 =	vld [tilespmem:s0+$0x10620]  }
0x145: {  	v9 =	vmul.f32 v16, v9;
	v13 =	vadd.f32 v13, v1;
	v1 =	vmul.f32 v18, v22;
	v26 =	vld [tilespmem:s0+$0x14620]  }
0x146: {  	v16 =	vmul.f32 v15, v24;
	v24 =	vmul.f32 v20, v25  }
0x147: {  	v27 =	vmul.f32 $-5.000000000e-01, v13;
	v1 =	vmul.f32 v18, v1;
	v25 =	vshra.s32 v13, $0x1  }
0x148: {  	v25 =	vsub.s32 $0x5F3759DF, v25;
	v16 =	vadd.f32 $1.500000000e+00, v16;
	v24 =	vadd.f32 $1.500000000e+00, v24  }
0x149: {  	v10 =	vmul.f32 v14, v10;
	v29 =	vadd.f32 $1.500000000e+00, v1;
	v28 =	vmul.f32 v25, v27  }
0x14a: {  	v15 =	vmul.f32 v15, v16;
	v16 =	vmul.f32 v20, v24;
	v14 =	vld [tilespmem:s0+$0xC620];
	v1 =	vsub.f32 v26, v23  }
0x14b: {  	vm0 =	vlt.f32 v11, $1.000000020e-24;
	v11 =	vmul.f32 v18, v29;
	v24 =	vmul.f32 v25, v28;
	v20 =	vld [tilespmem:s0+$0x10630]  }
0x14c: {  	vm1 =	vlt.f32 v12, $1.000000020e-24;
	v19 =	vmul.f32 v15, v19;
	v21 =	vmul.f32 v16, v21;
	v18 =	vld [tilespmem:s0+$0xC630]  }
0x14d: {  	v3 =	vadd.f32 v5, v3;
	v22 =	vmul.f32 v11, v22;
	v12 =	vadd.f32 $1.500000000e+00, v24;
	v28 =	vld [tilespmem:s0+$0x10640]  }
0x14e: {  	v8 =	vadd.f32 v8, v7;
	v5 =	vmul.f32 v19, v15;
	v19 =	vmul.f32 v21, v16;
	v24 =	vld [tilespmem:s0+$0xC640]  }
0x14f: {  	v9 =	vadd.f32 v10, v9;
	v3 =	vadd.f32 v3, v17;
	v12 =	vmul.f32 v25, v12;
	v21 =	vld [tilespmem:s0+$0x10650]  }
0x150: {  	v17 =	vmul.f32 v22, v11;
	v5 =	vadd.f32 $1.500000000e+00, v5;
	v10 =	vadd.f32 $1.500000000e+00, v19;
	v25 =	vld [tilespmem:s0+$0xC650]  }
0x151: {  	v2 =	vadd.f32 v8, v2;
	v4 =	vadd.f32 v9, v4;
	v19 =	vmul.f32 v12, v27;
	v7 =	vld [tilespmem:s0+$0x10600]  }
0x152: {  	v5 =	vmul.f32 v5, v15;
	v15 =	vmul.f32 v10, v16;
	v16 =	vadd.f32 $1.500000000e+00, v17;
	v8 =	vld [tilespmem:s0+$0x10610]  }
0x153: {  	v2 =	vand.u32 $0x7FFFFFFF, v2;
	v4 =	vand.u32 $0x7FFFFFFF, v4;
	v17 =	vmul.f32 v19, v12;
	v9 =	vld [tilespmem:s0+$0x14600]  }
0x154: {  	v5 =	vsel vm0, $0x5368D4A5, v5;
	v15 =	vsel vm1, $0x5368D4A5, v15;
	v11 =	vmul.f32 v16, v11;
	v10 =	vld [tilespmem:s0+$0x14610]  }
0x155: {  	vm0 =	vlt.f32 v6, $1.000000020e-24;
	v5 =	vmul.f32 v2, v5;
	v4 =	vmul.f32 v15, v4;
	v16 =	vld [tilespmem:s0+$0x14640]  }
0x156: {  	v3 =	vand.u32 $0x7FFFFFFF, v3;
	v15 =	vadd.f32 $1.500000000e+00, v17;
	v11 =	vsel vm0, $0x5368D4A5, v11;
	v6 =	vld [tilespmem:s0+$0x14630]  }
0x157: {  	v2 =	vsub.f32 v23, v14;
	v17 =	vmul.f32 v11, v3;
	v22 =	vadd.f32 v4, v5;
	v19 =	vld [tilespmem:s0+$0x14650]  }
0x158: {  	v4 =	vsub.f32 v26, v14;
	v15 =	vmul.f32 v15, v12;
	v3 =	vsub.f32 v9, v7  }
.Ltmp1:
0x159: {  	vm0 =	vlt.f32 v13, $1.000000020e-24;
	v13 =	vadd.f32 v22, v17;
	v11 =	vld [tilespmem:s0+$0xC600];
	v5 =	vsub.f32 v10, v8;
	(pc) =	sbr.rel @p1 .LBB2_4-.Ltmp1, $4  }
0x15a: {  	v14 =	vsub.f32 v20, v18;
	v15 =	vsel vm0, $0x5368D4A5, v15;
	v12 =	vld [tilespmem:s0+$0xC610];
	v16 =	vsub.f32 v16, v24  }
0x15b: {  	v17 =	vsub.f32 v28, v24;
	v22 =	vmul.f32 v15, v13;
	v18 =	vsub.f32 v6, v18  }
0x15c: {  	v20 =	vsub.f32 v21, v25;
	v19 =	vsub.f32 v19, v25;
	v13 =	vmul.f32 v16, v14  }
0x15d: {  	s31 =	sadd.s32 $0x200, s31;
	v0 =	vadd.f32 v22, v0;
	v6 =	vmul.f32 v1, v1;
	v15 =	vmul.f32 v18, v17  }
0x15e: {  	s0 =	simm.s32 $0x0  }
0x15f: {  	[tilespmem:s0], [sflag:$0x3] =	stream.strided.gather [hbm4b:s7+s11], $0x300, s12, s11, $0x38;
	[tilespmem:$0x187A0] =	vst v63  }
0x160: {  	_ =	swait.ge [sflag:s13], $0x300  }
0x161: {  	[sflag:s13] =	ssyncset.done $0x0  }
0x162: {  	[sflag:s13] =	ssyncadd.s32 $0xFFFFFD00  }
0x163: {  	v21 =	vld [tilespmem:$0x0]  }
0x164: {  	v22 =	vld [tilespmem:$0x80]  }
0x165: {  	v23 =	vld [tilespmem:$0x100]  }
0x166: {  	v24 =	vld [tilespmem:$0x180]  }
0x167: {  	v25 =	vld [tilespmem:$0x200]  }
0x168: {  	v26 =	vld [tilespmem:$0x280]  }
0x169: {  	v27 =	vld [tilespmem:$0x10]  }
0x16a: {  	v28 =	vld [tilespmem:$0x90]  }
0x16b: {  	v29 =	vld [tilespmem:$0x110]  }
0x16c: {  	v30 =	vld [tilespmem:$0x190]  }
0x16d: {  	v31 =	vld [tilespmem:$0x210]  }
0x16e: {  	v32 =	vld [tilespmem:$0x290]  }
0x16f: {  	v33 =	vld [tilespmem:$0x20]  }
0x170: {  	v34 =	vld [tilespmem:$0xA0]  }
0x171: {  	v35 =	vld [tilespmem:$0x120]  }
0x172: {  	v36 =	vld [tilespmem:$0x1A0]  }
0x173: {  	v37 =	vld [tilespmem:$0x220]  }
0x174: {  	v38 =	vld [tilespmem:$0x2A0]  }
0x175: {  	v39 =	vld [tilespmem:$0x30]  }
0x176: {  	v40 =	vld [tilespmem:$0xB0]  }
0x177: {  	v41 =	vld [tilespmem:$0x130]  }
0x178: {  	v42 =	vld [tilespmem:$0x1B0]  }
0x179: {  	v43 =	vld [tilespmem:$0x230]  }
0x17a: {  	v44 =	vld [tilespmem:$0x2B0]  }
0x17b: {  	v45 =	vld [tilespmem:$0x40]  }
0x17c: {  	v16 =	vmul.f32 v16, v20;
	v46 =	vld [tilespmem:$0xC0]  }
0x17d: {  	v18 =	vmul.f32 v18, v20;
	v47 =	vsub.f32 v7, v11;
	v17 =	vmul.f32 v19, v17;
	v20 =	vld [tilespmem:$0x140]  }
0x17e: {  	v14 =	vmul.f32 v19, v14;
	v48 =	vsub.f32 v8, v12;
	v8 =	vsub.f32 v9, v11;
	v19 =	vld [tilespmem:$0x1C0]  }
0x17f: {  	v7 =	vsub.f32 v10, v12;
	v13 =	vsub.f32 v13, v15;
	v11 =	vld [tilespmem:$0x240];
	v9 =	vshll.u32 v21, $0x8  }
0x180: {  	v16 =	vsub.f32 v17, v16;
	v12 =	vld [tilespmem:$0x2C0];
	v21 =	vshll.u32 v29, $0x8;
	v9 =	vadd.s32 v22, v9  }
0x181: {  	v15 =	vld [tilespmem:$0x50];
	v10 =	vshll.u32 v23, $0x8;
	v23 =	vshll.u32 v31, $0x8;
	v21 =	vadd.s32 v30, v21;
	[tilespmem:$0x480] =	vst v9  }
0x182: {  	v14 =	vsub.f32 v18, v14;
	v17 =	vld [tilespmem:$0xD0];
	v53 =	vshll.u32 v41, $0x8;
	v18 =	vadd.s32 v32, v23;
	[tilespmem:$0x510] =	vst v21  }
0x183: {  	v52 =	vmul.f32 v8, v8;
	v63 =	vld [tilespmem:$0x1D0];
	v29 =	vadd.s32 v42, v53;
	[tilespmem:$0x590] =	vst v18  }
0x184: {  	v55 =	vmul.f32 v7, v7;
	v49 =	vld [tilespmem:$0x60];
	v9 =	vadd.s32 v24, v10;
	v10 =	vshll.u32 v25, $0x8;
	[tilespmem:$0x530] =	vst v29  }
0x185: {  	v51 =	vld [tilespmem:$0xE0];
	v11 =	vshll.u32 v11, $0x8;
	[tilespmem:$0x500] =	vst v9;
	v9 =	vadd.s32 v26, v10;
	v10 =	vshll.u32 v27, $0x8  }
0x186: {  	v1 =	vmul.f32 v13, v1;
	v54 =	vld [tilespmem:$0x160];
	v11 =	vadd.s32 v12, v11;
	[tilespmem:$0x580] =	vst v9;
	v10 =	vadd.s32 v28, v10  }
0x187: {  	v57 =	vld [tilespmem:$0x1E0];
	v18 =	vshll.u32 v35, $0x8;
	v9 =	vmul.f32 v3, v3;
	[tilespmem:$0x490] =	vst v10;
	v10 =	vmul.f32 v5, v5  }
0x188: {  	v59 =	vld [tilespmem:$0x260];
	v37 =	vshll.u32 v37, $0x8;
	v21 =	vshll.u32 v33, $0x8;
	[tilespmem:$0x5C0] =	vst v11;
	v18 =	vadd.s32 v36, v18  }
0x189: {  	v15 =	vshll.u32 v15, $0x8;
	v22 =	vld [tilespmem:$0x150];
	[tilespmem:$0x520] =	vst v18;
	v9 =	vadd.f32 v10, v9;
	v10 =	vadd.s32 v34, v21  }
0x18a: {  	v23 =	vld [tilespmem:$0x250];
	v12 =	vadd.s32 v17, v15;
	v18 =	vmul.f32 v48, v48;
	[tilespmem:$0x4A0] =	vst v10;
	v10 =	vmul.f32 v47, v47  }
0x18b: {  	v61 =	vmul.f32 v16, v47;
	v56 =	vshll.u32 v43, $0x8;
	v25 =	vadd.s32 v38, v37;
	[tilespmem:$0x4D0] =	vst v12;
	v21 =	vld [tilespmem:$0x2D0]  }
0x18c: {  	v60 =	vld [tilespmem:$0x2E0];
	v58 =	vshll.u32 v45, $0x8;
	[tilespmem:$0x5A0] =	vst v25;
	v10 =	vadd.f32 v18, v10;
	v18 =	vadd.s32 v44, v56  }
0x18d: {  	v8 =	vmul.f32 v16, v8;
	v20 =	vshll.u32 v20, $0x8;
	v17 =	vld [tilespmem:$0xF0];
	[tilespmem:$0x5B0] =	vst v18;
	v18 =	vadd.s32 v46, v58  }
0x18e: {  	v50 =	vshll.u32 v39, $0x8;
	v15 =	vshll.u32 v22, $0x8;
	v22 =	vld [tilespmem:$0x1F0];
	[tilespmem:$0x4C0] =	vst v18;
	v18 =	vadd.s32 v19, v20  }
0x18f: {  	v7 =	vmul.f32 v14, v7;
	v27 =	vadd.s32 v40, v50;
	v19 =	vld [tilespmem:$0x70];
	[tilespmem:$0x540] =	vst v18;
	v18 =	vshll.u32 v23, $0x8  }
0x190: {  	[tilespmem:$0x4B0] =	vst v27;
	v15 =	vadd.s32 v63, v15;
	v20 =	vld [tilespmem:$0x170];
	v18 =	vadd.s32 v21, v18;
	v21 =	vshll.u32 v49, $0x8  }
0x191: {  	v11 =	vmul.f32 v2, v2;
	[tilespmem:$0x550] =	vst v15;
	v23 =	vld [tilespmem:$0x270];
	v15 =	vadd.s32 v51, v21;
	v21 =	vshll.u32 v54, $0x8  }
0x192: {  	v12 =	vmul.f32 v4, v4;
	v2 =	vmul.f32 v13, v2;
	[tilespmem:$0x5D0] =	vst v18;
	v18 =	vadd.s32 v57, v21;
	v21 =	vld [tilespmem:$0x2F0]  }
0x193: {  	v4 =	vmul.f32 v13, v4;
	v25 =	vadd.f32 v55, v52;
	[tilespmem:$0x4E0] =	vst v15;
	v15 =	vshll.u32 v59, $0x8  }
0x194: {  	v3 =	vmul.f32 v16, v3;
	[tilespmem:$0x560] =	vst v18;
	v15 =	vadd.s32 v60, v15;
	v19 =	vshll.u32 v19, $0x8  }
0x195: {  	v12 =	vadd.f32 v12, v25;
	[tilespmem:$0x5E0] =	vst v15;
	v15 =	vadd.s32 v17, v19;
	v17 =	vshll.u32 v20, $0x8  }
0x196: {  	v6 =	vadd.f32 v6, v9;
	[tilespmem:$0x4F0] =	vst v15;
	v15 =	vadd.s32 v22, v17;
	v17 =	vshll.u32 v23, $0x8  }
0x197: {  	v10 =	vadd.f32 v11, v10;
	v11 =	vmul.f32 v13, v13;
	[tilespmem:$0x570] =	vst v15;
	v9 =	vadd.s32 v21, v17  }
0x198: {  	v18 =	vmul.f32 v16, v16;
	v19 =	vmul.f32 v14, v14;
	[tilespmem:$0x5F0] =	vst v9  }
0x199: {  	v20 =	vmul.f32 $-5.000000000e-01, v12;
	v15 =	vshra.s32 v10, $0x1;
	v17 =	vshra.s32 v6, $0x1;
	[tilespmem:s21], [sflag:$0x2] =	stream.indirect.gather [hbm4b:s3+s11], $0x80, s20, s11, $0xb8;
	[tilespmem:$0x187A0] =	vst v63  }
0x19a: {  	v9 =	vadd.f32 v19, v18;
	v18 =	vmul.f32 $-5.000000000e-01, v10;
	v19 =	vshra.s32 v12, $0x1  }
0x19b: {  	v15 =	vsub.s32 $0x5F3759DF, v15;
	v21 =	vmul.f32 $-5.000000000e-01, v6;
	v19 =	vsub.s32 $0x5F3759DF, v19;
	[tilespmem:s23], [sflag:$0x2] =	stream.indirect.gather [hbm4b:s3+s11], $0x80, s22, s11, $0xb8;
	[tilespmem:$0x187A0] =	vst v63  }
0x19c: {  	v17 =	vsub.s32 $0x5F3759DF, v17;
	v22 =	vmul.f32 v15, v18;
	v23 =	vmul.f32 v19, v20  }
0x19d: {  	v5 =	vmul.f32 v14, v5;
	v9 =	vadd.f32 v9, v11;
	v11 =	vmul.f32 v17, v21;
	[tilespmem:s25], [sflag:$0x2] =	stream.indirect.gather [hbm4b:s3+s11], $0x80, s24, s11, $0xb8;
	[tilespmem:$0x187A0] =	vst v63  }
0x19e: {  	v16 =	vmul.f32 v15, v22;
	v22 =	vmul.f32 v19, v23;
	_ =	swait.ge [sflag:s26], $0x4000  }
0x19f: {  	v23 =	vshra.s32 v9, $0x1;
	v62 =	vmul.f32 $-5.000000000e-01, v9;
	v11 =	vmul.f32 v17, v11;
	[sflag:s26] =	ssyncset.done $0x0  }
0x1a0: {  	v23 =	vsub.s32 $0x5F3759DF, v23;
	v16 =	vadd.f32 $1.500000000e+00, v16;
	v22 =	vadd.f32 $1.500000000e+00, v22;
	[sflag:s26] =	ssyncadd.s32 $0xFFFFC000  }
0x1a1: {  	v13 =	vmul.f32 v14, v48;
	v63 =	vmul.f32 v23, v62;
	v11 =	vadd.f32 $1.500000000e+00, v11;
	_ =	swait.ge [sflag:s26], $0x4000  }
0x1a2: {  	v14 =	vmul.f32 v15, v16;
	v15 =	vmul.f32 v19, v22;
	[sflag:s26] =	ssyncset.done $0x0  }
0x1a3: {  	vm0 =	vlt.f32 v10, $1.000000020e-24;
	v16 =	vmul.f32 v23, v63;
	v10 =	vmul.f32 v17, v11;
	[sflag:s26] =	ssyncadd.s32 $0xFFFFC000  }
0x1a4: {  	vm1 =	vlt.f32 v12, $1.000000020e-24;
	v11 =	vmul.f32 v14, v18;
	v17 =	vmul.f32 v15, v20;
	_ =	swait.ge [sflag:s26], $0x4000  }
0x1a5: {  	v3 =	vadd.f32 v5, v3;
	v12 =	vadd.f32 $1.500000000e+00, v16;
	v16 =	vmul.f32 v10, v21;
	[sflag:s26] =	ssyncset.done $0x0  }
0x1a6: {  	s29 =	simm.s32 $0x0;
	v5 =	vmul.f32 v11, v14;
	v11 =	vmul.f32 v17, v15;
	[sflag:s26] =	ssyncadd.s32 $0xFFFFC000  }
0x1a7: {  	v1 =	vadd.f32 v3, v1;
	v13 =	vadd.f32 v13, v61;
	v3 =	vld [tilespmem:s29+$0x4620]  }
0x1a8: {  	v7 =	vadd.f32 v7, v8;
	v8 =	vadd.f32 $1.500000000e+00, v11;
	v11 =	vmul.f32 v16, v10;
	v16 =	vld [tilespmem:s29+$0x8620]  }
0x1a9: {  	v2 =	vadd.f32 v13, v2;
	v12 =	vmul.f32 v23, v12;
	v13 =	vld [tilespmem:s29+$0x620]  }
0x1aa: {  	v5 =	vadd.f32 $1.500000000e+00, v5;
	v20 =	vld [tilespmem:s29+$0x650]  }
0x1ab: {  	v4 =	vadd.f32 v7, v4;
	vm15 =	vlt.f32 v9, $1.000000020e-24;
	v17 =	vmul.f32 v12, v62;
	v9 =	vld [tilespmem:s29+$0x8610]  }
0x1ac: {  	v21 =	vld [tilespmem:s29+$0x8650];
	v5 =	vmul.f32 v5, v14;
	v7 =	vmul.f32 v8, v15;
	v8 =	vadd.f32 $1.500000000e+00, v11  }
0x1ad: {  	v4 =	vand.u32 $0x7FFFFFFF, v4;
	v2 =	vand.u32 $0x7FFFFFFF, v2;
	v11 =	vld [tilespmem:s29+$0x4630];
	v14 =	vmul.f32 v17, v12  }
0x1ae: {  	v15 =	vld [tilespmem:s29+$0x630];
	v5 =	vsel vm0, $0x5368D4A5, v5;
	v7 =	vsel vm1, $0x5368D4A5, v7;
	v8 =	vmul.f32 v8, v10  }
0x1af: {  	vm14 =	vlt.f32 v6, $1.000000020e-24;
	v17 =	vld [tilespmem:s29+$0x640];
	v2 =	vmul.f32 v2, v5;
	v4 =	vmul.f32 v7, v4  }
0x1b0: {  	v1 =	vand.u32 $0x7FFFFFFF, v1;
	v10 =	vld [tilespmem:s29+$0x4640];
	v5 =	vadd.f32 $1.500000000e+00, v14;
	v6 =	vsel vm14, $0x5368D4A5, v8  }
0x1b1: {  	v14 =	vld [tilespmem:s29+$0x4650];
	v1 =	vmul.f32 v6, v1;
	v2 =	vadd.f32 v4, v2  }
0x1b2: {  	v8 =	vld [tilespmem:s29+$0x8640];
	v4 =	vmul.f32 v5, v12  }
0x1b3: {  	v12 =	vld [tilespmem:s29+$0x8630];
	v1 =	vadd.f32 v2, v1  }
0x1b4: {  	v7 =	vld [tilespmem:s29+$0x8600];
	v2 =	vsel vm15, $0x5368D4A5, v4  }
0x1b5: {  	v5 =	vld [tilespmem:s29+$0x4600];
	v4 =	vsub.f32 v16, v13;
	v18 =	vsub.f32 v10, v17;
	v1 =	vmul.f32 v2, v1  }
0x1b6: {  	v6 =	vld [tilespmem:s29+$0x4610];
	v2 =	vsub.f32 v3, v13;
	v13 =	vsub.f32 v11, v15  }
0x1b7: {  	v11 =	vld [tilespmem:s29+$0x600];
	v0 =	vadd.f32 v1, v0;
	v1 =	vsub.f32 v16, v3  }
0x1b8: {  	v16 =	vsub.f32 v8, v17;
	v17 =	vsub.f32 v12, v15;
	v12 =	vld [tilespmem:s29+$0x610]  }
0x1b9: {  	v19 =	vsub.f32 v14, v20  }
0x1ba: {  	v20 =	vsub.f32 v21, v20;
	v3 =	vsub.f32 v7, v5;
	v14 =	vmul.f32 v16, v13  }
0x1bb: {  	s31 =	simm.s32 $0x200;
	v8 =	vsub.f32 v9, v6;
	v15 =	vmul.f32 v17, v18;
	v10 =	vmul.f32 v1, v1  }
.LBB2_6:
0x1bc: {  	p1 =	sne.s32 s31, $0xFE00;
	v5 =	vsub.f32 v5, v11;
	v18 =	vmul.f32 v20, v18;
	v16 =	vmul.f32 v16, v19  }
0x1bd: {  	v17 =	vmul.f32 v17, v19;
	v13 =	vmul.f32 v20, v13;
	v6 =	vsub.f32 v6, v12  }
0x1be: {  	v7 =	vsub.f32 v7, v11;
	v11 =	vmul.f32 v2, v2;
	v19 =	vmul.f32 v4, v4  }
0x1bf: {  	v20 =	vmul.f32 v8, v8;
	v9 =	vsub.f32 v9, v12;
	v12 =	vmul.f32 v3, v3  }
0x1c0: {  	v14 =	vsub.f32 v14, v15;
	v15 =	vmul.f32 v5, v5;
	v21 =	vmul.f32 v6, v6  }
0x1c1: {  	v22 =	vmul.f32 v7, v7;
	v23 =	vmul.f32 v9, v9  }
0x1c2: {  	v16 =	vsub.f32 v18, v16;
	v13 =	vsub.f32 v17, v13;
	v17 =	vmul.f32 v14, v1  }
0x1c3: {  	v1 =	vadd.f32 v20, v12;
	v2 =	vmul.f32 v14, v2;
	v4 =	vmul.f32 v14, v4  }
0x1c4: {  	v3 =	vmul.f32 v16, v3;
	v8 =	vmul.f32 v13, v8;
	v12 =	vadd.f32 v21, v15  }
0x1c5: {  	v5 =	vmul.f32 v16, v5;
	v15 =	vmul.f32 v16, v16;
	v18 =	vadd.f32 v23, v22  }
0x1c6: {  	v20 =	vmul.f32 v13, v13;
	v10 =	vadd.f32 v10, v1;
	v11 =	vadd.f32 v11, v12  }
0x1c7: {  	v6 =	vmul.f32 v13, v6;
	v1 =	vmul.f32 v14, v14;
	v12 =	vadd.f32 v19, v18  }
0x1c8: {  	v14 =	vadd.f32 v20, v15;
	v18 =	vshra.s32 v10, $0x1;
	v15 =	vshra.s32 v11, $0x1  }
0x1c9: {  	v19 =	vmul.f32 $-5.000000000e-01, v11;
	v20 =	vshra.s32 v12, $0x1;
	v21 =	vmul.f32 $-5.000000000e-01, v12  }
0x1ca: {  	s0 =	sshra.s32 s31, $0x2;
	v22 =	vmul.f32 $-5.000000000e-01, v10;
	v15 =	vsub.s32 $0x5F3759DF, v15;
	v20 =	vsub.s32 $0x5F3759DF, v20  }
0x1cb: {  	v18 =	vsub.s32 $0x5F3759DF, v18;
	v24 =	vmul.f32 v15, v19;
	v25 =	vmul.f32 v20, v21;
	v23 =	vld [tilespmem:s0+$0x4620]  }
0x1cc: {  	v7 =	vmul.f32 v16, v7;
	v14 =	vadd.f32 v14, v1;
	v1 =	vmul.f32 v18, v22;
	v26 =	vld [tilespmem:s0+$0x8620]  }
0x1cd: {  	v16 =	vmul.f32 v15, v24;
	v24 =	vmul.f32 v20, v25  }
0x1ce: {  	v27 =	vmul.f32 $-5.000000000e-01, v14;
	v1 =	vmul.f32 v18, v1;
	v25 =	vshra.s32 v14, $0x1  }
0x1cf: {  	v25 =	vsub.s32 $0x5F3759DF, v25;
	v16 =	vadd.f32 $1.500000000e+00, v16;
	v24 =	vadd.f32 $1.500000000e+00, v24  }
0x1d0: {  	v9 =	vmul.f32 v13, v9;
	v29 =	vadd.f32 $1.500000000e+00, v1;
	v28 =	vmul.f32 v25, v27  }
0x1d1: {  	v15 =	vmul.f32 v15, v16;
	v16 =	vmul.f32 v20, v24;
	v13 =	vld [tilespmem:s0+$0x620];
	v1 =	vsub.f32 v26, v23  }
0x1d2: {  	vm0 =	vlt.f32 v11, $1.000000020e-24;
	v11 =	vmul.f32 v18, v29;
	v24 =	vmul.f32 v25, v28;
	v20 =	vld [tilespmem:s0+$0x4630]  }
0x1d3: {  	vm1 =	vlt.f32 v12, $1.000000020e-24;
	v18 =	vmul.f32 v15, v19;
	v19 =	vmul.f32 v16, v21;
	v28 =	vld [tilespmem:s0+$0x630]  }
0x1d4: {  	v3 =	vadd.f32 v8, v3;
	v22 =	vmul.f32 v11, v22;
	v12 =	vadd.f32 $1.500000000e+00, v24;
	v21 =	vld [tilespmem:s0+$0x4640]  }
0x1d5: {  	v6 =	vadd.f32 v6, v5;
	v8 =	vmul.f32 v18, v15;
	v18 =	vmul.f32 v19, v16;
	v24 =	vld [tilespmem:s0+$0x640]  }
0x1d6: {  	v7 =	vadd.f32 v9, v7;
	v3 =	vadd.f32 v3, v17;
	v12 =	vmul.f32 v25, v12;
	v19 =	vld [tilespmem:s0+$0x4650]  }
0x1d7: {  	v17 =	vmul.f32 v22, v11;
	v8 =	vadd.f32 $1.500000000e+00, v8;
	v9 =	vadd.f32 $1.500000000e+00, v18;
	v25 =	vld [tilespmem:s0+$0x650]  }
0x1d8: {  	v2 =	vadd.f32 v6, v2;
	v4 =	vadd.f32 v7, v4;
	v18 =	vmul.f32 v12, v27;
	v5 =	vld [tilespmem:s0+$0x4600]  }
0x1d9: {  	v8 =	vmul.f32 v8, v15;
	v15 =	vmul.f32 v9, v16;
	v16 =	vadd.f32 $1.500000000e+00, v17;
	v6 =	vld [tilespmem:s0+$0x4610]  }
0x1da: {  	v2 =	vand.u32 $0x7FFFFFFF, v2;
	v4 =	vand.u32 $0x7FFFFFFF, v4;
	v17 =	vmul.f32 v18, v12;
	v7 =	vld [tilespmem:s0+$0x8600]  }
0x1db: {  	v8 =	vsel vm0, $0x5368D4A5, v8;
	v15 =	vsel vm1, $0x5368D4A5, v15;
	v11 =	vmul.f32 v16, v11;
	v9 =	vld [tilespmem:s0+$0x8610]  }
0x1dc: {  	vm0 =	vlt.f32 v10, $1.000000020e-24;
	v8 =	vmul.f32 v2, v8;
	v4 =	vmul.f32 v15, v4;
	v16 =	vld [tilespmem:s0+$0x8640]  }
0x1dd: {  	v3 =	vand.u32 $0x7FFFFFFF, v3;
	v15 =	vadd.f32 $1.500000000e+00, v17;
	v11 =	vsel vm0, $0x5368D4A5, v11;
	v10 =	vld [tilespmem:s0+$0x8630]  }
0x1de: {  	v2 =	vsub.f32 v23, v13;
	v17 =	vmul.f32 v11, v3;
	v18 =	vadd.f32 v4, v8;
	v22 =	vld [tilespmem:s0+$0x8650]  }
0x1df: {  	v4 =	vsub.f32 v26, v13;
	v15 =	vmul.f32 v15, v12;
	v3 =	vsub.f32 v7, v5  }
.Ltmp2:
0x1e0: {  	vm0 =	vlt.f32 v14, $1.000000020e-24;
	v14 =	vadd.f32 v18, v17;
	v11 =	vld [tilespmem:s0+$0x600];
	v8 =	vsub.f32 v9, v6;
	(pc) =	sbr.rel @p1 .LBB2_6-.Ltmp2, $4  }
0x1e1: {  	v13 =	vsub.f32 v20, v28;
	v15 =	vsel vm0, $0x5368D4A5, v15;
	v12 =	vld [tilespmem:s0+$0x610];
	v16 =	vsub.f32 v16, v24  }
0x1e2: {  	v18 =	vsub.f32 v21, v24;
	v21 =	vmul.f32 v15, v14;
	v17 =	vsub.f32 v10, v28  }
0x1e3: {  	v19 =	vsub.f32 v19, v25;
	v20 =	vsub.f32 v22, v25;
	v14 =	vmul.f32 v16, v13  }
0x1e4: {  	s31 =	sadd.s32 $0x200, s31;
	v0 =	vadd.f32 v21, v0;
	v10 =	vmul.f32 v1, v1;
	v15 =	vmul.f32 v17, v18  }
0x1e5: {  	v18 =	vmul.f32 v20, v18  }
0x1e6: {  	v5 =	vsub.f32 v5, v11;
	v16 =	vmul.f32 v16, v19;
	v17 =	vmul.f32 v17, v19  }
0x1e7: {  	v13 =	vmul.f32 v20, v13;
	v7 =	vsub.f32 v7, v11;
	v11 =	vmul.f32 v2, v2  }
0x1e8: {  	v19 =	vmul.f32 v4, v4;
	v20 =	vmul.f32 v8, v8  }
0x1e9: {  	v6 =	vsub.f32 v6, v12;
	v9 =	vsub.f32 v9, v12;
	v12 =	vmul.f32 v3, v3  }
0x1ea: {  	v14 =	vsub.f32 v14, v15;
	v15 =	vmul.f32 v5, v5;
	v22 =	vmul.f32 v7, v7  }
0x1eb: {  	v16 =	vsub.f32 v18, v16;
	v21 =	vmul.f32 v6, v6;
	v23 =	vmul.f32 v9, v9  }
0x1ec: {  	v13 =	vsub.f32 v17, v13;
	v1 =	vmul.f32 v14, v1;
	v2 =	vmul.f32 v14, v2  }
0x1ed: {  	v12 =	vadd.f32 v20, v12;
	v4 =	vmul.f32 v14, v4;
	v3 =	vmul.f32 v16, v3  }
0x1ee: {  	v8 =	vmul.f32 v13, v8;
	v17 =	vmul.f32 v16, v16;
	v15 =	vadd.f32 v21, v15  }
0x1ef: {  	v5 =	vmul.f32 v16, v5;
	v20 =	vmul.f32 v13, v13;
	v18 =	vadd.f32 v23, v22  }
0x1f0: {  	v6 =	vmul.f32 v13, v6;
	v10 =	vadd.f32 v10, v12;
	v11 =	vadd.f32 v11, v15  }
0x1f1: {  	v7 =	vmul.f32 v16, v7;
	v12 =	vmul.f32 v14, v14;
	v14 =	vadd.f32 v19, v18  }
0x1f2: {  	v15 =	vadd.f32 v20, v17;
	v18 =	vshra.s32 v10, $0x1;
	v17 =	vshra.s32 v11, $0x1  }
0x1f3: {  	_ =	swait.ge [sflag:s28], $0x4000;
	v19 =	vmul.f32 $-5.000000000e-01, v11;
	v20 =	vshra.s32 v14, $0x1;
	v21 =	vmul.f32 $-5.000000000e-01, v14  }
0x1f4: {  	[sflag:s28] =	ssyncset.done $0x0;
	v22 =	vmul.f32 $-5.000000000e-01, v10;
	v17 =	vsub.s32 $0x5F3759DF, v17;
	v20 =	vsub.s32 $0x5F3759DF, v20  }
0x1f5: {  	[sflag:s28] =	ssyncadd.s32 $0xFFFFC000;
	v18 =	vsub.s32 $0x5F3759DF, v18;
	v23 =	vmul.f32 v17, v19;
	v24 =	vmul.f32 v20, v21  }
0x1f6: {  	_ =	swait.ge [sflag:s28], $0x4000;
	v9 =	vmul.f32 v13, v9;
	v12 =	vadd.f32 v15, v12;
	v15 =	vmul.f32 v18, v22  }
0x1f7: {  	[sflag:s28] =	ssyncset.done $0x0;
	v3 =	vadd.f32 v8, v3;
	v16 =	vmul.f32 v17, v23;
	v23 =	vmul.f32 v20, v24  }
0x1f8: {  	[sflag:s28] =	ssyncadd.s32 $0xFFFFC000;
	v63 =	vshra.s32 v12, $0x1;
	v25 =	vmul.f32 $-5.000000000e-01, v12;
	v15 =	vmul.f32 v18, v15  }
0x1f9: {  	_ =	swait.ge [sflag:s28], $0x4000;
	v24 =	vsub.s32 $0x5F3759DF, v63;
	v16 =	vadd.f32 $1.500000000e+00, v16;
	v23 =	vadd.f32 $1.500000000e+00, v23  }
0x1fa: {  	[sflag:s28] =	ssyncset.done $0x0;
	vm14 =	vlt.f32 v10, $1.000000020e-24;
	v15 =	vadd.f32 $1.500000000e+00, v15;
	v26 =	vmul.f32 v24, v25  }
0x1fb: {  	s0 =	simm.s32 $0x0;
	[sflag:s28] =	ssyncadd.s32 $0xFFFFC000;
	v1 =	vadd.f32 v3, v1;
	v13 =	vmul.f32 v17, v16;
	v16 =	vmul.f32 v20, v23  }
0x1fc: {  	vm0 =	vlt.f32 v11, $1.000000020e-24;
	v3 =	vld [tilespmem:s0+$0x10620];
	v11 =	vmul.f32 v18, v15;
	v17 =	vmul.f32 v24, v26  }
0x1fd: {  	vm1 =	vlt.f32 v14, $1.000000020e-24;
	v10 =	vld [tilespmem:s0+$0xC640];
	v15 =	vmul.f32 v13, v19;
	v18 =	vmul.f32 v16, v21  }
0x1fe: {  	vm15 =	vlt.f32 v12, $1.000000020e-24;
	v12 =	vld [tilespmem:s0+$0x14630];
	v14 =	vadd.f32 $1.500000000e+00, v17;
	v17 =	vmul.f32 v11, v22  }
0x1ff: {  	v20 =	vld [tilespmem:s0+$0xC650];
	v8 =	vmul.f32 v15, v13;
	v15 =	vmul.f32 v18, v16  }
0x200: {  	v5 =	vadd.f32 v6, v5;
	v7 =	vadd.f32 v9, v7;
	v19 =	vld [tilespmem:s0+$0x10650];
	v6 =	vmul.f32 v24, v14  }
0x201: {  	v21 =	vld [tilespmem:s0+$0x14650];
	v14 =	vmul.f32 v17, v11;
	v8 =	vadd.f32 $1.500000000e+00, v8;
	v9 =	vadd.f32 $1.500000000e+00, v15  }
0x202: {  	v2 =	vadd.f32 v5, v2;
	v4 =	vadd.f32 v7, v4;
	v18 =	vld [tilespmem:s0+$0xC620];
	v17 =	vmul.f32 v6, v25  }
0x203: {  	v15 =	vld [tilespmem:s0+$0x14620];
	v5 =	vmul.f32 v8, v13;
	v7 =	vmul.f32 v9, v16;
	v8 =	vadd.f32 $1.500000000e+00, v14  }
0x204: {  	v2 =	vand.u32 $0x7FFFFFFF, v2;
	v4 =	vand.u32 $0x7FFFFFFF, v4;
	v13 =	vld [tilespmem:s0+$0x10630];
	v9 =	vmul.f32 v17, v6  }
0x205: {  	v14 =	vld [tilespmem:s0+$0xC630];
	v5 =	vsel vm0, $0x5368D4A5, v5;
	v7 =	vsel vm1, $0x5368D4A5, v7;
	v8 =	vmul.f32 v8, v11  }
0x206: {  	v11 =	vld [tilespmem:s0+$0x10640];
	v2 =	vmul.f32 v2, v5;
	v4 =	vmul.f32 v7, v4  }
0x207: {  	v1 =	vand.u32 $0x7FFFFFFF, v1;
	v5 =	vadd.f32 $1.500000000e+00, v9;
	v9 =	vld [tilespmem:s0+$0x14610];
	v7 =	vsel vm14, $0x5368D4A5, v8  }
0x208: {  	v8 =	vld [tilespmem:s0+$0x14640];
	v1 =	vmul.f32 v7, v1;
	v2 =	vadd.f32 v4, v2  }
0x209: {  	v4 =	vmul.f32 v5, v6;
	v5 =	vld [tilespmem:s0+$0x10600]  }
0x20a: {  	v19 =	vsub.f32 v19, v20;
	v6 =	vld [tilespmem:s0+$0x10610];
	v1 =	vadd.f32 v2, v1  }
0x20b: {  	v7 =	vld [tilespmem:s0+$0x14600];
	v13 =	vsub.f32 v13, v14;
	v2 =	vsel vm15, $0x5368D4A5, v4;
	v4 =	vsub.f32 v15, v18  }
0x20c: {  	v1 =	vmul.f32 v2, v1;
	v2 =	vsub.f32 v3, v18;
	v18 =	vsub.f32 v11, v10;
	v11 =	vld [tilespmem:s0+$0xC600]  }
0x20d: {  	v17 =	vsub.f32 v12, v14;
	v12 =	vld [tilespmem:s0+$0xC610];
	v16 =	vsub.f32 v8, v10  }
0x20e: {  	v0 =	vadd.f32 v1, v0;
	v1 =	vsub.f32 v15, v3  }
0x20f: {  	v20 =	vsub.f32 v21, v20;
	v8 =	vsub.f32 v9, v6;
	v14 =	vmul.f32 v16, v13  }
0x210: {  	s31 =	simm.s32 $0x200;
	v3 =	vsub.f32 v7, v5;
	v15 =	vmul.f32 v17, v18;
	v10 =	vmul.f32 v1, v1  }
.LBB2_8:
0x211: {  	p1 =	sne.s32 s31, $0xFE00;
	v5 =	vsub.f32 v5, v11;
	v18 =	vmul.f32 v20, v18;
	v16 =	vmul.f32 v16, v19  }
0x212: {  	v17 =	vmul.f32 v17, v19;
	v13 =	vmul.f32 v20, v13;
	v6 =	vsub.f32 v6, v12  }
0x213: {  	v7 =	vsub.f32 v7, v11;
	v11 =	vmul.f32 v2, v2;
	v19 =	vmul.f32 v4, v4  }
0x214: {  	v20 =	vmul.f32 v8, v8;
	v9 =	vsub.f32 v9, v12;
	v12 =	vmul.f32 v3, v3  }
0x215: {  	v14 =	vsub.f32 v14, v15;
	v15 =	vmul.f32 v5, v5;
	v21 =	vmul.f32 v6, v6  }
0x216: {  	v22 =	vmul.f32 v7, v7;
	v23 =	vmul.f32 v9, v9  }
0x217: {  	v16 =	vsub.f32 v18, v16;
	v13 =	vsub.f32 v17, v13;
	v17 =	vmul.f32 v14, v1  }
0x218: {  	v1 =	vadd.f32 v20, v12;
	v2 =	vmul.f32 v14, v2;
	v4 =	vmul.f32 v14, v4  }
0x219: {  	v3 =	vmul.f32 v16, v3;
	v8 =	vmul.f32 v13, v8;
	v12 =	vadd.f32 v21, v15  }
0x21a: {  	v5 =	vmul.f32 v16, v5;
	v15 =	vmul.f32 v16, v16;
	v18 =	vadd.f32 v23, v22  }
0x21b: {  	v20 =	vmul.f32 v13, v13;
	v10 =	vadd.f32 v10, v1;
	v11 =	vadd.f32 v11, v12  }
0x21c: {  	v6 =	vmul.f32 v13, v6;
	v1 =	vmul.f32 v14, v14;
	v12 =	vadd.f32 v19, v18  }
0x21d: {  	v14 =	vadd.f32 v20, v15;
	v18 =	vshra.s32 v10, $0x1;
	v15 =	vshra.s32 v11, $0x1  }
0x21e: {  	v19 =	vmul.f32 $-5.000000000e-01, v11;
	v20 =	vshra.s32 v12, $0x1;
	v21 =	vmul.f32 $-5.000000000e-01, v12  }
0x21f: {  	s0 =	sshra.s32 s31, $0x2;
	v22 =	vmul.f32 $-5.000000000e-01, v10;
	v15 =	vsub.s32 $0x5F3759DF, v15;
	v20 =	vsub.s32 $0x5F3759DF, v20  }
0x220: {  	v18 =	vsub.s32 $0x5F3759DF, v18;
	v24 =	vmul.f32 v15, v19;
	v25 =	vmul.f32 v20, v21;
	v23 =	vld [tilespmem:s0+$0x10620]  }
0x221: {  	v7 =	vmul.f32 v16, v7;
	v14 =	vadd.f32 v14, v1;
	v1 =	vmul.f32 v18, v22;
	v26 =	vld [tilespmem:s0+$0x14620]  }
0x222: {  	v16 =	vmul.f32 v15, v24;
	v24 =	vmul.f32 v20, v25  }
0x223: {  	v27 =	vmul.f32 $-5.000000000e-01, v14;
	v1 =	vmul.f32 v18, v1;
	v25 =	vshra.s32 v14, $0x1  }
0x224: {  	v25 =	vsub.s32 $0x5F3759DF, v25;
	v16 =	vadd.f32 $1.500000000e+00, v16;
	v24 =	vadd.f32 $1.500000000e+00, v24  }
0x225: {  	v9 =	vmul.f32 v13, v9;
	v29 =	vadd.f32 $1.500000000e+00, v1;
	v28 =	vmul.f32 v25, v27  }
0x226: {  	v15 =	vmul.f32 v15, v16;
	v16 =	vmul.f32 v20, v24;
	v13 =	vld [tilespmem:s0+$0xC620];
	v1 =	vsub.f32 v26, v23  }
0x227: {  	vm0 =	vlt.f32 v11, $1.000000020e-24;
	v11 =	vmul.f32 v18, v29;
	v24 =	vmul.f32 v25, v28;
	v20 =	vld [tilespmem:s0+$0x10630]  }
0x228: {  	vm1 =	vlt.f32 v12, $1.000000020e-24;
	v18 =	vmul.f32 v15, v19;
	v19 =	vmul.f32 v16, v21;
	v28 =	vld [tilespmem:s0+$0xC630]  }
0x229: {  	v3 =	vadd.f32 v8, v3;
	v22 =	vmul.f32 v11, v22;
	v12 =	vadd.f32 $1.500000000e+00, v24;
	v21 =	vld [tilespmem:s0+$0x10640]  }
0x22a: {  	v6 =	vadd.f32 v6, v5;
	v8 =	vmul.f32 v18, v15;
	v18 =	vmul.f32 v19, v16;
	v24 =	vld [tilespmem:s0+$0xC640]  }
0x22b: {  	v7 =	vadd.f32 v9, v7;
	v3 =	vadd.f32 v3, v17;
	v12 =	vmul.f32 v25, v12;
	v19 =	vld [tilespmem:s0+$0x10650]  }
0x22c: {  	v17 =	vmul.f32 v22, v11;
	v8 =	vadd.f32 $1.500000000e+00, v8;
	v9 =	vadd.f32 $1.500000000e+00, v18;
	v25 =	vld [tilespmem:s0+$0xC650]  }
0x22d: {  	v2 =	vadd.f32 v6, v2;
	v4 =	vadd.f32 v7, v4;
	v18 =	vmul.f32 v12, v27;
	v5 =	vld [tilespmem:s0+$0x10600]  }
0x22e: {  	v8 =	vmul.f32 v8, v15;
	v15 =	vmul.f32 v9, v16;
	v16 =	vadd.f32 $1.500000000e+00, v17;
	v6 =	vld [tilespmem:s0+$0x10610]  }
0x22f: {  	v2 =	vand.u32 $0x7FFFFFFF, v2;
	v4 =	vand.u32 $0x7FFFFFFF, v4;
	v17 =	vmul.f32 v18, v12;
	v7 =	vld [tilespmem:s0+$0x14600]  }
0x230: {  	v8 =	vsel vm0, $0x5368D4A5, v8;
	v15 =	vsel vm1, $0x5368D4A5, v15;
	v11 =	vmul.f32 v16, v11;
	v9 =	vld [tilespmem:s0+$0x14610]  }
0x231: {  	vm0 =	vlt.f32 v10, $1.000000020e-24;
	v8 =	vmul.f32 v2, v8;
	v4 =	vmul.f32 v15, v4;
	v16 =	vld [tilespmem:s0+$0x14640]  }
0x232: {  	v3 =	vand.u32 $0x7FFFFFFF, v3;
	v15 =	vadd.f32 $1.500000000e+00, v17;
	v11 =	vsel vm0, $0x5368D4A5, v11;
	v10 =	vld [tilespmem:s0+$0x14630]  }
0x233: {  	v2 =	vsub.f32 v23, v13;
	v17 =	vmul.f32 v11, v3;
	v18 =	vadd.f32 v4, v8;
	v22 =	vld [tilespmem:s0+$0x14650]  }
0x234: {  	v4 =	vsub.f32 v26, v13;
	v15 =	vmul.f32 v15, v12;
	v3 =	vsub.f32 v7, v5  }
.Ltmp3:
0x235: {  	vm0 =	vlt.f32 v14, $1.000000020e-24;
	v14 =	vadd.f32 v18, v17;
	v11 =	vld [tilespmem:s0+$0xC600];
	v8 =	vsub.f32 v9, v6;
	(pc) =	sbr.rel @p1 .LBB2_8-.Ltmp3, $4  }
0x236: {  	v13 =	vsub.f32 v20, v28;
	v15 =	vsel vm0, $0x5368D4A5, v15;
	v12 =	vld [tilespmem:s0+$0xC610];
	v16 =	vsub.f32 v16, v24  }
0x237: {  	v18 =	vsub.f32 v21, v24;
	v21 =	vmul.f32 v15, v14;
	v17 =	vsub.f32 v10, v28  }
0x238: {  	v19 =	vsub.f32 v19, v25;
	v20 =	vsub.f32 v22, v25;
	v14 =	vmul.f32 v16, v13  }
0x239: {  	s31 =	sadd.s32 $0x200, s31;
	v0 =	vadd.f32 v21, v0;
	v10 =	vmul.f32 v1, v1;
	v15 =	vmul.f32 v17, v18  }
0x23a: {  	v18 =	vmul.f32 v20, v18;
	v16 =	vmul.f32 v16, v19  }
0x23b: {  	v5 =	vsub.f32 v5, v11;
	v17 =	vmul.f32 v17, v19;
	v13 =	vmul.f32 v20, v13  }
0x23c: {  	v7 =	vsub.f32 v7, v11;
	v55 =	vmul.f32 v2, v2;
	v56 =	vmul.f32 v4, v4  }
0x23d: {  	v57 =	vmul.f32 v3, v3;
	v58 =	vmul.f32 v8, v8;
	v6 =	vsub.f32 v6, v12  }
0x23e: {  	v9 =	vsub.f32 v9, v12;
	v14 =	vsub.f32 v14, v15;
	v59 =	vmul.f32 v5, v5  }
0x23f: {  	v22 =	vmul.f32 v7, v7;
	v16 =	vsub.f32 v18, v16;
	v21 =	vmul.f32 v6, v6  }
0x240: {  	v13 =	vsub.f32 v17, v13;
	v23 =	vmul.f32 v9, v9;
	v1 =	vmul.f32 v14, v1  }
0x241: {  	v12 =	vadd.f32 v58, v57;
	v60 =	vmul.f32 v14, v2;
	v61 =	vmul.f32 v14, v4  }
0x242: {  	v28 =	vmul.f32 v14, v14;
	v62 =	vmul.f32 v16, v3;
	v15 =	vadd.f32 v21, v59  }
0x243: {  	v63 =	vmul.f32 v13, v8;
	v25 =	vmul.f32 v16, v16;
	v26 =	vadd.f32 v23, v22  }
0x244: {  	v27 =	vmul.f32 v13, v13;
	v10 =	vadd.f32 v10, v12;
	v11 =	vadd.f32 v55, v15  }
0x245: {  	v5 =	vmul.f32 v16, v5;
	v6 =	vmul.f32 v13, v6;
	v29 =	vadd.f32 v56, v26  }
0x246: {  	v30 =	vadd.f32 v27, v25;
	v32 =	vshra.s32 v10, $0x1;
	v31 =	vshra.s32 v11, $0x1  }
0x247: {  	v33 =	vmul.f32 $-5.000000000e-01, v11;
	v34 =	vshra.s32 v29, $0x1;
	v35 =	vmul.f32 $-5.000000000e-01, v29  }
0x248: {  	v36 =	vmul.f32 $-5.000000000e-01, v10;
	v17 =	vsub.s32 $0x5F3759DF, v31;
	v20 =	vsub.s32 $0x5F3759DF, v34  }
0x249: {  	v18 =	vsub.s32 $0x5F3759DF, v32;
	v37 =	vmul.f32 v17, v33;
	v24 =	vmul.f32 v20, v35  }
0x24a: {  	v7 =	vmul.f32 v16, v7;
	v12 =	vadd.f32 v30, v28;
	v38 =	vmul.f32 v18, v36  }
0x24b: {  	v39 =	vmul.f32 v17, v37;
	v40 =	vmul.f32 v20, v24  }
0x24c: {  	v41 =	vshra.s32 v12, $0x1;
	v25 =	vmul.f32 $-5.000000000e-01, v12;
	v15 =	vmul.f32 v18, v38  }
0x24d: {  	v24 =	vsub.s32 $0x5F3759DF, v41;
	v16 =	vadd.f32 $1.500000000e+00, v39;
	v23 =	vadd.f32 $1.500000000e+00, v40  }
0x24e: {  	v9 =	vmul.f32 v13, v9;
	v15 =	vadd.f32 $1.500000000e+00, v15;
	v26 =	vmul.f32 v24, v25  }
0x24f: {  	v3 =	vadd.f32 v63, v62;
	v42 =	vmul.f32 v17, v16;
	v43 =	vmul.f32 v20, v23  }
0x250: {  	v5 =	vadd.f32 v6, v5;
	v45 =	vmul.f32 v18, v15;
	v44 =	vmul.f32 v24, v26  }
0x251: {  	v7 =	vadd.f32 v9, v7;
	v46 =	vmul.f32 v42, v33;
	v47 =	vmul.f32 v43, v35  }
0x252: {  	v1 =	vadd.f32 v3, v1;
	v49 =	vmul.f32 v45, v36;
	v48 =	vadd.f32 $1.500000000e+00, v44  }
0x253: {  	v2 =	vadd.f32 v5, v60;
	v50 =	vmul.f32 v46, v42;
	v51 =	vmul.f32 v47, v43  }
0x254: {  	v4 =	vadd.f32 v7, v61;
	v55 =	vmul.f32 v49, v45;
	v52 =	vmul.f32 v24, v48  }
0x255: {  	v53 =	vadd.f32 $1.500000000e+00, v50;
	v54 =	vadd.f32 $1.500000000e+00, v51  }
0x256: {  	vm0 =	vlt.f32 v11, $1.000000020e-24;
	v57 =	vadd.f32 $1.500000000e+00, v55;
	v14 =	vmul.f32 v52, v25  }
0x257: {  	vm1 =	vlt.f32 v29, $1.000000020e-24;
	v3 =	vmul.f32 v53, v42;
	v56 =	vmul.f32 v54, v43  }
0x258: {  	v2 =	vand.u32 $0x7FFFFFFF, v2;
	v4 =	vand.u32 $0x7FFFFFFF, v4;
	v7 =	vmul.f32 v57, v45  }
0x259: {  	v58 =	vmul.f32 v14, v52;
	v3 =	vsel vm0, $0x5368D4A5, v3;
	v5 =	vsel vm1, $0x5368D4A5, v56  }
0x25a: {  	vm14 =	vlt.f32 v10, $1.000000020e-24;
	v2 =	vmul.f32 v2, v3;
	v59 =	vmul.f32 v5, v4  }
0x25b: {  	v1 =	vand.u32 $0x7FFFFFFF, v1;
	v61 =	vsel vm14, $0x5368D4A5, v7;
	v60 =	vadd.f32 $1.500000000e+00, v58  }
0x25c: {  	v1 =	vmul.f32 v61, v1;
	v2 =	vadd.f32 v59, v2  }
0x25d: {  	v62 =	vmul.f32 v60, v52  }
0x25e: {  	vm15 =	vlt.f32 v12, $1.000000020e-24;
	v1 =	vadd.f32 v2, v1  }
0x25f: {  	v63 =	vsel vm15, $0x5368D4A5, v62  }
0x260: {  	v1 =	vmul.f32 v63, v1;
	_ =	sdelay $0x1  }
0x261: {  	v0 =	vadd.f32 v1, v0;
	_ =	sdelay $0x1  }
0x262: {  	v0 =	vmul.f32 $1.271565790e-06, v0;
	_ =	sdelay $0x1  }
0x263: {  	s0 =	simm.s32 $0x18600;
	[tilespmem:$0x18600] =	vst v0  }
0x264: {  	[spmem:s8] =	stream.linear.scatter [tilespmem:s0], [sflag:$0x3], $0x10, $0x38;
	[tilespmem:$0x187A0] =	vst v63  }
0x265: {  	_ =	swait.ge [sflag:s13], $0x10  }
0x266: {  	[sflag:s13] =	ssyncset.done $0x0  }
0x267: {  	[sflag:s13] =	ssyncadd.s32 $0xFFFFFFF0  }
0x268: {  	s0 =	simm.s32 @!p0 $0x186A0;
	[bflag:$0x0] =	sbarrier.arrive $0xFFFF  }
0x269: {  	[tilespmem:s0], [sflag:$0x3] =	stream.linear.gather @!p0 [spmem:s1], $0x100, $0x38;
	[tilespmem:$0x187A0] =	vst v63  }
0x26a: {  	s0 =	simm.s32 @!p0 $0x3  }
0x26b: {  	_ =	swait.ge @!p0 [sflag:s0], $0x100  }
0x26c: {  	[sflag:s0] =	ssyncset.done @!p0 $0x0  }
0x26d: {  	[sflag:s0] =	ssyncadd.s32 @!p0 $0xFFFFFF00  }
0x26e: {  	v0 =	vld @!p0 [tilespmem:$0x186A0]  }
0x26f: {  	v1 =	vld @!p0 [tilespmem:$0x186B0];
	_ =	sdelay $0x1  }
0x270: {  	v2 =	vld @!p0 [tilespmem:$0x186C0];
	_ =	sdelay $0x1  }
0x271: {  	v3 =	vld @!p0 [tilespmem:$0x186D0]  }
0x272: {  	v0 =	vadd.f32 @!p0 v1, v0  }
0x273: {  	v1 =	vld @!p0 [tilespmem:$0x186E0]  }
0x274: {  	v0 =	vadd.f32 @!p0 v2, v0  }
0x275: {  	v2 =	vld @!p0 [tilespmem:$0x186F0]  }
0x276: {  	v0 =	vadd.f32 @!p0 v3, v0  }
0x277: {  	v3 =	vld @!p0 [tilespmem:$0x18700]  }
0x278: {  	v0 =	vadd.f32 @!p0 v1, v0  }
0x279: {  	v1 =	vld @!p0 [tilespmem:$0x18710]  }
0x27a: {  	v0 =	vadd.f32 @!p0 v2, v0  }
0x27b: {  	v2 =	vld @!p0 [tilespmem:$0x18720]  }
0x27c: {  	v0 =	vadd.f32 @!p0 v3, v0  }
0x27d: {  	v3 =	vld @!p0 [tilespmem:$0x18730]  }
0x27e: {  	v0 =	vadd.f32 @!p0 v1, v0  }
0x27f: {  	v1 =	vld @!p0 [tilespmem:$0x18740]  }
0x280: {  	v0 =	vadd.f32 @!p0 v2, v0  }
0x281: {  	v2 =	vld @!p0 [tilespmem:$0x18750]  }
0x282: {  	v0 =	vadd.f32 @!p0 v3, v0  }
0x283: {  	v3 =	vld @!p0 [tilespmem:$0x18760]  }
0x284: {  	v0 =	vadd.f32 @!p0 v1, v0  }
0x285: {  	v1 =	vld @!p0 [tilespmem:$0x18770]  }
0x286: {  	v0 =	vadd.f32 @!p0 v2, v0  }
0x287: {  	v2 =	vld @!p0 [tilespmem:$0x18780]  }
0x288: {  	v0 =	vadd.f32 @!p0 v3, v0;
	v3 =	vimm.f32 @!p0 $0.0e+00  }
0x289: {  	v4 =	vld @!p0 [tilespmem:$0x18790];
	[tilespmem:$0x18620] =	vst @!p0 v3  }
0x28a: {  	[tilespmem:$0x18630] =	vst @!p0 v3;
	v0 =	vadd.f32 @!p0 v1, v0  }
0x28b: {  	[tilespmem:$0x18640] =	vst @!p0 v3  }
0x28c: {  	[tilespmem:$0x18650] =	vst @!p0 v3;
	v0 =	vadd.f32 @!p0 v2, v0  }
0x28d: {  	[tilespmem:$0x18660] =	vst @!p0 v3  }
0x28e: {  	s30 =	sadd.s32 $0x1, s30;
	[tilespmem:$0x18670] =	vst @!p0 v3;
	v0 =	vadd.f32 @!p0 v4, v0  }
0x28f: {  	p1 =	sne.s32 s30, s10;
	[tilespmem:$0x18680] =	vst @!p0 v3  }
.Ltmp4:
0x290: {  	s31 =	simm.s32 @!p0 $0x0;
	s29 =	simm.s32 @!p0 $0x18610;
	[tilespmem:$0x18610] =	vst @!p0 v0;
	(pc) =	sbr.rel @p1 .LBB2_1-.Ltmp4, $4  }
0x291: {  	[hbm4b:s9+s31] =	stream.linear.scatter @!p0 [tilespmem:s29], [sflag:$0x3], $0x80, $0x38;
	[tilespmem:$0x187A0] =	vst v63  }
0x292: {  	_ =	swait.ge @!p0 [sflag:s0], $0x80  }
0x293: {  	[sflag:s0] =	ssyncset.done @!p0 $0x0  }
0x294: {  	[sflag:s0] =	ssyncadd.s32 @!p0 $0xFFFFFF80  }
0x295: {  	_ =	sfence.sel $0x180000  }
0x296: {  	[bflag:$0x0] =	sbarrier.arrive $0xFFFF  }
0x297: {  	_ =	strace $0x90000047  }
0x298: {  	[bflag:$0x2] =	sbarrier.arrive $0xFFFF  }
0x299: {  	s0 =	rddreg [dreg:$0x2]  }
0x29a: {  	s0 =	sadd.s32 @!p0 $0x100000, s0  }
0x29b: {  	[sflag:s0] =	ssyncadd.tile.s32 @!p0 $0x1;
	_ =	shalt  }
.Lfunc_end2:
_tile_overlayer_lowered:
.L_overlay_start_2:
0x29c: {  	(tag) =	ssettag $0x2  }
0x29d: {  	s0 =	rddreg [dreg:$0x0];
	s2 =	stileid.u32  }
0x29e: {  	s1 =	rddreg [dreg:$0x1];
	p0 =	sne.s32 s2, $0x0  }
0x29f: {  	s3 =	rddreg [dreg:$0x2];
	[bflag:$0x3] =	sbarrier.arrive $0xFFFF;
	s2 =	simm.s32 @!p0 $0x1C03  }
0x2a0: {  	[timem:s3], [sflag:s2] =	dma.local @!p0 [hbm:s0], s1  }
0x2a1: {  	s0 =	simm.s32 @!p0 $0x3  }
0x2a2: {  	_ =	swait.ge @!p0 [sflag:s0], s1  }
0x2a3: {  	s1 =	ssub.s32 @!p0 $0x0, s1;
	[sflag:s0] =	ssyncset.done @!p0 $0x0  }
0x2a4: {  	[sflag:s0] =	ssyncadd.s32 @!p0 s1  }
0x2a5: {  	[bflag:$0x3] =	sbarrier.arrive $0xFFFF  }
0x2a6: {  	_ =	shalt  }

</sc_bundles>
